<compile_context>
chip_gen: v7x
topology: tpu7x:2x2x1
jax: 0.10.2.dev20260603
libtpu: 0.0.44.dev20260713+nightly
codegen_flags: <defaults>
</compile_context>

<pallas_src>
import functools

import jax
import jax.numpy as jnp
from jax import lax
from jax.experimental import pallas as pl
from jax.experimental.pallas import tpu as pltpu
from jax.experimental.pallas import tpu_sc as plsc

_BS, _NQ, _NC = 16, 300, 92
_NP = 304
_CH = _NP // 16
_BIG = 10000


def _cost_body(logits_ref, labels_ref, boxes_ref, tboxes_ref,
               cost_ref, cb_ref, slse_ref):
    cls_iota = jax.lax.broadcasted_iota(jnp.int32, (_NC, _NP), 0)
    lane1 = jax.lax.broadcasted_iota(jnp.int32, (1, _NP), 1)
    padmask = lane1 >= _NQ
    total_lse = jnp.float32(0.0)
    for b in range(_BS):
        x = logits_ref[b]
        m = jnp.max(x, axis=1, keepdims=True)
        e = jnp.exp(x - m)
        p = e / jnp.sum(e, axis=1, keepdims=True)
        m2 = jnp.max(p, axis=1, keepdims=True)
        lse2 = jnp.log(jnp.sum(jnp.exp(p - m2), axis=1, keepdims=True)) + m2
        total_lse = total_lse + jnp.sum(lse2)

        lab = labels_ref[b]
        onehot = (cls_iota == lab).astype(jnp.float32)
        g = jnp.dot(p, onehot, preferred_element_type=jnp.float32)
        cbcol = jnp.sum(jnp.abs(boxes_ref[b] - tboxes_ref[b]), axis=1,
                        keepdims=True)
        cbrow = jnp.concatenate(
            [jnp.transpose(cbcol), jnp.zeros((1, _NP - _NQ), jnp.float32)],
            axis=1)
        cb_ref[b] = cbrow
        cost_ref[b] = jnp.where(padmask, jnp.inf, 5.0 * cbrow - g)
    slse_ref[0, 0] = total_lse


@functools.cache
def _make_assign_kernel():
    mesh = plsc.VectorSubcoreMesh(core_axis_name="c", subcore_axis_name="s")
    return functools.partial(
        pl.kernel, mesh=mesh,
        out_type=[
            jax.ShapeDtypeStruct((_BS, 1, _NP), jnp.int32),
            jax.ShapeDtypeStruct((_BS, 16), jnp.float32),
        ],
        scratch_types=[
            pltpu.VMEM((_NQ, _NP), jnp.float32),
            pltpu.VMEM((1, _NP), jnp.int32),
            pltpu.VMEM((16,), jnp.float32),
            pltpu.SemaphoreType.DMA,
            pltpu.SemaphoreType.DMA,
        ],
    )(_assign_body)


_SPLIT = 64


def _assign_body(cost_hbm, inv_hbm, accm_hbm, cost_v, inv_v, accm_v,
                 sem1, sem2):
    b = lax.axis_index("s") * 2 + lax.axis_index("c")

    @pl.when(b < _BS)
    def _():
        cp1 = pltpu.async_copy(cost_hbm.at[b, pl.ds(0, _SPLIT)],
                               cost_v.at[pl.ds(0, _SPLIT)], sem1)
        cp2 = pltpu.async_copy(cost_hbm.at[b, pl.ds(_SPLIT, _NQ - _SPLIT)],
                               cost_v.at[pl.ds(_SPLIT, _NQ - _SPLIT)], sem2)
        cp1.wait()
        lanes = lax.iota(jnp.int32, 16)

        def allmin(x):
            for s in (8, 4, 2, 1):
                p = jnp.bitwise_xor(lanes, s)
                x = jnp.minimum(x, x.at[p].get(mode="promise_in_bounds"))
            return x

        def row(i, carry):
            acc_m = carry[0]
            invs = carry[1:]
            vals = [(jnp.where(invs[c] == _BIG, cost_v[i, pl.ds(c * 16, 16)],
                               jnp.inf), c * 16 + lanes)
                    for c in range(_CH)]
            while len(vals) > 1:
                nxt = []
                for k in range(0, len(vals) - 1, 2):
                    (va, ja), (vb, jb) = vals[k], vals[k + 1]
                    lt = vb < va
                    nxt.append((jnp.where(lt, vb, va), jnp.where(lt, jb, ja)))
                if len(vals) % 2:
                    nxt.append(vals[-1])
                vals = nxt
            best, bestj = vals[0]
            mval = allmin(best)
            jv = allmin(jnp.where(best == mval, bestj, 100000)
                        .astype(jnp.float32)).astype(jnp.int32)
            invs = tuple(jnp.where(c * 16 + lanes == jv, i, invs[c])
                         for c in range(_CH))
            return (acc_m + mval,) + invs

        big = jnp.full((16,), _BIG, jnp.int32)
        mid = lax.fori_loop(0, _SPLIT, row,
                            (jnp.zeros((16,), jnp.float32),)
                            + tuple(big for _ in range(_CH)))
        cp2.wait()
        fin = lax.fori_loop(_SPLIT, _NQ, row, mid)
        for c in range(_CH):
            inv_v[0, pl.ds(c * 16, 16)] = fin[1 + c]
        accm_v[...] = fin[0]
        pltpu.sync_copy(inv_v, inv_hbm.at[b])
        pltpu.sync_copy(accm_v, accm_hbm.at[b])


def _loss_body(inv_ref, accm_ref, cb_ref, slse_ref, boxes_ref, tboxes_ref,
               out_ref):
    row_iota = jax.lax.broadcasted_iota(jnp.int32, (_NQ, _NP), 0)
    lane1 = jax.lax.broadcasted_iota(jnp.int32, (1, _NP), 1)
    qmask = (lane1 < _NQ).astype(jnp.float32)
    total = slse_ref[0, 0] / jnp.float32(_NQ)
    for b in range(_BS):
        inv_row = inv_ref[b]
        psel = (row_iota == inv_row).astype(jnp.float32)
        sel = jnp.dot(psel, tboxes_ref[b],
                      preferred_element_type=jnp.float32)
        bb = jnp.sum(jnp.abs(boxes_ref[b] - sel))
        cbtot = jnp.sum(cb_ref[b] * qmask)
        total = total + (accm_ref[b, 0] - 5.0 * cbtot) / jnp.float32(_NQ) \
            + bb / jnp.float32(4 * _NQ)
    out_ref[0, 0] = total


def kernel(pred_logits, pred_boxes, tgt_labels, tgt_boxes):
    bs, nq, nc = pred_logits.shape
    pad = _NP - nq
    labels = tgt_labels.astype(jnp.int32).reshape(bs, 1, nq)
    labels = jnp.pad(labels, ((0, 0), (0, 0), (0, pad)), constant_values=nc)
    tboxes_pad = jnp.pad(tgt_boxes, ((0, 0), (0, pad), (0, 0)))
    cost, cb, slse = pl.pallas_call(
        _cost_body,
        out_shape=[
            jax.ShapeDtypeStruct((_BS, _NQ, _NP), jnp.float32),
            jax.ShapeDtypeStruct((_BS, 1, _NP), jnp.float32),
            jax.ShapeDtypeStruct((1, 1), jnp.float32),
        ],
        out_specs=[
            pl.BlockSpec((_BS, _NQ, _NP), lambda: (0, 0, 0)),
            pl.BlockSpec((_BS, 1, _NP), lambda: (0, 0, 0)),
            pl.BlockSpec(memory_space=pltpu.SMEM),
        ],
    )(pred_logits, labels, pred_boxes, tgt_boxes)
    inv, accm = _make_assign_kernel()(cost)
    out = pl.pallas_call(
        _loss_body,
        out_shape=jax.ShapeDtypeStruct((1, 1), jnp.float32),
        out_specs=pl.BlockSpec(memory_space=pltpu.SMEM),
        in_specs=[
            pl.BlockSpec((_BS, 1, _NP), lambda: (0, 0, 0)),
            pl.BlockSpec(memory_space=pltpu.SMEM),
            pl.BlockSpec((_BS, 1, _NP), lambda: (0, 0, 0)),
            pl.BlockSpec(memory_space=pltpu.SMEM),
            pl.BlockSpec((_BS, _NQ, 4), lambda: (0, 0, 0)),
            pl.BlockSpec((_BS, _NP, 4), lambda: (0, 0, 0)),
        ],
    )(inv, accm, cb, slse, pred_boxes, tboxes_pad)
    return out[0, 0]

# --- scband reference (transcript-rebuilt; emitter-appended) ---
"""Pipeline reference for scband-hungarian-loss-1391569404186 (READ-ONLY COPY).

The authoritative reference and input builder live on the scoring server;
editing this copy changes nothing except your own understanding.
"""

import jax, jax.numpy as jnp
import numpy as np

BS, NQ, NC = 16, 300, 92


def setup_inputs(seed: int = 0) -> dict:
    key = jax.random.key(seed)
    k1, k2, k3, k4 = jax.random.split(key, 4)
    pred_logits = jax.random.normal(k1, (BS, NQ, NC), dtype=jnp.float32)
    pred_boxes = jax.random.uniform(k2, (BS, NQ, 4), dtype=jnp.float32)
    tgt_labels = jax.random.randint(k3, (BS, NQ), 0, NC)
    tgt_boxes = jax.random.uniform(k4, (BS, NQ, 4), dtype=jnp.float32)
    return {"pred_logits": pred_logits, "pred_boxes": pred_boxes, "tgt_labels": tgt_labels, "tgt_boxes": tgt_boxes}


def _greedy_assign(cost):
    # Stand-in for scipy.optimize.linear_sum_assignment (scipy not allowed):
    # deterministic greedy row-wise assignment on the cost block.
    nq = cost.shape[0]
    taken0 = jnp.zeros(nq, dtype=bool)

    def step(taken, row):
        row = jnp.where(taken, jnp.inf, row)
        j = jnp.argmin(row)
        return taken.at[j].set(True), j

    _, cols = jax.lax.scan(step, taken0, cost)
    return jnp.arange(nq), cols


def reference(pred_logits, pred_boxes, tgt_labels, tgt_boxes):
    bs, nq, C = pred_logits.shape
    N = bs * nq
    out_prob = jax.nn.softmax(pred_logits.reshape(N, C), axis=-1)
    out_bbox = pred_boxes.reshape(N, 4)
    tgt_ids = tgt_labels.reshape(N)
    tgt_bbox = tgt_boxes.reshape(N, 4)
    # cost_class: big [N, N] gather from probabilities (memory-bound)
    cost_class = -out_prob[:, tgt_ids]
    cost_bbox = jnp.abs(out_bbox - tgt_bbox).sum(-1)
    # original broadcasts the [N] bbox cost across rows of the [N, N] class cost
    cost_matrix = 1.0 * cost_class + 5.0 * cost_bbox
    cost_matrix = cost_matrix.reshape(bs, nq, N)
    # CE applied to already-softmaxed probabilities (double softmax), as in original
    logprob = jax.nn.log_softmax(out_prob, axis=-1)
    cm = jax.lax.stop_gradient(cost_matrix)
    total = jnp.float32(0.0)
    for b in range(bs):
        c_b = cm[b, :, b * nq:(b + 1) * nq]
        i, j = _greedy_assign(c_b)
        lp_b = logprob[b * nq:(b + 1) * nq]
        ids_b = tgt_ids[b * nq:(b + 1) * nq]
        cls_pair = -lp_b[i, ids_b[j]]
        bb_pair = jnp.abs(out_bbox[b * nq + i] - tgt_bbox[b * nq + j])
        total = total + cls_pair.mean() + bb_pair.mean()
    return total

if __name__ == "__main__":
    import jax
    _d = setup_inputs()
    print(jax.jit(kernel)(*tuple(_d.values())))

</pallas_src>

<mosaic_0001>
#map = affine_map<(d0, d1) -> (0, 0, 0)>
#map1 = affine_map<(d0, d1) -> (0, 0)>
module attributes {stable_mosaic.version = 14 : i64} {
  func.func @_assign_body(%arg0: i32, %arg1: i32, %arg2: memref<16x300x304xf32, #tpu.memory_space<hbm>>, %arg3: memref<16x1x304xi32, #tpu.memory_space<hbm>>, %arg4: memref<16x16xf32, #tpu.memory_space<hbm>>, %arg5: memref<300x304xf32, #tpu.memory_space<vmem>>, %arg6: memref<1x304xi32, #tpu.memory_space<vmem>>, %arg7: memref<16xf32, #tpu.memory_space<vmem>>, %arg8: memref<!tpu.dma_semaphore, #tpu.memory_space<semaphore_mem>>, %arg9: memref<!tpu.dma_semaphore, #tpu.memory_space<semaphore_mem>>) attributes {dimension_semantics = [#tpu.dimension_semantics<core_parallel>, #tpu.dimension_semantics<subcore_parallel>], iteration_bounds = array<i64: 2, 16>, scalar_prefetch = 0 : i64, scratch_operands = 5 : i64, tpu.core_type = #tpu.core_type<sc_vector_subcore>, window_params = [{transform_indices = #map}, {transform_indices = #map}, {transform_indices = #map1}]} {
    %mul3A = arith.constant 2 : i32
    %mul3A_0 = arith.muli %arg1, %mul3A : i32
    %add3A = arith.addi %mul3A_0, %arg0 : i32
    %lt3A = arith.constant 16 : i32
    %lt3A_1 = arith.cmpi slt, %add3A, %lt3A : i32
    %convert_element_type3A = arith.extui %lt3A_1 : i1 to i32
    %cond3A = arith.constant 0 : i32
    %cond3A_2 = arith.cmpi ne, %convert_element_type3A, %cond3A : i32
    scf.if %cond3A_2 {
      %dma_start3A = arith.constant 0 : i32
      %dma_start3A_3 = arith.constant 0 : i32
      %dma_start3A_4 = tpu.memref_slice %arg5[%dma_start3A, %dma_start3A_3] : memref<300x304xf32, #tpu.memory_space<vmem>> -> memref<64x304xf32, #tpu.memory_space<vmem>>
      %dma_start3A_5 = arith.constant 0 : i32
      %dma_start3A_6 = arith.constant 0 : i32
      %dma_start3A_7 = tpu.memref_slice %arg2[%add3A, %dma_start3A_5, %dma_start3A_6] : memref<16x300x304xf32, #tpu.memory_space<hbm>> -> memref<1x64x304xf32, #tpu.memory_space<hbm>>
      %dma_start3A_8 = tpu.memref_squeeze %dma_start3A_7 : memref<1x64x304xf32, #tpu.memory_space<hbm>> -> memref<64x304xf32, #tpu.memory_space<hbm>>
      %dma_start3A_9 = arith.constant 0 : i32
      %dma_start3A_10 = arith.constant 0 : i32
      %dma_start3A_11 = tpu.memref_slice %arg5[%dma_start3A_9, %dma_start3A_10] : memref<300x304xf32, #tpu.memory_space<vmem>> -> memref<64x304xf32, #tpu.memory_space<vmem>>
      %dma_start3A_12 = arith.constant 0 : i32
      %dma_start3A_13 = arith.constant 0 : i32
      %dma_start3A_14 = tpu.memref_slice %arg2[%add3A, %dma_start3A_12, %dma_start3A_13] : memref<16x300x304xf32, #tpu.memory_space<hbm>> -> memref<1x64x304xf32, #tpu.memory_space<hbm>>
      %dma_start3A_15 = tpu.memref_squeeze %dma_start3A_14 : memref<1x64x304xf32, #tpu.memory_space<hbm>> -> memref<64x304xf32, #tpu.memory_space<hbm>>
      tpu.enqueue_dma source(%dma_start3A_15 : memref<64x304xf32, #tpu.memory_space<hbm>>) target(%dma_start3A_11 : memref<64x304xf32, #tpu.memory_space<vmem>>) target_semaphore(%arg8 : memref<!tpu.dma_semaphore, #tpu.memory_space<semaphore_mem>>)
      %dma_start3A_16 = arith.constant 64 : i32
      %dma_start3A_17 = arith.constant 0 : i32
      %dma_start3A_18 = tpu.memref_slice %arg5[%dma_start3A_16, %dma_start3A_17] : memref<300x304xf32, #tpu.memory_space<vmem>> -> memref<236x304xf32, #tpu.memory_space<vmem>>
      %dma_start3A_19 = arith.constant 64 : i32
      %dma_start3A_20 = arith.constant 0 : i32
      %dma_start3A_21 = tpu.memref_slice %arg2[%add3A, %dma_start3A_19, %dma_start3A_20] : memref<16x300x304xf32, #tpu.memory_space<hbm>> -> memref<1x236x304xf32, #tpu.memory_space<hbm>>
      %dma_start3A_22 = tpu.memref_squeeze %dma_start3A_21 : memref<1x236x304xf32, #tpu.memory_space<hbm>> -> memref<236x304xf32, #tpu.memory_space<hbm>>
      %dma_start3A_23 = arith.constant 64 : i32
      %dma_start3A_24 = arith.constant 0 : i32
      %dma_start3A_25 = tpu.memref_slice %arg5[%dma_start3A_23, %dma_start3A_24] : memref<300x304xf32, #tpu.memory_space<vmem>> -> memref<236x304xf32, #tpu.memory_space<vmem>>
      %dma_start3A_26 = arith.constant 64 : i32
      %dma_start3A_27 = arith.constant 0 : i32
      %dma_start3A_28 = tpu.memref_slice %arg2[%add3A, %dma_start3A_26, %dma_start3A_27] : memref<16x300x304xf32, #tpu.memory_space<hbm>> -> memref<1x236x304xf32, #tpu.memory_space<hbm>>
      %dma_start3A_29 = tpu.memref_squeeze %dma_start3A_28 : memref<1x236x304xf32, #tpu.memory_space<hbm>> -> memref<236x304xf32, #tpu.memory_space<hbm>>
      tpu.enqueue_dma source(%dma_start3A_29 : memref<236x304xf32, #tpu.memory_space<hbm>>) target(%dma_start3A_25 : memref<236x304xf32, #tpu.memory_space<vmem>>) target_semaphore(%arg9 : memref<!tpu.dma_semaphore, #tpu.memory_space<semaphore_mem>>)
      %dma_wait3A = arith.constant 0 : i32
      %dma_wait3A_30 = arith.constant 0 : i32
      %dma_wait3A_31 = tpu.memref_slice %arg5[%dma_wait3A, %dma_wait3A_30] : memref<300x304xf32, #tpu.memory_space<vmem>> -> memref<64x304xf32, #tpu.memory_space<vmem>>
      %dma_wait3A_32 = arith.constant 0 : i32
      %dma_wait3A_33 = arith.constant 0 : i32
      %dma_wait3A_34 = tpu.memref_slice %arg2[%add3A, %dma_wait3A_32, %dma_wait3A_33] : memref<16x300x304xf32, #tpu.memory_space<hbm>> -> memref<1x64x304xf32, #tpu.memory_space<hbm>>
      %dma_wait3A_35 = tpu.memref_squeeze %dma_wait3A_34 : memref<1x64x304xf32, #tpu.memory_space<hbm>> -> memref<64x304xf32, #tpu.memory_space<hbm>>
      %dma_wait3A_36 = arith.constant 0 : i32
      %dma_wait3A_37 = arith.constant 0 : i32
      %dma_wait3A_38 = tpu.memref_slice %arg5[%dma_wait3A_36, %dma_wait3A_37] : memref<300x304xf32, #tpu.memory_space<vmem>> -> memref<64x304xf32, #tpu.memory_space<vmem>>
      %dma_wait3A_39 = arith.constant 0 : i32
      %dma_wait3A_40 = arith.constant 0 : i32
      %dma_wait3A_41 = tpu.memref_slice %arg2[%add3A, %dma_wait3A_39, %dma_wait3A_40] : memref<16x300x304xf32, #tpu.memory_space<hbm>> -> memref<1x64x304xf32, #tpu.memory_space<hbm>>
      %dma_wait3A_42 = tpu.memref_squeeze %dma_wait3A_41 : memref<1x64x304xf32, #tpu.memory_space<hbm>> -> memref<64x304xf32, #tpu.memory_space<hbm>>
      tpu.wait_dma2 semaphore(%arg8 : memref<!tpu.dma_semaphore, #tpu.memory_space<semaphore_mem>>) src(%dma_wait3A_42 : memref<64x304xf32, #tpu.memory_space<hbm>>) dst(%dma_wait3A_38 : memref<64x304xf32, #tpu.memory_space<vmem>>)
      %iota3A = tpu.iota {dimensions = array<i32: 0>} : vector<16xi32>
      %broadcast_in_dim3A = arith.constant 10000 : i32
      %broadcast_in_dim3A_43 = vector.broadcast %broadcast_in_dim3A : i32 to vector<16xi32>
      %broadcast_in_dim3A_44 = arith.constant 0.000000e+00 : f32
      %broadcast_in_dim3A_45 = vector.broadcast %broadcast_in_dim3A_44 : f32 to vector<16xf32>
      %scan3A = arith.constant 0 : i32
      %scan3A_46 = arith.constant 64 : i32
      %scan3A_47 = arith.addi %scan3A, %scan3A_46 : i32
      %scan3A_48 = arith.constant 1 : i32
      %scan3A_49:20 = scf.for %scan3A_188 = %scan3A to %scan3A_47 step %scan3A_48 iter_args(%scan3A_189 = %broadcast_in_dim3A_45, %scan3A_190 = %broadcast_in_dim3A_43, %scan3A_191 = %broadcast_in_dim3A_43, %scan3A_192 = %broadcast_in_dim3A_43, %scan3A_193 = %broadcast_in_dim3A_43, %scan3A_194 = %broadcast_in_dim3A_43, %scan3A_195 = %broadcast_in_dim3A_43, %scan3A_196 = %broadcast_in_dim3A_43, %scan3A_197 = %broadcast_in_dim3A_43, %scan3A_198 = %broadcast_in_dim3A_43, %scan3A_199 = %broadcast_in_dim3A_43, %scan3A_200 = %broadcast_in_dim3A_43, %scan3A_201 = %broadcast_in_dim3A_43, %scan3A_202 = %broadcast_in_dim3A_43, %scan3A_203 = %broadcast_in_dim3A_43, %scan3A_204 = %broadcast_in_dim3A_43, %scan3A_205 = %broadcast_in_dim3A_43, %scan3A_206 = %broadcast_in_dim3A_43, %scan3A_207 = %broadcast_in_dim3A_43, %scan3A_208 = %broadcast_in_dim3A_43) -> (vector<16xf32>, vector<16xi32>, vector<16xi32>, vector<16xi32>, vector<16xi32>, vector<16xi32>, vector<16xi32>, vector<16xi32>, vector<16xi32>, vector<16xi32>, vector<16xi32>, vector<16xi32>, vector<16xi32>, vector<16xi32>, vector<16xi32>, vector<16xi32>, vector<16xi32>, vector<16xi32>, vector<16xi32>, vector<16xi32>)  : i32 {
        %eq3A = arith.constant 10000 : i32
        %eq3A_209 = vector.broadcast %eq3A : i32 to vector<16xi32>
        %eq3A_210 = arith.cmpi eq, %scan3A_190, %eq3A_209 : vector<16xi32>
        %get3A = arith.index_cast %scan3A_188 : i32 to index
        %get3A_211 = arith.constant 0 : index
        %get3A_212 = tpu.vector_load %arg5[%get3A, %get3A_211] {strides = array<i32>} : memref<300x304xf32, #tpu.memory_space<vmem>>, vector<1x16xf32>,
        %get3A_213 = vector.shape_cast %get3A_212 : vector<1x16xf32> to vector<16xf32>
        %jit3A = arith.constant 0x7F800000 : f32
        %broadcast_in_dim3A_214 = vector.broadcast %jit3A : f32 to vector<16xf32>
        %select_n3A = arith.select %eq3A_210, %get3A_213, %broadcast_in_dim3A_214 : vector<16xi1>, vector<16xf32>
        %add3A_215 = arith.constant 0 : i32
        %add3A_216 = vector.broadcast %add3A_215 : i32 to vector<16xi32>
        %add3A_217 = arith.addi %add3A_216, %iota3A : vector<16xi32>
        %eq3A_218 = arith.constant 10000 : i32
        %eq3A_219 = vector.broadcast %eq3A_218 : i32 to vector<16xi32>
        %eq3A_220 = arith.cmpi eq, %scan3A_191, %eq3A_219 : vector<16xi32>
        %get3A_221 = arith.index_cast %scan3A_188 : i32 to index
        %get3A_222 = arith.constant 16 : index
        %get3A_223 = tpu.vector_load %arg5[%get3A_221, %get3A_222] {strides = array<i32>} : memref<300x304xf32, #tpu.memory_space<vmem>>, vector<1x16xf32>,
        %get3A_224 = vector.shape_cast %get3A_223 : vector<1x16xf32> to vector<16xf32>
        %jit3A_225 = arith.constant 0x7F800000 : f32
        %broadcast_in_dim3A_226 = vector.broadcast %jit3A_225 : f32 to vector<16xf32>
        %select_n3A_227 = arith.select %eq3A_220, %get3A_224, %broadcast_in_dim3A_226 : vector<16xi1>, vector<16xf32>
        %add3A_228 = arith.constant 16 : i32
        %add3A_229 = vector.broadcast %add3A_228 : i32 to vector<16xi32>
        %add3A_230 = arith.addi %add3A_229, %iota3A : vector<16xi32>
        %eq3A_231 = arith.constant 10000 : i32
        %eq3A_232 = vector.broadcast %eq3A_231 : i32 to vector<16xi32>
        %eq3A_233 = arith.cmpi eq, %scan3A_192, %eq3A_232 : vector<16xi32>
        %get3A_234 = arith.index_cast %scan3A_188 : i32 to index
        %get3A_235 = arith.constant 32 : index
        %get3A_236 = tpu.vector_load %arg5[%get3A_234, %get3A_235] {strides = array<i32>} : memref<300x304xf32, #tpu.memory_space<vmem>>, vector<1x16xf32>,
        %get3A_237 = vector.shape_cast %get3A_236 : vector<1x16xf32> to vector<16xf32>
        %jit3A_238 = arith.constant 0x7F800000 : f32
        %broadcast_in_dim3A_239 = vector.broadcast %jit3A_238 : f32 to vector<16xf32>
        %select_n3A_240 = arith.select %eq3A_233, %get3A_237, %broadcast_in_dim3A_239 : vector<16xi1>, vector<16xf32>
        %add3A_241 = arith.constant 32 : i32
        %add3A_242 = vector.broadcast %add3A_241 : i32 to vector<16xi32>
        %add3A_243 = arith.addi %add3A_242, %iota3A : vector<16xi32>
        %eq3A_244 = arith.constant 10000 : i32
        %eq3A_245 = vector.broadcast %eq3A_244 : i32 to vector<16xi32>
        %eq3A_246 = arith.cmpi eq, %scan3A_193, %eq3A_245 : vector<16xi32>
        %get3A_247 = arith.index_cast %scan3A_188 : i32 to index
        %get3A_248 = arith.constant 48 : index
        %get3A_249 = tpu.vector_load %arg5[%get3A_247, %get3A_248] {strides = array<i32>} : memref<300x304xf32, #tpu.memory_space<vmem>>, vector<1x16xf32>,
        %get3A_250 = vector.shape_cast %get3A_249 : vector<1x16xf32> to vector<16xf32>
        %jit3A_251 = arith.constant 0x7F800000 : f32
        %broadcast_in_dim3A_252 = vector.broadcast %jit3A_251 : f32 to vector<16xf32>
        %select_n3A_253 = arith.select %eq3A_246, %get3A_250, %broadcast_in_dim3A_252 : vector<16xi1>, vector<16xf32>
        %add3A_254 = arith.constant 48 : i32
        %add3A_255 = vector.broadcast %add3A_254 : i32 to vector<16xi32>
        %add3A_256 = arith.addi %add3A_255, %iota3A : vector<16xi32>
        %eq3A_257 = arith.constant 10000 : i32
        %eq3A_258 = vector.broadcast %eq3A_257 : i32 to vector<16xi32>
        %eq3A_259 = arith.cmpi eq, %scan3A_194, %eq3A_258 : vector<16xi32>
        %get3A_260 = arith.index_cast %scan3A_188 : i32 to index
        %get3A_261 = arith.constant 64 : index
        %get3A_262 = tpu.vector_load %arg5[%get3A_260, %get3A_261] {strides = array<i32>} : memref<300x304xf32, #tpu.memory_space<vmem>>, vector<1x16xf32>,
        %get3A_263 = vector.shape_cast %get3A_262 : vector<1x16xf32> to vector<16xf32>
        %jit3A_264 = arith.constant 0x7F800000 : f32
        %broadcast_in_dim3A_265 = vector.broadcast %jit3A_264 : f32 to vector<16xf32>
        %select_n3A_266 = arith.select %eq3A_259, %get3A_263, %broadcast_in_dim3A_265 : vector<16xi1>, vector<16xf32>
        %add3A_267 = arith.constant 64 : i32
        %add3A_268 = vector.broadcast %add3A_267 : i32 to vector<16xi32>
        %add3A_269 = arith.addi %add3A_268, %iota3A : vector<16xi32>
        %eq3A_270 = arith.constant 10000 : i32
        %eq3A_271 = vector.broadcast %eq3A_270 : i32 to vector<16xi32>
        %eq3A_272 = arith.cmpi eq, %scan3A_195, %eq3A_271 : vector<16xi32>
        %get3A_273 = arith.index_cast %scan3A_188 : i32 to index
        %get3A_274 = arith.constant 80 : index
        %get3A_275 = tpu.vector_load %arg5[%get3A_273, %get3A_274] {strides = array<i32>} : memref<300x304xf32, #tpu.memory_space<vmem>>, vector<1x16xf32>,
        %get3A_276 = vector.shape_cast %get3A_275 : vector<1x16xf32> to vector<16xf32>
        %jit3A_277 = arith.constant 0x7F800000 : f32
        %broadcast_in_dim3A_278 = vector.broadcast %jit3A_277 : f32 to vector<16xf32>
        %select_n3A_279 = arith.select %eq3A_272, %get3A_276, %broadcast_in_dim3A_278 : vector<16xi1>, vector<16xf32>
        %add3A_280 = arith.constant 80 : i32
        %add3A_281 = vector.broadcast %add3A_280 : i32 to vector<16xi32>
        %add3A_282 = arith.addi %add3A_281, %iota3A : vector<16xi32>
        %eq3A_283 = arith.constant 10000 : i32
        %eq3A_284 = vector.broadcast %eq3A_283 : i32 to vector<16xi32>
        %eq3A_285 = arith.cmpi eq, %scan3A_196, %eq3A_284 : vector<16xi32>
        %get3A_286 = arith.index_cast %scan3A_188 : i32 to index
        %get3A_287 = arith.constant 96 : index
        %get3A_288 = tpu.vector_load %arg5[%get3A_286, %get3A_287] {strides = array<i32>} : memref<300x304xf32, #tpu.memory_space<vmem>>, vector<1x16xf32>,
        %get3A_289 = vector.shape_cast %get3A_288 : vector<1x16xf32> to vector<16xf32>
        %jit3A_290 = arith.constant 0x7F800000 : f32
        %broadcast_in_dim3A_291 = vector.broadcast %jit3A_290 : f32 to vector<16xf32>
        %select_n3A_292 = arith.select %eq3A_285, %get3A_289, %broadcast_in_dim3A_291 : vector<16xi1>, vector<16xf32>
        %add3A_293 = arith.constant 96 : i32
        %add3A_294 = vector.broadcast %add3A_293 : i32 to vector<16xi32>
        %add3A_295 = arith.addi %add3A_294, %iota3A : vector<16xi32>
        %eq3A_296 = arith.constant 10000 : i32
        %eq3A_297 = vector.broadcast %eq3A_296 : i32 to vector<16xi32>
        %eq3A_298 = arith.cmpi eq, %scan3A_197, %eq3A_297 : vector<16xi32>
        %get3A_299 = arith.index_cast %scan3A_188 : i32 to index
        %get3A_300 = arith.constant 112 : index
        %get3A_301 = tpu.vector_load %arg5[%get3A_299, %get3A_300] {strides = array<i32>} : memref<300x304xf32, #tpu.memory_space<vmem>>, vector<1x16xf32>,
        %get3A_302 = vector.shape_cast %get3A_301 : vector<1x16xf32> to vector<16xf32>
        %jit3A_303 = arith.constant 0x7F800000 : f32
        %broadcast_in_dim3A_304 = vector.broadcast %jit3A_303 : f32 to vector<16xf32>
        %select_n3A_305 = arith.select %eq3A_298, %get3A_302, %broadcast_in_dim3A_304 : vector<16xi1>, vector<16xf32>
        %add3A_306 = arith.constant 112 : i32
        %add3A_307 = vector.broadcast %add3A_306 : i32 to vector<16xi32>
        %add3A_308 = arith.addi %add3A_307, %iota3A : vector<16xi32>
        %eq3A_309 = arith.constant 10000 : i32
        %eq3A_310 = vector.broadcast %eq3A_309 : i32 to vector<16xi32>
        %eq3A_311 = arith.cmpi eq, %scan3A_198, %eq3A_310 : vector<16xi32>
        %get3A_312 = arith.index_cast %scan3A_188 : i32 to index
        %get3A_313 = arith.constant 128 : index
        %get3A_314 = tpu.vector_load %arg5[%get3A_312, %get3A_313] {strides = array<i32>} : memref<300x304xf32, #tpu.memory_space<vmem>>, vector<1x16xf32>,
        %get3A_315 = vector.shape_cast %get3A_314 : vector<1x16xf32> to vector<16xf32>
        %jit3A_316 = arith.constant 0x7F800000 : f32
        %broadcast_in_dim3A_317 = vector.broadcast %jit3A_316 : f32 to vector<16xf32>
        %select_n3A_318 = arith.select %eq3A_311, %get3A_315, %broadcast_in_dim3A_317 : vector<16xi1>, vector<16xf32>
        %add3A_319 = arith.constant 128 : i32
        %add3A_320 = vector.broadcast %add3A_319 : i32 to vector<16xi32>
        %add3A_321 = arith.addi %add3A_320, %iota3A : vector<16xi32>
        %eq3A_322 = arith.constant 10000 : i32
        %eq3A_323 = vector.broadcast %eq3A_322 : i32 to vector<16xi32>
        %eq3A_324 = arith.cmpi eq, %scan3A_199, %eq3A_323 : vector<16xi32>
        %get3A_325 = arith.index_cast %scan3A_188 : i32 to index
        %get3A_326 = arith.constant 144 : index
        %get3A_327 = tpu.vector_load %arg5[%get3A_325, %get3A_326] {strides = array<i32>} : memref<300x304xf32, #tpu.memory_space<vmem>>, vector<1x16xf32>,
        %get3A_328 = vector.shape_cast %get3A_327 : vector<1x16xf32> to vector<16xf32>
        %jit3A_329 = arith.constant 0x7F800000 : f32
        %broadcast_in_dim3A_330 = vector.broadcast %jit3A_329 : f32 to vector<16xf32>
        %select_n3A_331 = arith.select %eq3A_324, %get3A_328, %broadcast_in_dim3A_330 : vector<16xi1>, vector<16xf32>
        %add3A_332 = arith.constant 144 : i32
        %add3A_333 = vector.broadcast %add3A_332 : i32 to vector<16xi32>
        %add3A_334 = arith.addi %add3A_333, %iota3A : vector<16xi32>
        %eq3A_335 = arith.constant 10000 : i32
        %eq3A_336 = vector.broadcast %eq3A_335 : i32 to vector<16xi32>
        %eq3A_337 = arith.cmpi eq, %scan3A_200, %eq3A_336 : vector<16xi32>
        %get3A_338 = arith.index_cast %scan3A_188 : i32 to index
        %get3A_339 = arith.constant 160 : index
        %get3A_340 = tpu.vector_load %arg5[%get3A_338, %get3A_339] {strides = array<i32>} : memref<300x304xf32, #tpu.memory_space<vmem>>, vector<1x16xf32>,
        %get3A_341 = vector.shape_cast %get3A_340 : vector<1x16xf32> to vector<16xf32>
        %jit3A_342 = arith.constant 0x7F800000 : f32
        %broadcast_in_dim3A_343 = vector.broadcast %jit3A_342 : f32 to vector<16xf32>
        %select_n3A_344 = arith.select %eq3A_337, %get3A_341, %broadcast_in_dim3A_343 : vector<16xi1>, vector<16xf32>
        %add3A_345 = arith.constant 160 : i32
        %add3A_346 = vector.broadcast %add3A_345 : i32 to vector<16xi32>
        %add3A_347 = arith.addi %add3A_346, %iota3A : vector<16xi32>
        %eq3A_348 = arith.constant 10000 : i32
        %eq3A_349 = vector.broadcast %eq3A_348 : i32 to vector<16xi32>
        %eq3A_350 = arith.cmpi eq, %scan3A_201, %eq3A_349 : vector<16xi32>
        %get3A_351 = arith.index_cast %scan3A_188 : i32 to index
        %get3A_352 = arith.constant 176 : index
        %get3A_353 = tpu.vector_load %arg5[%get3A_351, %get3A_352] {strides = array<i32>} : memref<300x304xf32, #tpu.memory_space<vmem>>, vector<1x16xf32>,
        %get3A_354 = vector.shape_cast %get3A_353 : vector<1x16xf32> to vector<16xf32>
        %jit3A_355 = arith.constant 0x7F800000 : f32
        %broadcast_in_dim3A_356 = vector.broadcast %jit3A_355 : f32 to vector<16xf32>
        %select_n3A_357 = arith.select %eq3A_350, %get3A_354, %broadcast_in_dim3A_356 : vector<16xi1>, vector<16xf32>
        %add3A_358 = arith.constant 176 : i32
        %add3A_359 = vector.broadcast %add3A_358 : i32 to vector<16xi32>
        %add3A_360 = arith.addi %add3A_359, %iota3A : vector<16xi32>
        %eq3A_361 = arith.constant 10000 : i32
        %eq3A_362 = vector.broadcast %eq3A_361 : i32 to vector<16xi32>
        %eq3A_363 = arith.cmpi eq, %scan3A_202, %eq3A_362 : vector<16xi32>
        %get3A_364 = arith.index_cast %scan3A_188 : i32 to index
        %get3A_365 = arith.constant 192 : index
        %get3A_366 = tpu.vector_load %arg5[%get3A_364, %get3A_365] {strides = array<i32>} : memref<300x304xf32, #tpu.memory_space<vmem>>, vector<1x16xf32>,
        %get3A_367 = vector.shape_cast %get3A_366 : vector<1x16xf32> to vector<16xf32>
        %jit3A_368 = arith.constant 0x7F800000 : f32
        %broadcast_in_dim3A_369 = vector.broadcast %jit3A_368 : f32 to vector<16xf32>
        %select_n3A_370 = arith.select %eq3A_363, %get3A_367, %broadcast_in_dim3A_369 : vector<16xi1>, vector<16xf32>
        %add3A_371 = arith.constant 192 : i32
        %add3A_372 = vector.broadcast %add3A_371 : i32 to vector<16xi32>
        %add3A_373 = arith.addi %add3A_372, %iota3A : vector<16xi32>
        %eq3A_374 = arith.constant 10000 : i32
        %eq3A_375 = vector.broadcast %eq3A_374 : i32 to vector<16xi32>
        %eq3A_376 = arith.cmpi eq, %scan3A_203, %eq3A_375 : vector<16xi32>
        %get3A_377 = arith.index_cast %scan3A_188 : i32 to index
        %get3A_378 = arith.constant 208 : index
        %get3A_379 = tpu.vector_load %arg5[%get3A_377, %get3A_378] {strides = array<i32>} : memref<300x304xf32, #tpu.memory_space<vmem>>, vector<1x16xf32>,
        %get3A_380 = vector.shape_cast %get3A_379 : vector<1x16xf32> to vector<16xf32>
        %jit3A_381 = arith.constant 0x7F800000 : f32
        %broadcast_in_dim3A_382 = vector.broadcast %jit3A_381 : f32 to vector<16xf32>
        %select_n3A_383 = arith.select %eq3A_376, %get3A_380, %broadcast_in_dim3A_382 : vector<16xi1>, vector<16xf32>
        %add3A_384 = arith.constant 208 : i32
        %add3A_385 = vector.broadcast %add3A_384 : i32 to vector<16xi32>
        %add3A_386 = arith.addi %add3A_385, %iota3A : vector<16xi32>
        %eq3A_387 = arith.constant 10000 : i32
        %eq3A_388 = vector.broadcast %eq3A_387 : i32 to vector<16xi32>
        %eq3A_389 = arith.cmpi eq, %scan3A_204, %eq3A_388 : vector<16xi32>
        %get3A_390 = arith.index_cast %scan3A_188 : i32 to index
        %get3A_391 = arith.constant 224 : index
        %get3A_392 = tpu.vector_load %arg5[%get3A_390, %get3A_391] {strides = array<i32>} : memref<300x304xf32, #tpu.memory_space<vmem>>, vector<1x16xf32>,
        %get3A_393 = vector.shape_cast %get3A_392 : vector<1x16xf32> to vector<16xf32>
        %jit3A_394 = arith.constant 0x7F800000 : f32
        %broadcast_in_dim3A_395 = vector.broadcast %jit3A_394 : f32 to vector<16xf32>
        %select_n3A_396 = arith.select %eq3A_389, %get3A_393, %broadcast_in_dim3A_395 : vector<16xi1>, vector<16xf32>
        %add3A_397 = arith.constant 224 : i32
        %add3A_398 = vector.broadcast %add3A_397 : i32 to vector<16xi32>
        %add3A_399 = arith.addi %add3A_398, %iota3A : vector<16xi32>
        %eq3A_400 = arith.constant 10000 : i32
        %eq3A_401 = vector.broadcast %eq3A_400 : i32 to vector<16xi32>
        %eq3A_402 = arith.cmpi eq, %scan3A_205, %eq3A_401 : vector<16xi32>
        %get3A_403 = arith.index_cast %scan3A_188 : i32 to index
        %get3A_404 = arith.constant 240 : index
        %get3A_405 = tpu.vector_load %arg5[%get3A_403, %get3A_404] {strides = array<i32>} : memref<300x304xf32, #tpu.memory_space<vmem>>, vector<1x16xf32>,
        %get3A_406 = vector.shape_cast %get3A_405 : vector<1x16xf32> to vector<16xf32>
        %jit3A_407 = arith.constant 0x7F800000 : f32
        %broadcast_in_dim3A_408 = vector.broadcast %jit3A_407 : f32 to vector<16xf32>
        %select_n3A_409 = arith.select %eq3A_402, %get3A_406, %broadcast_in_dim3A_408 : vector<16xi1>, vector<16xf32>
        %add3A_410 = arith.constant 240 : i32
        %add3A_411 = vector.broadcast %add3A_410 : i32 to vector<16xi32>
        %add3A_412 = arith.addi %add3A_411, %iota3A : vector<16xi32>
        %eq3A_413 = arith.constant 10000 : i32
        %eq3A_414 = vector.broadcast %eq3A_413 : i32 to vector<16xi32>
        %eq3A_415 = arith.cmpi eq, %scan3A_206, %eq3A_414 : vector<16xi32>
        %get3A_416 = arith.index_cast %scan3A_188 : i32 to index
        %get3A_417 = arith.constant 256 : index
        %get3A_418 = tpu.vector_load %arg5[%get3A_416, %get3A_417] {strides = array<i32>} : memref<300x304xf32, #tpu.memory_space<vmem>>, vector<1x16xf32>,
        %get3A_419 = vector.shape_cast %get3A_418 : vector<1x16xf32> to vector<16xf32>
        %jit3A_420 = arith.constant 0x7F800000 : f32
        %broadcast_in_dim3A_421 = vector.broadcast %jit3A_420 : f32 to vector<16xf32>
        %select_n3A_422 = arith.select %eq3A_415, %get3A_419, %broadcast_in_dim3A_421 : vector<16xi1>, vector<16xf32>
        %add3A_423 = arith.constant 256 : i32
        %add3A_424 = vector.broadcast %add3A_423 : i32 to vector<16xi32>
        %add3A_425 = arith.addi %add3A_424, %iota3A : vector<16xi32>
        %eq3A_426 = arith.constant 10000 : i32
        %eq3A_427 = vector.broadcast %eq3A_426 : i32 to vector<16xi32>
        %eq3A_428 = arith.cmpi eq, %scan3A_207, %eq3A_427 : vector<16xi32>
        %get3A_429 = arith.index_cast %scan3A_188 : i32 to index
        %get3A_430 = arith.constant 272 : index
        %get3A_431 = tpu.vector_load %arg5[%get3A_429, %get3A_430] {strides = array<i32>} : memref<300x304xf32, #tpu.memory_space<vmem>>, vector<1x16xf32>,
        %get3A_432 = vector.shape_cast %get3A_431 : vector<1x16xf32> to vector<16xf32>
        %jit3A_433 = arith.constant 0x7F800000 : f32
        %broadcast_in_dim3A_434 = vector.broadcast %jit3A_433 : f32 to vector<16xf32>
        %select_n3A_435 = arith.select %eq3A_428, %get3A_432, %broadcast_in_dim3A_434 : vector<16xi1>, vector<16xf32>
        %add3A_436 = arith.constant 272 : i32
        %add3A_437 = vector.broadcast %add3A_436 : i32 to vector<16xi32>
        %add3A_438 = arith.addi %add3A_437, %iota3A : vector<16xi32>
        %eq3A_439 = arith.constant 10000 : i32
        %eq3A_440 = vector.broadcast %eq3A_439 : i32 to vector<16xi32>
        %eq3A_441 = arith.cmpi eq, %scan3A_208, %eq3A_440 : vector<16xi32>
        %get3A_442 = arith.index_cast %scan3A_188 : i32 to index
        %get3A_443 = arith.constant 288 : index
        %get3A_444 = tpu.vector_load %arg5[%get3A_442, %get3A_443] {strides = array<i32>} : memref<300x304xf32, #tpu.memory_space<vmem>>, vector<1x16xf32>,
        %get3A_445 = vector.shape_cast %get3A_444 : vector<1x16xf32> to vector<16xf32>
        %jit3A_446 = arith.constant 0x7F800000 : f32
        %broadcast_in_dim3A_447 = vector.broadcast %jit3A_446 : f32 to vector<16xf32>
        %select_n3A_448 = arith.select %eq3A_441, %get3A_445, %broadcast_in_dim3A_447 : vector<16xi1>, vector<16xf32>
        %add3A_449 = arith.constant 288 : i32
        %add3A_450 = vector.broadcast %add3A_449 : i32 to vector<16xi32>
        %add3A_451 = arith.addi %add3A_450, %iota3A : vector<16xi32>
        %lt3A_452 = arith.cmpf olt, %select_n3A_227, %select_n3A : vector<16xf32>
        %select_n3A_453 = arith.select %lt3A_452, %select_n3A_227, %select_n3A : vector<16xi1>, vector<16xf32>
        %select_n3A_454 = arith.select %lt3A_452, %add3A_230, %add3A_217 : vector<16xi1>, vector<16xi32>
        %lt3A_455 = arith.cmpf olt, %select_n3A_253, %select_n3A_240 : vector<16xf32>
        %select_n3A_456 = arith.select %lt3A_455, %select_n3A_253, %select_n3A_240 : vector<16xi1>, vector<16xf32>
        %select_n3A_457 = arith.select %lt3A_455, %add3A_256, %add3A_243 : vector<16xi1>, vector<16xi32>
        %lt3A_458 = arith.cmpf olt, %select_n3A_279, %select_n3A_266 : vector<16xf32>
        %select_n3A_459 = arith.select %lt3A_458, %select_n3A_279, %select_n3A_266 : vector<16xi1>, vector<16xf32>
        %select_n3A_460 = arith.select %lt3A_458, %add3A_282, %add3A_269 : vector<16xi1>, vector<16xi32>
        %lt3A_461 = arith.cmpf olt, %select_n3A_305, %select_n3A_292 : vector<16xf32>
        %select_n3A_462 = arith.select %lt3A_461, %select_n3A_305, %select_n3A_292 : vector<16xi1>, vector<16xf32>
        %select_n3A_463 = arith.select %lt3A_461, %add3A_308, %add3A_295 : vector<16xi1>, vector<16xi32>
        %lt3A_464 = arith.cmpf olt, %select_n3A_331, %select_n3A_318 : vector<16xf32>
        %select_n3A_465 = arith.select %lt3A_464, %select_n3A_331, %select_n3A_318 : vector<16xi1>, vector<16xf32>
        %select_n3A_466 = arith.select %lt3A_464, %add3A_334, %add3A_321 : vector<16xi1>, vector<16xi32>
        %lt3A_467 = arith.cmpf olt, %select_n3A_357, %select_n3A_344 : vector<16xf32>
        %select_n3A_468 = arith.select %lt3A_467, %select_n3A_357, %select_n3A_344 : vector<16xi1>, vector<16xf32>
        %select_n3A_469 = arith.select %lt3A_467, %add3A_360, %add3A_347 : vector<16xi1>, vector<16xi32>
        %lt3A_470 = arith.cmpf olt, %select_n3A_383, %select_n3A_370 : vector<16xf32>
        %select_n3A_471 = arith.select %lt3A_470, %select_n3A_383, %select_n3A_370 : vector<16xi1>, vector<16xf32>
        %select_n3A_472 = arith.select %lt3A_470, %add3A_386, %add3A_373 : vector<16xi1>, vector<16xi32>
        %lt3A_473 = arith.cmpf olt, %select_n3A_409, %select_n3A_396 : vector<16xf32>
        %select_n3A_474 = arith.select %lt3A_473, %select_n3A_409, %select_n3A_396 : vector<16xi1>, vector<16xf32>
        %select_n3A_475 = arith.select %lt3A_473, %add3A_412, %add3A_399 : vector<16xi1>, vector<16xi32>
        %lt3A_476 = arith.cmpf olt, %select_n3A_435, %select_n3A_422 : vector<16xf32>
        %select_n3A_477 = arith.select %lt3A_476, %select_n3A_435, %select_n3A_422 : vector<16xi1>, vector<16xf32>
        %select_n3A_478 = arith.select %lt3A_476, %add3A_438, %add3A_425 : vector<16xi1>, vector<16xi32>
        %lt3A_479 = arith.cmpf olt, %select_n3A_456, %select_n3A_453 : vector<16xf32>
        %select_n3A_480 = arith.select %lt3A_479, %select_n3A_456, %select_n3A_453 : vector<16xi1>, vector<16xf32>
        %select_n3A_481 = arith.select %lt3A_479, %select_n3A_457, %select_n3A_454 : vector<16xi1>, vector<16xi32>
        %lt3A_482 = arith.cmpf olt, %select_n3A_462, %select_n3A_459 : vector<16xf32>
        %select_n3A_483 = arith.select %lt3A_482, %select_n3A_462, %select_n3A_459 : vector<16xi1>, vector<16xf32>
        %select_n3A_484 = arith.select %lt3A_482, %select_n3A_463, %select_n3A_460 : vector<16xi1>, vector<16xi32>
        %lt3A_485 = arith.cmpf olt, %select_n3A_468, %select_n3A_465 : vector<16xf32>
        %select_n3A_486 = arith.select %lt3A_485, %select_n3A_468, %select_n3A_465 : vector<16xi1>, vector<16xf32>
        %select_n3A_487 = arith.select %lt3A_485, %select_n3A_469, %select_n3A_466 : vector<16xi1>, vector<16xi32>
        %lt3A_488 = arith.cmpf olt, %select_n3A_474, %select_n3A_471 : vector<16xf32>
        %select_n3A_489 = arith.select %lt3A_488, %select_n3A_474, %select_n3A_471 : vector<16xi1>, vector<16xf32>
        %select_n3A_490 = arith.select %lt3A_488, %select_n3A_475, %select_n3A_472 : vector<16xi1>, vector<16xi32>
        %lt3A_491 = arith.cmpf olt, %select_n3A_448, %select_n3A_477 : vector<16xf32>
        %select_n3A_492 = arith.select %lt3A_491, %select_n3A_448, %select_n3A_477 : vector<16xi1>, vector<16xf32>
        %select_n3A_493 = arith.select %lt3A_491, %add3A_451, %select_n3A_478 : vector<16xi1>, vector<16xi32>
        %lt3A_494 = arith.cmpf olt, %select_n3A_483, %select_n3A_480 : vector<16xf32>
        %select_n3A_495 = arith.select %lt3A_494, %select_n3A_483, %select_n3A_480 : vector<16xi1>, vector<16xf32>
        %select_n3A_496 = arith.select %lt3A_494, %select_n3A_484, %select_n3A_481 : vector<16xi1>, vector<16xi32>
        %lt3A_497 = arith.cmpf olt, %select_n3A_489, %select_n3A_486 : vector<16xf32>
        %select_n3A_498 = arith.select %lt3A_497, %select_n3A_489, %select_n3A_486 : vector<16xi1>, vector<16xf32>
        %select_n3A_499 = arith.select %lt3A_497, %select_n3A_490, %select_n3A_487 : vector<16xi1>, vector<16xi32>
        %lt3A_500 = arith.cmpf olt, %select_n3A_498, %select_n3A_495 : vector<16xf32>
        %select_n3A_501 = arith.select %lt3A_500, %select_n3A_498, %select_n3A_495 : vector<16xi1>, vector<16xf32>
        %select_n3A_502 = arith.select %lt3A_500, %select_n3A_499, %select_n3A_496 : vector<16xi1>, vector<16xi32>
        %lt3A_503 = arith.cmpf olt, %select_n3A_492, %select_n3A_501 : vector<16xf32>
        %select_n3A_504 = arith.select %lt3A_503, %select_n3A_492, %select_n3A_501 : vector<16xi1>, vector<16xf32>
        %select_n3A_505 = arith.select %lt3A_503, %select_n3A_493, %select_n3A_502 : vector<16xi1>, vector<16xi32>
        %xor3A = arith.constant 8 : i32
        %xor3A_506 = vector.broadcast %xor3A : i32 to vector<16xi32>
        %xor3A_507 = arith.xori %iota3A, %xor3A_506 : vector<16xi32>
        %lt3A_508 = arith.constant 0 : i32
        %lt3A_509 = vector.broadcast %lt3A_508 : i32 to vector<16xi32>
        %lt3A_510 = arith.cmpi slt, %xor3A_507, %lt3A_509 : vector<16xi32>
        %add3A_511 = arith.constant 16 : i32
        %add3A_512 = vector.broadcast %add3A_511 : i32 to vector<16xi32>
        %add3A_513 = arith.addi %xor3A_507, %add3A_512 : vector<16xi32>
        %select_n3A_514 = arith.select %lt3A_510, %add3A_513, %xor3A_507 : vector<16xi1>, vector<16xi32>
        %broadcast_in_dim3A_515 = vector.shape_cast %select_n3A_514 : vector<16xi32> to vector<16x1xi32>
        %gather3A = vector.shape_cast %broadcast_in_dim3A_515 : vector<16x1xi32> to vector<16xi32>
        %gather3A_516 = tpu.dynamic_gather %select_n3A_504[%gather3A] in [0] : vector<16xf32>, vector<16xi32> -> vector<16xf32>
        %min3A = arith.minimumf %select_n3A_504, %gather3A_516 : vector<16xf32>
        %xor3A_517 = arith.constant 4 : i32
        %xor3A_518 = vector.broadcast %xor3A_517 : i32 to vector<16xi32>
        %xor3A_519 = arith.xori %iota3A, %xor3A_518 : vector<16xi32>
        %lt3A_520 = arith.constant 0 : i32
        %lt3A_521 = vector.broadcast %lt3A_520 : i32 to vector<16xi32>
        %lt3A_522 = arith.cmpi slt, %xor3A_519, %lt3A_521 : vector<16xi32>
        %add3A_523 = arith.constant 16 : i32
        %add3A_524 = vector.broadcast %add3A_523 : i32 to vector<16xi32>
        %add3A_525 = arith.addi %xor3A_519, %add3A_524 : vector<16xi32>
        %select_n3A_526 = arith.select %lt3A_522, %add3A_525, %xor3A_519 : vector<16xi1>, vector<16xi32>
        %broadcast_in_dim3A_527 = vector.shape_cast %select_n3A_526 : vector<16xi32> to vector<16x1xi32>
        %gather3A_528 = vector.shape_cast %broadcast_in_dim3A_527 : vector<16x1xi32> to vector<16xi32>
        %gather3A_529 = tpu.dynamic_gather %min3A[%gather3A_528] in [0] : vector<16xf32>, vector<16xi32> -> vector<16xf32>
        %min3A_530 = arith.minimumf %min3A, %gather3A_529 : vector<16xf32>
        %xor3A_531 = arith.constant 2 : i32
        %xor3A_532 = vector.broadcast %xor3A_531 : i32 to vector<16xi32>
        %xor3A_533 = arith.xori %iota3A, %xor3A_532 : vector<16xi32>
        %lt3A_534 = arith.constant 0 : i32
        %lt3A_535 = vector.broadcast %lt3A_534 : i32 to vector<16xi32>
        %lt3A_536 = arith.cmpi slt, %xor3A_533, %lt3A_535 : vector<16xi32>
        %add3A_537 = arith.constant 16 : i32
        %add3A_538 = vector.broadcast %add3A_537 : i32 to vector<16xi32>
        %add3A_539 = arith.addi %xor3A_533, %add3A_538 : vector<16xi32>
        %select_n3A_540 = arith.select %lt3A_536, %add3A_539, %xor3A_533 : vector<16xi1>, vector<16xi32>
        %broadcast_in_dim3A_541 = vector.shape_cast %select_n3A_540 : vector<16xi32> to vector<16x1xi32>
        %gather3A_542 = vector.shape_cast %broadcast_in_dim3A_541 : vector<16x1xi32> to vector<16xi32>
        %gather3A_543 = tpu.dynamic_gather %min3A_530[%gather3A_542] in [0] : vector<16xf32>, vector<16xi32> -> vector<16xf32>
        %min3A_544 = arith.minimumf %min3A_530, %gather3A_543 : vector<16xf32>
        %xor3A_545 = arith.constant 1 : i32
        %xor3A_546 = vector.broadcast %xor3A_545 : i32 to vector<16xi32>
        %xor3A_547 = arith.xori %iota3A, %xor3A_546 : vector<16xi32>
        %lt3A_548 = arith.constant 0 : i32
        %lt3A_549 = vector.broadcast %lt3A_548 : i32 to vector<16xi32>
        %lt3A_550 = arith.cmpi slt, %xor3A_547, %lt3A_549 : vector<16xi32>
        %add3A_551 = arith.constant 16 : i32
        %add3A_552 = vector.broadcast %add3A_551 : i32 to vector<16xi32>
        %add3A_553 = arith.addi %xor3A_547, %add3A_552 : vector<16xi32>
        %select_n3A_554 = arith.select %lt3A_550, %add3A_553, %xor3A_547 : vector<16xi1>, vector<16xi32>
        %broadcast_in_dim3A_555 = vector.shape_cast %select_n3A_554 : vector<16xi32> to vector<16x1xi32>
        %gather3A_556 = vector.shape_cast %broadcast_in_dim3A_555 : vector<16x1xi32> to vector<16xi32>
        %gather3A_557 = tpu.dynamic_gather %min3A_544[%gather3A_556] in [0] : vector<16xf32>, vector<16xi32> -> vector<16xf32>
        %min3A_558 = arith.minimumf %min3A_544, %gather3A_557 : vector<16xf32>
        %eq3A_559 = arith.cmpf oeq, %select_n3A_504, %min3A_558 : vector<16xf32>
        %jit3A_560 = arith.constant 100000 : i32
        %broadcast_in_dim3A_561 = vector.broadcast %jit3A_560 : i32 to vector<16xi32>
        %select_n3A_562 = arith.select %eq3A_559, %select_n3A_505, %broadcast_in_dim3A_561 : vector<16xi1>, vector<16xi32>
        %convert_element_type3A_563 = arith.sitofp %select_n3A_562 : vector<16xi32> to vector<16xf32>
        %xor3A_564 = arith.constant 8 : i32
        %xor3A_565 = vector.broadcast %xor3A_564 : i32 to vector<16xi32>
        %xor3A_566 = arith.xori %iota3A, %xor3A_565 : vector<16xi32>
        %lt3A_567 = arith.constant 0 : i32
        %lt3A_568 = vector.broadcast %lt3A_567 : i32 to vector<16xi32>
        %lt3A_569 = arith.cmpi slt, %xor3A_566, %lt3A_568 : vector<16xi32>
        %add3A_570 = arith.constant 16 : i32
        %add3A_571 = vector.broadcast %add3A_570 : i32 to vector<16xi32>
        %add3A_572 = arith.addi %xor3A_566, %add3A_571 : vector<16xi32>
        %select_n3A_573 = arith.select %lt3A_569, %add3A_572, %xor3A_566 : vector<16xi1>, vector<16xi32>
        %broadcast_in_dim3A_574 = vector.shape_cast %select_n3A_573 : vector<16xi32> to vector<16x1xi32>
        %gather3A_575 = vector.shape_cast %broadcast_in_dim3A_574 : vector<16x1xi32> to vector<16xi32>
        %gather3A_576 = tpu.dynamic_gather %convert_element_type3A_563[%gather3A_575] in [0] : vector<16xf32>, vector<16xi32> -> vector<16xf32>
        %min3A_577 = arith.minimumf %convert_element_type3A_563, %gather3A_576 : vector<16xf32>
        %xor3A_578 = arith.constant 4 : i32
        %xor3A_579 = vector.broadcast %xor3A_578 : i32 to vector<16xi32>
        %xor3A_580 = arith.xori %iota3A, %xor3A_579 : vector<16xi32>
        %lt3A_581 = arith.constant 0 : i32
        %lt3A_582 = vector.broadcast %lt3A_581 : i32 to vector<16xi32>
        %lt3A_583 = arith.cmpi slt, %xor3A_580, %lt3A_582 : vector<16xi32>
        %add3A_584 = arith.constant 16 : i32
        %add3A_585 = vector.broadcast %add3A_584 : i32 to vector<16xi32>
        %add3A_586 = arith.addi %xor3A_580, %add3A_585 : vector<16xi32>
        %select_n3A_587 = arith.select %lt3A_583, %add3A_586, %xor3A_580 : vector<16xi1>, vector<16xi32>
        %broadcast_in_dim3A_588 = vector.shape_cast %select_n3A_587 : vector<16xi32> to vector<16x1xi32>
        %gather3A_589 = vector.shape_cast %broadcast_in_dim3A_588 : vector<16x1xi32> to vector<16xi32>
        %gather3A_590 = tpu.dynamic_gather %min3A_577[%gather3A_589] in [0] : vector<16xf32>, vector<16xi32> -> vector<16xf32>
        %min3A_591 = arith.minimumf %min3A_577, %gather3A_590 : vector<16xf32>
        %xor3A_592 = arith.constant 2 : i32
        %xor3A_593 = vector.broadcast %xor3A_592 : i32 to vector<16xi32>
        %xor3A_594 = arith.xori %iota3A, %xor3A_593 : vector<16xi32>
        %lt3A_595 = arith.constant 0 : i32
        %lt3A_596 = vector.broadcast %lt3A_595 : i32 to vector<16xi32>
        %lt3A_597 = arith.cmpi slt, %xor3A_594, %lt3A_596 : vector<16xi32>
        %add3A_598 = arith.constant 16 : i32
        %add3A_599 = vector.broadcast %add3A_598 : i32 to vector<16xi32>
        %add3A_600 = arith.addi %xor3A_594, %add3A_599 : vector<16xi32>
        %select_n3A_601 = arith.select %lt3A_597, %add3A_600, %xor3A_594 : vector<16xi1>, vector<16xi32>
        %broadcast_in_dim3A_602 = vector.shape_cast %select_n3A_601 : vector<16xi32> to vector<16x1xi32>
        %gather3A_603 = vector.shape_cast %broadcast_in_dim3A_602 : vector<16x1xi32> to vector<16xi32>
        %gather3A_604 = tpu.dynamic_gather %min3A_591[%gather3A_603] in [0] : vector<16xf32>, vector<16xi32> -> vector<16xf32>
        %min3A_605 = arith.minimumf %min3A_591, %gather3A_604 : vector<16xf32>
        %xor3A_606 = arith.constant 1 : i32
        %xor3A_607 = vector.broadcast %xor3A_606 : i32 to vector<16xi32>
        %xor3A_608 = arith.xori %iota3A, %xor3A_607 : vector<16xi32>
        %lt3A_609 = arith.constant 0 : i32
        %lt3A_610 = vector.broadcast %lt3A_609 : i32 to vector<16xi32>
        %lt3A_611 = arith.cmpi slt, %xor3A_608, %lt3A_610 : vector<16xi32>
        %add3A_612 = arith.constant 16 : i32
        %add3A_613 = vector.broadcast %add3A_612 : i32 to vector<16xi32>
        %add3A_614 = arith.addi %xor3A_608, %add3A_613 : vector<16xi32>
        %select_n3A_615 = arith.select %lt3A_611, %add3A_614, %xor3A_608 : vector<16xi1>, vector<16xi32>
        %broadcast_in_dim3A_616 = vector.shape_cast %select_n3A_615 : vector<16xi32> to vector<16x1xi32>
        %gather3A_617 = vector.shape_cast %broadcast_in_dim3A_616 : vector<16x1xi32> to vector<16xi32>
        %gather3A_618 = tpu.dynamic_gather %min3A_605[%gather3A_617] in [0] : vector<16xf32>, vector<16xi32> -> vector<16xf32>
        %min3A_619 = arith.minimumf %min3A_605, %gather3A_618 : vector<16xf32>
        %convert_element_type3A_620 = arith.fptosi %min3A_619 : vector<16xf32> to vector<16xi32>
        %add3A_621 = arith.constant 0 : i32
        %add3A_622 = vector.broadcast %add3A_621 : i32 to vector<16xi32>
        %add3A_623 = arith.addi %add3A_622, %iota3A : vector<16xi32>
        %eq3A_624 = arith.cmpi eq, %add3A_623, %convert_element_type3A_620 : vector<16xi32>
        %broadcast_in_dim3A_625 = vector.broadcast %scan3A_188 : i32 to vector<16xi32>
        %select_n3A_626 = arith.select %eq3A_624, %broadcast_in_dim3A_625, %scan3A_190 : vector<16xi1>, vector<16xi32>
        %add3A_627 = arith.constant 16 : i32
        %add3A_628 = vector.broadcast %add3A_627 : i32 to vector<16xi32>
        %add3A_629 = arith.addi %add3A_628, %iota3A : vector<16xi32>
        %eq3A_630 = arith.cmpi eq, %add3A_629, %convert_element_type3A_620 : vector<16xi32>
        %broadcast_in_dim3A_631 = vector.broadcast %scan3A_188 : i32 to vector<16xi32>
        %select_n3A_632 = arith.select %eq3A_630, %broadcast_in_dim3A_631, %scan3A_191 : vector<16xi1>, vector<16xi32>
        %add3A_633 = arith.constant 32 : i32
        %add3A_634 = vector.broadcast %add3A_633 : i32 to vector<16xi32>
        %add3A_635 = arith.addi %add3A_634, %iota3A : vector<16xi32>
        %eq3A_636 = arith.cmpi eq, %add3A_635, %convert_element_type3A_620 : vector<16xi32>
        %broadcast_in_dim3A_637 = vector.broadcast %scan3A_188 : i32 to vector<16xi32>
        %select_n3A_638 = arith.select %eq3A_636, %broadcast_in_dim3A_637, %scan3A_192 : vector<16xi1>, vector<16xi32>
        %add3A_639 = arith.constant 48 : i32
        %add3A_640 = vector.broadcast %add3A_639 : i32 to vector<16xi32>
        %add3A_641 = arith.addi %add3A_640, %iota3A : vector<16xi32>
        %eq3A_642 = arith.cmpi eq, %add3A_641, %convert_element_type3A_620 : vector<16xi32>
        %broadcast_in_dim3A_643 = vector.broadcast %scan3A_188 : i32 to vector<16xi32>
        %select_n3A_644 = arith.select %eq3A_642, %broadcast_in_dim3A_643, %scan3A_193 : vector<16xi1>, vector<16xi32>
        %add3A_645 = arith.constant 64 : i32
        %add3A_646 = vector.broadcast %add3A_645 : i32 to vector<16xi32>
        %add3A_647 = arith.addi %add3A_646, %iota3A : vector<16xi32>
        %eq3A_648 = arith.cmpi eq, %add3A_647, %convert_element_type3A_620 : vector<16xi32>
        %broadcast_in_dim3A_649 = vector.broadcast %scan3A_188 : i32 to vector<16xi32>
        %select_n3A_650 = arith.select %eq3A_648, %broadcast_in_dim3A_649, %scan3A_194 : vector<16xi1>, vector<16xi32>
        %add3A_651 = arith.constant 80 : i32
        %add3A_652 = vector.broadcast %add3A_651 : i32 to vector<16xi32>
        %add3A_653 = arith.addi %add3A_652, %iota3A : vector<16xi32>
        %eq3A_654 = arith.cmpi eq, %add3A_653, %convert_element_type3A_620 : vector<16xi32>
        %broadcast_in_dim3A_655 = vector.broadcast %scan3A_188 : i32 to vector<16xi32>
        %select_n3A_656 = arith.select %eq3A_654, %broadcast_in_dim3A_655, %scan3A_195 : vector<16xi1>, vector<16xi32>
        %add3A_657 = arith.constant 96 : i32
        %add3A_658 = vector.broadcast %add3A_657 : i32 to vector<16xi32>
        %add3A_659 = arith.addi %add3A_658, %iota3A : vector<16xi32>
        %eq3A_660 = arith.cmpi eq, %add3A_659, %convert_element_type3A_620 : vector<16xi32>
        %broadcast_in_dim3A_661 = vector.broadcast %scan3A_188 : i32 to vector<16xi32>
        %select_n3A_662 = arith.select %eq3A_660, %broadcast_in_dim3A_661, %scan3A_196 : vector<16xi1>, vector<16xi32>
        %add3A_663 = arith.constant 112 : i32
        %add3A_664 = vector.broadcast %add3A_663 : i32 to vector<16xi32>
        %add3A_665 = arith.addi %add3A_664, %iota3A : vector<16xi32>
        %eq3A_666 = arith.cmpi eq, %add3A_665, %convert_element_type3A_620 : vector<16xi32>
        %broadcast_in_dim3A_667 = vector.broadcast %scan3A_188 : i32 to vector<16xi32>
        %select_n3A_668 = arith.select %eq3A_666, %broadcast_in_dim3A_667, %scan3A_197 : vector<16xi1>, vector<16xi32>
        %add3A_669 = arith.constant 128 : i32
        %add3A_670 = vector.broadcast %add3A_669 : i32 to vector<16xi32>
        %add3A_671 = arith.addi %add3A_670, %iota3A : vector<16xi32>
        %eq3A_672 = arith.cmpi eq, %add3A_671, %convert_element_type3A_620 : vector<16xi32>
        %broadcast_in_dim3A_673 = vector.broadcast %scan3A_188 : i32 to vector<16xi32>
        %select_n3A_674 = arith.select %eq3A_672, %broadcast_in_dim3A_673, %scan3A_198 : vector<16xi1>, vector<16xi32>
        %add3A_675 = arith.constant 144 : i32
        %add3A_676 = vector.broadcast %add3A_675 : i32 to vector<16xi32>
        %add3A_677 = arith.addi %add3A_676, %iota3A : vector<16xi32>
        %eq3A_678 = arith.cmpi eq, %add3A_677, %convert_element_type3A_620 : vector<16xi32>
        %broadcast_in_dim3A_679 = vector.broadcast %scan3A_188 : i32 to vector<16xi32>
        %select_n3A_680 = arith.select %eq3A_678, %broadcast_in_dim3A_679, %scan3A_199 : vector<16xi1>, vector<16xi32>
        %add3A_681 = arith.constant 160 : i32
        %add3A_682 = vector.broadcast %add3A_681 : i32 to vector<16xi32>
        %add3A_683 = arith.addi %add3A_682, %iota3A : vector<16xi32>
        %eq3A_684 = arith.cmpi eq, %add3A_683, %convert_element_type3A_620 : vector<16xi32>
        %broadcast_in_dim3A_685 = vector.broadcast %scan3A_188 : i32 to vector<16xi32>
        %select_n3A_686 = arith.select %eq3A_684, %broadcast_in_dim3A_685, %scan3A_200 : vector<16xi1>, vector<16xi32>
        %add3A_687 = arith.constant 176 : i32
        %add3A_688 = vector.broadcast %add3A_687 : i32 to vector<16xi32>
        %add3A_689 = arith.addi %add3A_688, %iota3A : vector<16xi32>
        %eq3A_690 = arith.cmpi eq, %add3A_689, %convert_element_type3A_620 : vector<16xi32>
        %broadcast_in_dim3A_691 = vector.broadcast %scan3A_188 : i32 to vector<16xi32>
        %select_n3A_692 = arith.select %eq3A_690, %broadcast_in_dim3A_691, %scan3A_201 : vector<16xi1>, vector<16xi32>
        %add3A_693 = arith.constant 192 : i32
        %add3A_694 = vector.broadcast %add3A_693 : i32 to vector<16xi32>
        %add3A_695 = arith.addi %add3A_694, %iota3A : vector<16xi32>
        %eq3A_696 = arith.cmpi eq, %add3A_695, %convert_element_type3A_620 : vector<16xi32>
        %broadcast_in_dim3A_697 = vector.broadcast %scan3A_188 : i32 to vector<16xi32>
        %select_n3A_698 = arith.select %eq3A_696, %broadcast_in_dim3A_697, %scan3A_202 : vector<16xi1>, vector<16xi32>
        %add3A_699 = arith.constant 208 : i32
        %add3A_700 = vector.broadcast %add3A_699 : i32 to vector<16xi32>
        %add3A_701 = arith.addi %add3A_700, %iota3A : vector<16xi32>
        %eq3A_702 = arith.cmpi eq, %add3A_701, %convert_element_type3A_620 : vector<16xi32>
        %broadcast_in_dim3A_703 = vector.broadcast %scan3A_188 : i32 to vector<16xi32>
        %select_n3A_704 = arith.select %eq3A_702, %broadcast_in_dim3A_703, %scan3A_203 : vector<16xi1>, vector<16xi32>
        %add3A_705 = arith.constant 224 : i32
        %add3A_706 = vector.broadcast %add3A_705 : i32 to vector<16xi32>
        %add3A_707 = arith.addi %add3A_706, %iota3A : vector<16xi32>
        %eq3A_708 = arith.cmpi eq, %add3A_707, %convert_element_type3A_620 : vector<16xi32>
        %broadcast_in_dim3A_709 = vector.broadcast %scan3A_188 : i32 to vector<16xi32>
        %select_n3A_710 = arith.select %eq3A_708, %broadcast_in_dim3A_709, %scan3A_204 : vector<16xi1>, vector<16xi32>
        %add3A_711 = arith.constant 240 : i32
        %add3A_712 = vector.broadcast %add3A_711 : i32 to vector<16xi32>
        %add3A_713 = arith.addi %add3A_712, %iota3A : vector<16xi32>
        %eq3A_714 = arith.cmpi eq, %add3A_713, %convert_element_type3A_620 : vector<16xi32>
        %broadcast_in_dim3A_715 = vector.broadcast %scan3A_188 : i32 to vector<16xi32>
        %select_n3A_716 = arith.select %eq3A_714, %broadcast_in_dim3A_715, %scan3A_205 : vector<16xi1>, vector<16xi32>
        %add3A_717 = arith.constant 256 : i32
        %add3A_718 = vector.broadcast %add3A_717 : i32 to vector<16xi32>
        %add3A_719 = arith.addi %add3A_718, %iota3A : vector<16xi32>
        %eq3A_720 = arith.cmpi eq, %add3A_719, %convert_element_type3A_620 : vector<16xi32>
        %broadcast_in_dim3A_721 = vector.broadcast %scan3A_188 : i32 to vector<16xi32>
        %select_n3A_722 = arith.select %eq3A_720, %broadcast_in_dim3A_721, %scan3A_206 : vector<16xi1>, vector<16xi32>
        %add3A_723 = arith.constant 272 : i32
        %add3A_724 = vector.broadcast %add3A_723 : i32 to vector<16xi32>
        %add3A_725 = arith.addi %add3A_724, %iota3A : vector<16xi32>
        %eq3A_726 = arith.cmpi eq, %add3A_725, %convert_element_type3A_620 : vector<16xi32>
        %broadcast_in_dim3A_727 = vector.broadcast %scan3A_188 : i32 to vector<16xi32>
        %select_n3A_728 = arith.select %eq3A_726, %broadcast_in_dim3A_727, %scan3A_207 : vector<16xi1>, vector<16xi32>
        %add3A_729 = arith.constant 288 : i32
        %add3A_730 = vector.broadcast %add3A_729 : i32 to vector<16xi32>
        %add3A_731 = arith.addi %add3A_730, %iota3A : vector<16xi32>
        %eq3A_732 = arith.cmpi eq, %add3A_731, %convert_element_type3A_620 : vector<16xi32>
        %broadcast_in_dim3A_733 = vector.broadcast %scan3A_188 : i32 to vector<16xi32>
        %select_n3A_734 = arith.select %eq3A_732, %broadcast_in_dim3A_733, %scan3A_208 : vector<16xi1>, vector<16xi32>
        %add3A_735 = arith.addf %scan3A_189, %min3A_558 : vector<16xf32>
        scf.yield %add3A_735, %select_n3A_626, %select_n3A_632, %select_n3A_638, %select_n3A_644, %select_n3A_650, %select_n3A_656, %select_n3A_662, %select_n3A_668, %select_n3A_674, %select_n3A_680, %select_n3A_686, %select_n3A_692, %select_n3A_698, %select_n3A_704, %select_n3A_710, %select_n3A_716, %select_n3A_722, %select_n3A_728, %select_n3A_734 : vector<16xf32>, vector<16xi32>, vector<16xi32>, vector<16xi32>, vector<16xi32>, vector<16xi32>, vector<16xi32>, vector<16xi32>, vector<16xi32>, vector<16xi32>, vector<16xi32>, vector<16xi32>, vector<16xi32>, vector<16xi32>, vector<16xi32>, vector<16xi32>, vector<16xi32>, vector<16xi32>, vector<16xi32>, vector<16xi32>
      }
      %scan3A_50 = arith.constant 64 : i32
      %dma_wait3A_51 = arith.constant 64 : i32
      %dma_wait3A_52 = arith.constant 0 : i32
      %dma_wait3A_53 = tpu.memref_slice %arg5[%dma_wait3A_51, %dma_wait3A_52] : memref<300x304xf32, #tpu.memory_space<vmem>> -> memref<236x304xf32, #tpu.memory_space<vmem>>
      %dma_wait3A_54 = arith.constant 64 : i32
      %dma_wait3A_55 = arith.constant 0 : i32
      %dma_wait3A_56 = tpu.memref_slice %arg2[%add3A, %dma_wait3A_54, %dma_wait3A_55] : memref<16x300x304xf32, #tpu.memory_space<hbm>> -> memref<1x236x304xf32, #tpu.memory_space<hbm>>
      %dma_wait3A_57 = tpu.memref_squeeze %dma_wait3A_56 : memref<1x236x304xf32, #tpu.memory_space<hbm>> -> memref<236x304xf32, #tpu.memory_space<hbm>>
      %dma_wait3A_58 = arith.constant 64 : i32
      %dma_wait3A_59 = arith.constant 0 : i32
      %dma_wait3A_60 = tpu.memref_slice %arg5[%dma_wait3A_58, %dma_wait3A_59] : memref<300x304xf32, #tpu.memory_space<vmem>> -> memref<236x304xf32, #tpu.memory_space<vmem>>
      %dma_wait3A_61 = arith.constant 64 : i32
      %dma_wait3A_62 = arith.constant 0 : i32
      %dma_wait3A_63 = tpu.memref_slice %arg2[%add3A, %dma_wait3A_61, %dma_wait3A_62] : memref<16x300x304xf32, #tpu.memory_space<hbm>> -> memref<1x236x304xf32, #tpu.memory_space<hbm>>
      %dma_wait3A_64 = tpu.memref_squeeze %dma_wait3A_63 : memref<1x236x304xf32, #tpu.memory_space<hbm>> -> memref<236x304xf32, #tpu.memory_space<hbm>>
      tpu.wait_dma2 semaphore(%arg9 : memref<!tpu.dma_semaphore, #tpu.memory_space<semaphore_mem>>) src(%dma_wait3A_64 : memref<236x304xf32, #tpu.memory_space<hbm>>) dst(%dma_wait3A_60 : memref<236x304xf32, #tpu.memory_space<vmem>>)
      %scan3A_65 = arith.constant 64 : i32
      %scan3A_66 = arith.constant 236 : i32
      %scan3A_67 = arith.addi %scan3A_65, %scan3A_66 : i32
      %scan3A_68 = arith.constant 1 : i32
      %scan3A_69:20 = scf.for %scan3A_188 = %scan3A_65 to %scan3A_67 step %scan3A_68 iter_args(%scan3A_189 = %scan3A_49#0, %scan3A_190 = %scan3A_49#1, %scan3A_191 = %scan3A_49#2, %scan3A_192 = %scan3A_49#3, %scan3A_193 = %scan3A_49#4, %scan3A_194 = %scan3A_49#5, %scan3A_195 = %scan3A_49#6, %scan3A_196 = %scan3A_49#7, %scan3A_197 = %scan3A_49#8, %scan3A_198 = %scan3A_49#9, %scan3A_199 = %scan3A_49#10, %scan3A_200 = %scan3A_49#11, %scan3A_201 = %scan3A_49#12, %scan3A_202 = %scan3A_49#13, %scan3A_203 = %scan3A_49#14, %scan3A_204 = %scan3A_49#15, %scan3A_205 = %scan3A_49#16, %scan3A_206 = %scan3A_49#17, %scan3A_207 = %scan3A_49#18, %scan3A_208 = %scan3A_49#19) -> (vector<16xf32>, vector<16xi32>, vector<16xi32>, vector<16xi32>, vector<16xi32>, vector<16xi32>, vector<16xi32>, vector<16xi32>, vector<16xi32>, vector<16xi32>, vector<16xi32>, vector<16xi32>, vector<16xi32>, vector<16xi32>, vector<16xi32>, vector<16xi32>, vector<16xi32>, vector<16xi32>, vector<16xi32>, vector<16xi32>)  : i32 {
        %eq3A = arith.constant 10000 : i32
        %eq3A_209 = vector.broadcast %eq3A : i32 to vector<16xi32>
        %eq3A_210 = arith.cmpi eq, %scan3A_190, %eq3A_209 : vector<16xi32>
        %get3A = arith.index_cast %scan3A_188 : i32 to index
        %get3A_211 = arith.constant 0 : index
        %get3A_212 = tpu.vector_load %arg5[%get3A, %get3A_211] {strides = array<i32>} : memref<300x304xf32, #tpu.memory_space<vmem>>, vector<1x16xf32>,
        %get3A_213 = vector.shape_cast %get3A_212 : vector<1x16xf32> to vector<16xf32>
        %jit3A = arith.constant 0x7F800000 : f32
        %broadcast_in_dim3A_214 = vector.broadcast %jit3A : f32 to vector<16xf32>
        %select_n3A = arith.select %eq3A_210, %get3A_213, %broadcast_in_dim3A_214 : vector<16xi1>, vector<16xf32>
        %add3A_215 = arith.constant 0 : i32
        %add3A_216 = vector.broadcast %add3A_215 : i32 to vector<16xi32>
        %add3A_217 = arith.addi %add3A_216, %iota3A : vector<16xi32>
        %eq3A_218 = arith.constant 10000 : i32
        %eq3A_219 = vector.broadcast %eq3A_218 : i32 to vector<16xi32>
        %eq3A_220 = arith.cmpi eq, %scan3A_191, %eq3A_219 : vector<16xi32>
        %get3A_221 = arith.index_cast %scan3A_188 : i32 to index
        %get3A_222 = arith.constant 16 : index
        %get3A_223 = tpu.vector_load %arg5[%get3A_221, %get3A_222] {strides = array<i32>} : memref<300x304xf32, #tpu.memory_space<vmem>>, vector<1x16xf32>,
        %get3A_224 = vector.shape_cast %get3A_223 : vector<1x16xf32> to vector<16xf32>
        %jit3A_225 = arith.constant 0x7F800000 : f32
        %broadcast_in_dim3A_226 = vector.broadcast %jit3A_225 : f32 to vector<16xf32>
        %select_n3A_227 = arith.select %eq3A_220, %get3A_224, %broadcast_in_dim3A_226 : vector<16xi1>, vector<16xf32>
        %add3A_228 = arith.constant 16 : i32
        %add3A_229 = vector.broadcast %add3A_228 : i32 to vector<16xi32>
        %add3A_230 = arith.addi %add3A_229, %iota3A : vector<16xi32>
        %eq3A_231 = arith.constant 10000 : i32
        %eq3A_232 = vector.broadcast %eq3A_231 : i32 to vector<16xi32>
        %eq3A_233 = arith.cmpi eq, %scan3A_192, %eq3A_232 : vector<16xi32>
        %get3A_234 = arith.index_cast %scan3A_188 : i32 to index
        %get3A_235 = arith.constant 32 : index
        %get3A_236 = tpu.vector_load %arg5[%get3A_234, %get3A_235] {strides = array<i32>} : memref<300x304xf32, #tpu.memory_space<vmem>>, vector<1x16xf32>,
        %get3A_237 = vector.shape_cast %get3A_236 : vector<1x16xf32> to vector<16xf32>
        %jit3A_238 = arith.constant 0x7F800000 : f32
        %broadcast_in_dim3A_239 = vector.broadcast %jit3A_238 : f32 to vector<16xf32>
        %select_n3A_240 = arith.select %eq3A_233, %get3A_237, %broadcast_in_dim3A_239 : vector<16xi1>, vector<16xf32>
        %add3A_241 = arith.constant 32 : i32
        %add3A_242 = vector.broadcast %add3A_241 : i32 to vector<16xi32>
        %add3A_243 = arith.addi %add3A_242, %iota3A : vector<16xi32>
        %eq3A_244 = arith.constant 10000 : i32
        %eq3A_245 = vector.broadcast %eq3A_244 : i32 to vector<16xi32>
        %eq3A_246 = arith.cmpi eq, %scan3A_193, %eq3A_245 : vector<16xi32>
        %get3A_247 = arith.index_cast %scan3A_188 : i32 to index
        %get3A_248 = arith.constant 48 : index
        %get3A_249 = tpu.vector_load %arg5[%get3A_247, %get3A_248] {strides = array<i32>} : memref<300x304xf32, #tpu.memory_space<vmem>>, vector<1x16xf32>,
        %get3A_250 = vector.shape_cast %get3A_249 : vector<1x16xf32> to vector<16xf32>
        %jit3A_251 = arith.constant 0x7F800000 : f32
        %broadcast_in_dim3A_252 = vector.broadcast %jit3A_251 : f32 to vector<16xf32>
        %select_n3A_253 = arith.select %eq3A_246, %get3A_250, %broadcast_in_dim3A_252 : vector<16xi1>, vector<16xf32>
        %add3A_254 = arith.constant 48 : i32
        %add3A_255 = vector.broadcast %add3A_254 : i32 to vector<16xi32>
        %add3A_256 = arith.addi %add3A_255, %iota3A : vector<16xi32>
        %eq3A_257 = arith.constant 10000 : i32
        %eq3A_258 = vector.broadcast %eq3A_257 : i32 to vector<16xi32>
        %eq3A_259 = arith.cmpi eq, %scan3A_194, %eq3A_258 : vector<16xi32>
        %get3A_260 = arith.index_cast %scan3A_188 : i32 to index
        %get3A_261 = arith.constant 64 : index
        %get3A_262 = tpu.vector_load %arg5[%get3A_260, %get3A_261] {strides = array<i32>} : memref<300x304xf32, #tpu.memory_space<vmem>>, vector<1x16xf32>,
        %get3A_263 = vector.shape_cast %get3A_262 : vector<1x16xf32> to vector<16xf32>
        %jit3A_264 = arith.constant 0x7F800000 : f32
        %broadcast_in_dim3A_265 = vector.broadcast %jit3A_264 : f32 to vector<16xf32>
        %select_n3A_266 = arith.select %eq3A_259, %get3A_263, %broadcast_in_dim3A_265 : vector<16xi1>, vector<16xf32>
        %add3A_267 = arith.constant 64 : i32
        %add3A_268 = vector.broadcast %add3A_267 : i32 to vector<16xi32>
        %add3A_269 = arith.addi %add3A_268, %iota3A : vector<16xi32>
        %eq3A_270 = arith.constant 10000 : i32
        %eq3A_271 = vector.broadcast %eq3A_270 : i32 to vector<16xi32>
        %eq3A_272 = arith.cmpi eq, %scan3A_195, %eq3A_271 : vector<16xi32>
        %get3A_273 = arith.index_cast %scan3A_188 : i32 to index
        %get3A_274 = arith.constant 80 : index
        %get3A_275 = tpu.vector_load %arg5[%get3A_273, %get3A_274] {strides = array<i32>} : memref<300x304xf32, #tpu.memory_space<vmem>>, vector<1x16xf32>,
        %get3A_276 = vector.shape_cast %get3A_275 : vector<1x16xf32> to vector<16xf32>
        %jit3A_277 = arith.constant 0x7F800000 : f32
        %broadcast_in_dim3A_278 = vector.broadcast %jit3A_277 : f32 to vector<16xf32>
        %select_n3A_279 = arith.select %eq3A_272, %get3A_276, %broadcast_in_dim3A_278 : vector<16xi1>, vector<16xf32>
        %add3A_280 = arith.constant 80 : i32
        %add3A_281 = vector.broadcast %add3A_280 : i32 to vector<16xi32>
        %add3A_282 = arith.addi %add3A_281, %iota3A : vector<16xi32>
        %eq3A_283 = arith.constant 10000 : i32
        %eq3A_284 = vector.broadcast %eq3A_283 : i32 to vector<16xi32>
        %eq3A_285 = arith.cmpi eq, %scan3A_196, %eq3A_284 : vector<16xi32>
        %get3A_286 = arith.index_cast %scan3A_188 : i32 to index
        %get3A_287 = arith.constant 96 : index
        %get3A_288 = tpu.vector_load %arg5[%get3A_286, %get3A_287] {strides = array<i32>} : memref<300x304xf32, #tpu.memory_space<vmem>>, vector<1x16xf32>,
        %get3A_289 = vector.shape_cast %get3A_288 : vector<1x16xf32> to vector<16xf32>
        %jit3A_290 = arith.constant 0x7F800000 : f32
        %broadcast_in_dim3A_291 = vector.broadcast %jit3A_290 : f32 to vector<16xf32>
        %select_n3A_292 = arith.select %eq3A_285, %get3A_289, %broadcast_in_dim3A_291 : vector<16xi1>, vector<16xf32>
        %add3A_293 = arith.constant 96 : i32
        %add3A_294 = vector.broadcast %add3A_293 : i32 to vector<16xi32>
        %add3A_295 = arith.addi %add3A_294, %iota3A : vector<16xi32>
        %eq3A_296 = arith.constant 10000 : i32
        %eq3A_297 = vector.broadcast %eq3A_296 : i32 to vector<16xi32>
        %eq3A_298 = arith.cmpi eq, %scan3A_197, %eq3A_297 : vector<16xi32>
        %get3A_299 = arith.index_cast %scan3A_188 : i32 to index
        %get3A_300 = arith.constant 112 : index
        %get3A_301 = tpu.vector_load %arg5[%get3A_299, %get3A_300] {strides = array<i32>} : memref<300x304xf32, #tpu.memory_space<vmem>>, vector<1x16xf32>,
        %get3A_302 = vector.shape_cast %get3A_301 : vector<1x16xf32> to vector<16xf32>
        %jit3A_303 = arith.constant 0x7F800000 : f32
        %broadcast_in_dim3A_304 = vector.broadcast %jit3A_303 : f32 to vector<16xf32>
        %select_n3A_305 = arith.select %eq3A_298, %get3A_302, %broadcast_in_dim3A_304 : vector<16xi1>, vector<16xf32>
        %add3A_306 = arith.constant 112 : i32
        %add3A_307 = vector.broadcast %add3A_306 : i32 to vector<16xi32>
        %add3A_308 = arith.addi %add3A_307, %iota3A : vector<16xi32>
        %eq3A_309 = arith.constant 10000 : i32
        %eq3A_310 = vector.broadcast %eq3A_309 : i32 to vector<16xi32>
        %eq3A_311 = arith.cmpi eq, %scan3A_198, %eq3A_310 : vector<16xi32>
        %get3A_312 = arith.index_cast %scan3A_188 : i32 to index
        %get3A_313 = arith.constant 128 : index
        %get3A_314 = tpu.vector_load %arg5[%get3A_312, %get3A_313] {strides = array<i32>} : memref<300x304xf32, #tpu.memory_space<vmem>>, vector<1x16xf32>,
        %get3A_315 = vector.shape_cast %get3A_314 : vector<1x16xf32> to vector<16xf32>
        %jit3A_316 = arith.constant 0x7F800000 : f32
        %broadcast_in_dim3A_317 = vector.broadcast %jit3A_316 : f32 to vector<16xf32>
        %select_n3A_318 = arith.select %eq3A_311, %get3A_315, %broadcast_in_dim3A_317 : vector<16xi1>, vector<16xf32>
        %add3A_319 = arith.constant 128 : i32
        %add3A_320 = vector.broadcast %add3A_319 : i32 to vector<16xi32>
        %add3A_321 = arith.addi %add3A_320, %iota3A : vector<16xi32>
        %eq3A_322 = arith.constant 10000 : i32
        %eq3A_323 = vector.broadcast %eq3A_322 : i32 to vector<16xi32>
        %eq3A_324 = arith.cmpi eq, %scan3A_199, %eq3A_323 : vector<16xi32>
        %get3A_325 = arith.index_cast %scan3A_188 : i32 to index
        %get3A_326 = arith.constant 144 : index
        %get3A_327 = tpu.vector_load %arg5[%get3A_325, %get3A_326] {strides = array<i32>} : memref<300x304xf32, #tpu.memory_space<vmem>>, vector<1x16xf32>,
        %get3A_328 = vector.shape_cast %get3A_327 : vector<1x16xf32> to vector<16xf32>
        %jit3A_329 = arith.constant 0x7F800000 : f32
        %broadcast_in_dim3A_330 = vector.broadcast %jit3A_329 : f32 to vector<16xf32>
        %select_n3A_331 = arith.select %eq3A_324, %get3A_328, %broadcast_in_dim3A_330 : vector<16xi1>, vector<16xf32>
        %add3A_332 = arith.constant 144 : i32
        %add3A_333 = vector.broadcast %add3A_332 : i32 to vector<16xi32>
        %add3A_334 = arith.addi %add3A_333, %iota3A : vector<16xi32>
        %eq3A_335 = arith.constant 10000 : i32
        %eq3A_336 = vector.broadcast %eq3A_335 : i32 to vector<16xi32>
        %eq3A_337 = arith.cmpi eq, %scan3A_200, %eq3A_336 : vector<16xi32>
        %get3A_338 = arith.index_cast %scan3A_188 : i32 to index
        %get3A_339 = arith.constant 160 : index
        %get3A_340 = tpu.vector_load %arg5[%get3A_338, %get3A_339] {strides = array<i32>} : memref<300x304xf32, #tpu.memory_space<vmem>>, vector<1x16xf32>,
        %get3A_341 = vector.shape_cast %get3A_340 : vector<1x16xf32> to vector<16xf32>
        %jit3A_342 = arith.constant 0x7F800000 : f32
        %broadcast_in_dim3A_343 = vector.broadcast %jit3A_342 : f32 to vector<16xf32>
        %select_n3A_344 = arith.select %eq3A_337, %get3A_341, %broadcast_in_dim3A_343 : vector<16xi1>, vector<16xf32>
        %add3A_345 = arith.constant 160 : i32
        %add3A_346 = vector.broadcast %add3A_345 : i32 to vector<16xi32>
        %add3A_347 = arith.addi %add3A_346, %iota3A : vector<16xi32>
        %eq3A_348 = arith.constant 10000 : i32
        %eq3A_349 = vector.broadcast %eq3A_348 : i32 to vector<16xi32>
        %eq3A_350 = arith.cmpi eq, %scan3A_201, %eq3A_349 : vector<16xi32>
        %get3A_351 = arith.index_cast %scan3A_188 : i32 to index
        %get3A_352 = arith.constant 176 : index
        %get3A_353 = tpu.vector_load %arg5[%get3A_351, %get3A_352] {strides = array<i32>} : memref<300x304xf32, #tpu.memory_space<vmem>>, vector<1x16xf32>,
        %get3A_354 = vector.shape_cast %get3A_353 : vector<1x16xf32> to vector<16xf32>
        %jit3A_355 = arith.constant 0x7F800000 : f32
        %broadcast_in_dim3A_356 = vector.broadcast %jit3A_355 : f32 to vector<16xf32>
        %select_n3A_357 = arith.select %eq3A_350, %get3A_354, %broadcast_in_dim3A_356 : vector<16xi1>, vector<16xf32>
        %add3A_358 = arith.constant 176 : i32
        %add3A_359 = vector.broadcast %add3A_358 : i32 to vector<16xi32>
        %add3A_360 = arith.addi %add3A_359, %iota3A : vector<16xi32>
        %eq3A_361 = arith.constant 10000 : i32
        %eq3A_362 = vector.broadcast %eq3A_361 : i32 to vector<16xi32>
        %eq3A_363 = arith.cmpi eq, %scan3A_202, %eq3A_362 : vector<16xi32>
        %get3A_364 = arith.index_cast %scan3A_188 : i32 to index
        %get3A_365 = arith.constant 192 : index
        %get3A_366 = tpu.vector_load %arg5[%get3A_364, %get3A_365] {strides = array<i32>} : memref<300x304xf32, #tpu.memory_space<vmem>>, vector<1x16xf32>,
        %get3A_367 = vector.shape_cast %get3A_366 : vector<1x16xf32> to vector<16xf32>
        %jit3A_368 = arith.constant 0x7F800000 : f32
        %broadcast_in_dim3A_369 = vector.broadcast %jit3A_368 : f32 to vector<16xf32>
        %select_n3A_370 = arith.select %eq3A_363, %get3A_367, %broadcast_in_dim3A_369 : vector<16xi1>, vector<16xf32>
        %add3A_371 = arith.constant 192 : i32
        %add3A_372 = vector.broadcast %add3A_371 : i32 to vector<16xi32>
        %add3A_373 = arith.addi %add3A_372, %iota3A : vector<16xi32>
        %eq3A_374 = arith.constant 10000 : i32
        %eq3A_375 = vector.broadcast %eq3A_374 : i32 to vector<16xi32>
        %eq3A_376 = arith.cmpi eq, %scan3A_203, %eq3A_375 : vector<16xi32>
        %get3A_377 = arith.index_cast %scan3A_188 : i32 to index
        %get3A_378 = arith.constant 208 : index
        %get3A_379 = tpu.vector_load %arg5[%get3A_377, %get3A_378] {strides = array<i32>} : memref<300x304xf32, #tpu.memory_space<vmem>>, vector<1x16xf32>,
        %get3A_380 = vector.shape_cast %get3A_379 : vector<1x16xf32> to vector<16xf32>
        %jit3A_381 = arith.constant 0x7F800000 : f32
        %broadcast_in_dim3A_382 = vector.broadcast %jit3A_381 : f32 to vector<16xf32>
        %select_n3A_383 = arith.select %eq3A_376, %get3A_380, %broadcast_in_dim3A_382 : vector<16xi1>, vector<16xf32>
        %add3A_384 = arith.constant 208 : i32
        %add3A_385 = vector.broadcast %add3A_384 : i32 to vector<16xi32>
        %add3A_386 = arith.addi %add3A_385, %iota3A : vector<16xi32>
        %eq3A_387 = arith.constant 10000 : i32
        %eq3A_388 = vector.broadcast %eq3A_387 : i32 to vector<16xi32>
        %eq3A_389 = arith.cmpi eq, %scan3A_204, %eq3A_388 : vector<16xi32>
        %get3A_390 = arith.index_cast %scan3A_188 : i32 to index
        %get3A_391 = arith.constant 224 : index
        %get3A_392 = tpu.vector_load %arg5[%get3A_390, %get3A_391] {strides = array<i32>} : memref<300x304xf32, #tpu.memory_space<vmem>>, vector<1x16xf32>,
        %get3A_393 = vector.shape_cast %get3A_392 : vector<1x16xf32> to vector<16xf32>
        %jit3A_394 = arith.constant 0x7F800000 : f32
        %broadcast_in_dim3A_395 = vector.broadcast %jit3A_394 : f32 to vector<16xf32>
        %select_n3A_396 = arith.select %eq3A_389, %get3A_393, %broadcast_in_dim3A_395 : vector<16xi1>, vector<16xf32>
        %add3A_397 = arith.constant 224 : i32
        %add3A_398 = vector.broadcast %add3A_397 : i32 to vector<16xi32>
        %add3A_399 = arith.addi %add3A_398, %iota3A : vector<16xi32>
        %eq3A_400 = arith.constant 10000 : i32
        %eq3A_401 = vector.broadcast %eq3A_400 : i32 to vector<16xi32>
        %eq3A_402 = arith.cmpi eq, %scan3A_205, %eq3A_401 : vector<16xi32>
        %get3A_403 = arith.index_cast %scan3A_188 : i32 to index
        %get3A_404 = arith.constant 240 : index
        %get3A_405 = tpu.vector_load %arg5[%get3A_403, %get3A_404] {strides = array<i32>} : memref<300x304xf32, #tpu.memory_space<vmem>>, vector<1x16xf32>,
        %get3A_406 = vector.shape_cast %get3A_405 : vector<1x16xf32> to vector<16xf32>
        %jit3A_407 = arith.constant 0x7F800000 : f32
        %broadcast_in_dim3A_408 = vector.broadcast %jit3A_407 : f32 to vector<16xf32>
        %select_n3A_409 = arith.select %eq3A_402, %get3A_406, %broadcast_in_dim3A_408 : vector<16xi1>, vector<16xf32>
        %add3A_410 = arith.constant 240 : i32
        %add3A_411 = vector.broadcast %add3A_410 : i32 to vector<16xi32>
        %add3A_412 = arith.addi %add3A_411, %iota3A : vector<16xi32>
        %eq3A_413 = arith.constant 10000 : i32
        %eq3A_414 = vector.broadcast %eq3A_413 : i32 to vector<16xi32>
        %eq3A_415 = arith.cmpi eq, %scan3A_206, %eq3A_414 : vector<16xi32>
        %get3A_416 = arith.index_cast %scan3A_188 : i32 to index
        %get3A_417 = arith.constant 256 : index
        %get3A_418 = tpu.vector_load %arg5[%get3A_416, %get3A_417] {strides = array<i32>} : memref<300x304xf32, #tpu.memory_space<vmem>>, vector<1x16xf32>,
        %get3A_419 = vector.shape_cast %get3A_418 : vector<1x16xf32> to vector<16xf32>
        %jit3A_420 = arith.constant 0x7F800000 : f32
        %broadcast_in_dim3A_421 = vector.broadcast %jit3A_420 : f32 to vector<16xf32>
        %select_n3A_422 = arith.select %eq3A_415, %get3A_419, %broadcast_in_dim3A_421 : vector<16xi1>, vector<16xf32>
        %add3A_423 = arith.constant 256 : i32
        %add3A_424 = vector.broadcast %add3A_423 : i32 to vector<16xi32>
        %add3A_425 = arith.addi %add3A_424, %iota3A : vector<16xi32>
        %eq3A_426 = arith.constant 10000 : i32
        %eq3A_427 = vector.broadcast %eq3A_426 : i32 to vector<16xi32>
        %eq3A_428 = arith.cmpi eq, %scan3A_207, %eq3A_427 : vector<16xi32>
        %get3A_429 = arith.index_cast %scan3A_188 : i32 to index
        %get3A_430 = arith.constant 272 : index
        %get3A_431 = tpu.vector_load %arg5[%get3A_429, %get3A_430] {strides = array<i32>} : memref<300x304xf32, #tpu.memory_space<vmem>>, vector<1x16xf32>,
        %get3A_432 = vector.shape_cast %get3A_431 : vector<1x16xf32> to vector<16xf32>
        %jit3A_433 = arith.constant 0x7F800000 : f32
        %broadcast_in_dim3A_434 = vector.broadcast %jit3A_433 : f32 to vector<16xf32>
        %select_n3A_435 = arith.select %eq3A_428, %get3A_432, %broadcast_in_dim3A_434 : vector<16xi1>, vector<16xf32>
        %add3A_436 = arith.constant 272 : i32
        %add3A_437 = vector.broadcast %add3A_436 : i32 to vector<16xi32>
        %add3A_438 = arith.addi %add3A_437, %iota3A : vector<16xi32>
        %eq3A_439 = arith.constant 10000 : i32
        %eq3A_440 = vector.broadcast %eq3A_439 : i32 to vector<16xi32>
        %eq3A_441 = arith.cmpi eq, %scan3A_208, %eq3A_440 : vector<16xi32>
        %get3A_442 = arith.index_cast %scan3A_188 : i32 to index
        %get3A_443 = arith.constant 288 : index
        %get3A_444 = tpu.vector_load %arg5[%get3A_442, %get3A_443] {strides = array<i32>} : memref<300x304xf32, #tpu.memory_space<vmem>>, vector<1x16xf32>,
        %get3A_445 = vector.shape_cast %get3A_444 : vector<1x16xf32> to vector<16xf32>
        %jit3A_446 = arith.constant 0x7F800000 : f32
        %broadcast_in_dim3A_447 = vector.broadcast %jit3A_446 : f32 to vector<16xf32>
        %select_n3A_448 = arith.select %eq3A_441, %get3A_445, %broadcast_in_dim3A_447 : vector<16xi1>, vector<16xf32>
        %add3A_449 = arith.constant 288 : i32
        %add3A_450 = vector.broadcast %add3A_449 : i32 to vector<16xi32>
        %add3A_451 = arith.addi %add3A_450, %iota3A : vector<16xi32>
        %lt3A_452 = arith.cmpf olt, %select_n3A_227, %select_n3A : vector<16xf32>
        %select_n3A_453 = arith.select %lt3A_452, %select_n3A_227, %select_n3A : vector<16xi1>, vector<16xf32>
        %select_n3A_454 = arith.select %lt3A_452, %add3A_230, %add3A_217 : vector<16xi1>, vector<16xi32>
        %lt3A_455 = arith.cmpf olt, %select_n3A_253, %select_n3A_240 : vector<16xf32>
        %select_n3A_456 = arith.select %lt3A_455, %select_n3A_253, %select_n3A_240 : vector<16xi1>, vector<16xf32>
        %select_n3A_457 = arith.select %lt3A_455, %add3A_256, %add3A_243 : vector<16xi1>, vector<16xi32>
        %lt3A_458 = arith.cmpf olt, %select_n3A_279, %select_n3A_266 : vector<16xf32>
        %select_n3A_459 = arith.select %lt3A_458, %select_n3A_279, %select_n3A_266 : vector<16xi1>, vector<16xf32>
        %select_n3A_460 = arith.select %lt3A_458, %add3A_282, %add3A_269 : vector<16xi1>, vector<16xi32>
        %lt3A_461 = arith.cmpf olt, %select_n3A_305, %select_n3A_292 : vector<16xf32>
        %select_n3A_462 = arith.select %lt3A_461, %select_n3A_305, %select_n3A_292 : vector<16xi1>, vector<16xf32>
        %select_n3A_463 = arith.select %lt3A_461, %add3A_308, %add3A_295 : vector<16xi1>, vector<16xi32>
        %lt3A_464 = arith.cmpf olt, %select_n3A_331, %select_n3A_318 : vector<16xf32>
        %select_n3A_465 = arith.select %lt3A_464, %select_n3A_331, %select_n3A_318 : vector<16xi1>, vector<16xf32>
        %select_n3A_466 = arith.select %lt3A_464, %add3A_334, %add3A_321 : vector<16xi1>, vector<16xi32>
        %lt3A_467 = arith.cmpf olt, %select_n3A_357, %select_n3A_344 : vector<16xf32>
        %select_n3A_468 = arith.select %lt3A_467, %select_n3A_357, %select_n3A_344 : vector<16xi1>, vector<16xf32>
        %select_n3A_469 = arith.select %lt3A_467, %add3A_360, %add3A_347 : vector<16xi1>, vector<16xi32>
        %lt3A_470 = arith.cmpf olt, %select_n3A_383, %select_n3A_370 : vector<16xf32>
        %select_n3A_471 = arith.select %lt3A_470, %select_n3A_383, %select_n3A_370 : vector<16xi1>, vector<16xf32>
        %select_n3A_472 = arith.select %lt3A_470, %add3A_386, %add3A_373 : vector<16xi1>, vector<16xi32>
        %lt3A_473 = arith.cmpf olt, %select_n3A_409, %select_n3A_396 : vector<16xf32>
        %select_n3A_474 = arith.select %lt3A_473, %select_n3A_409, %select_n3A_396 : vector<16xi1>, vector<16xf32>
        %select_n3A_475 = arith.select %lt3A_473, %add3A_412, %add3A_399 : vector<16xi1>, vector<16xi32>
        %lt3A_476 = arith.cmpf olt, %select_n3A_435, %select_n3A_422 : vector<16xf32>
        %select_n3A_477 = arith.select %lt3A_476, %select_n3A_435, %select_n3A_422 : vector<16xi1>, vector<16xf32>
        %select_n3A_478 = arith.select %lt3A_476, %add3A_438, %add3A_425 : vector<16xi1>, vector<16xi32>
        %lt3A_479 = arith.cmpf olt, %select_n3A_456, %select_n3A_453 : vector<16xf32>
        %select_n3A_480 = arith.select %lt3A_479, %select_n3A_456, %select_n3A_453 : vector<16xi1>, vector<16xf32>
        %select_n3A_481 = arith.select %lt3A_479, %select_n3A_457, %select_n3A_454 : vector<16xi1>, vector<16xi32>
        %lt3A_482 = arith.cmpf olt, %select_n3A_462, %select_n3A_459 : vector<16xf32>
        %select_n3A_483 = arith.select %lt3A_482, %select_n3A_462, %select_n3A_459 : vector<16xi1>, vector<16xf32>
        %select_n3A_484 = arith.select %lt3A_482, %select_n3A_463, %select_n3A_460 : vector<16xi1>, vector<16xi32>
        %lt3A_485 = arith.cmpf olt, %select_n3A_468, %select_n3A_465 : vector<16xf32>
        %select_n3A_486 = arith.select %lt3A_485, %select_n3A_468, %select_n3A_465 : vector<16xi1>, vector<16xf32>
        %select_n3A_487 = arith.select %lt3A_485, %select_n3A_469, %select_n3A_466 : vector<16xi1>, vector<16xi32>
        %lt3A_488 = arith.cmpf olt, %select_n3A_474, %select_n3A_471 : vector<16xf32>
        %select_n3A_489 = arith.select %lt3A_488, %select_n3A_474, %select_n3A_471 : vector<16xi1>, vector<16xf32>
        %select_n3A_490 = arith.select %lt3A_488, %select_n3A_475, %select_n3A_472 : vector<16xi1>, vector<16xi32>
        %lt3A_491 = arith.cmpf olt, %select_n3A_448, %select_n3A_477 : vector<16xf32>
        %select_n3A_492 = arith.select %lt3A_491, %select_n3A_448, %select_n3A_477 : vector<16xi1>, vector<16xf32>
        %select_n3A_493 = arith.select %lt3A_491, %add3A_451, %select_n3A_478 : vector<16xi1>, vector<16xi32>
        %lt3A_494 = arith.cmpf olt, %select_n3A_483, %select_n3A_480 : vector<16xf32>
        %select_n3A_495 = arith.select %lt3A_494, %select_n3A_483, %select_n3A_480 : vector<16xi1>, vector<16xf32>
        %select_n3A_496 = arith.select %lt3A_494, %select_n3A_484, %select_n3A_481 : vector<16xi1>, vector<16xi32>
        %lt3A_497 = arith.cmpf olt, %select_n3A_489, %select_n3A_486 : vector<16xf32>
        %select_n3A_498 = arith.select %lt3A_497, %select_n3A_489, %select_n3A_486 : vector<16xi1>, vector<16xf32>
        %select_n3A_499 = arith.select %lt3A_497, %select_n3A_490, %select_n3A_487 : vector<16xi1>, vector<16xi32>
        %lt3A_500 = arith.cmpf olt, %select_n3A_498, %select_n3A_495 : vector<16xf32>
        %select_n3A_501 = arith.select %lt3A_500, %select_n3A_498, %select_n3A_495 : vector<16xi1>, vector<16xf32>
        %select_n3A_502 = arith.select %lt3A_500, %select_n3A_499, %select_n3A_496 : vector<16xi1>, vector<16xi32>
        %lt3A_503 = arith.cmpf olt, %select_n3A_492, %select_n3A_501 : vector<16xf32>
        %select_n3A_504 = arith.select %lt3A_503, %select_n3A_492, %select_n3A_501 : vector<16xi1>, vector<16xf32>
        %select_n3A_505 = arith.select %lt3A_503, %select_n3A_493, %select_n3A_502 : vector<16xi1>, vector<16xi32>
        %xor3A = arith.constant 8 : i32
        %xor3A_506 = vector.broadcast %xor3A : i32 to vector<16xi32>
        %xor3A_507 = arith.xori %iota3A, %xor3A_506 : vector<16xi32>
        %lt3A_508 = arith.constant 0 : i32
        %lt3A_509 = vector.broadcast %lt3A_508 : i32 to vector<16xi32>
        %lt3A_510 = arith.cmpi slt, %xor3A_507, %lt3A_509 : vector<16xi32>
        %add3A_511 = arith.constant 16 : i32
        %add3A_512 = vector.broadcast %add3A_511 : i32 to vector<16xi32>
        %add3A_513 = arith.addi %xor3A_507, %add3A_512 : vector<16xi32>
        %select_n3A_514 = arith.select %lt3A_510, %add3A_513, %xor3A_507 : vector<16xi1>, vector<16xi32>
        %broadcast_in_dim3A_515 = vector.shape_cast %select_n3A_514 : vector<16xi32> to vector<16x1xi32>
        %gather3A = vector.shape_cast %broadcast_in_dim3A_515 : vector<16x1xi32> to vector<16xi32>
        %gather3A_516 = tpu.dynamic_gather %select_n3A_504[%gather3A] in [0] : vector<16xf32>, vector<16xi32> -> vector<16xf32>
        %min3A = arith.minimumf %select_n3A_504, %gather3A_516 : vector<16xf32>
        %xor3A_517 = arith.constant 4 : i32
        %xor3A_518 = vector.broadcast %xor3A_517 : i32 to vector<16xi32>
        %xor3A_519 = arith.xori %iota3A, %xor3A_518 : vector<16xi32>
        %lt3A_520 = arith.constant 0 : i32
        %lt3A_521 = vector.broadcast %lt3A_520 : i32 to vector<16xi32>
        %lt3A_522 = arith.cmpi slt, %xor3A_519, %lt3A_521 : vector<16xi32>
        %add3A_523 = arith.constant 16 : i32
        %add3A_524 = vector.broadcast %add3A_523 : i32 to vector<16xi32>
        %add3A_525 = arith.addi %xor3A_519, %add3A_524 : vector<16xi32>
        %select_n3A_526 = arith.select %lt3A_522, %add3A_525, %xor3A_519 : vector<16xi1>, vector<16xi32>
        %broadcast_in_dim3A_527 = vector.shape_cast %select_n3A_526 : vector<16xi32> to vector<16x1xi32>
        %gather3A_528 = vector.shape_cast %broadcast_in_dim3A_527 : vector<16x1xi32> to vector<16xi32>
        %gather3A_529 = tpu.dynamic_gather %min3A[%gather3A_528] in [0] : vector<16xf32>, vector<16xi32> -> vector<16xf32>
        %min3A_530 = arith.minimumf %min3A, %gather3A_529 : vector<16xf32>
        %xor3A_531 = arith.constant 2 : i32
        %xor3A_532 = vector.broadcast %xor3A_531 : i32 to vector<16xi32>
        %xor3A_533 = arith.xori %iota3A, %xor3A_532 : vector<16xi32>
        %lt3A_534 = arith.constant 0 : i32
        %lt3A_535 = vector.broadcast %lt3A_534 : i32 to vector<16xi32>
        %lt3A_536 = arith.cmpi slt, %xor3A_533, %lt3A_535 : vector<16xi32>
        %add3A_537 = arith.constant 16 : i32
        %add3A_538 = vector.broadcast %add3A_537 : i32 to vector<16xi32>
        %add3A_539 = arith.addi %xor3A_533, %add3A_538 : vector<16xi32>
        %select_n3A_540 = arith.select %lt3A_536, %add3A_539, %xor3A_533 : vector<16xi1>, vector<16xi32>
        %broadcast_in_dim3A_541 = vector.shape_cast %select_n3A_540 : vector<16xi32> to vector<16x1xi32>
        %gather3A_542 = vector.shape_cast %broadcast_in_dim3A_541 : vector<16x1xi32> to vector<16xi32>
        %gather3A_543 = tpu.dynamic_gather %min3A_530[%gather3A_542] in [0] : vector<16xf32>, vector<16xi32> -> vector<16xf32>
        %min3A_544 = arith.minimumf %min3A_530, %gather3A_543 : vector<16xf32>
        %xor3A_545 = arith.constant 1 : i32
        %xor3A_546 = vector.broadcast %xor3A_545 : i32 to vector<16xi32>
        %xor3A_547 = arith.xori %iota3A, %xor3A_546 : vector<16xi32>
        %lt3A_548 = arith.constant 0 : i32
        %lt3A_549 = vector.broadcast %lt3A_548 : i32 to vector<16xi32>
        %lt3A_550 = arith.cmpi slt, %xor3A_547, %lt3A_549 : vector<16xi32>
        %add3A_551 = arith.constant 16 : i32
        %add3A_552 = vector.broadcast %add3A_551 : i32 to vector<16xi32>
        %add3A_553 = arith.addi %xor3A_547, %add3A_552 : vector<16xi32>
        %select_n3A_554 = arith.select %lt3A_550, %add3A_553, %xor3A_547 : vector<16xi1>, vector<16xi32>
        %broadcast_in_dim3A_555 = vector.shape_cast %select_n3A_554 : vector<16xi32> to vector<16x1xi32>
        %gather3A_556 = vector.shape_cast %broadcast_in_dim3A_555 : vector<16x1xi32> to vector<16xi32>
        %gather3A_557 = tpu.dynamic_gather %min3A_544[%gather3A_556] in [0] : vector<16xf32>, vector<16xi32> -> vector<16xf32>
        %min3A_558 = arith.minimumf %min3A_544, %gather3A_557 : vector<16xf32>
        %eq3A_559 = arith.cmpf oeq, %select_n3A_504, %min3A_558 : vector<16xf32>
        %jit3A_560 = arith.constant 100000 : i32
        %broadcast_in_dim3A_561 = vector.broadcast %jit3A_560 : i32 to vector<16xi32>
        %select_n3A_562 = arith.select %eq3A_559, %select_n3A_505, %broadcast_in_dim3A_561 : vector<16xi1>, vector<16xi32>
        %convert_element_type3A_563 = arith.sitofp %select_n3A_562 : vector<16xi32> to vector<16xf32>
        %xor3A_564 = arith.constant 8 : i32
        %xor3A_565 = vector.broadcast %xor3A_564 : i32 to vector<16xi32>
        %xor3A_566 = arith.xori %iota3A, %xor3A_565 : vector<16xi32>
        %lt3A_567 = arith.constant 0 : i32
        %lt3A_568 = vector.broadcast %lt3A_567 : i32 to vector<16xi32>
        %lt3A_569 = arith.cmpi slt, %xor3A_566, %lt3A_568 : vector<16xi32>
        %add3A_570 = arith.constant 16 : i32
        %add3A_571 = vector.broadcast %add3A_570 : i32 to vector<16xi32>
        %add3A_572 = arith.addi %xor3A_566, %add3A_571 : vector<16xi32>
        %select_n3A_573 = arith.select %lt3A_569, %add3A_572, %xor3A_566 : vector<16xi1>, vector<16xi32>
        %broadcast_in_dim3A_574 = vector.shape_cast %select_n3A_573 : vector<16xi32> to vector<16x1xi32>
        %gather3A_575 = vector.shape_cast %broadcast_in_dim3A_574 : vector<16x1xi32> to vector<16xi32>
        %gather3A_576 = tpu.dynamic_gather %convert_element_type3A_563[%gather3A_575] in [0] : vector<16xf32>, vector<16xi32> -> vector<16xf32>
        %min3A_577 = arith.minimumf %convert_element_type3A_563, %gather3A_576 : vector<16xf32>
        %xor3A_578 = arith.constant 4 : i32
        %xor3A_579 = vector.broadcast %xor3A_578 : i32 to vector<16xi32>
        %xor3A_580 = arith.xori %iota3A, %xor3A_579 : vector<16xi32>
        %lt3A_581 = arith.constant 0 : i32
        %lt3A_582 = vector.broadcast %lt3A_581 : i32 to vector<16xi32>
        %lt3A_583 = arith.cmpi slt, %xor3A_580, %lt3A_582 : vector<16xi32>
        %add3A_584 = arith.constant 16 : i32
        %add3A_585 = vector.broadcast %add3A_584 : i32 to vector<16xi32>
        %add3A_586 = arith.addi %xor3A_580, %add3A_585 : vector<16xi32>
        %select_n3A_587 = arith.select %lt3A_583, %add3A_586, %xor3A_580 : vector<16xi1>, vector<16xi32>
        %broadcast_in_dim3A_588 = vector.shape_cast %select_n3A_587 : vector<16xi32> to vector<16x1xi32>
        %gather3A_589 = vector.shape_cast %broadcast_in_dim3A_588 : vector<16x1xi32> to vector<16xi32>
        %gather3A_590 = tpu.dynamic_gather %min3A_577[%gather3A_589] in [0] : vector<16xf32>, vector<16xi32> -> vector<16xf32>
        %min3A_591 = arith.minimumf %min3A_577, %gather3A_590 : vector<16xf32>
        %xor3A_592 = arith.constant 2 : i32
        %xor3A_593 = vector.broadcast %xor3A_592 : i32 to vector<16xi32>
        %xor3A_594 = arith.xori %iota3A, %xor3A_593 : vector<16xi32>
        %lt3A_595 = arith.constant 0 : i32
        %lt3A_596 = vector.broadcast %lt3A_595 : i32 to vector<16xi32>
        %lt3A_597 = arith.cmpi slt, %xor3A_594, %lt3A_596 : vector<16xi32>
        %add3A_598 = arith.constant 16 : i32
        %add3A_599 = vector.broadcast %add3A_598 : i32 to vector<16xi32>
        %add3A_600 = arith.addi %xor3A_594, %add3A_599 : vector<16xi32>
        %select_n3A_601 = arith.select %lt3A_597, %add3A_600, %xor3A_594 : vector<16xi1>, vector<16xi32>
        %broadcast_in_dim3A_602 = vector.shape_cast %select_n3A_601 : vector<16xi32> to vector<16x1xi32>
        %gather3A_603 = vector.shape_cast %broadcast_in_dim3A_602 : vector<16x1xi32> to vector<16xi32>
        %gather3A_604 = tpu.dynamic_gather %min3A_591[%gather3A_603] in [0] : vector<16xf32>, vector<16xi32> -> vector<16xf32>
        %min3A_605 = arith.minimumf %min3A_591, %gather3A_604 : vector<16xf32>
        %xor3A_606 = arith.constant 1 : i32
        %xor3A_607 = vector.broadcast %xor3A_606 : i32 to vector<16xi32>
        %xor3A_608 = arith.xori %iota3A, %xor3A_607 : vector<16xi32>
        %lt3A_609 = arith.constant 0 : i32
        %lt3A_610 = vector.broadcast %lt3A_609 : i32 to vector<16xi32>
        %lt3A_611 = arith.cmpi slt, %xor3A_608, %lt3A_610 : vector<16xi32>
        %add3A_612 = arith.constant 16 : i32
        %add3A_613 = vector.broadcast %add3A_612 : i32 to vector<16xi32>
        %add3A_614 = arith.addi %xor3A_608, %add3A_613 : vector<16xi32>
        %select_n3A_615 = arith.select %lt3A_611, %add3A_614, %xor3A_608 : vector<16xi1>, vector<16xi32>
        %broadcast_in_dim3A_616 = vector.shape_cast %select_n3A_615 : vector<16xi32> to vector<16x1xi32>
        %gather3A_617 = vector.shape_cast %broadcast_in_dim3A_616 : vector<16x1xi32> to vector<16xi32>
        %gather3A_618 = tpu.dynamic_gather %min3A_605[%gather3A_617] in [0] : vector<16xf32>, vector<16xi32> -> vector<16xf32>
        %min3A_619 = arith.minimumf %min3A_605, %gather3A_618 : vector<16xf32>
        %convert_element_type3A_620 = arith.fptosi %min3A_619 : vector<16xf32> to vector<16xi32>
        %add3A_621 = arith.constant 0 : i32
        %add3A_622 = vector.broadcast %add3A_621 : i32 to vector<16xi32>
        %add3A_623 = arith.addi %add3A_622, %iota3A : vector<16xi32>
        %eq3A_624 = arith.cmpi eq, %add3A_623, %convert_element_type3A_620 : vector<16xi32>
        %broadcast_in_dim3A_625 = vector.broadcast %scan3A_188 : i32 to vector<16xi32>
        %select_n3A_626 = arith.select %eq3A_624, %broadcast_in_dim3A_625, %scan3A_190 : vector<16xi1>, vector<16xi32>
        %add3A_627 = arith.constant 16 : i32
        %add3A_628 = vector.broadcast %add3A_627 : i32 to vector<16xi32>
        %add3A_629 = arith.addi %add3A_628, %iota3A : vector<16xi32>
        %eq3A_630 = arith.cmpi eq, %add3A_629, %convert_element_type3A_620 : vector<16xi32>
        %broadcast_in_dim3A_631 = vector.broadcast %scan3A_188 : i32 to vector<16xi32>
        %select_n3A_632 = arith.select %eq3A_630, %broadcast_in_dim3A_631, %scan3A_191 : vector<16xi1>, vector<16xi32>
        %add3A_633 = arith.constant 32 : i32
        %add3A_634 = vector.broadcast %add3A_633 : i32 to vector<16xi32>
        %add3A_635 = arith.addi %add3A_634, %iota3A : vector<16xi32>
        %eq3A_636 = arith.cmpi eq, %add3A_635, %convert_element_type3A_620 : vector<16xi32>
        %broadcast_in_dim3A_637 = vector.broadcast %scan3A_188 : i32 to vector<16xi32>
        %select_n3A_638 = arith.select %eq3A_636, %broadcast_in_dim3A_637, %scan3A_192 : vector<16xi1>, vector<16xi32>
        %add3A_639 = arith.constant 48 : i32
        %add3A_640 = vector.broadcast %add3A_639 : i32 to vector<16xi32>
        %add3A_641 = arith.addi %add3A_640, %iota3A : vector<16xi32>
        %eq3A_642 = arith.cmpi eq, %add3A_641, %convert_element_type3A_620 : vector<16xi32>
        %broadcast_in_dim3A_643 = vector.broadcast %scan3A_188 : i32 to vector<16xi32>
        %select_n3A_644 = arith.select %eq3A_642, %broadcast_in_dim3A_643, %scan3A_193 : vector<16xi1>, vector<16xi32>
        %add3A_645 = arith.constant 64 : i32
        %add3A_646 = vector.broadcast %add3A_645 : i32 to vector<16xi32>
        %add3A_647 = arith.addi %add3A_646, %iota3A : vector<16xi32>
        %eq3A_648 = arith.cmpi eq, %add3A_647, %convert_element_type3A_620 : vector<16xi32>
        %broadcast_in_dim3A_649 = vector.broadcast %scan3A_188 : i32 to vector<16xi32>
        %select_n3A_650 = arith.select %eq3A_648, %broadcast_in_dim3A_649, %scan3A_194 : vector<16xi1>, vector<16xi32>
        %add3A_651 = arith.constant 80 : i32
        %add3A_652 = vector.broadcast %add3A_651 : i32 to vector<16xi32>
        %add3A_653 = arith.addi %add3A_652, %iota3A : vector<16xi32>
        %eq3A_654 = arith.cmpi eq, %add3A_653, %convert_element_type3A_620 : vector<16xi32>
        %broadcast_in_dim3A_655 = vector.broadcast %scan3A_188 : i32 to vector<16xi32>
        %select_n3A_656 = arith.select %eq3A_654, %broadcast_in_dim3A_655, %scan3A_195 : vector<16xi1>, vector<16xi32>
        %add3A_657 = arith.constant 96 : i32
        %add3A_658 = vector.broadcast %add3A_657 : i32 to vector<16xi32>
        %add3A_659 = arith.addi %add3A_658, %iota3A : vector<16xi32>
        %eq3A_660 = arith.cmpi eq, %add3A_659, %convert_element_type3A_620 : vector<16xi32>
        %broadcast_in_dim3A_661 = vector.broadcast %scan3A_188 : i32 to vector<16xi32>
        %select_n3A_662 = arith.select %eq3A_660, %broadcast_in_dim3A_661, %scan3A_196 : vector<16xi1>, vector<16xi32>
        %add3A_663 = arith.constant 112 : i32
        %add3A_664 = vector.broadcast %add3A_663 : i32 to vector<16xi32>
        %add3A_665 = arith.addi %add3A_664, %iota3A : vector<16xi32>
        %eq3A_666 = arith.cmpi eq, %add3A_665, %convert_element_type3A_620 : vector<16xi32>
        %broadcast_in_dim3A_667 = vector.broadcast %scan3A_188 : i32 to vector<16xi32>
        %select_n3A_668 = arith.select %eq3A_666, %broadcast_in_dim3A_667, %scan3A_197 : vector<16xi1>, vector<16xi32>
        %add3A_669 = arith.constant 128 : i32
        %add3A_670 = vector.broadcast %add3A_669 : i32 to vector<16xi32>
        %add3A_671 = arith.addi %add3A_670, %iota3A : vector<16xi32>
        %eq3A_672 = arith.cmpi eq, %add3A_671, %convert_element_type3A_620 : vector<16xi32>
        %broadcast_in_dim3A_673 = vector.broadcast %scan3A_188 : i32 to vector<16xi32>
        %select_n3A_674 = arith.select %eq3A_672, %broadcast_in_dim3A_673, %scan3A_198 : vector<16xi1>, vector<16xi32>
        %add3A_675 = arith.constant 144 : i32
        %add3A_676 = vector.broadcast %add3A_675 : i32 to vector<16xi32>
        %add3A_677 = arith.addi %add3A_676, %iota3A : vector<16xi32>
        %eq3A_678 = arith.cmpi eq, %add3A_677, %convert_element_type3A_620 : vector<16xi32>
        %broadcast_in_dim3A_679 = vector.broadcast %scan3A_188 : i32 to vector<16xi32>
        %select_n3A_680 = arith.select %eq3A_678, %broadcast_in_dim3A_679, %scan3A_199 : vector<16xi1>, vector<16xi32>
        %add3A_681 = arith.constant 160 : i32
        %add3A_682 = vector.broadcast %add3A_681 : i32 to vector<16xi32>
        %add3A_683 = arith.addi %add3A_682, %iota3A : vector<16xi32>
        %eq3A_684 = arith.cmpi eq, %add3A_683, %convert_element_type3A_620 : vector<16xi32>
        %broadcast_in_dim3A_685 = vector.broadcast %scan3A_188 : i32 to vector<16xi32>
        %select_n3A_686 = arith.select %eq3A_684, %broadcast_in_dim3A_685, %scan3A_200 : vector<16xi1>, vector<16xi32>
        %add3A_687 = arith.constant 176 : i32
        %add3A_688 = vector.broadcast %add3A_687 : i32 to vector<16xi32>
        %add3A_689 = arith.addi %add3A_688, %iota3A : vector<16xi32>
        %eq3A_690 = arith.cmpi eq, %add3A_689, %convert_element_type3A_620 : vector<16xi32>
        %broadcast_in_dim3A_691 = vector.broadcast %scan3A_188 : i32 to vector<16xi32>
        %select_n3A_692 = arith.select %eq3A_690, %broadcast_in_dim3A_691, %scan3A_201 : vector<16xi1>, vector<16xi32>
        %add3A_693 = arith.constant 192 : i32
        %add3A_694 = vector.broadcast %add3A_693 : i32 to vector<16xi32>
        %add3A_695 = arith.addi %add3A_694, %iota3A : vector<16xi32>
        %eq3A_696 = arith.cmpi eq, %add3A_695, %convert_element_type3A_620 : vector<16xi32>
        %broadcast_in_dim3A_697 = vector.broadcast %scan3A_188 : i32 to vector<16xi32>
        %select_n3A_698 = arith.select %eq3A_696, %broadcast_in_dim3A_697, %scan3A_202 : vector<16xi1>, vector<16xi32>
        %add3A_699 = arith.constant 208 : i32
        %add3A_700 = vector.broadcast %add3A_699 : i32 to vector<16xi32>
        %add3A_701 = arith.addi %add3A_700, %iota3A : vector<16xi32>
        %eq3A_702 = arith.cmpi eq, %add3A_701, %convert_element_type3A_620 : vector<16xi32>
        %broadcast_in_dim3A_703 = vector.broadcast %scan3A_188 : i32 to vector<16xi32>
        %select_n3A_704 = arith.select %eq3A_702, %broadcast_in_dim3A_703, %scan3A_203 : vector<16xi1>, vector<16xi32>
        %add3A_705 = arith.constant 224 : i32
        %add3A_706 = vector.broadcast %add3A_705 : i32 to vector<16xi32>
        %add3A_707 = arith.addi %add3A_706, %iota3A : vector<16xi32>
        %eq3A_708 = arith.cmpi eq, %add3A_707, %convert_element_type3A_620 : vector<16xi32>
        %broadcast_in_dim3A_709 = vector.broadcast %scan3A_188 : i32 to vector<16xi32>
        %select_n3A_710 = arith.select %eq3A_708, %broadcast_in_dim3A_709, %scan3A_204 : vector<16xi1>, vector<16xi32>
        %add3A_711 = arith.constant 240 : i32
        %add3A_712 = vector.broadcast %add3A_711 : i32 to vector<16xi32>
        %add3A_713 = arith.addi %add3A_712, %iota3A : vector<16xi32>
        %eq3A_714 = arith.cmpi eq, %add3A_713, %convert_element_type3A_620 : vector<16xi32>
        %broadcast_in_dim3A_715 = vector.broadcast %scan3A_188 : i32 to vector<16xi32>
        %select_n3A_716 = arith.select %eq3A_714, %broadcast_in_dim3A_715, %scan3A_205 : vector<16xi1>, vector<16xi32>
        %add3A_717 = arith.constant 256 : i32
        %add3A_718 = vector.broadcast %add3A_717 : i32 to vector<16xi32>
        %add3A_719 = arith.addi %add3A_718, %iota3A : vector<16xi32>
        %eq3A_720 = arith.cmpi eq, %add3A_719, %convert_element_type3A_620 : vector<16xi32>
        %broadcast_in_dim3A_721 = vector.broadcast %scan3A_188 : i32 to vector<16xi32>
        %select_n3A_722 = arith.select %eq3A_720, %broadcast_in_dim3A_721, %scan3A_206 : vector<16xi1>, vector<16xi32>
        %add3A_723 = arith.constant 272 : i32
        %add3A_724 = vector.broadcast %add3A_723 : i32 to vector<16xi32>
        %add3A_725 = arith.addi %add3A_724, %iota3A : vector<16xi32>
        %eq3A_726 = arith.cmpi eq, %add3A_725, %convert_element_type3A_620 : vector<16xi32>
        %broadcast_in_dim3A_727 = vector.broadcast %scan3A_188 : i32 to vector<16xi32>
        %select_n3A_728 = arith.select %eq3A_726, %broadcast_in_dim3A_727, %scan3A_207 : vector<16xi1>, vector<16xi32>
        %add3A_729 = arith.constant 288 : i32
        %add3A_730 = vector.broadcast %add3A_729 : i32 to vector<16xi32>
        %add3A_731 = arith.addi %add3A_730, %iota3A : vector<16xi32>
        %eq3A_732 = arith.cmpi eq, %add3A_731, %convert_element_type3A_620 : vector<16xi32>
        %broadcast_in_dim3A_733 = vector.broadcast %scan3A_188 : i32 to vector<16xi32>
        %select_n3A_734 = arith.select %eq3A_732, %broadcast_in_dim3A_733, %scan3A_208 : vector<16xi1>, vector<16xi32>
        %add3A_735 = arith.addf %scan3A_189, %min3A_558 : vector<16xf32>
        scf.yield %add3A_735, %select_n3A_626, %select_n3A_632, %select_n3A_638, %select_n3A_644, %select_n3A_650, %select_n3A_656, %select_n3A_662, %select_n3A_668, %select_n3A_674, %select_n3A_680, %select_n3A_686, %select_n3A_692, %select_n3A_698, %select_n3A_704, %select_n3A_710, %select_n3A_716, %select_n3A_722, %select_n3A_728, %select_n3A_734 : vector<16xf32>, vector<16xi32>, vector<16xi32>, vector<16xi32>, vector<16xi32>, vector<16xi32>, vector<16xi32>, vector<16xi32>, vector<16xi32>, vector<16xi32>, vector<16xi32>, vector<16xi32>, vector<16xi32>, vector<16xi32>, vector<16xi32>, vector<16xi32>, vector<16xi32>, vector<16xi32>, vector<16xi32>, vector<16xi32>
      }
      %scan3A_70 = arith.constant 236 : i32
      %swap3A = arith.constant 0 : i32
      %swap3A_71 = arith.index_cast %swap3A : i32 to index
      %swap3A_72 = arith.constant 0 : index
      %swap3A_73 = tpu.vector_load %arg6[%swap3A_71, %swap3A_72] {strides = array<i32>} : memref<1x304xi32, #tpu.memory_space<vmem>>, vector<1x16xi32>,
      %swap3A_74 = vector.shape_cast %swap3A_73 : vector<1x16xi32> to vector<16xi32>
      %swap3A_75 = vector.shape_cast %scan3A_69#1 : vector<16xi32> to vector<1x16xi32>
      tpu.vector_store %arg6[%swap3A_71, %swap3A_72], %swap3A_75 {strides = array<i32>} : memref<1x304xi32, #tpu.memory_space<vmem>>, vector<1x16xi32>,
      %swap3A_76 = arith.constant 0 : i32
      %swap3A_77 = arith.index_cast %swap3A_76 : i32 to index
      %swap3A_78 = arith.constant 16 : index
      %swap3A_79 = tpu.vector_load %arg6[%swap3A_77, %swap3A_78] {strides = array<i32>} : memref<1x304xi32, #tpu.memory_space<vmem>>, vector<1x16xi32>,
      %swap3A_80 = vector.shape_cast %swap3A_79 : vector<1x16xi32> to vector<16xi32>
      %swap3A_81 = vector.shape_cast %scan3A_69#2 : vector<16xi32> to vector<1x16xi32>
      tpu.vector_store %arg6[%swap3A_77, %swap3A_78], %swap3A_81 {strides = array<i32>} : memref<1x304xi32, #tpu.memory_space<vmem>>, vector<1x16xi32>,
      %swap3A_82 = arith.constant 0 : i32
      %swap3A_83 = arith.index_cast %swap3A_82 : i32 to index
      %swap3A_84 = arith.constant 32 : index
      %swap3A_85 = tpu.vector_load %arg6[%swap3A_83, %swap3A_84] {strides = array<i32>} : memref<1x304xi32, #tpu.memory_space<vmem>>, vector<1x16xi32>,
      %swap3A_86 = vector.shape_cast %swap3A_85 : vector<1x16xi32> to vector<16xi32>
      %swap3A_87 = vector.shape_cast %scan3A_69#3 : vector<16xi32> to vector<1x16xi32>
      tpu.vector_store %arg6[%swap3A_83, %swap3A_84], %swap3A_87 {strides = array<i32>} : memref<1x304xi32, #tpu.memory_space<vmem>>, vector<1x16xi32>,
      %swap3A_88 = arith.constant 0 : i32
      %swap3A_89 = arith.index_cast %swap3A_88 : i32 to index
      %swap3A_90 = arith.constant 48 : index
      %swap3A_91 = tpu.vector_load %arg6[%swap3A_89, %swap3A_90] {strides = array<i32>} : memref<1x304xi32, #tpu.memory_space<vmem>>, vector<1x16xi32>,
      %swap3A_92 = vector.shape_cast %swap3A_91 : vector<1x16xi32> to vector<16xi32>
      %swap3A_93 = vector.shape_cast %scan3A_69#4 : vector<16xi32> to vector<1x16xi32>
      tpu.vector_store %arg6[%swap3A_89, %swap3A_90], %swap3A_93 {strides = array<i32>} : memref<1x304xi32, #tpu.memory_space<vmem>>, vector<1x16xi32>,
      %swap3A_94 = arith.constant 0 : i32
      %swap3A_95 = arith.index_cast %swap3A_94 : i32 to index
      %swap3A_96 = arith.constant 64 : index
      %swap3A_97 = tpu.vector_load %arg6[%swap3A_95, %swap3A_96] {strides = array<i32>} : memref<1x304xi32, #tpu.memory_space<vmem>>, vector<1x16xi32>,
      %swap3A_98 = vector.shape_cast %swap3A_97 : vector<1x16xi32> to vector<16xi32>
      %swap3A_99 = vector.shape_cast %scan3A_69#5 : vector<16xi32> to vector<1x16xi32>
      tpu.vector_store %arg6[%swap3A_95, %swap3A_96], %swap3A_99 {strides = array<i32>} : memref<1x304xi32, #tpu.memory_space<vmem>>, vector<1x16xi32>,
      %swap3A_100 = arith.constant 0 : i32
      %swap3A_101 = arith.index_cast %swap3A_100 : i32 to index
      %swap3A_102 = arith.constant 80 : index
      %swap3A_103 = tpu.vector_load %arg6[%swap3A_101, %swap3A_102] {strides = array<i32>} : memref<1x304xi32, #tpu.memory_space<vmem>>, vector<1x16xi32>,
      %swap3A_104 = vector.shape_cast %swap3A_103 : vector<1x16xi32> to vector<16xi32>
      %swap3A_105 = vector.shape_cast %scan3A_69#6 : vector<16xi32> to vector<1x16xi32>
      tpu.vector_store %arg6[%swap3A_101, %swap3A_102], %swap3A_105 {strides = array<i32>} : memref<1x304xi32, #tpu.memory_space<vmem>>, vector<1x16xi32>,
      %swap3A_106 = arith.constant 0 : i32
      %swap3A_107 = arith.index_cast %swap3A_106 : i32 to index
      %swap3A_108 = arith.constant 96 : index
      %swap3A_109 = tpu.vector_load %arg6[%swap3A_107, %swap3A_108] {strides = array<i32>} : memref<1x304xi32, #tpu.memory_space<vmem>>, vector<1x16xi32>,
      %swap3A_110 = vector.shape_cast %swap3A_109 : vector<1x16xi32> to vector<16xi32>
      %swap3A_111 = vector.shape_cast %scan3A_69#7 : vector<16xi32> to vector<1x16xi32>
      tpu.vector_store %arg6[%swap3A_107, %swap3A_108], %swap3A_111 {strides = array<i32>} : memref<1x304xi32, #tpu.memory_space<vmem>>, vector<1x16xi32>,
      %swap3A_112 = arith.constant 0 : i32
      %swap3A_113 = arith.index_cast %swap3A_112 : i32 to index
      %swap3A_114 = arith.constant 112 : index
      %swap3A_115 = tpu.vector_load %arg6[%swap3A_113, %swap3A_114] {strides = array<i32>} : memref<1x304xi32, #tpu.memory_space<vmem>>, vector<1x16xi32>,
      %swap3A_116 = vector.shape_cast %swap3A_115 : vector<1x16xi32> to vector<16xi32>
      %swap3A_117 = vector.shape_cast %scan3A_69#8 : vector<16xi32> to vector<1x16xi32>
      tpu.vector_store %arg6[%swap3A_113, %swap3A_114], %swap3A_117 {strides = array<i32>} : memref<1x304xi32, #tpu.memory_space<vmem>>, vector<1x16xi32>,
      %swap3A_118 = arith.constant 0 : i32
      %swap3A_119 = arith.index_cast %swap3A_118 : i32 to index
      %swap3A_120 = arith.constant 128 : index
      %swap3A_121 = tpu.vector_load %arg6[%swap3A_119, %swap3A_120] {strides = array<i32>} : memref<1x304xi32, #tpu.memory_space<vmem>>, vector<1x16xi32>,
      %swap3A_122 = vector.shape_cast %swap3A_121 : vector<1x16xi32> to vector<16xi32>
      %swap3A_123 = vector.shape_cast %scan3A_69#9 : vector<16xi32> to vector<1x16xi32>
      tpu.vector_store %arg6[%swap3A_119, %swap3A_120], %swap3A_123 {strides = array<i32>} : memref<1x304xi32, #tpu.memory_space<vmem>>, vector<1x16xi32>,
      %swap3A_124 = arith.constant 0 : i32
      %swap3A_125 = arith.index_cast %swap3A_124 : i32 to index
      %swap3A_126 = arith.constant 144 : index
      %swap3A_127 = tpu.vector_load %arg6[%swap3A_125, %swap3A_126] {strides = array<i32>} : memref<1x304xi32, #tpu.memory_space<vmem>>, vector<1x16xi32>,
      %swap3A_128 = vector.shape_cast %swap3A_127 : vector<1x16xi32> to vector<16xi32>
      %swap3A_129 = vector.shape_cast %scan3A_69#10 : vector<16xi32> to vector<1x16xi32>
      tpu.vector_store %arg6[%swap3A_125, %swap3A_126], %swap3A_129 {strides = array<i32>} : memref<1x304xi32, #tpu.memory_space<vmem>>, vector<1x16xi32>,
      %swap3A_130 = arith.constant 0 : i32
      %swap3A_131 = arith.index_cast %swap3A_130 : i32 to index
      %swap3A_132 = arith.constant 160 : index
      %swap3A_133 = tpu.vector_load %arg6[%swap3A_131, %swap3A_132] {strides = array<i32>} : memref<1x304xi32, #tpu.memory_space<vmem>>, vector<1x16xi32>,
      %swap3A_134 = vector.shape_cast %swap3A_133 : vector<1x16xi32> to vector<16xi32>
      %swap3A_135 = vector.shape_cast %scan3A_69#11 : vector<16xi32> to vector<1x16xi32>
      tpu.vector_store %arg6[%swap3A_131, %swap3A_132], %swap3A_135 {strides = array<i32>} : memref<1x304xi32, #tpu.memory_space<vmem>>, vector<1x16xi32>,
      %swap3A_136 = arith.constant 0 : i32
      %swap3A_137 = arith.index_cast %swap3A_136 : i32 to index
      %swap3A_138 = arith.constant 176 : index
      %swap3A_139 = tpu.vector_load %arg6[%swap3A_137, %swap3A_138] {strides = array<i32>} : memref<1x304xi32, #tpu.memory_space<vmem>>, vector<1x16xi32>,
      %swap3A_140 = vector.shape_cast %swap3A_139 : vector<1x16xi32> to vector<16xi32>
      %swap3A_141 = vector.shape_cast %scan3A_69#12 : vector<16xi32> to vector<1x16xi32>
      tpu.vector_store %arg6[%swap3A_137, %swap3A_138], %swap3A_141 {strides = array<i32>} : memref<1x304xi32, #tpu.memory_space<vmem>>, vector<1x16xi32>,
      %swap3A_142 = arith.constant 0 : i32
      %swap3A_143 = arith.index_cast %swap3A_142 : i32 to index
      %swap3A_144 = arith.constant 192 : index
      %swap3A_145 = tpu.vector_load %arg6[%swap3A_143, %swap3A_144] {strides = array<i32>} : memref<1x304xi32, #tpu.memory_space<vmem>>, vector<1x16xi32>,
      %swap3A_146 = vector.shape_cast %swap3A_145 : vector<1x16xi32> to vector<16xi32>
      %swap3A_147 = vector.shape_cast %scan3A_69#13 : vector<16xi32> to vector<1x16xi32>
      tpu.vector_store %arg6[%swap3A_143, %swap3A_144], %swap3A_147 {strides = array<i32>} : memref<1x304xi32, #tpu.memory_space<vmem>>, vector<1x16xi32>,
      %swap3A_148 = arith.constant 0 : i32
      %swap3A_149 = arith.index_cast %swap3A_148 : i32 to index
      %swap3A_150 = arith.constant 208 : index
      %swap3A_151 = tpu.vector_load %arg6[%swap3A_149, %swap3A_150] {strides = array<i32>} : memref<1x304xi32, #tpu.memory_space<vmem>>, vector<1x16xi32>,
      %swap3A_152 = vector.shape_cast %swap3A_151 : vector<1x16xi32> to vector<16xi32>
      %swap3A_153 = vector.shape_cast %scan3A_69#14 : vector<16xi32> to vector<1x16xi32>
      tpu.vector_store %arg6[%swap3A_149, %swap3A_150], %swap3A_153 {strides = array<i32>} : memref<1x304xi32, #tpu.memory_space<vmem>>, vector<1x16xi32>,
      %swap3A_154 = arith.constant 0 : i32
      %swap3A_155 = arith.index_cast %swap3A_154 : i32 to index
      %swap3A_156 = arith.constant 224 : index
      %swap3A_157 = tpu.vector_load %arg6[%swap3A_155, %swap3A_156] {strides = array<i32>} : memref<1x304xi32, #tpu.memory_space<vmem>>, vector<1x16xi32>,
      %swap3A_158 = vector.shape_cast %swap3A_157 : vector<1x16xi32> to vector<16xi32>
      %swap3A_159 = vector.shape_cast %scan3A_69#15 : vector<16xi32> to vector<1x16xi32>
      tpu.vector_store %arg6[%swap3A_155, %swap3A_156], %swap3A_159 {strides = array<i32>} : memref<1x304xi32, #tpu.memory_space<vmem>>, vector<1x16xi32>,
      %swap3A_160 = arith.constant 0 : i32
      %swap3A_161 = arith.index_cast %swap3A_160 : i32 to index
      %swap3A_162 = arith.constant 240 : index
      %swap3A_163 = tpu.vector_load %arg6[%swap3A_161, %swap3A_162] {strides = array<i32>} : memref<1x304xi32, #tpu.memory_space<vmem>>, vector<1x16xi32>,
      %swap3A_164 = vector.shape_cast %swap3A_163 : vector<1x16xi32> to vector<16xi32>
      %swap3A_165 = vector.shape_cast %scan3A_69#16 : vector<16xi32> to vector<1x16xi32>
      tpu.vector_store %arg6[%swap3A_161, %swap3A_162], %swap3A_165 {strides = array<i32>} : memref<1x304xi32, #tpu.memory_space<vmem>>, vector<1x16xi32>,
      %swap3A_166 = arith.constant 0 : i32
      %swap3A_167 = arith.index_cast %swap3A_166 : i32 to index
      %swap3A_168 = arith.constant 256 : index
      %swap3A_169 = tpu.vector_load %arg6[%swap3A_167, %swap3A_168] {strides = array<i32>} : memref<1x304xi32, #tpu.memory_space<vmem>>, vector<1x16xi32>,
      %swap3A_170 = vector.shape_cast %swap3A_169 : vector<1x16xi32> to vector<16xi32>
      %swap3A_171 = vector.shape_cast %scan3A_69#17 : vector<16xi32> to vector<1x16xi32>
      tpu.vector_store %arg6[%swap3A_167, %swap3A_168], %swap3A_171 {strides = array<i32>} : memref<1x304xi32, #tpu.memory_space<vmem>>, vector<1x16xi32>,
      %swap3A_172 = arith.constant 0 : i32
      %swap3A_173 = arith.index_cast %swap3A_172 : i32 to index
      %swap3A_174 = arith.constant 272 : index
      %swap3A_175 = tpu.vector_load %arg6[%swap3A_173, %swap3A_174] {strides = array<i32>} : memref<1x304xi32, #tpu.memory_space<vmem>>, vector<1x16xi32>,
      %swap3A_176 = vector.shape_cast %swap3A_175 : vector<1x16xi32> to vector<16xi32>
      %swap3A_177 = vector.shape_cast %scan3A_69#18 : vector<16xi32> to vector<1x16xi32>
      tpu.vector_store %arg6[%swap3A_173, %swap3A_174], %swap3A_177 {strides = array<i32>} : memref<1x304xi32, #tpu.memory_space<vmem>>, vector<1x16xi32>,
      %swap3A_178 = arith.constant 0 : i32
      %swap3A_179 = arith.index_cast %swap3A_178 : i32 to index
      %swap3A_180 = arith.constant 288 : index
      %swap3A_181 = tpu.vector_load %arg6[%swap3A_179, %swap3A_180] {strides = array<i32>} : memref<1x304xi32, #tpu.memory_space<vmem>>, vector<1x16xi32>,
      %swap3A_182 = vector.shape_cast %swap3A_181 : vector<1x16xi32> to vector<16xi32>
      %swap3A_183 = vector.shape_cast %scan3A_69#19 : vector<16xi32> to vector<1x16xi32>
      tpu.vector_store %arg6[%swap3A_179, %swap3A_180], %swap3A_183 {strides = array<i32>} : memref<1x304xi32, #tpu.memory_space<vmem>>, vector<1x16xi32>,
      %swap3A_184 = arith.constant 0 : index
      %swap3A_185 = tpu.vector_load %arg7[%swap3A_184] {strides = array<i32>} : memref<16xf32, #tpu.memory_space<vmem>>, vector<16xf32>,
      %swap3A_186 = vector.shape_cast %swap3A_185 : vector<16xf32> to vector<16xf32>
      %swap3A_187 = vector.shape_cast %scan3A_69#0 : vector<16xf32> to vector<16xf32>
      tpu.vector_store %arg7[%swap3A_184], %swap3A_187 {strides = array<i32>} : memref<16xf32, #tpu.memory_space<vmem>>, vector<16xf32>,
      "tpu.region"() ({
        %run_scoped3A = tpu.sem_alloc : memref<!tpu.dma_semaphore, #tpu.memory_space<semaphore_mem>>
        %dma_start3A_188 = arith.constant 0 : i32
        %dma_start3A_189 = arith.constant 0 : i32
        %dma_start3A_190 = tpu.memref_slice %arg3[%add3A, %dma_start3A_188, %dma_start3A_189] : memref<16x1x304xi32, #tpu.memory_space<hbm>> -> memref<1x1x304xi32, #tpu.memory_space<hbm>>
        %dma_start3A_191 = tpu.memref_squeeze %dma_start3A_190 : memref<1x1x304xi32, #tpu.memory_space<hbm>> -> memref<1x304xi32, #tpu.memory_space<hbm>>
        %dma_start3A_192 = arith.constant 0 : i32
        %dma_start3A_193 = arith.constant 0 : i32
        %dma_start3A_194 = tpu.memref_slice %arg3[%add3A, %dma_start3A_192, %dma_start3A_193] : memref<16x1x304xi32, #tpu.memory_space<hbm>> -> memref<1x1x304xi32, #tpu.memory_space<hbm>>
        %dma_start3A_195 = tpu.memref_squeeze %dma_start3A_194 : memref<1x1x304xi32, #tpu.memory_space<hbm>> -> memref<1x304xi32, #tpu.memory_space<hbm>>
        tpu.enqueue_dma source(%arg6 : memref<1x304xi32, #tpu.memory_space<vmem>>) target(%dma_start3A_195 : memref<1x304xi32, #tpu.memory_space<hbm>>) target_semaphore(%run_scoped3A : memref<!tpu.dma_semaphore, #tpu.memory_space<semaphore_mem>>)
        %dma_wait3A_196 = arith.constant 0 : i32
        %dma_wait3A_197 = arith.constant 0 : i32
        %dma_wait3A_198 = tpu.memref_slice %arg3[%add3A, %dma_wait3A_196, %dma_wait3A_197] : memref<16x1x304xi32, #tpu.memory_space<hbm>> -> memref<1x1x304xi32, #tpu.memory_space<hbm>>
        %dma_wait3A_199 = tpu.memref_squeeze %dma_wait3A_198 : memref<1x1x304xi32, #tpu.memory_space<hbm>> -> memref<1x304xi32, #tpu.memory_space<hbm>>
        %dma_wait3A_200 = arith.constant 0 : i32
        %dma_wait3A_201 = arith.constant 0 : i32
        %dma_wait3A_202 = tpu.memref_slice %arg3[%add3A, %dma_wait3A_200, %dma_wait3A_201] : memref<16x1x304xi32, #tpu.memory_space<hbm>> -> memref<1x1x304xi32, #tpu.memory_space<hbm>>
        %dma_wait3A_203 = tpu.memref_squeeze %dma_wait3A_202 : memref<1x1x304xi32, #tpu.memory_space<hbm>> -> memref<1x304xi32, #tpu.memory_space<hbm>>
        tpu.wait_dma2 semaphore(%run_scoped3A : memref<!tpu.dma_semaphore, #tpu.memory_space<semaphore_mem>>) src(%arg6 : memref<1x304xi32, #tpu.memory_space<vmem>>) dst(%dma_wait3A_203 : memref<1x304xi32, #tpu.memory_space<hbm>>)
        tpu.yield
      }) : () -> ()
      "tpu.region"() ({
        %run_scoped3A = tpu.sem_alloc : memref<!tpu.dma_semaphore, #tpu.memory_space<semaphore_mem>>
        %dma_start3A_188 = arith.constant 0 : i32
        %dma_start3A_189 = tpu.memref_slice %arg4[%add3A, %dma_start3A_188] : memref<16x16xf32, #tpu.memory_space<hbm>> -> memref<1x16xf32, #tpu.memory_space<hbm>>
        %dma_start3A_190 = tpu.memref_squeeze %dma_start3A_189 : memref<1x16xf32, #tpu.memory_space<hbm>> -> memref<16xf32, #tpu.memory_space<hbm>>
        %dma_start3A_191 = arith.constant 0 : i32
        %dma_start3A_192 = tpu.memref_slice %arg4[%add3A, %dma_start3A_191] : memref<16x16xf32, #tpu.memory_space<hbm>> -> memref<1x16xf32, #tpu.memory_space<hbm>>
        %dma_start3A_193 = tpu.memref_squeeze %dma_start3A_192 : memref<1x16xf32, #tpu.memory_space<hbm>> -> memref<16xf32, #tpu.memory_space<hbm>>
        tpu.enqueue_dma source(%arg7 : memref<16xf32, #tpu.memory_space<vmem>>) target(%dma_start3A_193 : memref<16xf32, #tpu.memory_space<hbm>>) target_semaphore(%run_scoped3A : memref<!tpu.dma_semaphore, #tpu.memory_space<semaphore_mem>>)
        %dma_wait3A_194 = arith.constant 0 : i32
        %dma_wait3A_195 = tpu.memref_slice %arg4[%add3A, %dma_wait3A_194] : memref<16x16xf32, #tpu.memory_space<hbm>> -> memref<1x16xf32, #tpu.memory_space<hbm>>
        %dma_wait3A_196 = tpu.memref_squeeze %dma_wait3A_195 : memref<1x16xf32, #tpu.memory_space<hbm>> -> memref<16xf32, #tpu.memory_space<hbm>>
        %dma_wait3A_197 = arith.constant 0 : i32
        %dma_wait3A_198 = tpu.memref_slice %arg4[%add3A, %dma_wait3A_197] : memref<16x16xf32, #tpu.memory_space<hbm>> -> memref<1x16xf32, #tpu.memory_space<hbm>>
        %dma_wait3A_199 = tpu.memref_squeeze %dma_wait3A_198 : memref<1x16xf32, #tpu.memory_space<hbm>> -> memref<16xf32, #tpu.memory_space<hbm>>
        tpu.wait_dma2 semaphore(%run_scoped3A : memref<!tpu.dma_semaphore, #tpu.memory_space<semaphore_mem>>) src(%arg7 : memref<16xf32, #tpu.memory_space<vmem>>) dst(%dma_wait3A_199 : memref<16xf32, #tpu.memory_space<hbm>>)
        tpu.yield
      }) : () -> ()
    } else {
    }
    return
  }
}

module attributes {stable_mosaic.version = 14 : i64} {
  func.func @_cost_body(%arg0: memref<16x300x92xf32, #tpu.memory_space<vmem>>, %arg1: memref<16x1x304xi32, #tpu.memory_space<vmem>>, %arg2: memref<16x300x4xf32, #tpu.memory_space<vmem>>, %arg3: memref<16x300x4xf32, #tpu.memory_space<vmem>>, %arg4: memref<16x300x304xf32, #tpu.memory_space<vmem>>, %arg5: memref<16x1x304xf32, #tpu.memory_space<vmem>>, %arg6: memref<1x1xf32, #tpu.memory_space<smem>>) attributes {dimension_semantics = [], scalar_prefetch = 0 : i64, scratch_operands = 0 : i64, tpu.core_type = #tpu.core_type<tc>} {
    %iota3A = tpu.iota {dimensions = array<i32: 0>} : vector<92x304xi32>
    %iota3A_0 = tpu.iota {dimensions = array<i32: 1>} : vector<1x304xi32>
    %ge3A = arith.constant 300 : i32
    %ge3A_1 = vector.broadcast %ge3A : i32 to vector<1x304xi32>
    %ge3A_2 = arith.cmpi sge, %iota3A_0, %ge3A_1 : vector<1x304xi32>
    %get3A = arith.constant 0 : index
    %get3A_3 = arith.constant 0 : index
    %get3A_4 = arith.constant 0 : index
    %get3A_5 = vector.load %arg0[%get3A, %get3A_3, %get3A_4] : memref<16x300x92xf32, #tpu.memory_space<vmem>>, vector<1x300x92xf32>
    %get3A_6 = vector.shape_cast %get3A_5 : vector<1x300x92xf32> to vector<300x92xf32>
    %reduce_max3A = arith.constant dense<0xFF800000> : vector<300xf32>
    %reduce_max3A_7 = vector.multi_reduction <maximumf>, %get3A_6, %reduce_max3A [1] : vector<300x92xf32> to vector<300xf32>
    %broadcast_in_dim3A = vector.shape_cast %reduce_max3A_7 : vector<300xf32> to vector<300x1xf32>
    %sub3A = vector.broadcast %broadcast_in_dim3A : vector<300x1xf32> to vector<300x92xf32>
    %sub3A_8 = arith.subf %get3A_6, %sub3A : vector<300x92xf32>
    %exp3A = math.exp %sub3A_8 : vector<300x92xf32>
    %reduce_sum3A = arith.constant dense<0.000000e+00> : vector<300xf32>
    %reduce_sum3A_9 = vector.multi_reduction <add>, %exp3A, %reduce_sum3A [1] : vector<300x92xf32> to vector<300xf32>
    %broadcast_in_dim3A_10 = vector.shape_cast %reduce_sum3A_9 : vector<300xf32> to vector<300x1xf32>
    %div3A = vector.broadcast %broadcast_in_dim3A_10 : vector<300x1xf32> to vector<300x92xf32>
    %div3A_11 = arith.divf %exp3A, %div3A : vector<300x92xf32>
    %reduce_max3A_12 = arith.constant dense<0xFF800000> : vector<300xf32>
    %reduce_max3A_13 = vector.multi_reduction <maximumf>, %div3A_11, %reduce_max3A_12 [1] : vector<300x92xf32> to vector<300xf32>
    %broadcast_in_dim3A_14 = vector.shape_cast %reduce_max3A_13 : vector<300xf32> to vector<300x1xf32>
    %sub3A_15 = vector.broadcast %broadcast_in_dim3A_14 : vector<300x1xf32> to vector<300x92xf32>
    %sub3A_16 = arith.subf %div3A_11, %sub3A_15 : vector<300x92xf32>
    %exp3A_17 = math.exp %sub3A_16 : vector<300x92xf32>
    %reduce_sum3A_18 = arith.constant dense<0.000000e+00> : vector<300xf32>
    %reduce_sum3A_19 = vector.multi_reduction <add>, %exp3A_17, %reduce_sum3A_18 [1] : vector<300x92xf32> to vector<300xf32>
    %broadcast_in_dim3A_20 = vector.shape_cast %reduce_sum3A_19 : vector<300xf32> to vector<300x1xf32>
    %log3A = math.log %broadcast_in_dim3A_20 : vector<300x1xf32>
    %add3A = arith.addf %log3A, %broadcast_in_dim3A_14 : vector<300x1xf32>
    %reduce_sum3A_21 = vector.shape_cast %add3A : vector<300x1xf32> to vector<1x300x1xf32>
    %reduce_sum3A_22 = arith.constant dense<0.000000e+00> : vector<1xf32>
    %reduce_sum3A_23 = vector.multi_reduction <add>, %reduce_sum3A_21, %reduce_sum3A_22 [1, 2] : vector<1x300x1xf32> to vector<1xf32>
    %reduce_sum3A_24 = vector.shape_cast %reduce_sum3A_23 : vector<1xf32> to vector<1x1x1xf32>
    %reduce_sum3A_25 = vector.extract %reduce_sum3A_24[0, 0, 0] : f32 from vector<1x1x1xf32>
    %add3A_26 = arith.constant 0.000000e+00 : f32
    %add3A_27 = arith.addf %add3A_26, %reduce_sum3A_25 : f32
    %get3A_28 = arith.constant 0 : index
    %get3A_29 = arith.constant 0 : index
    %get3A_30 = arith.constant 0 : index
    %get3A_31 = vector.load %arg1[%get3A_28, %get3A_29, %get3A_30] : memref<16x1x304xi32, #tpu.memory_space<vmem>>, vector<1x1x304xi32>
    %get3A_32 = vector.shape_cast %get3A_31 : vector<1x1x304xi32> to vector<1x304xi32>
    %eq3A = vector.broadcast %get3A_32 : vector<1x304xi32> to vector<92x304xi32>
    %eq3A_33 = arith.cmpi eq, %iota3A, %eq3A : vector<92x304xi32>
    %convert_element_type3A = arith.extui %eq3A_33 : vector<92x304xi1> to vector<92x304xi32>
    %convert_element_type3A_34 = arith.sitofp %convert_element_type3A : vector<92x304xi32> to vector<92x304xf32>
    %dot_general3A = arith.constant dense<0.000000e+00> : vector<300x304xf32>
    %dot_general3A_35 = tpu.matmul %div3A_11, %convert_element_type3A_34, %dot_general3A {dimension_numbers = #tpu.dot_dimension_numbers<[1], [0], [0], [1], [0, 0, 1, 1], [], []>, transpose_lhs_hint = false} : vector<300x92xf32>, vector<92x304xf32>, vector<300x304xf32> -> vector<300x304xf32>
    %get3A_36 = arith.constant 0 : index
    %get3A_37 = arith.constant 0 : index
    %get3A_38 = arith.constant 0 : index
    %get3A_39 = vector.load %arg2[%get3A_36, %get3A_37, %get3A_38] : memref<16x300x4xf32, #tpu.memory_space<vmem>>, vector<1x300x4xf32>
    %get3A_40 = vector.shape_cast %get3A_39 : vector<1x300x4xf32> to vector<300x4xf32>
    %get3A_41 = arith.constant 0 : index
    %get3A_42 = arith.constant 0 : index
    %get3A_43 = arith.constant 0 : index
    %get3A_44 = vector.load %arg3[%get3A_41, %get3A_42, %get3A_43] : memref<16x300x4xf32, #tpu.memory_space<vmem>>, vector<1x300x4xf32>
    %get3A_45 = vector.shape_cast %get3A_44 : vector<1x300x4xf32> to vector<300x4xf32>
    %sub3A_46 = arith.subf %get3A_40, %get3A_45 : vector<300x4xf32>
    %abs3A = math.absf %sub3A_46 : vector<300x4xf32>
    %reduce_sum3A_47 = arith.constant dense<0.000000e+00> : vector<300xf32>
    %reduce_sum3A_48 = vector.multi_reduction <add>, %abs3A, %reduce_sum3A_47 [1] : vector<300x4xf32> to vector<300xf32>
    %broadcast_in_dim3A_49 = vector.shape_cast %reduce_sum3A_48 : vector<300xf32> to vector<300x1xf32>
    %transpose3A = tpu.transpose %broadcast_in_dim3A_49, [1, 0] : vector<300x1xf32> -> vector<1x300xf32>
    %broadcast_in_dim3A_50 = arith.constant 0.000000e+00 : f32
    %broadcast_in_dim3A_51 = vector.broadcast %broadcast_in_dim3A_50 : f32 to vector<1x4xf32>
    %concatenate3A = tpu.concatenate %transpose3A, %broadcast_in_dim3A_51 in 1 : vector<1x300xf32>, vector<1x4xf32> -> vector<1x304xf32>
    %swap3A = arith.constant 0 : index
    %swap3A_52 = arith.constant 0 : index
    %swap3A_53 = arith.constant 0 : index
    %swap3A_54 = vector.load %arg5[%swap3A, %swap3A_52, %swap3A_53] : memref<16x1x304xf32, #tpu.memory_space<vmem>>, vector<1x1x304xf32>
    %swap3A_55 = vector.shape_cast %swap3A_54 : vector<1x1x304xf32> to vector<1x304xf32>
    %swap3A_56 = vector.shape_cast %concatenate3A : vector<1x304xf32> to vector<1x1x304xf32>
    tpu.vector_store %arg5[%swap3A, %swap3A_52, %swap3A_53], %swap3A_56 {strides = array<i32>} : memref<16x1x304xf32, #tpu.memory_space<vmem>>, vector<1x1x304xf32>,
    %mul3A = arith.constant 5.000000e+00 : f32
    %mul3A_57 = vector.broadcast %mul3A : f32 to vector<1x304xf32>
    %mul3A_58 = arith.mulf %mul3A_57, %concatenate3A : vector<1x304xf32>
    %sub3A_59 = vector.broadcast %mul3A_58 : vector<1x304xf32> to vector<300x304xf32>
    %sub3A_60 = arith.subf %sub3A_59, %dot_general3A_35 : vector<300x304xf32>
    %jit3A = arith.constant 0x7F800000 : f32
    %broadcast_in_dim3A_61 = vector.shape_cast %ge3A_2 : vector<1x304xi1> to vector<1x304xi1>
    %broadcast_in_dim3A_62 = vector.broadcast %broadcast_in_dim3A_61 : vector<1x304xi1> to vector<300x304xi1>
    %broadcast_in_dim3A_63 = vector.broadcast %jit3A : f32 to vector<300x304xf32>
    %select_n3A = arith.select %broadcast_in_dim3A_62, %broadcast_in_dim3A_63, %sub3A_60 : vector<300x304xi1>, vector<300x304xf32>
    %swap3A_64 = arith.constant 0 : index
    %swap3A_65 = arith.constant 0 : index
    %swap3A_66 = arith.constant 0 : index
    %swap3A_67 = vector.load %arg4[%swap3A_64, %swap3A_65, %swap3A_66] : memref<16x300x304xf32, #tpu.memory_space<vmem>>, vector<1x300x304xf32>
    %swap3A_68 = vector.shape_cast %swap3A_67 : vector<1x300x304xf32> to vector<300x304xf32>
    %swap3A_69 = vector.shape_cast %select_n3A : vector<300x304xf32> to vector<1x300x304xf32>
    tpu.vector_store %arg4[%swap3A_64, %swap3A_65, %swap3A_66], %swap3A_69 {strides = array<i32>} : memref<16x300x304xf32, #tpu.memory_space<vmem>>, vector<1x300x304xf32>,
    %get3A_70 = arith.constant 1 : index
    %get3A_71 = arith.constant 0 : index
    %get3A_72 = arith.constant 0 : index
    %get3A_73 = vector.load %arg0[%get3A_70, %get3A_71, %get3A_72] : memref<16x300x92xf32, #tpu.memory_space<vmem>>, vector<1x300x92xf32>
    %get3A_74 = vector.shape_cast %get3A_73 : vector<1x300x92xf32> to vector<300x92xf32>
    %reduce_max3A_75 = arith.constant dense<0xFF800000> : vector<300xf32>
    %reduce_max3A_76 = vector.multi_reduction <maximumf>, %get3A_74, %reduce_max3A_75 [1] : vector<300x92xf32> to vector<300xf32>
    %broadcast_in_dim3A_77 = vector.shape_cast %reduce_max3A_76 : vector<300xf32> to vector<300x1xf32>
    %sub3A_78 = vector.broadcast %broadcast_in_dim3A_77 : vector<300x1xf32> to vector<300x92xf32>
    %sub3A_79 = arith.subf %get3A_74, %sub3A_78 : vector<300x92xf32>
    %exp3A_80 = math.exp %sub3A_79 : vector<300x92xf32>
    %reduce_sum3A_81 = arith.constant dense<0.000000e+00> : vector<300xf32>
    %reduce_sum3A_82 = vector.multi_reduction <add>, %exp3A_80, %reduce_sum3A_81 [1] : vector<300x92xf32> to vector<300xf32>
    %broadcast_in_dim3A_83 = vector.shape_cast %reduce_sum3A_82 : vector<300xf32> to vector<300x1xf32>
    %div3A_84 = vector.broadcast %broadcast_in_dim3A_83 : vector<300x1xf32> to vector<300x92xf32>
    %div3A_85 = arith.divf %exp3A_80, %div3A_84 : vector<300x92xf32>
    %reduce_max3A_86 = arith.constant dense<0xFF800000> : vector<300xf32>
    %reduce_max3A_87 = vector.multi_reduction <maximumf>, %div3A_85, %reduce_max3A_86 [1] : vector<300x92xf32> to vector<300xf32>
    %broadcast_in_dim3A_88 = vector.shape_cast %reduce_max3A_87 : vector<300xf32> to vector<300x1xf32>
    %sub3A_89 = vector.broadcast %broadcast_in_dim3A_88 : vector<300x1xf32> to vector<300x92xf32>
    %sub3A_90 = arith.subf %div3A_85, %sub3A_89 : vector<300x92xf32>
    %exp3A_91 = math.exp %sub3A_90 : vector<300x92xf32>
    %reduce_sum3A_92 = arith.constant dense<0.000000e+00> : vector<300xf32>
    %reduce_sum3A_93 = vector.multi_reduction <add>, %exp3A_91, %reduce_sum3A_92 [1] : vector<300x92xf32> to vector<300xf32>
    %broadcast_in_dim3A_94 = vector.shape_cast %reduce_sum3A_93 : vector<300xf32> to vector<300x1xf32>
    %log3A_95 = math.log %broadcast_in_dim3A_94 : vector<300x1xf32>
    %add3A_96 = arith.addf %log3A_95, %broadcast_in_dim3A_88 : vector<300x1xf32>
    %reduce_sum3A_97 = vector.shape_cast %add3A_96 : vector<300x1xf32> to vector<1x300x1xf32>
    %reduce_sum3A_98 = arith.constant dense<0.000000e+00> : vector<1xf32>
    %reduce_sum3A_99 = vector.multi_reduction <add>, %reduce_sum3A_97, %reduce_sum3A_98 [1, 2] : vector<1x300x1xf32> to vector<1xf32>
    %reduce_sum3A_100 = vector.shape_cast %reduce_sum3A_99 : vector<1xf32> to vector<1x1x1xf32>
    %reduce_sum3A_101 = vector.extract %reduce_sum3A_100[0, 0, 0] : f32 from vector<1x1x1xf32>
    %add3A_102 = arith.addf %add3A_27, %reduce_sum3A_101 : f32
    %get3A_103 = arith.constant 1 : index
    %get3A_104 = arith.constant 0 : index
    %get3A_105 = arith.constant 0 : index
    %get3A_106 = vector.load %arg1[%get3A_103, %get3A_104, %get3A_105] : memref<16x1x304xi32, #tpu.memory_space<vmem>>, vector<1x1x304xi32>
    %get3A_107 = vector.shape_cast %get3A_106 : vector<1x1x304xi32> to vector<1x304xi32>
    %eq3A_108 = vector.broadcast %get3A_107 : vector<1x304xi32> to vector<92x304xi32>
    %eq3A_109 = arith.cmpi eq, %iota3A, %eq3A_108 : vector<92x304xi32>
    %convert_element_type3A_110 = arith.extui %eq3A_109 : vector<92x304xi1> to vector<92x304xi32>
    %convert_element_type3A_111 = arith.sitofp %convert_element_type3A_110 : vector<92x304xi32> to vector<92x304xf32>
    %dot_general3A_112 = arith.constant dense<0.000000e+00> : vector<300x304xf32>
    %dot_general3A_113 = tpu.matmul %div3A_85, %convert_element_type3A_111, %dot_general3A_112 {dimension_numbers = #tpu.dot_dimension_numbers<[1], [0], [0], [1], [0, 0, 1, 1], [], []>, transpose_lhs_hint = false} : vector<300x92xf32>, vector<92x304xf32>, vector<300x304xf32> -> vector<300x304xf32>
    %get3A_114 = arith.constant 1 : index
    %get3A_115 = arith.constant 0 : index
    %get3A_116 = arith.constant 0 : index
    %get3A_117 = vector.load %arg2[%get3A_114, %get3A_115, %get3A_116] : memref<16x300x4xf32, #tpu.memory_space<vmem>>, vector<1x300x4xf32>
    %get3A_118 = vector.shape_cast %get3A_117 : vector<1x300x4xf32> to vector<300x4xf32>
    %get3A_119 = arith.constant 1 : index
    %get3A_120 = arith.constant 0 : index
    %get3A_121 = arith.constant 0 : index
    %get3A_122 = vector.load %arg3[%get3A_119, %get3A_120, %get3A_121] : memref<16x300x4xf32, #tpu.memory_space<vmem>>, vector<1x300x4xf32>
    %get3A_123 = vector.shape_cast %get3A_122 : vector<1x300x4xf32> to vector<300x4xf32>
    %sub3A_124 = arith.subf %get3A_118, %get3A_123 : vector<300x4xf32>
    %abs3A_125 = math.absf %sub3A_124 : vector<300x4xf32>
    %reduce_sum3A_126 = arith.constant dense<0.000000e+00> : vector<300xf32>
    %reduce_sum3A_127 = vector.multi_reduction <add>, %abs3A_125, %reduce_sum3A_126 [1] : vector<300x4xf32> to vector<300xf32>
    %broadcast_in_dim3A_128 = vector.shape_cast %reduce_sum3A_127 : vector<300xf32> to vector<300x1xf32>
    %transpose3A_129 = tpu.transpose %broadcast_in_dim3A_128, [1, 0] : vector<300x1xf32> -> vector<1x300xf32>
    %broadcast_in_dim3A_130 = arith.constant 0.000000e+00 : f32
    %broadcast_in_dim3A_131 = vector.broadcast %broadcast_in_dim3A_130 : f32 to vector<1x4xf32>
    %concatenate3A_132 = tpu.concatenate %transpose3A_129, %broadcast_in_dim3A_131 in 1 : vector<1x300xf32>, vector<1x4xf32> -> vector<1x304xf32>
    %swap3A_133 = arith.constant 1 : index
    %swap3A_134 = arith.constant 0 : index
    %swap3A_135 = arith.constant 0 : index
    %swap3A_136 = vector.load %arg5[%swap3A_133, %swap3A_134, %swap3A_135] : memref<16x1x304xf32, #tpu.memory_space<vmem>>, vector<1x1x304xf32>
    %swap3A_137 = vector.shape_cast %swap3A_136 : vector<1x1x304xf32> to vector<1x304xf32>
    %swap3A_138 = vector.shape_cast %concatenate3A_132 : vector<1x304xf32> to vector<1x1x304xf32>
    tpu.vector_store %arg5[%swap3A_133, %swap3A_134, %swap3A_135], %swap3A_138 {strides = array<i32>} : memref<16x1x304xf32, #tpu.memory_space<vmem>>, vector<1x1x304xf32>,
    %mul3A_139 = arith.constant 5.000000e+00 : f32
    %mul3A_140 = vector.broadcast %mul3A_139 : f32 to vector<1x304xf32>
    %mul3A_141 = arith.mulf %mul3A_140, %concatenate3A_132 : vector<1x304xf32>
    %sub3A_142 = vector.broadcast %mul3A_141 : vector<1x304xf32> to vector<300x304xf32>
    %sub3A_143 = arith.subf %sub3A_142, %dot_general3A_113 : vector<300x304xf32>
    %jit3A_144 = arith.constant 0x7F800000 : f32
    %broadcast_in_dim3A_145 = vector.shape_cast %ge3A_2 : vector<1x304xi1> to vector<1x304xi1>
    %broadcast_in_dim3A_146 = vector.broadcast %broadcast_in_dim3A_145 : vector<1x304xi1> to vector<300x304xi1>
    %broadcast_in_dim3A_147 = vector.broadcast %jit3A_144 : f32 to vector<300x304xf32>
    %select_n3A_148 = arith.select %broadcast_in_dim3A_146, %broadcast_in_dim3A_147, %sub3A_143 : vector<300x304xi1>, vector<300x304xf32>
    %swap3A_149 = arith.constant 1 : index
    %swap3A_150 = arith.constant 0 : index
    %swap3A_151 = arith.constant 0 : index
    %swap3A_152 = vector.load %arg4[%swap3A_149, %swap3A_150, %swap3A_151] : memref<16x300x304xf32, #tpu.memory_space<vmem>>, vector<1x300x304xf32>
    %swap3A_153 = vector.shape_cast %swap3A_152 : vector<1x300x304xf32> to vector<300x304xf32>
    %swap3A_154 = vector.shape_cast %select_n3A_148 : vector<300x304xf32> to vector<1x300x304xf32>
    tpu.vector_store %arg4[%swap3A_149, %swap3A_150, %swap3A_151], %swap3A_154 {strides = array<i32>} : memref<16x300x304xf32, #tpu.memory_space<vmem>>, vector<1x300x304xf32>,
    %get3A_155 = arith.constant 2 : index
    %get3A_156 = arith.constant 0 : index
    %get3A_157 = arith.constant 0 : index
    %get3A_158 = vector.load %arg0[%get3A_155, %get3A_156, %get3A_157] : memref<16x300x92xf32, #tpu.memory_space<vmem>>, vector<1x300x92xf32>
    %get3A_159 = vector.shape_cast %get3A_158 : vector<1x300x92xf32> to vector<300x92xf32>
    %reduce_max3A_160 = arith.constant dense<0xFF800000> : vector<300xf32>
    %reduce_max3A_161 = vector.multi_reduction <maximumf>, %get3A_159, %reduce_max3A_160 [1] : vector<300x92xf32> to vector<300xf32>
    %broadcast_in_dim3A_162 = vector.shape_cast %reduce_max3A_161 : vector<300xf32> to vector<300x1xf32>
    %sub3A_163 = vector.broadcast %broadcast_in_dim3A_162 : vector<300x1xf32> to vector<300x92xf32>
    %sub3A_164 = arith.subf %get3A_159, %sub3A_163 : vector<300x92xf32>
    %exp3A_165 = math.exp %sub3A_164 : vector<300x92xf32>
    %reduce_sum3A_166 = arith.constant dense<0.000000e+00> : vector<300xf32>
    %reduce_sum3A_167 = vector.multi_reduction <add>, %exp3A_165, %reduce_sum3A_166 [1] : vector<300x92xf32> to vector<300xf32>
    %broadcast_in_dim3A_168 = vector.shape_cast %reduce_sum3A_167 : vector<300xf32> to vector<300x1xf32>
    %div3A_169 = vector.broadcast %broadcast_in_dim3A_168 : vector<300x1xf32> to vector<300x92xf32>
    %div3A_170 = arith.divf %exp3A_165, %div3A_169 : vector<300x92xf32>
    %reduce_max3A_171 = arith.constant dense<0xFF800000> : vector<300xf32>
    %reduce_max3A_172 = vector.multi_reduction <maximumf>, %div3A_170, %reduce_max3A_171 [1] : vector<300x92xf32> to vector<300xf32>
    %broadcast_in_dim3A_173 = vector.shape_cast %reduce_max3A_172 : vector<300xf32> to vector<300x1xf32>
    %sub3A_174 = vector.broadcast %broadcast_in_dim3A_173 : vector<300x1xf32> to vector<300x92xf32>
    %sub3A_175 = arith.subf %div3A_170, %sub3A_174 : vector<300x92xf32>
    %exp3A_176 = math.exp %sub3A_175 : vector<300x92xf32>
    %reduce_sum3A_177 = arith.constant dense<0.000000e+00> : vector<300xf32>
    %reduce_sum3A_178 = vector.multi_reduction <add>, %exp3A_176, %reduce_sum3A_177 [1] : vector<300x92xf32> to vector<300xf32>
    %broadcast_in_dim3A_179 = vector.shape_cast %reduce_sum3A_178 : vector<300xf32> to vector<300x1xf32>
    %log3A_180 = math.log %broadcast_in_dim3A_179 : vector<300x1xf32>
    %add3A_181 = arith.addf %log3A_180, %broadcast_in_dim3A_173 : vector<300x1xf32>
    %reduce_sum3A_182 = vector.shape_cast %add3A_181 : vector<300x1xf32> to vector<1x300x1xf32>
    %reduce_sum3A_183 = arith.constant dense<0.000000e+00> : vector<1xf32>
    %reduce_sum3A_184 = vector.multi_reduction <add>, %reduce_sum3A_182, %reduce_sum3A_183 [1, 2] : vector<1x300x1xf32> to vector<1xf32>
    %reduce_sum3A_185 = vector.shape_cast %reduce_sum3A_184 : vector<1xf32> to vector<1x1x1xf32>
    %reduce_sum3A_186 = vector.extract %reduce_sum3A_185[0, 0, 0] : f32 from vector<1x1x1xf32>
    %add3A_187 = arith.addf %add3A_102, %reduce_sum3A_186 : f32
    %get3A_188 = arith.constant 2 : index
    %get3A_189 = arith.constant 0 : index
    %get3A_190 = arith.constant 0 : index
    %get3A_191 = vector.load %arg1[%get3A_188, %get3A_189, %get3A_190] : memref<16x1x304xi32, #tpu.memory_space<vmem>>, vector<1x1x304xi32>
    %get3A_192 = vector.shape_cast %get3A_191 : vector<1x1x304xi32> to vector<1x304xi32>
    %eq3A_193 = vector.broadcast %get3A_192 : vector<1x304xi32> to vector<92x304xi32>
    %eq3A_194 = arith.cmpi eq, %iota3A, %eq3A_193 : vector<92x304xi32>
    %convert_element_type3A_195 = arith.extui %eq3A_194 : vector<92x304xi1> to vector<92x304xi32>
    %convert_element_type3A_196 = arith.sitofp %convert_element_type3A_195 : vector<92x304xi32> to vector<92x304xf32>
    %dot_general3A_197 = arith.constant dense<0.000000e+00> : vector<300x304xf32>
    %dot_general3A_198 = tpu.matmul %div3A_170, %convert_element_type3A_196, %dot_general3A_197 {dimension_numbers = #tpu.dot_dimension_numbers<[1], [0], [0], [1], [0, 0, 1, 1], [], []>, transpose_lhs_hint = false} : vector<300x92xf32>, vector<92x304xf32>, vector<300x304xf32> -> vector<300x304xf32>
    %get3A_199 = arith.constant 2 : index
    %get3A_200 = arith.constant 0 : index
    %get3A_201 = arith.constant 0 : index
    %get3A_202 = vector.load %arg2[%get3A_199, %get3A_200, %get3A_201] : memref<16x300x4xf32, #tpu.memory_space<vmem>>, vector<1x300x4xf32>
    %get3A_203 = vector.shape_cast %get3A_202 : vector<1x300x4xf32> to vector<300x4xf32>
    %get3A_204 = arith.constant 2 : index
    %get3A_205 = arith.constant 0 : index
    %get3A_206 = arith.constant 0 : index
    %get3A_207 = vector.load %arg3[%get3A_204, %get3A_205, %get3A_206] : memref<16x300x4xf32, #tpu.memory_space<vmem>>, vector<1x300x4xf32>
    %get3A_208 = vector.shape_cast %get3A_207 : vector<1x300x4xf32> to vector<300x4xf32>
    %sub3A_209 = arith.subf %get3A_203, %get3A_208 : vector<300x4xf32>
    %abs3A_210 = math.absf %sub3A_209 : vector<300x4xf32>
    %reduce_sum3A_211 = arith.constant dense<0.000000e+00> : vector<300xf32>
    %reduce_sum3A_212 = vector.multi_reduction <add>, %abs3A_210, %reduce_sum3A_211 [1] : vector<300x4xf32> to vector<300xf32>
    %broadcast_in_dim3A_213 = vector.shape_cast %reduce_sum3A_212 : vector<300xf32> to vector<300x1xf32>
    %transpose3A_214 = tpu.transpose %broadcast_in_dim3A_213, [1, 0] : vector<300x1xf32> -> vector<1x300xf32>
    %broadcast_in_dim3A_215 = arith.constant 0.000000e+00 : f32
    %broadcast_in_dim3A_216 = vector.broadcast %broadcast_in_dim3A_215 : f32 to vector<1x4xf32>
    %concatenate3A_217 = tpu.concatenate %transpose3A_214, %broadcast_in_dim3A_216 in 1 : vector<1x300xf32>, vector<1x4xf32> -> vector<1x304xf32>
    %swap3A_218 = arith.constant 2 : index
    %swap3A_219 = arith.constant 0 : index
    %swap3A_220 = arith.constant 0 : index
    %swap3A_221 = vector.load %arg5[%swap3A_218, %swap3A_219, %swap3A_220] : memref<16x1x304xf32, #tpu.memory_space<vmem>>, vector<1x1x304xf32>
    %swap3A_222 = vector.shape_cast %swap3A_221 : vector<1x1x304xf32> to vector<1x304xf32>
    %swap3A_223 = vector.shape_cast %concatenate3A_217 : vector<1x304xf32> to vector<1x1x304xf32>
    tpu.vector_store %arg5[%swap3A_218, %swap3A_219, %swap3A_220], %swap3A_223 {strides = array<i32>} : memref<16x1x304xf32, #tpu.memory_space<vmem>>, vector<1x1x304xf32>,
    %mul3A_224 = arith.constant 5.000000e+00 : f32
    %mul3A_225 = vector.broadcast %mul3A_224 : f32 to vector<1x304xf32>
    %mul3A_226 = arith.mulf %mul3A_225, %concatenate3A_217 : vector<1x304xf32>
    %sub3A_227 = vector.broadcast %mul3A_226 : vector<1x304xf32> to vector<300x304xf32>
    %sub3A_228 = arith.subf %sub3A_227, %dot_general3A_198 : vector<300x304xf32>
    %jit3A_229 = arith.constant 0x7F800000 : f32
    %broadcast_in_dim3A_230 = vector.shape_cast %ge3A_2 : vector<1x304xi1> to vector<1x304xi1>
    %broadcast_in_dim3A_231 = vector.broadcast %broadcast_in_dim3A_230 : vector<1x304xi1> to vector<300x304xi1>
    %broadcast_in_dim3A_232 = vector.broadcast %jit3A_229 : f32 to vector<300x304xf32>
    %select_n3A_233 = arith.select %broadcast_in_dim3A_231, %broadcast_in_dim3A_232, %sub3A_228 : vector<300x304xi1>, vector<300x304xf32>
    %swap3A_234 = arith.constant 2 : index
    %swap3A_235 = arith.constant 0 : index
    %swap3A_236 = arith.constant 0 : index
    %swap3A_237 = vector.load %arg4[%swap3A_234, %swap3A_235, %swap3A_236] : memref<16x300x304xf32, #tpu.memory_space<vmem>>, vector<1x300x304xf32>
    %swap3A_238 = vector.shape_cast %swap3A_237 : vector<1x300x304xf32> to vector<300x304xf32>
    %swap3A_239 = vector.shape_cast %select_n3A_233 : vector<300x304xf32> to vector<1x300x304xf32>
    tpu.vector_store %arg4[%swap3A_234, %swap3A_235, %swap3A_236], %swap3A_239 {strides = array<i32>} : memref<16x300x304xf32, #tpu.memory_space<vmem>>, vector<1x300x304xf32>,
    %get3A_240 = arith.constant 3 : index
    %get3A_241 = arith.constant 0 : index
    %get3A_242 = arith.constant 0 : index
    %get3A_243 = vector.load %arg0[%get3A_240, %get3A_241, %get3A_242] : memref<16x300x92xf32, #tpu.memory_space<vmem>>, vector<1x300x92xf32>
    %get3A_244 = vector.shape_cast %get3A_243 : vector<1x300x92xf32> to vector<300x92xf32>
    %reduce_max3A_245 = arith.constant dense<0xFF800000> : vector<300xf32>
    %reduce_max3A_246 = vector.multi_reduction <maximumf>, %get3A_244, %reduce_max3A_245 [1] : vector<300x92xf32> to vector<300xf32>
    %broadcast_in_dim3A_247 = vector.shape_cast %reduce_max3A_246 : vector<300xf32> to vector<300x1xf32>
    %sub3A_248 = vector.broadcast %broadcast_in_dim3A_247 : vector<300x1xf32> to vector<300x92xf32>
    %sub3A_249 = arith.subf %get3A_244, %sub3A_248 : vector<300x92xf32>
    %exp3A_250 = math.exp %sub3A_249 : vector<300x92xf32>
    %reduce_sum3A_251 = arith.constant dense<0.000000e+00> : vector<300xf32>
    %reduce_sum3A_252 = vector.multi_reduction <add>, %exp3A_250, %reduce_sum3A_251 [1] : vector<300x92xf32> to vector<300xf32>
    %broadcast_in_dim3A_253 = vector.shape_cast %reduce_sum3A_252 : vector<300xf32> to vector<300x1xf32>
    %div3A_254 = vector.broadcast %broadcast_in_dim3A_253 : vector<300x1xf32> to vector<300x92xf32>
    %div3A_255 = arith.divf %exp3A_250, %div3A_254 : vector<300x92xf32>
    %reduce_max3A_256 = arith.constant dense<0xFF800000> : vector<300xf32>
    %reduce_max3A_257 = vector.multi_reduction <maximumf>, %div3A_255, %reduce_max3A_256 [1] : vector<300x92xf32> to vector<300xf32>
    %broadcast_in_dim3A_258 = vector.shape_cast %reduce_max3A_257 : vector<300xf32> to vector<300x1xf32>
    %sub3A_259 = vector.broadcast %broadcast_in_dim3A_258 : vector<300x1xf32> to vector<300x92xf32>
    %sub3A_260 = arith.subf %div3A_255, %sub3A_259 : vector<300x92xf32>
    %exp3A_261 = math.exp %sub3A_260 : vector<300x92xf32>
    %reduce_sum3A_262 = arith.constant dense<0.000000e+00> : vector<300xf32>
    %reduce_sum3A_263 = vector.multi_reduction <add>, %exp3A_261, %reduce_sum3A_262 [1] : vector<300x92xf32> to vector<300xf32>
    %broadcast_in_dim3A_264 = vector.shape_cast %reduce_sum3A_263 : vector<300xf32> to vector<300x1xf32>
    %log3A_265 = math.log %broadcast_in_dim3A_264 : vector<300x1xf32>
    %add3A_266 = arith.addf %log3A_265, %broadcast_in_dim3A_258 : vector<300x1xf32>
    %reduce_sum3A_267 = vector.shape_cast %add3A_266 : vector<300x1xf32> to vector<1x300x1xf32>
    %reduce_sum3A_268 = arith.constant dense<0.000000e+00> : vector<1xf32>
    %reduce_sum3A_269 = vector.multi_reduction <add>, %reduce_sum3A_267, %reduce_sum3A_268 [1, 2] : vector<1x300x1xf32> to vector<1xf32>
    %reduce_sum3A_270 = vector.shape_cast %reduce_sum3A_269 : vector<1xf32> to vector<1x1x1xf32>
    %reduce_sum3A_271 = vector.extract %reduce_sum3A_270[0, 0, 0] : f32 from vector<1x1x1xf32>
    %add3A_272 = arith.addf %add3A_187, %reduce_sum3A_271 : f32
    %get3A_273 = arith.constant 3 : index
    %get3A_274 = arith.constant 0 : index
    %get3A_275 = arith.constant 0 : index
    %get3A_276 = vector.load %arg1[%get3A_273, %get3A_274, %get3A_275] : memref<16x1x304xi32, #tpu.memory_space<vmem>>, vector<1x1x304xi32>
    %get3A_277 = vector.shape_cast %get3A_276 : vector<1x1x304xi32> to vector<1x304xi32>
    %eq3A_278 = vector.broadcast %get3A_277 : vector<1x304xi32> to vector<92x304xi32>
    %eq3A_279 = arith.cmpi eq, %iota3A, %eq3A_278 : vector<92x304xi32>
    %convert_element_type3A_280 = arith.extui %eq3A_279 : vector<92x304xi1> to vector<92x304xi32>
    %convert_element_type3A_281 = arith.sitofp %convert_element_type3A_280 : vector<92x304xi32> to vector<92x304xf32>
    %dot_general3A_282 = arith.constant dense<0.000000e+00> : vector<300x304xf32>
    %dot_general3A_283 = tpu.matmul %div3A_255, %convert_element_type3A_281, %dot_general3A_282 {dimension_numbers = #tpu.dot_dimension_numbers<[1], [0], [0], [1], [0, 0, 1, 1], [], []>, transpose_lhs_hint = false} : vector<300x92xf32>, vector<92x304xf32>, vector<300x304xf32> -> vector<300x304xf32>
    %get3A_284 = arith.constant 3 : index
    %get3A_285 = arith.constant 0 : index
    %get3A_286 = arith.constant 0 : index
    %get3A_287 = vector.load %arg2[%get3A_284, %get3A_285, %get3A_286] : memref<16x300x4xf32, #tpu.memory_space<vmem>>, vector<1x300x4xf32>
    %get3A_288 = vector.shape_cast %get3A_287 : vector<1x300x4xf32> to vector<300x4xf32>
    %get3A_289 = arith.constant 3 : index
    %get3A_290 = arith.constant 0 : index
    %get3A_291 = arith.constant 0 : index
    %get3A_292 = vector.load %arg3[%get3A_289, %get3A_290, %get3A_291] : memref<16x300x4xf32, #tpu.memory_space<vmem>>, vector<1x300x4xf32>
    %get3A_293 = vector.shape_cast %get3A_292 : vector<1x300x4xf32> to vector<300x4xf32>
    %sub3A_294 = arith.subf %get3A_288, %get3A_293 : vector<300x4xf32>
    %abs3A_295 = math.absf %sub3A_294 : vector<300x4xf32>
    %reduce_sum3A_296 = arith.constant dense<0.000000e+00> : vector<300xf32>
    %reduce_sum3A_297 = vector.multi_reduction <add>, %abs3A_295, %reduce_sum3A_296 [1] : vector<300x4xf32> to vector<300xf32>
    %broadcast_in_dim3A_298 = vector.shape_cast %reduce_sum3A_297 : vector<300xf32> to vector<300x1xf32>
    %transpose3A_299 = tpu.transpose %broadcast_in_dim3A_298, [1, 0] : vector<300x1xf32> -> vector<1x300xf32>
    %broadcast_in_dim3A_300 = arith.constant 0.000000e+00 : f32
    %broadcast_in_dim3A_301 = vector.broadcast %broadcast_in_dim3A_300 : f32 to vector<1x4xf32>
    %concatenate3A_302 = tpu.concatenate %transpose3A_299, %broadcast_in_dim3A_301 in 1 : vector<1x300xf32>, vector<1x4xf32> -> vector<1x304xf32>
    %swap3A_303 = arith.constant 3 : index
    %swap3A_304 = arith.constant 0 : index
    %swap3A_305 = arith.constant 0 : index
    %swap3A_306 = vector.load %arg5[%swap3A_303, %swap3A_304, %swap3A_305] : memref<16x1x304xf32, #tpu.memory_space<vmem>>, vector<1x1x304xf32>
    %swap3A_307 = vector.shape_cast %swap3A_306 : vector<1x1x304xf32> to vector<1x304xf32>
    %swap3A_308 = vector.shape_cast %concatenate3A_302 : vector<1x304xf32> to vector<1x1x304xf32>
    tpu.vector_store %arg5[%swap3A_303, %swap3A_304, %swap3A_305], %swap3A_308 {strides = array<i32>} : memref<16x1x304xf32, #tpu.memory_space<vmem>>, vector<1x1x304xf32>,
    %mul3A_309 = arith.constant 5.000000e+00 : f32
    %mul3A_310 = vector.broadcast %mul3A_309 : f32 to vector<1x304xf32>
    %mul3A_311 = arith.mulf %mul3A_310, %concatenate3A_302 : vector<1x304xf32>
    %sub3A_312 = vector.broadcast %mul3A_311 : vector<1x304xf32> to vector<300x304xf32>
    %sub3A_313 = arith.subf %sub3A_312, %dot_general3A_283 : vector<300x304xf32>
    %jit3A_314 = arith.constant 0x7F800000 : f32
    %broadcast_in_dim3A_315 = vector.shape_cast %ge3A_2 : vector<1x304xi1> to vector<1x304xi1>
    %broadcast_in_dim3A_316 = vector.broadcast %broadcast_in_dim3A_315 : vector<1x304xi1> to vector<300x304xi1>
    %broadcast_in_dim3A_317 = vector.broadcast %jit3A_314 : f32 to vector<300x304xf32>
    %select_n3A_318 = arith.select %broadcast_in_dim3A_316, %broadcast_in_dim3A_317, %sub3A_313 : vector<300x304xi1>, vector<300x304xf32>
    %swap3A_319 = arith.constant 3 : index
    %swap3A_320 = arith.constant 0 : index
    %swap3A_321 = arith.constant 0 : index
    %swap3A_322 = vector.load %arg4[%swap3A_319, %swap3A_320, %swap3A_321] : memref<16x300x304xf32, #tpu.memory_space<vmem>>, vector<1x300x304xf32>
    %swap3A_323 = vector.shape_cast %swap3A_322 : vector<1x300x304xf32> to vector<300x304xf32>
    %swap3A_324 = vector.shape_cast %select_n3A_318 : vector<300x304xf32> to vector<1x300x304xf32>
    tpu.vector_store %arg4[%swap3A_319, %swap3A_320, %swap3A_321], %swap3A_324 {strides = array<i32>} : memref<16x300x304xf32, #tpu.memory_space<vmem>>, vector<1x300x304xf32>,
    %get3A_325 = arith.constant 4 : index
    %get3A_326 = arith.constant 0 : index
    %get3A_327 = arith.constant 0 : index
    %get3A_328 = vector.load %arg0[%get3A_325, %get3A_326, %get3A_327] : memref<16x300x92xf32, #tpu.memory_space<vmem>>, vector<1x300x92xf32>
    %get3A_329 = vector.shape_cast %get3A_328 : vector<1x300x92xf32> to vector<300x92xf32>
    %reduce_max3A_330 = arith.constant dense<0xFF800000> : vector<300xf32>
    %reduce_max3A_331 = vector.multi_reduction <maximumf>, %get3A_329, %reduce_max3A_330 [1] : vector<300x92xf32> to vector<300xf32>
    %broadcast_in_dim3A_332 = vector.shape_cast %reduce_max3A_331 : vector<300xf32> to vector<300x1xf32>
    %sub3A_333 = vector.broadcast %broadcast_in_dim3A_332 : vector<300x1xf32> to vector<300x92xf32>
    %sub3A_334 = arith.subf %get3A_329, %sub3A_333 : vector<300x92xf32>
    %exp3A_335 = math.exp %sub3A_334 : vector<300x92xf32>
    %reduce_sum3A_336 = arith.constant dense<0.000000e+00> : vector<300xf32>
    %reduce_sum3A_337 = vector.multi_reduction <add>, %exp3A_335, %reduce_sum3A_336 [1] : vector<300x92xf32> to vector<300xf32>
    %broadcast_in_dim3A_338 = vector.shape_cast %reduce_sum3A_337 : vector<300xf32> to vector<300x1xf32>
    %div3A_339 = vector.broadcast %broadcast_in_dim3A_338 : vector<300x1xf32> to vector<300x92xf32>
    %div3A_340 = arith.divf %exp3A_335, %div3A_339 : vector<300x92xf32>
    %reduce_max3A_341 = arith.constant dense<0xFF800000> : vector<300xf32>
    %reduce_max3A_342 = vector.multi_reduction <maximumf>, %div3A_340, %reduce_max3A_341 [1] : vector<300x92xf32> to vector<300xf32>
    %broadcast_in_dim3A_343 = vector.shape_cast %reduce_max3A_342 : vector<300xf32> to vector<300x1xf32>
    %sub3A_344 = vector.broadcast %broadcast_in_dim3A_343 : vector<300x1xf32> to vector<300x92xf32>
    %sub3A_345 = arith.subf %div3A_340, %sub3A_344 : vector<300x92xf32>
    %exp3A_346 = math.exp %sub3A_345 : vector<300x92xf32>
    %reduce_sum3A_347 = arith.constant dense<0.000000e+00> : vector<300xf32>
    %reduce_sum3A_348 = vector.multi_reduction <add>, %exp3A_346, %reduce_sum3A_347 [1] : vector<300x92xf32> to vector<300xf32>
    %broadcast_in_dim3A_349 = vector.shape_cast %reduce_sum3A_348 : vector<300xf32> to vector<300x1xf32>
    %log3A_350 = math.log %broadcast_in_dim3A_349 : vector<300x1xf32>
    %add3A_351 = arith.addf %log3A_350, %broadcast_in_dim3A_343 : vector<300x1xf32>
    %reduce_sum3A_352 = vector.shape_cast %add3A_351 : vector<300x1xf32> to vector<1x300x1xf32>
    %reduce_sum3A_353 = arith.constant dense<0.000000e+00> : vector<1xf32>
    %reduce_sum3A_354 = vector.multi_reduction <add>, %reduce_sum3A_352, %reduce_sum3A_353 [1, 2] : vector<1x300x1xf32> to vector<1xf32>
    %reduce_sum3A_355 = vector.shape_cast %reduce_sum3A_354 : vector<1xf32> to vector<1x1x1xf32>
    %reduce_sum3A_356 = vector.extract %reduce_sum3A_355[0, 0, 0] : f32 from vector<1x1x1xf32>
    %add3A_357 = arith.addf %add3A_272, %reduce_sum3A_356 : f32
    %get3A_358 = arith.constant 4 : index
    %get3A_359 = arith.constant 0 : index
    %get3A_360 = arith.constant 0 : index
    %get3A_361 = vector.load %arg1[%get3A_358, %get3A_359, %get3A_360] : memref<16x1x304xi32, #tpu.memory_space<vmem>>, vector<1x1x304xi32>
    %get3A_362 = vector.shape_cast %get3A_361 : vector<1x1x304xi32> to vector<1x304xi32>
    %eq3A_363 = vector.broadcast %get3A_362 : vector<1x304xi32> to vector<92x304xi32>
    %eq3A_364 = arith.cmpi eq, %iota3A, %eq3A_363 : vector<92x304xi32>
    %convert_element_type3A_365 = arith.extui %eq3A_364 : vector<92x304xi1> to vector<92x304xi32>
    %convert_element_type3A_366 = arith.sitofp %convert_element_type3A_365 : vector<92x304xi32> to vector<92x304xf32>
    %dot_general3A_367 = arith.constant dense<0.000000e+00> : vector<300x304xf32>
    %dot_general3A_368 = tpu.matmul %div3A_340, %convert_element_type3A_366, %dot_general3A_367 {dimension_numbers = #tpu.dot_dimension_numbers<[1], [0], [0], [1], [0, 0, 1, 1], [], []>, transpose_lhs_hint = false} : vector<300x92xf32>, vector<92x304xf32>, vector<300x304xf32> -> vector<300x304xf32>
    %get3A_369 = arith.constant 4 : index
    %get3A_370 = arith.constant 0 : index
    %get3A_371 = arith.constant 0 : index
    %get3A_372 = vector.load %arg2[%get3A_369, %get3A_370, %get3A_371] : memref<16x300x4xf32, #tpu.memory_space<vmem>>, vector<1x300x4xf32>
    %get3A_373 = vector.shape_cast %get3A_372 : vector<1x300x4xf32> to vector<300x4xf32>
    %get3A_374 = arith.constant 4 : index
    %get3A_375 = arith.constant 0 : index
    %get3A_376 = arith.constant 0 : index
    %get3A_377 = vector.load %arg3[%get3A_374, %get3A_375, %get3A_376] : memref<16x300x4xf32, #tpu.memory_space<vmem>>, vector<1x300x4xf32>
    %get3A_378 = vector.shape_cast %get3A_377 : vector<1x300x4xf32> to vector<300x4xf32>
    %sub3A_379 = arith.subf %get3A_373, %get3A_378 : vector<300x4xf32>
    %abs3A_380 = math.absf %sub3A_379 : vector<300x4xf32>
    %reduce_sum3A_381 = arith.constant dense<0.000000e+00> : vector<300xf32>
    %reduce_sum3A_382 = vector.multi_reduction <add>, %abs3A_380, %reduce_sum3A_381 [1] : vector<300x4xf32> to vector<300xf32>
    %broadcast_in_dim3A_383 = vector.shape_cast %reduce_sum3A_382 : vector<300xf32> to vector<300x1xf32>
    %transpose3A_384 = tpu.transpose %broadcast_in_dim3A_383, [1, 0] : vector<300x1xf32> -> vector<1x300xf32>
    %broadcast_in_dim3A_385 = arith.constant 0.000000e+00 : f32
    %broadcast_in_dim3A_386 = vector.broadcast %broadcast_in_dim3A_385 : f32 to vector<1x4xf32>
    %concatenate3A_387 = tpu.concatenate %transpose3A_384, %broadcast_in_dim3A_386 in 1 : vector<1x300xf32>, vector<1x4xf32> -> vector<1x304xf32>
    %swap3A_388 = arith.constant 4 : index
    %swap3A_389 = arith.constant 0 : index
    %swap3A_390 = arith.constant 0 : index
    %swap3A_391 = vector.load %arg5[%swap3A_388, %swap3A_389, %swap3A_390] : memref<16x1x304xf32, #tpu.memory_space<vmem>>, vector<1x1x304xf32>
    %swap3A_392 = vector.shape_cast %swap3A_391 : vector<1x1x304xf32> to vector<1x304xf32>
    %swap3A_393 = vector.shape_cast %concatenate3A_387 : vector<1x304xf32> to vector<1x1x304xf32>
    tpu.vector_store %arg5[%swap3A_388, %swap3A_389, %swap3A_390], %swap3A_393 {strides = array<i32>} : memref<16x1x304xf32, #tpu.memory_space<vmem>>, vector<1x1x304xf32>,
    %mul3A_394 = arith.constant 5.000000e+00 : f32
    %mul3A_395 = vector.broadcast %mul3A_394 : f32 to vector<1x304xf32>
    %mul3A_396 = arith.mulf %mul3A_395, %concatenate3A_387 : vector<1x304xf32>
    %sub3A_397 = vector.broadcast %mul3A_396 : vector<1x304xf32> to vector<300x304xf32>
    %sub3A_398 = arith.subf %sub3A_397, %dot_general3A_368 : vector<300x304xf32>
    %jit3A_399 = arith.constant 0x7F800000 : f32
    %broadcast_in_dim3A_400 = vector.shape_cast %ge3A_2 : vector<1x304xi1> to vector<1x304xi1>
    %broadcast_in_dim3A_401 = vector.broadcast %broadcast_in_dim3A_400 : vector<1x304xi1> to vector<300x304xi1>
    %broadcast_in_dim3A_402 = vector.broadcast %jit3A_399 : f32 to vector<300x304xf32>
    %select_n3A_403 = arith.select %broadcast_in_dim3A_401, %broadcast_in_dim3A_402, %sub3A_398 : vector<300x304xi1>, vector<300x304xf32>
    %swap3A_404 = arith.constant 4 : index
    %swap3A_405 = arith.constant 0 : index
    %swap3A_406 = arith.constant 0 : index
    %swap3A_407 = vector.load %arg4[%swap3A_404, %swap3A_405, %swap3A_406] : memref<16x300x304xf32, #tpu.memory_space<vmem>>, vector<1x300x304xf32>
    %swap3A_408 = vector.shape_cast %swap3A_407 : vector<1x300x304xf32> to vector<300x304xf32>
    %swap3A_409 = vector.shape_cast %select_n3A_403 : vector<300x304xf32> to vector<1x300x304xf32>
    tpu.vector_store %arg4[%swap3A_404, %swap3A_405, %swap3A_406], %swap3A_409 {strides = array<i32>} : memref<16x300x304xf32, #tpu.memory_space<vmem>>, vector<1x300x304xf32>,
    %get3A_410 = arith.constant 5 : index
    %get3A_411 = arith.constant 0 : index
    %get3A_412 = arith.constant 0 : index
    %get3A_413 = vector.load %arg0[%get3A_410, %get3A_411, %get3A_412] : memref<16x300x92xf32, #tpu.memory_space<vmem>>, vector<1x300x92xf32>
    %get3A_414 = vector.shape_cast %get3A_413 : vector<1x300x92xf32> to vector<300x92xf32>
    %reduce_max3A_415 = arith.constant dense<0xFF800000> : vector<300xf32>
    %reduce_max3A_416 = vector.multi_reduction <maximumf>, %get3A_414, %reduce_max3A_415 [1] : vector<300x92xf32> to vector<300xf32>
    %broadcast_in_dim3A_417 = vector.shape_cast %reduce_max3A_416 : vector<300xf32> to vector<300x1xf32>
    %sub3A_418 = vector.broadcast %broadcast_in_dim3A_417 : vector<300x1xf32> to vector<300x92xf32>
    %sub3A_419 = arith.subf %get3A_414, %sub3A_418 : vector<300x92xf32>
    %exp3A_420 = math.exp %sub3A_419 : vector<300x92xf32>
    %reduce_sum3A_421 = arith.constant dense<0.000000e+00> : vector<300xf32>
    %reduce_sum3A_422 = vector.multi_reduction <add>, %exp3A_420, %reduce_sum3A_421 [1] : vector<300x92xf32> to vector<300xf32>
    %broadcast_in_dim3A_423 = vector.shape_cast %reduce_sum3A_422 : vector<300xf32> to vector<300x1xf32>
    %div3A_424 = vector.broadcast %broadcast_in_dim3A_423 : vector<300x1xf32> to vector<300x92xf32>
    %div3A_425 = arith.divf %exp3A_420, %div3A_424 : vector<300x92xf32>
    %reduce_max3A_426 = arith.constant dense<0xFF800000> : vector<300xf32>
    %reduce_max3A_427 = vector.multi_reduction <maximumf>, %div3A_425, %reduce_max3A_426 [1] : vector<300x92xf32> to vector<300xf32>
    %broadcast_in_dim3A_428 = vector.shape_cast %reduce_max3A_427 : vector<300xf32> to vector<300x1xf32>
    %sub3A_429 = vector.broadcast %broadcast_in_dim3A_428 : vector<300x1xf32> to vector<300x92xf32>
    %sub3A_430 = arith.subf %div3A_425, %sub3A_429 : vector<300x92xf32>
    %exp3A_431 = math.exp %sub3A_430 : vector<300x92xf32>
    %reduce_sum3A_432 = arith.constant dense<0.000000e+00> : vector<300xf32>
    %reduce_sum3A_433 = vector.multi_reduction <add>, %exp3A_431, %reduce_sum3A_432 [1] : vector<300x92xf32> to vector<300xf32>
    %broadcast_in_dim3A_434 = vector.shape_cast %reduce_sum3A_433 : vector<300xf32> to vector<300x1xf32>
    %log3A_435 = math.log %broadcast_in_dim3A_434 : vector<300x1xf32>
    %add3A_436 = arith.addf %log3A_435, %broadcast_in_dim3A_428 : vector<300x1xf32>
    %reduce_sum3A_437 = vector.shape_cast %add3A_436 : vector<300x1xf32> to vector<1x300x1xf32>
    %reduce_sum3A_438 = arith.constant dense<0.000000e+00> : vector<1xf32>
    %reduce_sum3A_439 = vector.multi_reduction <add>, %reduce_sum3A_437, %reduce_sum3A_438 [1, 2] : vector<1x300x1xf32> to vector<1xf32>
    %reduce_sum3A_440 = vector.shape_cast %reduce_sum3A_439 : vector<1xf32> to vector<1x1x1xf32>
    %reduce_sum3A_441 = vector.extract %reduce_sum3A_440[0, 0, 0] : f32 from vector<1x1x1xf32>
    %add3A_442 = arith.addf %add3A_357, %reduce_sum3A_441 : f32
    %get3A_443 = arith.constant 5 : index
    %get3A_444 = arith.constant 0 : index
    %get3A_445 = arith.constant 0 : index
    %get3A_446 = vector.load %arg1[%get3A_443, %get3A_444, %get3A_445] : memref<16x1x304xi32, #tpu.memory_space<vmem>>, vector<1x1x304xi32>
    %get3A_447 = vector.shape_cast %get3A_446 : vector<1x1x304xi32> to vector<1x304xi32>
    %eq3A_448 = vector.broadcast %get3A_447 : vector<1x304xi32> to vector<92x304xi32>
    %eq3A_449 = arith.cmpi eq, %iota3A, %eq3A_448 : vector<92x304xi32>
    %convert_element_type3A_450 = arith.extui %eq3A_449 : vector<92x304xi1> to vector<92x304xi32>
    %convert_element_type3A_451 = arith.sitofp %convert_element_type3A_450 : vector<92x304xi32> to vector<92x304xf32>
    %dot_general3A_452 = arith.constant dense<0.000000e+00> : vector<300x304xf32>
    %dot_general3A_453 = tpu.matmul %div3A_425, %convert_element_type3A_451, %dot_general3A_452 {dimension_numbers = #tpu.dot_dimension_numbers<[1], [0], [0], [1], [0, 0, 1, 1], [], []>, transpose_lhs_hint = false} : vector<300x92xf32>, vector<92x304xf32>, vector<300x304xf32> -> vector<300x304xf32>
    %get3A_454 = arith.constant 5 : index
    %get3A_455 = arith.constant 0 : index
    %get3A_456 = arith.constant 0 : index
    %get3A_457 = vector.load %arg2[%get3A_454, %get3A_455, %get3A_456] : memref<16x300x4xf32, #tpu.memory_space<vmem>>, vector<1x300x4xf32>
    %get3A_458 = vector.shape_cast %get3A_457 : vector<1x300x4xf32> to vector<300x4xf32>
    %get3A_459 = arith.constant 5 : index
    %get3A_460 = arith.constant 0 : index
    %get3A_461 = arith.constant 0 : index
    %get3A_462 = vector.load %arg3[%get3A_459, %get3A_460, %get3A_461] : memref<16x300x4xf32, #tpu.memory_space<vmem>>, vector<1x300x4xf32>
    %get3A_463 = vector.shape_cast %get3A_462 : vector<1x300x4xf32> to vector<300x4xf32>
    %sub3A_464 = arith.subf %get3A_458, %get3A_463 : vector<300x4xf32>
    %abs3A_465 = math.absf %sub3A_464 : vector<300x4xf32>
    %reduce_sum3A_466 = arith.constant dense<0.000000e+00> : vector<300xf32>
    %reduce_sum3A_467 = vector.multi_reduction <add>, %abs3A_465, %reduce_sum3A_466 [1] : vector<300x4xf32> to vector<300xf32>
    %broadcast_in_dim3A_468 = vector.shape_cast %reduce_sum3A_467 : vector<300xf32> to vector<300x1xf32>
    %transpose3A_469 = tpu.transpose %broadcast_in_dim3A_468, [1, 0] : vector<300x1xf32> -> vector<1x300xf32>
    %broadcast_in_dim3A_470 = arith.constant 0.000000e+00 : f32
    %broadcast_in_dim3A_471 = vector.broadcast %broadcast_in_dim3A_470 : f32 to vector<1x4xf32>
    %concatenate3A_472 = tpu.concatenate %transpose3A_469, %broadcast_in_dim3A_471 in 1 : vector<1x300xf32>, vector<1x4xf32> -> vector<1x304xf32>
    %swap3A_473 = arith.constant 5 : index
    %swap3A_474 = arith.constant 0 : index
    %swap3A_475 = arith.constant 0 : index
    %swap3A_476 = vector.load %arg5[%swap3A_473, %swap3A_474, %swap3A_475] : memref<16x1x304xf32, #tpu.memory_space<vmem>>, vector<1x1x304xf32>
    %swap3A_477 = vector.shape_cast %swap3A_476 : vector<1x1x304xf32> to vector<1x304xf32>
    %swap3A_478 = vector.shape_cast %concatenate3A_472 : vector<1x304xf32> to vector<1x1x304xf32>
    tpu.vector_store %arg5[%swap3A_473, %swap3A_474, %swap3A_475], %swap3A_478 {strides = array<i32>} : memref<16x1x304xf32, #tpu.memory_space<vmem>>, vector<1x1x304xf32>,
    %mul3A_479 = arith.constant 5.000000e+00 : f32
    %mul3A_480 = vector.broadcast %mul3A_479 : f32 to vector<1x304xf32>
    %mul3A_481 = arith.mulf %mul3A_480, %concatenate3A_472 : vector<1x304xf32>
    %sub3A_482 = vector.broadcast %mul3A_481 : vector<1x304xf32> to vector<300x304xf32>
    %sub3A_483 = arith.subf %sub3A_482, %dot_general3A_453 : vector<300x304xf32>
    %jit3A_484 = arith.constant 0x7F800000 : f32
    %broadcast_in_dim3A_485 = vector.shape_cast %ge3A_2 : vector<1x304xi1> to vector<1x304xi1>
    %broadcast_in_dim3A_486 = vector.broadcast %broadcast_in_dim3A_485 : vector<1x304xi1> to vector<300x304xi1>
    %broadcast_in_dim3A_487 = vector.broadcast %jit3A_484 : f32 to vector<300x304xf32>
    %select_n3A_488 = arith.select %broadcast_in_dim3A_486, %broadcast_in_dim3A_487, %sub3A_483 : vector<300x304xi1>, vector<300x304xf32>
    %swap3A_489 = arith.constant 5 : index
    %swap3A_490 = arith.constant 0 : index
    %swap3A_491 = arith.constant 0 : index
    %swap3A_492 = vector.load %arg4[%swap3A_489, %swap3A_490, %swap3A_491] : memref<16x300x304xf32, #tpu.memory_space<vmem>>, vector<1x300x304xf32>
    %swap3A_493 = vector.shape_cast %swap3A_492 : vector<1x300x304xf32> to vector<300x304xf32>
    %swap3A_494 = vector.shape_cast %select_n3A_488 : vector<300x304xf32> to vector<1x300x304xf32>
    tpu.vector_store %arg4[%swap3A_489, %swap3A_490, %swap3A_491], %swap3A_494 {strides = array<i32>} : memref<16x300x304xf32, #tpu.memory_space<vmem>>, vector<1x300x304xf32>,
    %get3A_495 = arith.constant 6 : index
    %get3A_496 = arith.constant 0 : index
    %get3A_497 = arith.constant 0 : index
    %get3A_498 = vector.load %arg0[%get3A_495, %get3A_496, %get3A_497] : memref<16x300x92xf32, #tpu.memory_space<vmem>>, vector<1x300x92xf32>
    %get3A_499 = vector.shape_cast %get3A_498 : vector<1x300x92xf32> to vector<300x92xf32>
    %reduce_max3A_500 = arith.constant dense<0xFF800000> : vector<300xf32>
    %reduce_max3A_501 = vector.multi_reduction <maximumf>, %get3A_499, %reduce_max3A_500 [1] : vector<300x92xf32> to vector<300xf32>
    %broadcast_in_dim3A_502 = vector.shape_cast %reduce_max3A_501 : vector<300xf32> to vector<300x1xf32>
    %sub3A_503 = vector.broadcast %broadcast_in_dim3A_502 : vector<300x1xf32> to vector<300x92xf32>
    %sub3A_504 = arith.subf %get3A_499, %sub3A_503 : vector<300x92xf32>
    %exp3A_505 = math.exp %sub3A_504 : vector<300x92xf32>
    %reduce_sum3A_506 = arith.constant dense<0.000000e+00> : vector<300xf32>
    %reduce_sum3A_507 = vector.multi_reduction <add>, %exp3A_505, %reduce_sum3A_506 [1] : vector<300x92xf32> to vector<300xf32>
    %broadcast_in_dim3A_508 = vector.shape_cast %reduce_sum3A_507 : vector<300xf32> to vector<300x1xf32>
    %div3A_509 = vector.broadcast %broadcast_in_dim3A_508 : vector<300x1xf32> to vector<300x92xf32>
    %div3A_510 = arith.divf %exp3A_505, %div3A_509 : vector<300x92xf32>
    %reduce_max3A_511 = arith.constant dense<0xFF800000> : vector<300xf32>
    %reduce_max3A_512 = vector.multi_reduction <maximumf>, %div3A_510, %reduce_max3A_511 [1] : vector<300x92xf32> to vector<300xf32>
    %broadcast_in_dim3A_513 = vector.shape_cast %reduce_max3A_512 : vector<300xf32> to vector<300x1xf32>
    %sub3A_514 = vector.broadcast %broadcast_in_dim3A_513 : vector<300x1xf32> to vector<300x92xf32>
    %sub3A_515 = arith.subf %div3A_510, %sub3A_514 : vector<300x92xf32>
    %exp3A_516 = math.exp %sub3A_515 : vector<300x92xf32>
    %reduce_sum3A_517 = arith.constant dense<0.000000e+00> : vector<300xf32>
    %reduce_sum3A_518 = vector.multi_reduction <add>, %exp3A_516, %reduce_sum3A_517 [1] : vector<300x92xf32> to vector<300xf32>
    %broadcast_in_dim3A_519 = vector.shape_cast %reduce_sum3A_518 : vector<300xf32> to vector<300x1xf32>
    %log3A_520 = math.log %broadcast_in_dim3A_519 : vector<300x1xf32>
    %add3A_521 = arith.addf %log3A_520, %broadcast_in_dim3A_513 : vector<300x1xf32>
    %reduce_sum3A_522 = vector.shape_cast %add3A_521 : vector<300x1xf32> to vector<1x300x1xf32>
    %reduce_sum3A_523 = arith.constant dense<0.000000e+00> : vector<1xf32>
    %reduce_sum3A_524 = vector.multi_reduction <add>, %reduce_sum3A_522, %reduce_sum3A_523 [1, 2] : vector<1x300x1xf32> to vector<1xf32>
    %reduce_sum3A_525 = vector.shape_cast %reduce_sum3A_524 : vector<1xf32> to vector<1x1x1xf32>
    %reduce_sum3A_526 = vector.extract %reduce_sum3A_525[0, 0, 0] : f32 from vector<1x1x1xf32>
    %add3A_527 = arith.addf %add3A_442, %reduce_sum3A_526 : f32
    %get3A_528 = arith.constant 6 : index
    %get3A_529 = arith.constant 0 : index
    %get3A_530 = arith.constant 0 : index
    %get3A_531 = vector.load %arg1[%get3A_528, %get3A_529, %get3A_530] : memref<16x1x304xi32, #tpu.memory_space<vmem>>, vector<1x1x304xi32>
    %get3A_532 = vector.shape_cast %get3A_531 : vector<1x1x304xi32> to vector<1x304xi32>
    %eq3A_533 = vector.broadcast %get3A_532 : vector<1x304xi32> to vector<92x304xi32>
    %eq3A_534 = arith.cmpi eq, %iota3A, %eq3A_533 : vector<92x304xi32>
    %convert_element_type3A_535 = arith.extui %eq3A_534 : vector<92x304xi1> to vector<92x304xi32>
    %convert_element_type3A_536 = arith.sitofp %convert_element_type3A_535 : vector<92x304xi32> to vector<92x304xf32>
    %dot_general3A_537 = arith.constant dense<0.000000e+00> : vector<300x304xf32>
    %dot_general3A_538 = tpu.matmul %div3A_510, %convert_element_type3A_536, %dot_general3A_537 {dimension_numbers = #tpu.dot_dimension_numbers<[1], [0], [0], [1], [0, 0, 1, 1], [], []>, transpose_lhs_hint = false} : vector<300x92xf32>, vector<92x304xf32>, vector<300x304xf32> -> vector<300x304xf32>
    %get3A_539 = arith.constant 6 : index
    %get3A_540 = arith.constant 0 : index
    %get3A_541 = arith.constant 0 : index
    %get3A_542 = vector.load %arg2[%get3A_539, %get3A_540, %get3A_541] : memref<16x300x4xf32, #tpu.memory_space<vmem>>, vector<1x300x4xf32>
    %get3A_543 = vector.shape_cast %get3A_542 : vector<1x300x4xf32> to vector<300x4xf32>
    %get3A_544 = arith.constant 6 : index
    %get3A_545 = arith.constant 0 : index
    %get3A_546 = arith.constant 0 : index
    %get3A_547 = vector.load %arg3[%get3A_544, %get3A_545, %get3A_546] : memref<16x300x4xf32, #tpu.memory_space<vmem>>, vector<1x300x4xf32>
    %get3A_548 = vector.shape_cast %get3A_547 : vector<1x300x4xf32> to vector<300x4xf32>
    %sub3A_549 = arith.subf %get3A_543, %get3A_548 : vector<300x4xf32>
    %abs3A_550 = math.absf %sub3A_549 : vector<300x4xf32>
    %reduce_sum3A_551 = arith.constant dense<0.000000e+00> : vector<300xf32>
    %reduce_sum3A_552 = vector.multi_reduction <add>, %abs3A_550, %reduce_sum3A_551 [1] : vector<300x4xf32> to vector<300xf32>
    %broadcast_in_dim3A_553 = vector.shape_cast %reduce_sum3A_552 : vector<300xf32> to vector<300x1xf32>
    %transpose3A_554 = tpu.transpose %broadcast_in_dim3A_553, [1, 0] : vector<300x1xf32> -> vector<1x300xf32>
    %broadcast_in_dim3A_555 = arith.constant 0.000000e+00 : f32
    %broadcast_in_dim3A_556 = vector.broadcast %broadcast_in_dim3A_555 : f32 to vector<1x4xf32>
    %concatenate3A_557 = tpu.concatenate %transpose3A_554, %broadcast_in_dim3A_556 in 1 : vector<1x300xf32>, vector<1x4xf32> -> vector<1x304xf32>
    %swap3A_558 = arith.constant 6 : index
    %swap3A_559 = arith.constant 0 : index
    %swap3A_560 = arith.constant 0 : index
    %swap3A_561 = vector.load %arg5[%swap3A_558, %swap3A_559, %swap3A_560] : memref<16x1x304xf32, #tpu.memory_space<vmem>>, vector<1x1x304xf32>
    %swap3A_562 = vector.shape_cast %swap3A_561 : vector<1x1x304xf32> to vector<1x304xf32>
    %swap3A_563 = vector.shape_cast %concatenate3A_557 : vector<1x304xf32> to vector<1x1x304xf32>
    tpu.vector_store %arg5[%swap3A_558, %swap3A_559, %swap3A_560], %swap3A_563 {strides = array<i32>} : memref<16x1x304xf32, #tpu.memory_space<vmem>>, vector<1x1x304xf32>,
    %mul3A_564 = arith.constant 5.000000e+00 : f32
    %mul3A_565 = vector.broadcast %mul3A_564 : f32 to vector<1x304xf32>
    %mul3A_566 = arith.mulf %mul3A_565, %concatenate3A_557 : vector<1x304xf32>
    %sub3A_567 = vector.broadcast %mul3A_566 : vector<1x304xf32> to vector<300x304xf32>
    %sub3A_568 = arith.subf %sub3A_567, %dot_general3A_538 : vector<300x304xf32>
    %jit3A_569 = arith.constant 0x7F800000 : f32
    %broadcast_in_dim3A_570 = vector.shape_cast %ge3A_2 : vector<1x304xi1> to vector<1x304xi1>
    %broadcast_in_dim3A_571 = vector.broadcast %broadcast_in_dim3A_570 : vector<1x304xi1> to vector<300x304xi1>
    %broadcast_in_dim3A_572 = vector.broadcast %jit3A_569 : f32 to vector<300x304xf32>
    %select_n3A_573 = arith.select %broadcast_in_dim3A_571, %broadcast_in_dim3A_572, %sub3A_568 : vector<300x304xi1>, vector<300x304xf32>
    %swap3A_574 = arith.constant 6 : index
    %swap3A_575 = arith.constant 0 : index
    %swap3A_576 = arith.constant 0 : index
    %swap3A_577 = vector.load %arg4[%swap3A_574, %swap3A_575, %swap3A_576] : memref<16x300x304xf32, #tpu.memory_space<vmem>>, vector<1x300x304xf32>
    %swap3A_578 = vector.shape_cast %swap3A_577 : vector<1x300x304xf32> to vector<300x304xf32>
    %swap3A_579 = vector.shape_cast %select_n3A_573 : vector<300x304xf32> to vector<1x300x304xf32>
    tpu.vector_store %arg4[%swap3A_574, %swap3A_575, %swap3A_576], %swap3A_579 {strides = array<i32>} : memref<16x300x304xf32, #tpu.memory_space<vmem>>, vector<1x300x304xf32>,
    %get3A_580 = arith.constant 7 : index
    %get3A_581 = arith.constant 0 : index
    %get3A_582 = arith.constant 0 : index
    %get3A_583 = vector.load %arg0[%get3A_580, %get3A_581, %get3A_582] : memref<16x300x92xf32, #tpu.memory_space<vmem>>, vector<1x300x92xf32>
    %get3A_584 = vector.shape_cast %get3A_583 : vector<1x300x92xf32> to vector<300x92xf32>
    %reduce_max3A_585 = arith.constant dense<0xFF800000> : vector<300xf32>
    %reduce_max3A_586 = vector.multi_reduction <maximumf>, %get3A_584, %reduce_max3A_585 [1] : vector<300x92xf32> to vector<300xf32>
    %broadcast_in_dim3A_587 = vector.shape_cast %reduce_max3A_586 : vector<300xf32> to vector<300x1xf32>
    %sub3A_588 = vector.broadcast %broadcast_in_dim3A_587 : vector<300x1xf32> to vector<300x92xf32>
    %sub3A_589 = arith.subf %get3A_584, %sub3A_588 : vector<300x92xf32>
    %exp3A_590 = math.exp %sub3A_589 : vector<300x92xf32>
    %reduce_sum3A_591 = arith.constant dense<0.000000e+00> : vector<300xf32>
    %reduce_sum3A_592 = vector.multi_reduction <add>, %exp3A_590, %reduce_sum3A_591 [1] : vector<300x92xf32> to vector<300xf32>
    %broadcast_in_dim3A_593 = vector.shape_cast %reduce_sum3A_592 : vector<300xf32> to vector<300x1xf32>
    %div3A_594 = vector.broadcast %broadcast_in_dim3A_593 : vector<300x1xf32> to vector<300x92xf32>
    %div3A_595 = arith.divf %exp3A_590, %div3A_594 : vector<300x92xf32>
    %reduce_max3A_596 = arith.constant dense<0xFF800000> : vector<300xf32>
    %reduce_max3A_597 = vector.multi_reduction <maximumf>, %div3A_595, %reduce_max3A_596 [1] : vector<300x92xf32> to vector<300xf32>
    %broadcast_in_dim3A_598 = vector.shape_cast %reduce_max3A_597 : vector<300xf32> to vector<300x1xf32>
    %sub3A_599 = vector.broadcast %broadcast_in_dim3A_598 : vector<300x1xf32> to vector<300x92xf32>
    %sub3A_600 = arith.subf %div3A_595, %sub3A_599 : vector<300x92xf32>
    %exp3A_601 = math.exp %sub3A_600 : vector<300x92xf32>
    %reduce_sum3A_602 = arith.constant dense<0.000000e+00> : vector<300xf32>
    %reduce_sum3A_603 = vector.multi_reduction <add>, %exp3A_601, %reduce_sum3A_602 [1] : vector<300x92xf32> to vector<300xf32>
    %broadcast_in_dim3A_604 = vector.shape_cast %reduce_sum3A_603 : vector<300xf32> to vector<300x1xf32>
    %log3A_605 = math.log %broadcast_in_dim3A_604 : vector<300x1xf32>
    %add3A_606 = arith.addf %log3A_605, %broadcast_in_dim3A_598 : vector<300x1xf32>
    %reduce_sum3A_607 = vector.shape_cast %add3A_606 : vector<300x1xf32> to vector<1x300x1xf32>
    %reduce_sum3A_608 = arith.constant dense<0.000000e+00> : vector<1xf32>
    %reduce_sum3A_609 = vector.multi_reduction <add>, %reduce_sum3A_607, %reduce_sum3A_608 [1, 2] : vector<1x300x1xf32> to vector<1xf32>
    %reduce_sum3A_610 = vector.shape_cast %reduce_sum3A_609 : vector<1xf32> to vector<1x1x1xf32>
    %reduce_sum3A_611 = vector.extract %reduce_sum3A_610[0, 0, 0] : f32 from vector<1x1x1xf32>
    %add3A_612 = arith.addf %add3A_527, %reduce_sum3A_611 : f32
    %get3A_613 = arith.constant 7 : index
    %get3A_614 = arith.constant 0 : index
    %get3A_615 = arith.constant 0 : index
    %get3A_616 = vector.load %arg1[%get3A_613, %get3A_614, %get3A_615] : memref<16x1x304xi32, #tpu.memory_space<vmem>>, vector<1x1x304xi32>
    %get3A_617 = vector.shape_cast %get3A_616 : vector<1x1x304xi32> to vector<1x304xi32>
    %eq3A_618 = vector.broadcast %get3A_617 : vector<1x304xi32> to vector<92x304xi32>
    %eq3A_619 = arith.cmpi eq, %iota3A, %eq3A_618 : vector<92x304xi32>
    %convert_element_type3A_620 = arith.extui %eq3A_619 : vector<92x304xi1> to vector<92x304xi32>
    %convert_element_type3A_621 = arith.sitofp %convert_element_type3A_620 : vector<92x304xi32> to vector<92x304xf32>
    %dot_general3A_622 = arith.constant dense<0.000000e+00> : vector<300x304xf32>
    %dot_general3A_623 = tpu.matmul %div3A_595, %convert_element_type3A_621, %dot_general3A_622 {dimension_numbers = #tpu.dot_dimension_numbers<[1], [0], [0], [1], [0, 0, 1, 1], [], []>, transpose_lhs_hint = false} : vector<300x92xf32>, vector<92x304xf32>, vector<300x304xf32> -> vector<300x304xf32>
    %get3A_624 = arith.constant 7 : index
    %get3A_625 = arith.constant 0 : index
    %get3A_626 = arith.constant 0 : index
    %get3A_627 = vector.load %arg2[%get3A_624, %get3A_625, %get3A_626] : memref<16x300x4xf32, #tpu.memory_space<vmem>>, vector<1x300x4xf32>
    %get3A_628 = vector.shape_cast %get3A_627 : vector<1x300x4xf32> to vector<300x4xf32>
    %get3A_629 = arith.constant 7 : index
    %get3A_630 = arith.constant 0 : index
    %get3A_631 = arith.constant 0 : index
    %get3A_632 = vector.load %arg3[%get3A_629, %get3A_630, %get3A_631] : memref<16x300x4xf32, #tpu.memory_space<vmem>>, vector<1x300x4xf32>
    %get3A_633 = vector.shape_cast %get3A_632 : vector<1x300x4xf32> to vector<300x4xf32>
    %sub3A_634 = arith.subf %get3A_628, %get3A_633 : vector<300x4xf32>
    %abs3A_635 = math.absf %sub3A_634 : vector<300x4xf32>
    %reduce_sum3A_636 = arith.constant dense<0.000000e+00> : vector<300xf32>
    %reduce_sum3A_637 = vector.multi_reduction <add>, %abs3A_635, %reduce_sum3A_636 [1] : vector<300x4xf32> to vector<300xf32>
    %broadcast_in_dim3A_638 = vector.shape_cast %reduce_sum3A_637 : vector<300xf32> to vector<300x1xf32>
    %transpose3A_639 = tpu.transpose %broadcast_in_dim3A_638, [1, 0] : vector<300x1xf32> -> vector<1x300xf32>
    %broadcast_in_dim3A_640 = arith.constant 0.000000e+00 : f32
    %broadcast_in_dim3A_641 = vector.broadcast %broadcast_in_dim3A_640 : f32 to vector<1x4xf32>
    %concatenate3A_642 = tpu.concatenate %transpose3A_639, %broadcast_in_dim3A_641 in 1 : vector<1x300xf32>, vector<1x4xf32> -> vector<1x304xf32>
    %swap3A_643 = arith.constant 7 : index
    %swap3A_644 = arith.constant 0 : index
    %swap3A_645 = arith.constant 0 : index
    %swap3A_646 = vector.load %arg5[%swap3A_643, %swap3A_644, %swap3A_645] : memref<16x1x304xf32, #tpu.memory_space<vmem>>, vector<1x1x304xf32>
    %swap3A_647 = vector.shape_cast %swap3A_646 : vector<1x1x304xf32> to vector<1x304xf32>
    %swap3A_648 = vector.shape_cast %concatenate3A_642 : vector<1x304xf32> to vector<1x1x304xf32>
    tpu.vector_store %arg5[%swap3A_643, %swap3A_644, %swap3A_645], %swap3A_648 {strides = array<i32>} : memref<16x1x304xf32, #tpu.memory_space<vmem>>, vector<1x1x304xf32>,
    %mul3A_649 = arith.constant 5.000000e+00 : f32
    %mul3A_650 = vector.broadcast %mul3A_649 : f32 to vector<1x304xf32>
    %mul3A_651 = arith.mulf %mul3A_650, %concatenate3A_642 : vector<1x304xf32>
    %sub3A_652 = vector.broadcast %mul3A_651 : vector<1x304xf32> to vector<300x304xf32>
    %sub3A_653 = arith.subf %sub3A_652, %dot_general3A_623 : vector<300x304xf32>
    %jit3A_654 = arith.constant 0x7F800000 : f32
    %broadcast_in_dim3A_655 = vector.shape_cast %ge3A_2 : vector<1x304xi1> to vector<1x304xi1>
    %broadcast_in_dim3A_656 = vector.broadcast %broadcast_in_dim3A_655 : vector<1x304xi1> to vector<300x304xi1>
    %broadcast_in_dim3A_657 = vector.broadcast %jit3A_654 : f32 to vector<300x304xf32>
    %select_n3A_658 = arith.select %broadcast_in_dim3A_656, %broadcast_in_dim3A_657, %sub3A_653 : vector<300x304xi1>, vector<300x304xf32>
    %swap3A_659 = arith.constant 7 : index
    %swap3A_660 = arith.constant 0 : index
    %swap3A_661 = arith.constant 0 : index
    %swap3A_662 = vector.load %arg4[%swap3A_659, %swap3A_660, %swap3A_661] : memref<16x300x304xf32, #tpu.memory_space<vmem>>, vector<1x300x304xf32>
    %swap3A_663 = vector.shape_cast %swap3A_662 : vector<1x300x304xf32> to vector<300x304xf32>
    %swap3A_664 = vector.shape_cast %select_n3A_658 : vector<300x304xf32> to vector<1x300x304xf32>
    tpu.vector_store %arg4[%swap3A_659, %swap3A_660, %swap3A_661], %swap3A_664 {strides = array<i32>} : memref<16x300x304xf32, #tpu.memory_space<vmem>>, vector<1x300x304xf32>,
    %get3A_665 = arith.constant 8 : index
    %get3A_666 = arith.constant 0 : index
    %get3A_667 = arith.constant 0 : index
    %get3A_668 = vector.load %arg0[%get3A_665, %get3A_666, %get3A_667] : memref<16x300x92xf32, #tpu.memory_space<vmem>>, vector<1x300x92xf32>
    %get3A_669 = vector.shape_cast %get3A_668 : vector<1x300x92xf32> to vector<300x92xf32>
    %reduce_max3A_670 = arith.constant dense<0xFF800000> : vector<300xf32>
    %reduce_max3A_671 = vector.multi_reduction <maximumf>, %get3A_669, %reduce_max3A_670 [1] : vector<300x92xf32> to vector<300xf32>
    %broadcast_in_dim3A_672 = vector.shape_cast %reduce_max3A_671 : vector<300xf32> to vector<300x1xf32>
    %sub3A_673 = vector.broadcast %broadcast_in_dim3A_672 : vector<300x1xf32> to vector<300x92xf32>
    %sub3A_674 = arith.subf %get3A_669, %sub3A_673 : vector<300x92xf32>
    %exp3A_675 = math.exp %sub3A_674 : vector<300x92xf32>
    %reduce_sum3A_676 = arith.constant dense<0.000000e+00> : vector<300xf32>
    %reduce_sum3A_677 = vector.multi_reduction <add>, %exp3A_675, %reduce_sum3A_676 [1] : vector<300x92xf32> to vector<300xf32>
    %broadcast_in_dim3A_678 = vector.shape_cast %reduce_sum3A_677 : vector<300xf32> to vector<300x1xf32>
    %div3A_679 = vector.broadcast %broadcast_in_dim3A_678 : vector<300x1xf32> to vector<300x92xf32>
    %div3A_680 = arith.divf %exp3A_675, %div3A_679 : vector<300x92xf32>
    %reduce_max3A_681 = arith.constant dense<0xFF800000> : vector<300xf32>
    %reduce_max3A_682 = vector.multi_reduction <maximumf>, %div3A_680, %reduce_max3A_681 [1] : vector<300x92xf32> to vector<300xf32>
    %broadcast_in_dim3A_683 = vector.shape_cast %reduce_max3A_682 : vector<300xf32> to vector<300x1xf32>
    %sub3A_684 = vector.broadcast %broadcast_in_dim3A_683 : vector<300x1xf32> to vector<300x92xf32>
    %sub3A_685 = arith.subf %div3A_680, %sub3A_684 : vector<300x92xf32>
    %exp3A_686 = math.exp %sub3A_685 : vector<300x92xf32>
    %reduce_sum3A_687 = arith.constant dense<0.000000e+00> : vector<300xf32>
    %reduce_sum3A_688 = vector.multi_reduction <add>, %exp3A_686, %reduce_sum3A_687 [1] : vector<300x92xf32> to vector<300xf32>
    %broadcast_in_dim3A_689 = vector.shape_cast %reduce_sum3A_688 : vector<300xf32> to vector<300x1xf32>
    %log3A_690 = math.log %broadcast_in_dim3A_689 : vector<300x1xf32>
    %add3A_691 = arith.addf %log3A_690, %broadcast_in_dim3A_683 : vector<300x1xf32>
    %reduce_sum3A_692 = vector.shape_cast %add3A_691 : vector<300x1xf32> to vector<1x300x1xf32>
    %reduce_sum3A_693 = arith.constant dense<0.000000e+00> : vector<1xf32>
    %reduce_sum3A_694 = vector.multi_reduction <add>, %reduce_sum3A_692, %reduce_sum3A_693 [1, 2] : vector<1x300x1xf32> to vector<1xf32>
    %reduce_sum3A_695 = vector.shape_cast %reduce_sum3A_694 : vector<1xf32> to vector<1x1x1xf32>
    %reduce_sum3A_696 = vector.extract %reduce_sum3A_695[0, 0, 0] : f32 from vector<1x1x1xf32>
    %add3A_697 = arith.addf %add3A_612, %reduce_sum3A_696 : f32
    %get3A_698 = arith.constant 8 : index
    %get3A_699 = arith.constant 0 : index
    %get3A_700 = arith.constant 0 : index
    %get3A_701 = vector.load %arg1[%get3A_698, %get3A_699, %get3A_700] : memref<16x1x304xi32, #tpu.memory_space<vmem>>, vector<1x1x304xi32>
    %get3A_702 = vector.shape_cast %get3A_701 : vector<1x1x304xi32> to vector<1x304xi32>
    %eq3A_703 = vector.broadcast %get3A_702 : vector<1x304xi32> to vector<92x304xi32>
    %eq3A_704 = arith.cmpi eq, %iota3A, %eq3A_703 : vector<92x304xi32>
    %convert_element_type3A_705 = arith.extui %eq3A_704 : vector<92x304xi1> to vector<92x304xi32>
    %convert_element_type3A_706 = arith.sitofp %convert_element_type3A_705 : vector<92x304xi32> to vector<92x304xf32>
    %dot_general3A_707 = arith.constant dense<0.000000e+00> : vector<300x304xf32>
    %dot_general3A_708 = tpu.matmul %div3A_680, %convert_element_type3A_706, %dot_general3A_707 {dimension_numbers = #tpu.dot_dimension_numbers<[1], [0], [0], [1], [0, 0, 1, 1], [], []>, transpose_lhs_hint = false} : vector<300x92xf32>, vector<92x304xf32>, vector<300x304xf32> -> vector<300x304xf32>
    %get3A_709 = arith.constant 8 : index
    %get3A_710 = arith.constant 0 : index
    %get3A_711 = arith.constant 0 : index
    %get3A_712 = vector.load %arg2[%get3A_709, %get3A_710, %get3A_711] : memref<16x300x4xf32, #tpu.memory_space<vmem>>, vector<1x300x4xf32>
    %get3A_713 = vector.shape_cast %get3A_712 : vector<1x300x4xf32> to vector<300x4xf32>
    %get3A_714 = arith.constant 8 : index
    %get3A_715 = arith.constant 0 : index
    %get3A_716 = arith.constant 0 : index
    %get3A_717 = vector.load %arg3[%get3A_714, %get3A_715, %get3A_716] : memref<16x300x4xf32, #tpu.memory_space<vmem>>, vector<1x300x4xf32>
    %get3A_718 = vector.shape_cast %get3A_717 : vector<1x300x4xf32> to vector<300x4xf32>
    %sub3A_719 = arith.subf %get3A_713, %get3A_718 : vector<300x4xf32>
    %abs3A_720 = math.absf %sub3A_719 : vector<300x4xf32>
    %reduce_sum3A_721 = arith.constant dense<0.000000e+00> : vector<300xf32>
    %reduce_sum3A_722 = vector.multi_reduction <add>, %abs3A_720, %reduce_sum3A_721 [1] : vector<300x4xf32> to vector<300xf32>
    %broadcast_in_dim3A_723 = vector.shape_cast %reduce_sum3A_722 : vector<300xf32> to vector<300x1xf32>
    %transpose3A_724 = tpu.transpose %broadcast_in_dim3A_723, [1, 0] : vector<300x1xf32> -> vector<1x300xf32>
    %broadcast_in_dim3A_725 = arith.constant 0.000000e+00 : f32
    %broadcast_in_dim3A_726 = vector.broadcast %broadcast_in_dim3A_725 : f32 to vector<1x4xf32>
    %concatenate3A_727 = tpu.concatenate %transpose3A_724, %broadcast_in_dim3A_726 in 1 : vector<1x300xf32>, vector<1x4xf32> -> vector<1x304xf32>
    %swap3A_728 = arith.constant 8 : index
    %swap3A_729 = arith.constant 0 : index
    %swap3A_730 = arith.constant 0 : index
    %swap3A_731 = vector.load %arg5[%swap3A_728, %swap3A_729, %swap3A_730] : memref<16x1x304xf32, #tpu.memory_space<vmem>>, vector<1x1x304xf32>
    %swap3A_732 = vector.shape_cast %swap3A_731 : vector<1x1x304xf32> to vector<1x304xf32>
    %swap3A_733 = vector.shape_cast %concatenate3A_727 : vector<1x304xf32> to vector<1x1x304xf32>
    tpu.vector_store %arg5[%swap3A_728, %swap3A_729, %swap3A_730], %swap3A_733 {strides = array<i32>} : memref<16x1x304xf32, #tpu.memory_space<vmem>>, vector<1x1x304xf32>,
    %mul3A_734 = arith.constant 5.000000e+00 : f32
    %mul3A_735 = vector.broadcast %mul3A_734 : f32 to vector<1x304xf32>
    %mul3A_736 = arith.mulf %mul3A_735, %concatenate3A_727 : vector<1x304xf32>
    %sub3A_737 = vector.broadcast %mul3A_736 : vector<1x304xf32> to vector<300x304xf32>
    %sub3A_738 = arith.subf %sub3A_737, %dot_general3A_708 : vector<300x304xf32>
    %jit3A_739 = arith.constant 0x7F800000 : f32
    %broadcast_in_dim3A_740 = vector.shape_cast %ge3A_2 : vector<1x304xi1> to vector<1x304xi1>
    %broadcast_in_dim3A_741 = vector.broadcast %broadcast_in_dim3A_740 : vector<1x304xi1> to vector<300x304xi1>
    %broadcast_in_dim3A_742 = vector.broadcast %jit3A_739 : f32 to vector<300x304xf32>
    %select_n3A_743 = arith.select %broadcast_in_dim3A_741, %broadcast_in_dim3A_742, %sub3A_738 : vector<300x304xi1>, vector<300x304xf32>
    %swap3A_744 = arith.constant 8 : index
    %swap3A_745 = arith.constant 0 : index
    %swap3A_746 = arith.constant 0 : index
    %swap3A_747 = vector.load %arg4[%swap3A_744, %swap3A_745, %swap3A_746] : memref<16x300x304xf32, #tpu.memory_space<vmem>>, vector<1x300x304xf32>
    %swap3A_748 = vector.shape_cast %swap3A_747 : vector<1x300x304xf32> to vector<300x304xf32>
    %swap3A_749 = vector.shape_cast %select_n3A_743 : vector<300x304xf32> to vector<1x300x304xf32>
    tpu.vector_store %arg4[%swap3A_744, %swap3A_745, %swap3A_746], %swap3A_749 {strides = array<i32>} : memref<16x300x304xf32, #tpu.memory_space<vmem>>, vector<1x300x304xf32>,
    %get3A_750 = arith.constant 9 : index
    %get3A_751 = arith.constant 0 : index
    %get3A_752 = arith.constant 0 : index
    %get3A_753 = vector.load %arg0[%get3A_750, %get3A_751, %get3A_752] : memref<16x300x92xf32, #tpu.memory_space<vmem>>, vector<1x300x92xf32>
    %get3A_754 = vector.shape_cast %get3A_753 : vector<1x300x92xf32> to vector<300x92xf32>
    %reduce_max3A_755 = arith.constant dense<0xFF800000> : vector<300xf32>
    %reduce_max3A_756 = vector.multi_reduction <maximumf>, %get3A_754, %reduce_max3A_755 [1] : vector<300x92xf32> to vector<300xf32>
    %broadcast_in_dim3A_757 = vector.shape_cast %reduce_max3A_756 : vector<300xf32> to vector<300x1xf32>
    %sub3A_758 = vector.broadcast %broadcast_in_dim3A_757 : vector<300x1xf32> to vector<300x92xf32>
    %sub3A_759 = arith.subf %get3A_754, %sub3A_758 : vector<300x92xf32>
    %exp3A_760 = math.exp %sub3A_759 : vector<300x92xf32>
    %reduce_sum3A_761 = arith.constant dense<0.000000e+00> : vector<300xf32>
    %reduce_sum3A_762 = vector.multi_reduction <add>, %exp3A_760, %reduce_sum3A_761 [1] : vector<300x92xf32> to vector<300xf32>
    %broadcast_in_dim3A_763 = vector.shape_cast %reduce_sum3A_762 : vector<300xf32> to vector<300x1xf32>
    %div3A_764 = vector.broadcast %broadcast_in_dim3A_763 : vector<300x1xf32> to vector<300x92xf32>
    %div3A_765 = arith.divf %exp3A_760, %div3A_764 : vector<300x92xf32>
    %reduce_max3A_766 = arith.constant dense<0xFF800000> : vector<300xf32>
    %reduce_max3A_767 = vector.multi_reduction <maximumf>, %div3A_765, %reduce_max3A_766 [1] : vector<300x92xf32> to vector<300xf32>
    %broadcast_in_dim3A_768 = vector.shape_cast %reduce_max3A_767 : vector<300xf32> to vector<300x1xf32>
    %sub3A_769 = vector.broadcast %broadcast_in_dim3A_768 : vector<300x1xf32> to vector<300x92xf32>
    %sub3A_770 = arith.subf %div3A_765, %sub3A_769 : vector<300x92xf32>
    %exp3A_771 = math.exp %sub3A_770 : vector<300x92xf32>
    %reduce_sum3A_772 = arith.constant dense<0.000000e+00> : vector<300xf32>
    %reduce_sum3A_773 = vector.multi_reduction <add>, %exp3A_771, %reduce_sum3A_772 [1] : vector<300x92xf32> to vector<300xf32>
    %broadcast_in_dim3A_774 = vector.shape_cast %reduce_sum3A_773 : vector<300xf32> to vector<300x1xf32>
    %log3A_775 = math.log %broadcast_in_dim3A_774 : vector<300x1xf32>
    %add3A_776 = arith.addf %log3A_775, %broadcast_in_dim3A_768 : vector<300x1xf32>
    %reduce_sum3A_777 = vector.shape_cast %add3A_776 : vector<300x1xf32> to vector<1x300x1xf32>
    %reduce_sum3A_778 = arith.constant dense<0.000000e+00> : vector<1xf32>
    %reduce_sum3A_779 = vector.multi_reduction <add>, %reduce_sum3A_777, %reduce_sum3A_778 [1, 2] : vector<1x300x1xf32> to vector<1xf32>
    %reduce_sum3A_780 = vector.shape_cast %reduce_sum3A_779 : vector<1xf32> to vector<1x1x1xf32>
    %reduce_sum3A_781 = vector.extract %reduce_sum3A_780[0, 0, 0] : f32 from vector<1x1x1xf32>
    %add3A_782 = arith.addf %add3A_697, %reduce_sum3A_781 : f32
    %get3A_783 = arith.constant 9 : index
    %get3A_784 = arith.constant 0 : index
    %get3A_785 = arith.constant 0 : index
    %get3A_786 = vector.load %arg1[%get3A_783, %get3A_784, %get3A_785] : memref<16x1x304xi32, #tpu.memory_space<vmem>>, vector<1x1x304xi32>
    %get3A_787 = vector.shape_cast %get3A_786 : vector<1x1x304xi32> to vector<1x304xi32>
    %eq3A_788 = vector.broadcast %get3A_787 : vector<1x304xi32> to vector<92x304xi32>
    %eq3A_789 = arith.cmpi eq, %iota3A, %eq3A_788 : vector<92x304xi32>
    %convert_element_type3A_790 = arith.extui %eq3A_789 : vector<92x304xi1> to vector<92x304xi32>
    %convert_element_type3A_791 = arith.sitofp %convert_element_type3A_790 : vector<92x304xi32> to vector<92x304xf32>
    %dot_general3A_792 = arith.constant dense<0.000000e+00> : vector<300x304xf32>
    %dot_general3A_793 = tpu.matmul %div3A_765, %convert_element_type3A_791, %dot_general3A_792 {dimension_numbers = #tpu.dot_dimension_numbers<[1], [0], [0], [1], [0, 0, 1, 1], [], []>, transpose_lhs_hint = false} : vector<300x92xf32>, vector<92x304xf32>, vector<300x304xf32> -> vector<300x304xf32>
    %get3A_794 = arith.constant 9 : index
    %get3A_795 = arith.constant 0 : index
    %get3A_796 = arith.constant 0 : index
    %get3A_797 = vector.load %arg2[%get3A_794, %get3A_795, %get3A_796] : memref<16x300x4xf32, #tpu.memory_space<vmem>>, vector<1x300x4xf32>
    %get3A_798 = vector.shape_cast %get3A_797 : vector<1x300x4xf32> to vector<300x4xf32>
    %get3A_799 = arith.constant 9 : index
    %get3A_800 = arith.constant 0 : index
    %get3A_801 = arith.constant 0 : index
    %get3A_802 = vector.load %arg3[%get3A_799, %get3A_800, %get3A_801] : memref<16x300x4xf32, #tpu.memory_space<vmem>>, vector<1x300x4xf32>
    %get3A_803 = vector.shape_cast %get3A_802 : vector<1x300x4xf32> to vector<300x4xf32>
    %sub3A_804 = arith.subf %get3A_798, %get3A_803 : vector<300x4xf32>
    %abs3A_805 = math.absf %sub3A_804 : vector<300x4xf32>
    %reduce_sum3A_806 = arith.constant dense<0.000000e+00> : vector<300xf32>
    %reduce_sum3A_807 = vector.multi_reduction <add>, %abs3A_805, %reduce_sum3A_806 [1] : vector<300x4xf32> to vector<300xf32>
    %broadcast_in_dim3A_808 = vector.shape_cast %reduce_sum3A_807 : vector<300xf32> to vector<300x1xf32>
    %transpose3A_809 = tpu.transpose %broadcast_in_dim3A_808, [1, 0] : vector<300x1xf32> -> vector<1x300xf32>
    %broadcast_in_dim3A_810 = arith.constant 0.000000e+00 : f32
    %broadcast_in_dim3A_811 = vector.broadcast %broadcast_in_dim3A_810 : f32 to vector<1x4xf32>
    %concatenate3A_812 = tpu.concatenate %transpose3A_809, %broadcast_in_dim3A_811 in 1 : vector<1x300xf32>, vector<1x4xf32> -> vector<1x304xf32>
    %swap3A_813 = arith.constant 9 : index
    %swap3A_814 = arith.constant 0 : index
    %swap3A_815 = arith.constant 0 : index
    %swap3A_816 = vector.load %arg5[%swap3A_813, %swap3A_814, %swap3A_815] : memref<16x1x304xf32, #tpu.memory_space<vmem>>, vector<1x1x304xf32>
    %swap3A_817 = vector.shape_cast %swap3A_816 : vector<1x1x304xf32> to vector<1x304xf32>
    %swap3A_818 = vector.shape_cast %concatenate3A_812 : vector<1x304xf32> to vector<1x1x304xf32>
    tpu.vector_store %arg5[%swap3A_813, %swap3A_814, %swap3A_815], %swap3A_818 {strides = array<i32>} : memref<16x1x304xf32, #tpu.memory_space<vmem>>, vector<1x1x304xf32>,
    %mul3A_819 = arith.constant 5.000000e+00 : f32
    %mul3A_820 = vector.broadcast %mul3A_819 : f32 to vector<1x304xf32>
    %mul3A_821 = arith.mulf %mul3A_820, %concatenate3A_812 : vector<1x304xf32>
    %sub3A_822 = vector.broadcast %mul3A_821 : vector<1x304xf32> to vector<300x304xf32>
    %sub3A_823 = arith.subf %sub3A_822, %dot_general3A_793 : vector<300x304xf32>
    %jit3A_824 = arith.constant 0x7F800000 : f32
    %broadcast_in_dim3A_825 = vector.shape_cast %ge3A_2 : vector<1x304xi1> to vector<1x304xi1>
    %broadcast_in_dim3A_826 = vector.broadcast %broadcast_in_dim3A_825 : vector<1x304xi1> to vector<300x304xi1>
    %broadcast_in_dim3A_827 = vector.broadcast %jit3A_824 : f32 to vector<300x304xf32>
    %select_n3A_828 = arith.select %broadcast_in_dim3A_826, %broadcast_in_dim3A_827, %sub3A_823 : vector<300x304xi1>, vector<300x304xf32>
    %swap3A_829 = arith.constant 9 : index
    %swap3A_830 = arith.constant 0 : index
    %swap3A_831 = arith.constant 0 : index
    %swap3A_832 = vector.load %arg4[%swap3A_829, %swap3A_830, %swap3A_831] : memref<16x300x304xf32, #tpu.memory_space<vmem>>, vector<1x300x304xf32>
    %swap3A_833 = vector.shape_cast %swap3A_832 : vector<1x300x304xf32> to vector<300x304xf32>
    %swap3A_834 = vector.shape_cast %select_n3A_828 : vector<300x304xf32> to vector<1x300x304xf32>
    tpu.vector_store %arg4[%swap3A_829, %swap3A_830, %swap3A_831], %swap3A_834 {strides = array<i32>} : memref<16x300x304xf32, #tpu.memory_space<vmem>>, vector<1x300x304xf32>,
    %get3A_835 = arith.constant 10 : index
    %get3A_836 = arith.constant 0 : index
    %get3A_837 = arith.constant 0 : index
    %get3A_838 = vector.load %arg0[%get3A_835, %get3A_836, %get3A_837] : memref<16x300x92xf32, #tpu.memory_space<vmem>>, vector<1x300x92xf32>
    %get3A_839 = vector.shape_cast %get3A_838 : vector<1x300x92xf32> to vector<300x92xf32>
    %reduce_max3A_840 = arith.constant dense<0xFF800000> : vector<300xf32>
    %reduce_max3A_841 = vector.multi_reduction <maximumf>, %get3A_839, %reduce_max3A_840 [1] : vector<300x92xf32> to vector<300xf32>
    %broadcast_in_dim3A_842 = vector.shape_cast %reduce_max3A_841 : vector<300xf32> to vector<300x1xf32>
    %sub3A_843 = vector.broadcast %broadcast_in_dim3A_842 : vector<300x1xf32> to vector<300x92xf32>
    %sub3A_844 = arith.subf %get3A_839, %sub3A_843 : vector<300x92xf32>
    %exp3A_845 = math.exp %sub3A_844 : vector<300x92xf32>
    %reduce_sum3A_846 = arith.constant dense<0.000000e+00> : vector<300xf32>
    %reduce_sum3A_847 = vector.multi_reduction <add>, %exp3A_845, %reduce_sum3A_846 [1] : vector<300x92xf32> to vector<300xf32>
    %broadcast_in_dim3A_848 = vector.shape_cast %reduce_sum3A_847 : vector<300xf32> to vector<300x1xf32>
    %div3A_849 = vector.broadcast %broadcast_in_dim3A_848 : vector<300x1xf32> to vector<300x92xf32>
    %div3A_850 = arith.divf %exp3A_845, %div3A_849 : vector<300x92xf32>
    %reduce_max3A_851 = arith.constant dense<0xFF800000> : vector<300xf32>
    %reduce_max3A_852 = vector.multi_reduction <maximumf>, %div3A_850, %reduce_max3A_851 [1] : vector<300x92xf32> to vector<300xf32>
    %broadcast_in_dim3A_853 = vector.shape_cast %reduce_max3A_852 : vector<300xf32> to vector<300x1xf32>
    %sub3A_854 = vector.broadcast %broadcast_in_dim3A_853 : vector<300x1xf32> to vector<300x92xf32>
    %sub3A_855 = arith.subf %div3A_850, %sub3A_854 : vector<300x92xf32>
    %exp3A_856 = math.exp %sub3A_855 : vector<300x92xf32>
    %reduce_sum3A_857 = arith.constant dense<0.000000e+00> : vector<300xf32>
    %reduce_sum3A_858 = vector.multi_reduction <add>, %exp3A_856, %reduce_sum3A_857 [1] : vector<300x92xf32> to vector<300xf32>
    %broadcast_in_dim3A_859 = vector.shape_cast %reduce_sum3A_858 : vector<300xf32> to vector<300x1xf32>
    %log3A_860 = math.log %broadcast_in_dim3A_859 : vector<300x1xf32>
    %add3A_861 = arith.addf %log3A_860, %broadcast_in_dim3A_853 : vector<300x1xf32>
    %reduce_sum3A_862 = vector.shape_cast %add3A_861 : vector<300x1xf32> to vector<1x300x1xf32>
    %reduce_sum3A_863 = arith.constant dense<0.000000e+00> : vector<1xf32>
    %reduce_sum3A_864 = vector.multi_reduction <add>, %reduce_sum3A_862, %reduce_sum3A_863 [1, 2] : vector<1x300x1xf32> to vector<1xf32>
    %reduce_sum3A_865 = vector.shape_cast %reduce_sum3A_864 : vector<1xf32> to vector<1x1x1xf32>
    %reduce_sum3A_866 = vector.extract %reduce_sum3A_865[0, 0, 0] : f32 from vector<1x1x1xf32>
    %add3A_867 = arith.addf %add3A_782, %reduce_sum3A_866 : f32
    %get3A_868 = arith.constant 10 : index
    %get3A_869 = arith.constant 0 : index
    %get3A_870 = arith.constant 0 : index
    %get3A_871 = vector.load %arg1[%get3A_868, %get3A_869, %get3A_870] : memref<16x1x304xi32, #tpu.memory_space<vmem>>, vector<1x1x304xi32>
    %get3A_872 = vector.shape_cast %get3A_871 : vector<1x1x304xi32> to vector<1x304xi32>
    %eq3A_873 = vector.broadcast %get3A_872 : vector<1x304xi32> to vector<92x304xi32>
    %eq3A_874 = arith.cmpi eq, %iota3A, %eq3A_873 : vector<92x304xi32>
    %convert_element_type3A_875 = arith.extui %eq3A_874 : vector<92x304xi1> to vector<92x304xi32>
    %convert_element_type3A_876 = arith.sitofp %convert_element_type3A_875 : vector<92x304xi32> to vector<92x304xf32>
    %dot_general3A_877 = arith.constant dense<0.000000e+00> : vector<300x304xf32>
    %dot_general3A_878 = tpu.matmul %div3A_850, %convert_element_type3A_876, %dot_general3A_877 {dimension_numbers = #tpu.dot_dimension_numbers<[1], [0], [0], [1], [0, 0, 1, 1], [], []>, transpose_lhs_hint = false} : vector<300x92xf32>, vector<92x304xf32>, vector<300x304xf32> -> vector<300x304xf32>
    %get3A_879 = arith.constant 10 : index
    %get3A_880 = arith.constant 0 : index
    %get3A_881 = arith.constant 0 : index
    %get3A_882 = vector.load %arg2[%get3A_879, %get3A_880, %get3A_881] : memref<16x300x4xf32, #tpu.memory_space<vmem>>, vector<1x300x4xf32>
    %get3A_883 = vector.shape_cast %get3A_882 : vector<1x300x4xf32> to vector<300x4xf32>
    %get3A_884 = arith.constant 10 : index
    %get3A_885 = arith.constant 0 : index
    %get3A_886 = arith.constant 0 : index
    %get3A_887 = vector.load %arg3[%get3A_884, %get3A_885, %get3A_886] : memref<16x300x4xf32, #tpu.memory_space<vmem>>, vector<1x300x4xf32>
    %get3A_888 = vector.shape_cast %get3A_887 : vector<1x300x4xf32> to vector<300x4xf32>
    %sub3A_889 = arith.subf %get3A_883, %get3A_888 : vector<300x4xf32>
    %abs3A_890 = math.absf %sub3A_889 : vector<300x4xf32>
    %reduce_sum3A_891 = arith.constant dense<0.000000e+00> : vector<300xf32>
    %reduce_sum3A_892 = vector.multi_reduction <add>, %abs3A_890, %reduce_sum3A_891 [1] : vector<300x4xf32> to vector<300xf32>
    %broadcast_in_dim3A_893 = vector.shape_cast %reduce_sum3A_892 : vector<300xf32> to vector<300x1xf32>
    %transpose3A_894 = tpu.transpose %broadcast_in_dim3A_893, [1, 0] : vector<300x1xf32> -> vector<1x300xf32>
    %broadcast_in_dim3A_895 = arith.constant 0.000000e+00 : f32
    %broadcast_in_dim3A_896 = vector.broadcast %broadcast_in_dim3A_895 : f32 to vector<1x4xf32>
    %concatenate3A_897 = tpu.concatenate %transpose3A_894, %broadcast_in_dim3A_896 in 1 : vector<1x300xf32>, vector<1x4xf32> -> vector<1x304xf32>
    %swap3A_898 = arith.constant 10 : index
    %swap3A_899 = arith.constant 0 : index
    %swap3A_900 = arith.constant 0 : index
    %swap3A_901 = vector.load %arg5[%swap3A_898, %swap3A_899, %swap3A_900] : memref<16x1x304xf32, #tpu.memory_space<vmem>>, vector<1x1x304xf32>
    %swap3A_902 = vector.shape_cast %swap3A_901 : vector<1x1x304xf32> to vector<1x304xf32>
    %swap3A_903 = vector.shape_cast %concatenate3A_897 : vector<1x304xf32> to vector<1x1x304xf32>
    tpu.vector_store %arg5[%swap3A_898, %swap3A_899, %swap3A_900], %swap3A_903 {strides = array<i32>} : memref<16x1x304xf32, #tpu.memory_space<vmem>>, vector<1x1x304xf32>,
    %mul3A_904 = arith.constant 5.000000e+00 : f32
    %mul3A_905 = vector.broadcast %mul3A_904 : f32 to vector<1x304xf32>
    %mul3A_906 = arith.mulf %mul3A_905, %concatenate3A_897 : vector<1x304xf32>
    %sub3A_907 = vector.broadcast %mul3A_906 : vector<1x304xf32> to vector<300x304xf32>
    %sub3A_908 = arith.subf %sub3A_907, %dot_general3A_878 : vector<300x304xf32>
    %jit3A_909 = arith.constant 0x7F800000 : f32
    %broadcast_in_dim3A_910 = vector.shape_cast %ge3A_2 : vector<1x304xi1> to vector<1x304xi1>
    %broadcast_in_dim3A_911 = vector.broadcast %broadcast_in_dim3A_910 : vector<1x304xi1> to vector<300x304xi1>
    %broadcast_in_dim3A_912 = vector.broadcast %jit3A_909 : f32 to vector<300x304xf32>
    %select_n3A_913 = arith.select %broadcast_in_dim3A_911, %broadcast_in_dim3A_912, %sub3A_908 : vector<300x304xi1>, vector<300x304xf32>
    %swap3A_914 = arith.constant 10 : index
    %swap3A_915 = arith.constant 0 : index
    %swap3A_916 = arith.constant 0 : index
    %swap3A_917 = vector.load %arg4[%swap3A_914, %swap3A_915, %swap3A_916] : memref<16x300x304xf32, #tpu.memory_space<vmem>>, vector<1x300x304xf32>
    %swap3A_918 = vector.shape_cast %swap3A_917 : vector<1x300x304xf32> to vector<300x304xf32>
    %swap3A_919 = vector.shape_cast %select_n3A_913 : vector<300x304xf32> to vector<1x300x304xf32>
    tpu.vector_store %arg4[%swap3A_914, %swap3A_915, %swap3A_916], %swap3A_919 {strides = array<i32>} : memref<16x300x304xf32, #tpu.memory_space<vmem>>, vector<1x300x304xf32>,
    %get3A_920 = arith.constant 11 : index
    %get3A_921 = arith.constant 0 : index
    %get3A_922 = arith.constant 0 : index
    %get3A_923 = vector.load %arg0[%get3A_920, %get3A_921, %get3A_922] : memref<16x300x92xf32, #tpu.memory_space<vmem>>, vector<1x300x92xf32>
    %get3A_924 = vector.shape_cast %get3A_923 : vector<1x300x92xf32> to vector<300x92xf32>
    %reduce_max3A_925 = arith.constant dense<0xFF800000> : vector<300xf32>
    %reduce_max3A_926 = vector.multi_reduction <maximumf>, %get3A_924, %reduce_max3A_925 [1] : vector<300x92xf32> to vector<300xf32>
    %broadcast_in_dim3A_927 = vector.shape_cast %reduce_max3A_926 : vector<300xf32> to vector<300x1xf32>
    %sub3A_928 = vector.broadcast %broadcast_in_dim3A_927 : vector<300x1xf32> to vector<300x92xf32>
    %sub3A_929 = arith.subf %get3A_924, %sub3A_928 : vector<300x92xf32>
    %exp3A_930 = math.exp %sub3A_929 : vector<300x92xf32>
    %reduce_sum3A_931 = arith.constant dense<0.000000e+00> : vector<300xf32>
    %reduce_sum3A_932 = vector.multi_reduction <add>, %exp3A_930, %reduce_sum3A_931 [1] : vector<300x92xf32> to vector<300xf32>
    %broadcast_in_dim3A_933 = vector.shape_cast %reduce_sum3A_932 : vector<300xf32> to vector<300x1xf32>
    %div3A_934 = vector.broadcast %broadcast_in_dim3A_933 : vector<300x1xf32> to vector<300x92xf32>
    %div3A_935 = arith.divf %exp3A_930, %div3A_934 : vector<300x92xf32>
    %reduce_max3A_936 = arith.constant dense<0xFF800000> : vector<300xf32>
    %reduce_max3A_937 = vector.multi_reduction <maximumf>, %div3A_935, %reduce_max3A_936 [1] : vector<300x92xf32> to vector<300xf32>
    %broadcast_in_dim3A_938 = vector.shape_cast %reduce_max3A_937 : vector<300xf32> to vector<300x1xf32>
    %sub3A_939 = vector.broadcast %broadcast_in_dim3A_938 : vector<300x1xf32> to vector<300x92xf32>
    %sub3A_940 = arith.subf %div3A_935, %sub3A_939 : vector<300x92xf32>
    %exp3A_941 = math.exp %sub3A_940 : vector<300x92xf32>
    %reduce_sum3A_942 = arith.constant dense<0.000000e+00> : vector<300xf32>
    %reduce_sum3A_943 = vector.multi_reduction <add>, %exp3A_941, %reduce_sum3A_942 [1] : vector<300x92xf32> to vector<300xf32>
    %broadcast_in_dim3A_944 = vector.shape_cast %reduce_sum3A_943 : vector<300xf32> to vector<300x1xf32>
    %log3A_945 = math.log %broadcast_in_dim3A_944 : vector<300x1xf32>
    %add3A_946 = arith.addf %log3A_945, %broadcast_in_dim3A_938 : vector<300x1xf32>
    %reduce_sum3A_947 = vector.shape_cast %add3A_946 : vector<300x1xf32> to vector<1x300x1xf32>
    %reduce_sum3A_948 = arith.constant dense<0.000000e+00> : vector<1xf32>
    %reduce_sum3A_949 = vector.multi_reduction <add>, %reduce_sum3A_947, %reduce_sum3A_948 [1, 2] : vector<1x300x1xf32> to vector<1xf32>
    %reduce_sum3A_950 = vector.shape_cast %reduce_sum3A_949 : vector<1xf32> to vector<1x1x1xf32>
    %reduce_sum3A_951 = vector.extract %reduce_sum3A_950[0, 0, 0] : f32 from vector<1x1x1xf32>
    %add3A_952 = arith.addf %add3A_867, %reduce_sum3A_951 : f32
    %get3A_953 = arith.constant 11 : index
    %get3A_954 = arith.constant 0 : index
    %get3A_955 = arith.constant 0 : index
    %get3A_956 = vector.load %arg1[%get3A_953, %get3A_954, %get3A_955] : memref<16x1x304xi32, #tpu.memory_space<vmem>>, vector<1x1x304xi32>
    %get3A_957 = vector.shape_cast %get3A_956 : vector<1x1x304xi32> to vector<1x304xi32>
    %eq3A_958 = vector.broadcast %get3A_957 : vector<1x304xi32> to vector<92x304xi32>
    %eq3A_959 = arith.cmpi eq, %iota3A, %eq3A_958 : vector<92x304xi32>
    %convert_element_type3A_960 = arith.extui %eq3A_959 : vector<92x304xi1> to vector<92x304xi32>
    %convert_element_type3A_961 = arith.sitofp %convert_element_type3A_960 : vector<92x304xi32> to vector<92x304xf32>
    %dot_general3A_962 = arith.constant dense<0.000000e+00> : vector<300x304xf32>
    %dot_general3A_963 = tpu.matmul %div3A_935, %convert_element_type3A_961, %dot_general3A_962 {dimension_numbers = #tpu.dot_dimension_numbers<[1], [0], [0], [1], [0, 0, 1, 1], [], []>, transpose_lhs_hint = false} : vector<300x92xf32>, vector<92x304xf32>, vector<300x304xf32> -> vector<300x304xf32>
    %get3A_964 = arith.constant 11 : index
    %get3A_965 = arith.constant 0 : index
    %get3A_966 = arith.constant 0 : index
    %get3A_967 = vector.load %arg2[%get3A_964, %get3A_965, %get3A_966] : memref<16x300x4xf32, #tpu.memory_space<vmem>>, vector<1x300x4xf32>
    %get3A_968 = vector.shape_cast %get3A_967 : vector<1x300x4xf32> to vector<300x4xf32>
    %get3A_969 = arith.constant 11 : index
    %get3A_970 = arith.constant 0 : index
    %get3A_971 = arith.constant 0 : index
    %get3A_972 = vector.load %arg3[%get3A_969, %get3A_970, %get3A_971] : memref<16x300x4xf32, #tpu.memory_space<vmem>>, vector<1x300x4xf32>
    %get3A_973 = vector.shape_cast %get3A_972 : vector<1x300x4xf32> to vector<300x4xf32>
    %sub3A_974 = arith.subf %get3A_968, %get3A_973 : vector<300x4xf32>
    %abs3A_975 = math.absf %sub3A_974 : vector<300x4xf32>
    %reduce_sum3A_976 = arith.constant dense<0.000000e+00> : vector<300xf32>
    %reduce_sum3A_977 = vector.multi_reduction <add>, %abs3A_975, %reduce_sum3A_976 [1] : vector<300x4xf32> to vector<300xf32>
    %broadcast_in_dim3A_978 = vector.shape_cast %reduce_sum3A_977 : vector<300xf32> to vector<300x1xf32>
    %transpose3A_979 = tpu.transpose %broadcast_in_dim3A_978, [1, 0] : vector<300x1xf32> -> vector<1x300xf32>
    %broadcast_in_dim3A_980 = arith.constant 0.000000e+00 : f32
    %broadcast_in_dim3A_981 = vector.broadcast %broadcast_in_dim3A_980 : f32 to vector<1x4xf32>
    %concatenate3A_982 = tpu.concatenate %transpose3A_979, %broadcast_in_dim3A_981 in 1 : vector<1x300xf32>, vector<1x4xf32> -> vector<1x304xf32>
    %swap3A_983 = arith.constant 11 : index
    %swap3A_984 = arith.constant 0 : index
    %swap3A_985 = arith.constant 0 : index
    %swap3A_986 = vector.load %arg5[%swap3A_983, %swap3A_984, %swap3A_985] : memref<16x1x304xf32, #tpu.memory_space<vmem>>, vector<1x1x304xf32>
    %swap3A_987 = vector.shape_cast %swap3A_986 : vector<1x1x304xf32> to vector<1x304xf32>
    %swap3A_988 = vector.shape_cast %concatenate3A_982 : vector<1x304xf32> to vector<1x1x304xf32>
    tpu.vector_store %arg5[%swap3A_983, %swap3A_984, %swap3A_985], %swap3A_988 {strides = array<i32>} : memref<16x1x304xf32, #tpu.memory_space<vmem>>, vector<1x1x304xf32>,
    %mul3A_989 = arith.constant 5.000000e+00 : f32
    %mul3A_990 = vector.broadcast %mul3A_989 : f32 to vector<1x304xf32>
    %mul3A_991 = arith.mulf %mul3A_990, %concatenate3A_982 : vector<1x304xf32>
    %sub3A_992 = vector.broadcast %mul3A_991 : vector<1x304xf32> to vector<300x304xf32>
    %sub3A_993 = arith.subf %sub3A_992, %dot_general3A_963 : vector<300x304xf32>
    %jit3A_994 = arith.constant 0x7F800000 : f32
    %broadcast_in_dim3A_995 = vector.shape_cast %ge3A_2 : vector<1x304xi1> to vector<1x304xi1>
    %broadcast_in_dim3A_996 = vector.broadcast %broadcast_in_dim3A_995 : vector<1x304xi1> to vector<300x304xi1>
    %broadcast_in_dim3A_997 = vector.broadcast %jit3A_994 : f32 to vector<300x304xf32>
    %select_n3A_998 = arith.select %broadcast_in_dim3A_996, %broadcast_in_dim3A_997, %sub3A_993 : vector<300x304xi1>, vector<300x304xf32>
    %swap3A_999 = arith.constant 11 : index
    %swap3A_1000 = arith.constant 0 : index
    %swap3A_1001 = arith.constant 0 : index
    %swap3A_1002 = vector.load %arg4[%swap3A_999, %swap3A_1000, %swap3A_1001] : memref<16x300x304xf32, #tpu.memory_space<vmem>>, vector<1x300x304xf32>
    %swap3A_1003 = vector.shape_cast %swap3A_1002 : vector<1x300x304xf32> to vector<300x304xf32>
    %swap3A_1004 = vector.shape_cast %select_n3A_998 : vector<300x304xf32> to vector<1x300x304xf32>
    tpu.vector_store %arg4[%swap3A_999, %swap3A_1000, %swap3A_1001], %swap3A_1004 {strides = array<i32>} : memref<16x300x304xf32, #tpu.memory_space<vmem>>, vector<1x300x304xf32>,
    %get3A_1005 = arith.constant 12 : index
    %get3A_1006 = arith.constant 0 : index
    %get3A_1007 = arith.constant 0 : index
    %get3A_1008 = vector.load %arg0[%get3A_1005, %get3A_1006, %get3A_1007] : memref<16x300x92xf32, #tpu.memory_space<vmem>>, vector<1x300x92xf32>
    %get3A_1009 = vector.shape_cast %get3A_1008 : vector<1x300x92xf32> to vector<300x92xf32>
    %reduce_max3A_1010 = arith.constant dense<0xFF800000> : vector<300xf32>
    %reduce_max3A_1011 = vector.multi_reduction <maximumf>, %get3A_1009, %reduce_max3A_1010 [1] : vector<300x92xf32> to vector<300xf32>
    %broadcast_in_dim3A_1012 = vector.shape_cast %reduce_max3A_1011 : vector<300xf32> to vector<300x1xf32>
    %sub3A_1013 = vector.broadcast %broadcast_in_dim3A_1012 : vector<300x1xf32> to vector<300x92xf32>
    %sub3A_1014 = arith.subf %get3A_1009, %sub3A_1013 : vector<300x92xf32>
    %exp3A_1015 = math.exp %sub3A_1014 : vector<300x92xf32>
    %reduce_sum3A_1016 = arith.constant dense<0.000000e+00> : vector<300xf32>
    %reduce_sum3A_1017 = vector.multi_reduction <add>, %exp3A_1015, %reduce_sum3A_1016 [1] : vector<300x92xf32> to vector<300xf32>
    %broadcast_in_dim3A_1018 = vector.shape_cast %reduce_sum3A_1017 : vector<300xf32> to vector<300x1xf32>
    %div3A_1019 = vector.broadcast %broadcast_in_dim3A_1018 : vector<300x1xf32> to vector<300x92xf32>
    %div3A_1020 = arith.divf %exp3A_1015, %div3A_1019 : vector<300x92xf32>
    %reduce_max3A_1021 = arith.constant dense<0xFF800000> : vector<300xf32>
    %reduce_max3A_1022 = vector.multi_reduction <maximumf>, %div3A_1020, %reduce_max3A_1021 [1] : vector<300x92xf32> to vector<300xf32>
    %broadcast_in_dim3A_1023 = vector.shape_cast %reduce_max3A_1022 : vector<300xf32> to vector<300x1xf32>
    %sub3A_1024 = vector.broadcast %broadcast_in_dim3A_1023 : vector<300x1xf32> to vector<300x92xf32>
    %sub3A_1025 = arith.subf %div3A_1020, %sub3A_1024 : vector<300x92xf32>
    %exp3A_1026 = math.exp %sub3A_1025 : vector<300x92xf32>
    %reduce_sum3A_1027 = arith.constant dense<0.000000e+00> : vector<300xf32>
    %reduce_sum3A_1028 = vector.multi_reduction <add>, %exp3A_1026, %reduce_sum3A_1027 [1] : vector<300x92xf32> to vector<300xf32>
    %broadcast_in_dim3A_1029 = vector.shape_cast %reduce_sum3A_1028 : vector<300xf32> to vector<300x1xf32>
    %log3A_1030 = math.log %broadcast_in_dim3A_1029 : vector<300x1xf32>
    %add3A_1031 = arith.addf %log3A_1030, %broadcast_in_dim3A_1023 : vector<300x1xf32>
    %reduce_sum3A_1032 = vector.shape_cast %add3A_1031 : vector<300x1xf32> to vector<1x300x1xf32>
    %reduce_sum3A_1033 = arith.constant dense<0.000000e+00> : vector<1xf32>
    %reduce_sum3A_1034 = vector.multi_reduction <add>, %reduce_sum3A_1032, %reduce_sum3A_1033 [1, 2] : vector<1x300x1xf32> to vector<1xf32>
    %reduce_sum3A_1035 = vector.shape_cast %reduce_sum3A_1034 : vector<1xf32> to vector<1x1x1xf32>
    %reduce_sum3A_1036 = vector.extract %reduce_sum3A_1035[0, 0, 0] : f32 from vector<1x1x1xf32>
    %add3A_1037 = arith.addf %add3A_952, %reduce_sum3A_1036 : f32
    %get3A_1038 = arith.constant 12 : index
    %get3A_1039 = arith.constant 0 : index
    %get3A_1040 = arith.constant 0 : index
    %get3A_1041 = vector.load %arg1[%get3A_1038, %get3A_1039, %get3A_1040] : memref<16x1x304xi32, #tpu.memory_space<vmem>>, vector<1x1x304xi32>
    %get3A_1042 = vector.shape_cast %get3A_1041 : vector<1x1x304xi32> to vector<1x304xi32>
    %eq3A_1043 = vector.broadcast %get3A_1042 : vector<1x304xi32> to vector<92x304xi32>
    %eq3A_1044 = arith.cmpi eq, %iota3A, %eq3A_1043 : vector<92x304xi32>
    %convert_element_type3A_1045 = arith.extui %eq3A_1044 : vector<92x304xi1> to vector<92x304xi32>
    %convert_element_type3A_1046 = arith.sitofp %convert_element_type3A_1045 : vector<92x304xi32> to vector<92x304xf32>
    %dot_general3A_1047 = arith.constant dense<0.000000e+00> : vector<300x304xf32>
    %dot_general3A_1048 = tpu.matmul %div3A_1020, %convert_element_type3A_1046, %dot_general3A_1047 {dimension_numbers = #tpu.dot_dimension_numbers<[1], [0], [0], [1], [0, 0, 1, 1], [], []>, transpose_lhs_hint = false} : vector<300x92xf32>, vector<92x304xf32>, vector<300x304xf32> -> vector<300x304xf32>
    %get3A_1049 = arith.constant 12 : index
    %get3A_1050 = arith.constant 0 : index
    %get3A_1051 = arith.constant 0 : index
    %get3A_1052 = vector.load %arg2[%get3A_1049, %get3A_1050, %get3A_1051] : memref<16x300x4xf32, #tpu.memory_space<vmem>>, vector<1x300x4xf32>
    %get3A_1053 = vector.shape_cast %get3A_1052 : vector<1x300x4xf32> to vector<300x4xf32>
    %get3A_1054 = arith.constant 12 : index
    %get3A_1055 = arith.constant 0 : index
    %get3A_1056 = arith.constant 0 : index
    %get3A_1057 = vector.load %arg3[%get3A_1054, %get3A_1055, %get3A_1056] : memref<16x300x4xf32, #tpu.memory_space<vmem>>, vector<1x300x4xf32>
    %get3A_1058 = vector.shape_cast %get3A_1057 : vector<1x300x4xf32> to vector<300x4xf32>
    %sub3A_1059 = arith.subf %get3A_1053, %get3A_1058 : vector<300x4xf32>
    %abs3A_1060 = math.absf %sub3A_1059 : vector<300x4xf32>
    %reduce_sum3A_1061 = arith.constant dense<0.000000e+00> : vector<300xf32>
    %reduce_sum3A_1062 = vector.multi_reduction <add>, %abs3A_1060, %reduce_sum3A_1061 [1] : vector<300x4xf32> to vector<300xf32>
    %broadcast_in_dim3A_1063 = vector.shape_cast %reduce_sum3A_1062 : vector<300xf32> to vector<300x1xf32>
    %transpose3A_1064 = tpu.transpose %broadcast_in_dim3A_1063, [1, 0] : vector<300x1xf32> -> vector<1x300xf32>
    %broadcast_in_dim3A_1065 = arith.constant 0.000000e+00 : f32
    %broadcast_in_dim3A_1066 = vector.broadcast %broadcast_in_dim3A_1065 : f32 to vector<1x4xf32>
    %concatenate3A_1067 = tpu.concatenate %transpose3A_1064, %broadcast_in_dim3A_1066 in 1 : vector<1x300xf32>, vector<1x4xf32> -> vector<1x304xf32>
    %swap3A_1068 = arith.constant 12 : index
    %swap3A_1069 = arith.constant 0 : index
    %swap3A_1070 = arith.constant 0 : index
    %swap3A_1071 = vector.load %arg5[%swap3A_1068, %swap3A_1069, %swap3A_1070] : memref<16x1x304xf32, #tpu.memory_space<vmem>>, vector<1x1x304xf32>
    %swap3A_1072 = vector.shape_cast %swap3A_1071 : vector<1x1x304xf32> to vector<1x304xf32>
    %swap3A_1073 = vector.shape_cast %concatenate3A_1067 : vector<1x304xf32> to vector<1x1x304xf32>
    tpu.vector_store %arg5[%swap3A_1068, %swap3A_1069, %swap3A_1070], %swap3A_1073 {strides = array<i32>} : memref<16x1x304xf32, #tpu.memory_space<vmem>>, vector<1x1x304xf32>,
    %mul3A_1074 = arith.constant 5.000000e+00 : f32
    %mul3A_1075 = vector.broadcast %mul3A_1074 : f32 to vector<1x304xf32>
    %mul3A_1076 = arith.mulf %mul3A_1075, %concatenate3A_1067 : vector<1x304xf32>
    %sub3A_1077 = vector.broadcast %mul3A_1076 : vector<1x304xf32> to vector<300x304xf32>
    %sub3A_1078 = arith.subf %sub3A_1077, %dot_general3A_1048 : vector<300x304xf32>
    %jit3A_1079 = arith.constant 0x7F800000 : f32
    %broadcast_in_dim3A_1080 = vector.shape_cast %ge3A_2 : vector<1x304xi1> to vector<1x304xi1>
    %broadcast_in_dim3A_1081 = vector.broadcast %broadcast_in_dim3A_1080 : vector<1x304xi1> to vector<300x304xi1>
    %broadcast_in_dim3A_1082 = vector.broadcast %jit3A_1079 : f32 to vector<300x304xf32>
    %select_n3A_1083 = arith.select %broadcast_in_dim3A_1081, %broadcast_in_dim3A_1082, %sub3A_1078 : vector<300x304xi1>, vector<300x304xf32>
    %swap3A_1084 = arith.constant 12 : index
    %swap3A_1085 = arith.constant 0 : index
    %swap3A_1086 = arith.constant 0 : index
    %swap3A_1087 = vector.load %arg4[%swap3A_1084, %swap3A_1085, %swap3A_1086] : memref<16x300x304xf32, #tpu.memory_space<vmem>>, vector<1x300x304xf32>
    %swap3A_1088 = vector.shape_cast %swap3A_1087 : vector<1x300x304xf32> to vector<300x304xf32>
    %swap3A_1089 = vector.shape_cast %select_n3A_1083 : vector<300x304xf32> to vector<1x300x304xf32>
    tpu.vector_store %arg4[%swap3A_1084, %swap3A_1085, %swap3A_1086], %swap3A_1089 {strides = array<i32>} : memref<16x300x304xf32, #tpu.memory_space<vmem>>, vector<1x300x304xf32>,
    %get3A_1090 = arith.constant 13 : index
    %get3A_1091 = arith.constant 0 : index
    %get3A_1092 = arith.constant 0 : index
    %get3A_1093 = vector.load %arg0[%get3A_1090, %get3A_1091, %get3A_1092] : memref<16x300x92xf32, #tpu.memory_space<vmem>>, vector<1x300x92xf32>
    %get3A_1094 = vector.shape_cast %get3A_1093 : vector<1x300x92xf32> to vector<300x92xf32>
    %reduce_max3A_1095 = arith.constant dense<0xFF800000> : vector<300xf32>
    %reduce_max3A_1096 = vector.multi_reduction <maximumf>, %get3A_1094, %reduce_max3A_1095 [1] : vector<300x92xf32> to vector<300xf32>
    %broadcast_in_dim3A_1097 = vector.shape_cast %reduce_max3A_1096 : vector<300xf32> to vector<300x1xf32>
    %sub3A_1098 = vector.broadcast %broadcast_in_dim3A_1097 : vector<300x1xf32> to vector<300x92xf32>
    %sub3A_1099 = arith.subf %get3A_1094, %sub3A_1098 : vector<300x92xf32>
    %exp3A_1100 = math.exp %sub3A_1099 : vector<300x92xf32>
    %reduce_sum3A_1101 = arith.constant dense<0.000000e+00> : vector<300xf32>
    %reduce_sum3A_1102 = vector.multi_reduction <add>, %exp3A_1100, %reduce_sum3A_1101 [1] : vector<300x92xf32> to vector<300xf32>
    %broadcast_in_dim3A_1103 = vector.shape_cast %reduce_sum3A_1102 : vector<300xf32> to vector<300x1xf32>
    %div3A_1104 = vector.broadcast %broadcast_in_dim3A_1103 : vector<300x1xf32> to vector<300x92xf32>
    %div3A_1105 = arith.divf %exp3A_1100, %div3A_1104 : vector<300x92xf32>
    %reduce_max3A_1106 = arith.constant dense<0xFF800000> : vector<300xf32>
    %reduce_max3A_1107 = vector.multi_reduction <maximumf>, %div3A_1105, %reduce_max3A_1106 [1] : vector<300x92xf32> to vector<300xf32>
    %broadcast_in_dim3A_1108 = vector.shape_cast %reduce_max3A_1107 : vector<300xf32> to vector<300x1xf32>
    %sub3A_1109 = vector.broadcast %broadcast_in_dim3A_1108 : vector<300x1xf32> to vector<300x92xf32>
    %sub3A_1110 = arith.subf %div3A_1105, %sub3A_1109 : vector<300x92xf32>
    %exp3A_1111 = math.exp %sub3A_1110 : vector<300x92xf32>
    %reduce_sum3A_1112 = arith.constant dense<0.000000e+00> : vector<300xf32>
    %reduce_sum3A_1113 = vector.multi_reduction <add>, %exp3A_1111, %reduce_sum3A_1112 [1] : vector<300x92xf32> to vector<300xf32>
    %broadcast_in_dim3A_1114 = vector.shape_cast %reduce_sum3A_1113 : vector<300xf32> to vector<300x1xf32>
    %log3A_1115 = math.log %broadcast_in_dim3A_1114 : vector<300x1xf32>
    %add3A_1116 = arith.addf %log3A_1115, %broadcast_in_dim3A_1108 : vector<300x1xf32>
    %reduce_sum3A_1117 = vector.shape_cast %add3A_1116 : vector<300x1xf32> to vector<1x300x1xf32>
    %reduce_sum3A_1118 = arith.constant dense<0.000000e+00> : vector<1xf32>
    %reduce_sum3A_1119 = vector.multi_reduction <add>, %reduce_sum3A_1117, %reduce_sum3A_1118 [1, 2] : vector<1x300x1xf32> to vector<1xf32>
    %reduce_sum3A_1120 = vector.shape_cast %reduce_sum3A_1119 : vector<1xf32> to vector<1x1x1xf32>
    %reduce_sum3A_1121 = vector.extract %reduce_sum3A_1120[0, 0, 0] : f32 from vector<1x1x1xf32>
    %add3A_1122 = arith.addf %add3A_1037, %reduce_sum3A_1121 : f32
    %get3A_1123 = arith.constant 13 : index
    %get3A_1124 = arith.constant 0 : index
    %get3A_1125 = arith.constant 0 : index
    %get3A_1126 = vector.load %arg1[%get3A_1123, %get3A_1124, %get3A_1125] : memref<16x1x304xi32, #tpu.memory_space<vmem>>, vector<1x1x304xi32>
    %get3A_1127 = vector.shape_cast %get3A_1126 : vector<1x1x304xi32> to vector<1x304xi32>
    %eq3A_1128 = vector.broadcast %get3A_1127 : vector<1x304xi32> to vector<92x304xi32>
    %eq3A_1129 = arith.cmpi eq, %iota3A, %eq3A_1128 : vector<92x304xi32>
    %convert_element_type3A_1130 = arith.extui %eq3A_1129 : vector<92x304xi1> to vector<92x304xi32>
    %convert_element_type3A_1131 = arith.sitofp %convert_element_type3A_1130 : vector<92x304xi32> to vector<92x304xf32>
    %dot_general3A_1132 = arith.constant dense<0.000000e+00> : vector<300x304xf32>
    %dot_general3A_1133 = tpu.matmul %div3A_1105, %convert_element_type3A_1131, %dot_general3A_1132 {dimension_numbers = #tpu.dot_dimension_numbers<[1], [0], [0], [1], [0, 0, 1, 1], [], []>, transpose_lhs_hint = false} : vector<300x92xf32>, vector<92x304xf32>, vector<300x304xf32> -> vector<300x304xf32>
    %get3A_1134 = arith.constant 13 : index
    %get3A_1135 = arith.constant 0 : index
    %get3A_1136 = arith.constant 0 : index
    %get3A_1137 = vector.load %arg2[%get3A_1134, %get3A_1135, %get3A_1136] : memref<16x300x4xf32, #tpu.memory_space<vmem>>, vector<1x300x4xf32>
    %get3A_1138 = vector.shape_cast %get3A_1137 : vector<1x300x4xf32> to vector<300x4xf32>
    %get3A_1139 = arith.constant 13 : index
    %get3A_1140 = arith.constant 0 : index
    %get3A_1141 = arith.constant 0 : index
    %get3A_1142 = vector.load %arg3[%get3A_1139, %get3A_1140, %get3A_1141] : memref<16x300x4xf32, #tpu.memory_space<vmem>>, vector<1x300x4xf32>
    %get3A_1143 = vector.shape_cast %get3A_1142 : vector<1x300x4xf32> to vector<300x4xf32>
    %sub3A_1144 = arith.subf %get3A_1138, %get3A_1143 : vector<300x4xf32>
    %abs3A_1145 = math.absf %sub3A_1144 : vector<300x4xf32>
    %reduce_sum3A_1146 = arith.constant dense<0.000000e+00> : vector<300xf32>
    %reduce_sum3A_1147 = vector.multi_reduction <add>, %abs3A_1145, %reduce_sum3A_1146 [1] : vector<300x4xf32> to vector<300xf32>
    %broadcast_in_dim3A_1148 = vector.shape_cast %reduce_sum3A_1147 : vector<300xf32> to vector<300x1xf32>
    %transpose3A_1149 = tpu.transpose %broadcast_in_dim3A_1148, [1, 0] : vector<300x1xf32> -> vector<1x300xf32>
    %broadcast_in_dim3A_1150 = arith.constant 0.000000e+00 : f32
    %broadcast_in_dim3A_1151 = vector.broadcast %broadcast_in_dim3A_1150 : f32 to vector<1x4xf32>
    %concatenate3A_1152 = tpu.concatenate %transpose3A_1149, %broadcast_in_dim3A_1151 in 1 : vector<1x300xf32>, vector<1x4xf32> -> vector<1x304xf32>
    %swap3A_1153 = arith.constant 13 : index
    %swap3A_1154 = arith.constant 0 : index
    %swap3A_1155 = arith.constant 0 : index
    %swap3A_1156 = vector.load %arg5[%swap3A_1153, %swap3A_1154, %swap3A_1155] : memref<16x1x304xf32, #tpu.memory_space<vmem>>, vector<1x1x304xf32>
    %swap3A_1157 = vector.shape_cast %swap3A_1156 : vector<1x1x304xf32> to vector<1x304xf32>
    %swap3A_1158 = vector.shape_cast %concatenate3A_1152 : vector<1x304xf32> to vector<1x1x304xf32>
    tpu.vector_store %arg5[%swap3A_1153, %swap3A_1154, %swap3A_1155], %swap3A_1158 {strides = array<i32>} : memref<16x1x304xf32, #tpu.memory_space<vmem>>, vector<1x1x304xf32>,
    %mul3A_1159 = arith.constant 5.000000e+00 : f32
    %mul3A_1160 = vector.broadcast %mul3A_1159 : f32 to vector<1x304xf32>
    %mul3A_1161 = arith.mulf %mul3A_1160, %concatenate3A_1152 : vector<1x304xf32>
    %sub3A_1162 = vector.broadcast %mul3A_1161 : vector<1x304xf32> to vector<300x304xf32>
    %sub3A_1163 = arith.subf %sub3A_1162, %dot_general3A_1133 : vector<300x304xf32>
    %jit3A_1164 = arith.constant 0x7F800000 : f32
    %broadcast_in_dim3A_1165 = vector.shape_cast %ge3A_2 : vector<1x304xi1> to vector<1x304xi1>
    %broadcast_in_dim3A_1166 = vector.broadcast %broadcast_in_dim3A_1165 : vector<1x304xi1> to vector<300x304xi1>
    %broadcast_in_dim3A_1167 = vector.broadcast %jit3A_1164 : f32 to vector<300x304xf32>
    %select_n3A_1168 = arith.select %broadcast_in_dim3A_1166, %broadcast_in_dim3A_1167, %sub3A_1163 : vector<300x304xi1>, vector<300x304xf32>
    %swap3A_1169 = arith.constant 13 : index
    %swap3A_1170 = arith.constant 0 : index
    %swap3A_1171 = arith.constant 0 : index
    %swap3A_1172 = vector.load %arg4[%swap3A_1169, %swap3A_1170, %swap3A_1171] : memref<16x300x304xf32, #tpu.memory_space<vmem>>, vector<1x300x304xf32>
    %swap3A_1173 = vector.shape_cast %swap3A_1172 : vector<1x300x304xf32> to vector<300x304xf32>
    %swap3A_1174 = vector.shape_cast %select_n3A_1168 : vector<300x304xf32> to vector<1x300x304xf32>
    tpu.vector_store %arg4[%swap3A_1169, %swap3A_1170, %swap3A_1171], %swap3A_1174 {strides = array<i32>} : memref<16x300x304xf32, #tpu.memory_space<vmem>>, vector<1x300x304xf32>,
    %get3A_1175 = arith.constant 14 : index
    %get3A_1176 = arith.constant 0 : index
    %get3A_1177 = arith.constant 0 : index
    %get3A_1178 = vector.load %arg0[%get3A_1175, %get3A_1176, %get3A_1177] : memref<16x300x92xf32, #tpu.memory_space<vmem>>, vector<1x300x92xf32>
    %get3A_1179 = vector.shape_cast %get3A_1178 : vector<1x300x92xf32> to vector<300x92xf32>
    %reduce_max3A_1180 = arith.constant dense<0xFF800000> : vector<300xf32>
    %reduce_max3A_1181 = vector.multi_reduction <maximumf>, %get3A_1179, %reduce_max3A_1180 [1] : vector<300x92xf32> to vector<300xf32>
    %broadcast_in_dim3A_1182 = vector.shape_cast %reduce_max3A_1181 : vector<300xf32> to vector<300x1xf32>
    %sub3A_1183 = vector.broadcast %broadcast_in_dim3A_1182 : vector<300x1xf32> to vector<300x92xf32>
    %sub3A_1184 = arith.subf %get3A_1179, %sub3A_1183 : vector<300x92xf32>
    %exp3A_1185 = math.exp %sub3A_1184 : vector<300x92xf32>
    %reduce_sum3A_1186 = arith.constant dense<0.000000e+00> : vector<300xf32>
    %reduce_sum3A_1187 = vector.multi_reduction <add>, %exp3A_1185, %reduce_sum3A_1186 [1] : vector<300x92xf32> to vector<300xf32>
    %broadcast_in_dim3A_1188 = vector.shape_cast %reduce_sum3A_1187 : vector<300xf32> to vector<300x1xf32>
    %div3A_1189 = vector.broadcast %broadcast_in_dim3A_1188 : vector<300x1xf32> to vector<300x92xf32>
    %div3A_1190 = arith.divf %exp3A_1185, %div3A_1189 : vector<300x92xf32>
    %reduce_max3A_1191 = arith.constant dense<0xFF800000> : vector<300xf32>
    %reduce_max3A_1192 = vector.multi_reduction <maximumf>, %div3A_1190, %reduce_max3A_1191 [1] : vector<300x92xf32> to vector<300xf32>
    %broadcast_in_dim3A_1193 = vector.shape_cast %reduce_max3A_1192 : vector<300xf32> to vector<300x1xf32>
    %sub3A_1194 = vector.broadcast %broadcast_in_dim3A_1193 : vector<300x1xf32> to vector<300x92xf32>
    %sub3A_1195 = arith.subf %div3A_1190, %sub3A_1194 : vector<300x92xf32>
    %exp3A_1196 = math.exp %sub3A_1195 : vector<300x92xf32>
    %reduce_sum3A_1197 = arith.constant dense<0.000000e+00> : vector<300xf32>
    %reduce_sum3A_1198 = vector.multi_reduction <add>, %exp3A_1196, %reduce_sum3A_1197 [1] : vector<300x92xf32> to vector<300xf32>
    %broadcast_in_dim3A_1199 = vector.shape_cast %reduce_sum3A_1198 : vector<300xf32> to vector<300x1xf32>
    %log3A_1200 = math.log %broadcast_in_dim3A_1199 : vector<300x1xf32>
    %add3A_1201 = arith.addf %log3A_1200, %broadcast_in_dim3A_1193 : vector<300x1xf32>
    %reduce_sum3A_1202 = vector.shape_cast %add3A_1201 : vector<300x1xf32> to vector<1x300x1xf32>
    %reduce_sum3A_1203 = arith.constant dense<0.000000e+00> : vector<1xf32>
    %reduce_sum3A_1204 = vector.multi_reduction <add>, %reduce_sum3A_1202, %reduce_sum3A_1203 [1, 2] : vector<1x300x1xf32> to vector<1xf32>
    %reduce_sum3A_1205 = vector.shape_cast %reduce_sum3A_1204 : vector<1xf32> to vector<1x1x1xf32>
    %reduce_sum3A_1206 = vector.extract %reduce_sum3A_1205[0, 0, 0] : f32 from vector<1x1x1xf32>
    %add3A_1207 = arith.addf %add3A_1122, %reduce_sum3A_1206 : f32
    %get3A_1208 = arith.constant 14 : index
    %get3A_1209 = arith.constant 0 : index
    %get3A_1210 = arith.constant 0 : index
    %get3A_1211 = vector.load %arg1[%get3A_1208, %get3A_1209, %get3A_1210] : memref<16x1x304xi32, #tpu.memory_space<vmem>>, vector<1x1x304xi32>
    %get3A_1212 = vector.shape_cast %get3A_1211 : vector<1x1x304xi32> to vector<1x304xi32>
    %eq3A_1213 = vector.broadcast %get3A_1212 : vector<1x304xi32> to vector<92x304xi32>
    %eq3A_1214 = arith.cmpi eq, %iota3A, %eq3A_1213 : vector<92x304xi32>
    %convert_element_type3A_1215 = arith.extui %eq3A_1214 : vector<92x304xi1> to vector<92x304xi32>
    %convert_element_type3A_1216 = arith.sitofp %convert_element_type3A_1215 : vector<92x304xi32> to vector<92x304xf32>
    %dot_general3A_1217 = arith.constant dense<0.000000e+00> : vector<300x304xf32>
    %dot_general3A_1218 = tpu.matmul %div3A_1190, %convert_element_type3A_1216, %dot_general3A_1217 {dimension_numbers = #tpu.dot_dimension_numbers<[1], [0], [0], [1], [0, 0, 1, 1], [], []>, transpose_lhs_hint = false} : vector<300x92xf32>, vector<92x304xf32>, vector<300x304xf32> -> vector<300x304xf32>
    %get3A_1219 = arith.constant 14 : index
    %get3A_1220 = arith.constant 0 : index
    %get3A_1221 = arith.constant 0 : index
    %get3A_1222 = vector.load %arg2[%get3A_1219, %get3A_1220, %get3A_1221] : memref<16x300x4xf32, #tpu.memory_space<vmem>>, vector<1x300x4xf32>
    %get3A_1223 = vector.shape_cast %get3A_1222 : vector<1x300x4xf32> to vector<300x4xf32>
    %get3A_1224 = arith.constant 14 : index
    %get3A_1225 = arith.constant 0 : index
    %get3A_1226 = arith.constant 0 : index
    %get3A_1227 = vector.load %arg3[%get3A_1224, %get3A_1225, %get3A_1226] : memref<16x300x4xf32, #tpu.memory_space<vmem>>, vector<1x300x4xf32>
    %get3A_1228 = vector.shape_cast %get3A_1227 : vector<1x300x4xf32> to vector<300x4xf32>
    %sub3A_1229 = arith.subf %get3A_1223, %get3A_1228 : vector<300x4xf32>
    %abs3A_1230 = math.absf %sub3A_1229 : vector<300x4xf32>
    %reduce_sum3A_1231 = arith.constant dense<0.000000e+00> : vector<300xf32>
    %reduce_sum3A_1232 = vector.multi_reduction <add>, %abs3A_1230, %reduce_sum3A_1231 [1] : vector<300x4xf32> to vector<300xf32>
    %broadcast_in_dim3A_1233 = vector.shape_cast %reduce_sum3A_1232 : vector<300xf32> to vector<300x1xf32>
    %transpose3A_1234 = tpu.transpose %broadcast_in_dim3A_1233, [1, 0] : vector<300x1xf32> -> vector<1x300xf32>
    %broadcast_in_dim3A_1235 = arith.constant 0.000000e+00 : f32
    %broadcast_in_dim3A_1236 = vector.broadcast %broadcast_in_dim3A_1235 : f32 to vector<1x4xf32>
    %concatenate3A_1237 = tpu.concatenate %transpose3A_1234, %broadcast_in_dim3A_1236 in 1 : vector<1x300xf32>, vector<1x4xf32> -> vector<1x304xf32>
    %swap3A_1238 = arith.constant 14 : index
    %swap3A_1239 = arith.constant 0 : index
    %swap3A_1240 = arith.constant 0 : index
    %swap3A_1241 = vector.load %arg5[%swap3A_1238, %swap3A_1239, %swap3A_1240] : memref<16x1x304xf32, #tpu.memory_space<vmem>>, vector<1x1x304xf32>
    %swap3A_1242 = vector.shape_cast %swap3A_1241 : vector<1x1x304xf32> to vector<1x304xf32>
    %swap3A_1243 = vector.shape_cast %concatenate3A_1237 : vector<1x304xf32> to vector<1x1x304xf32>
    tpu.vector_store %arg5[%swap3A_1238, %swap3A_1239, %swap3A_1240], %swap3A_1243 {strides = array<i32>} : memref<16x1x304xf32, #tpu.memory_space<vmem>>, vector<1x1x304xf32>,
    %mul3A_1244 = arith.constant 5.000000e+00 : f32
    %mul3A_1245 = vector.broadcast %mul3A_1244 : f32 to vector<1x304xf32>
    %mul3A_1246 = arith.mulf %mul3A_1245, %concatenate3A_1237 : vector<1x304xf32>
    %sub3A_1247 = vector.broadcast %mul3A_1246 : vector<1x304xf32> to vector<300x304xf32>
    %sub3A_1248 = arith.subf %sub3A_1247, %dot_general3A_1218 : vector<300x304xf32>
    %jit3A_1249 = arith.constant 0x7F800000 : f32
    %broadcast_in_dim3A_1250 = vector.shape_cast %ge3A_2 : vector<1x304xi1> to vector<1x304xi1>
    %broadcast_in_dim3A_1251 = vector.broadcast %broadcast_in_dim3A_1250 : vector<1x304xi1> to vector<300x304xi1>
    %broadcast_in_dim3A_1252 = vector.broadcast %jit3A_1249 : f32 to vector<300x304xf32>
    %select_n3A_1253 = arith.select %broadcast_in_dim3A_1251, %broadcast_in_dim3A_1252, %sub3A_1248 : vector<300x304xi1>, vector<300x304xf32>
    %swap3A_1254 = arith.constant 14 : index
    %swap3A_1255 = arith.constant 0 : index
    %swap3A_1256 = arith.constant 0 : index
    %swap3A_1257 = vector.load %arg4[%swap3A_1254, %swap3A_1255, %swap3A_1256] : memref<16x300x304xf32, #tpu.memory_space<vmem>>, vector<1x300x304xf32>
    %swap3A_1258 = vector.shape_cast %swap3A_1257 : vector<1x300x304xf32> to vector<300x304xf32>
    %swap3A_1259 = vector.shape_cast %select_n3A_1253 : vector<300x304xf32> to vector<1x300x304xf32>
    tpu.vector_store %arg4[%swap3A_1254, %swap3A_1255, %swap3A_1256], %swap3A_1259 {strides = array<i32>} : memref<16x300x304xf32, #tpu.memory_space<vmem>>, vector<1x300x304xf32>,
    %get3A_1260 = arith.constant 15 : index
    %get3A_1261 = arith.constant 0 : index
    %get3A_1262 = arith.constant 0 : index
    %get3A_1263 = vector.load %arg0[%get3A_1260, %get3A_1261, %get3A_1262] : memref<16x300x92xf32, #tpu.memory_space<vmem>>, vector<1x300x92xf32>
    %get3A_1264 = vector.shape_cast %get3A_1263 : vector<1x300x92xf32> to vector<300x92xf32>
    %reduce_max3A_1265 = arith.constant dense<0xFF800000> : vector<300xf32>
    %reduce_max3A_1266 = vector.multi_reduction <maximumf>, %get3A_1264, %reduce_max3A_1265 [1] : vector<300x92xf32> to vector<300xf32>
    %broadcast_in_dim3A_1267 = vector.shape_cast %reduce_max3A_1266 : vector<300xf32> to vector<300x1xf32>
    %sub3A_1268 = vector.broadcast %broadcast_in_dim3A_1267 : vector<300x1xf32> to vector<300x92xf32>
    %sub3A_1269 = arith.subf %get3A_1264, %sub3A_1268 : vector<300x92xf32>
    %exp3A_1270 = math.exp %sub3A_1269 : vector<300x92xf32>
    %reduce_sum3A_1271 = arith.constant dense<0.000000e+00> : vector<300xf32>
    %reduce_sum3A_1272 = vector.multi_reduction <add>, %exp3A_1270, %reduce_sum3A_1271 [1] : vector<300x92xf32> to vector<300xf32>
    %broadcast_in_dim3A_1273 = vector.shape_cast %reduce_sum3A_1272 : vector<300xf32> to vector<300x1xf32>
    %div3A_1274 = vector.broadcast %broadcast_in_dim3A_1273 : vector<300x1xf32> to vector<300x92xf32>
    %div3A_1275 = arith.divf %exp3A_1270, %div3A_1274 : vector<300x92xf32>
    %reduce_max3A_1276 = arith.constant dense<0xFF800000> : vector<300xf32>
    %reduce_max3A_1277 = vector.multi_reduction <maximumf>, %div3A_1275, %reduce_max3A_1276 [1] : vector<300x92xf32> to vector<300xf32>
    %broadcast_in_dim3A_1278 = vector.shape_cast %reduce_max3A_1277 : vector<300xf32> to vector<300x1xf32>
    %sub3A_1279 = vector.broadcast %broadcast_in_dim3A_1278 : vector<300x1xf32> to vector<300x92xf32>
    %sub3A_1280 = arith.subf %div3A_1275, %sub3A_1279 : vector<300x92xf32>
    %exp3A_1281 = math.exp %sub3A_1280 : vector<300x92xf32>
    %reduce_sum3A_1282 = arith.constant dense<0.000000e+00> : vector<300xf32>
    %reduce_sum3A_1283 = vector.multi_reduction <add>, %exp3A_1281, %reduce_sum3A_1282 [1] : vector<300x92xf32> to vector<300xf32>
    %broadcast_in_dim3A_1284 = vector.shape_cast %reduce_sum3A_1283 : vector<300xf32> to vector<300x1xf32>
    %log3A_1285 = math.log %broadcast_in_dim3A_1284 : vector<300x1xf32>
    %add3A_1286 = arith.addf %log3A_1285, %broadcast_in_dim3A_1278 : vector<300x1xf32>
    %reduce_sum3A_1287 = vector.shape_cast %add3A_1286 : vector<300x1xf32> to vector<1x300x1xf32>
    %reduce_sum3A_1288 = arith.constant dense<0.000000e+00> : vector<1xf32>
    %reduce_sum3A_1289 = vector.multi_reduction <add>, %reduce_sum3A_1287, %reduce_sum3A_1288 [1, 2] : vector<1x300x1xf32> to vector<1xf32>
    %reduce_sum3A_1290 = vector.shape_cast %reduce_sum3A_1289 : vector<1xf32> to vector<1x1x1xf32>
    %reduce_sum3A_1291 = vector.extract %reduce_sum3A_1290[0, 0, 0] : f32 from vector<1x1x1xf32>
    %add3A_1292 = arith.addf %add3A_1207, %reduce_sum3A_1291 : f32
    %get3A_1293 = arith.constant 15 : index
    %get3A_1294 = arith.constant 0 : index
    %get3A_1295 = arith.constant 0 : index
    %get3A_1296 = vector.load %arg1[%get3A_1293, %get3A_1294, %get3A_1295] : memref<16x1x304xi32, #tpu.memory_space<vmem>>, vector<1x1x304xi32>
    %get3A_1297 = vector.shape_cast %get3A_1296 : vector<1x1x304xi32> to vector<1x304xi32>
    %eq3A_1298 = vector.broadcast %get3A_1297 : vector<1x304xi32> to vector<92x304xi32>
    %eq3A_1299 = arith.cmpi eq, %iota3A, %eq3A_1298 : vector<92x304xi32>
    %convert_element_type3A_1300 = arith.extui %eq3A_1299 : vector<92x304xi1> to vector<92x304xi32>
    %convert_element_type3A_1301 = arith.sitofp %convert_element_type3A_1300 : vector<92x304xi32> to vector<92x304xf32>
    %dot_general3A_1302 = arith.constant dense<0.000000e+00> : vector<300x304xf32>
    %dot_general3A_1303 = tpu.matmul %div3A_1275, %convert_element_type3A_1301, %dot_general3A_1302 {dimension_numbers = #tpu.dot_dimension_numbers<[1], [0], [0], [1], [0, 0, 1, 1], [], []>, transpose_lhs_hint = false} : vector<300x92xf32>, vector<92x304xf32>, vector<300x304xf32> -> vector<300x304xf32>
    %get3A_1304 = arith.constant 15 : index
    %get3A_1305 = arith.constant 0 : index
    %get3A_1306 = arith.constant 0 : index
    %get3A_1307 = vector.load %arg2[%get3A_1304, %get3A_1305, %get3A_1306] : memref<16x300x4xf32, #tpu.memory_space<vmem>>, vector<1x300x4xf32>
    %get3A_1308 = vector.shape_cast %get3A_1307 : vector<1x300x4xf32> to vector<300x4xf32>
    %get3A_1309 = arith.constant 15 : index
    %get3A_1310 = arith.constant 0 : index
    %get3A_1311 = arith.constant 0 : index
    %get3A_1312 = vector.load %arg3[%get3A_1309, %get3A_1310, %get3A_1311] : memref<16x300x4xf32, #tpu.memory_space<vmem>>, vector<1x300x4xf32>
    %get3A_1313 = vector.shape_cast %get3A_1312 : vector<1x300x4xf32> to vector<300x4xf32>
    %sub3A_1314 = arith.subf %get3A_1308, %get3A_1313 : vector<300x4xf32>
    %abs3A_1315 = math.absf %sub3A_1314 : vector<300x4xf32>
    %reduce_sum3A_1316 = arith.constant dense<0.000000e+00> : vector<300xf32>
    %reduce_sum3A_1317 = vector.multi_reduction <add>, %abs3A_1315, %reduce_sum3A_1316 [1] : vector<300x4xf32> to vector<300xf32>
    %broadcast_in_dim3A_1318 = vector.shape_cast %reduce_sum3A_1317 : vector<300xf32> to vector<300x1xf32>
    %transpose3A_1319 = tpu.transpose %broadcast_in_dim3A_1318, [1, 0] : vector<300x1xf32> -> vector<1x300xf32>
    %broadcast_in_dim3A_1320 = arith.constant 0.000000e+00 : f32
    %broadcast_in_dim3A_1321 = vector.broadcast %broadcast_in_dim3A_1320 : f32 to vector<1x4xf32>
    %concatenate3A_1322 = tpu.concatenate %transpose3A_1319, %broadcast_in_dim3A_1321 in 1 : vector<1x300xf32>, vector<1x4xf32> -> vector<1x304xf32>
    %swap3A_1323 = arith.constant 15 : index
    %swap3A_1324 = arith.constant 0 : index
    %swap3A_1325 = arith.constant 0 : index
    %swap3A_1326 = vector.load %arg5[%swap3A_1323, %swap3A_1324, %swap3A_1325] : memref<16x1x304xf32, #tpu.memory_space<vmem>>, vector<1x1x304xf32>
    %swap3A_1327 = vector.shape_cast %swap3A_1326 : vector<1x1x304xf32> to vector<1x304xf32>
    %swap3A_1328 = vector.shape_cast %concatenate3A_1322 : vector<1x304xf32> to vector<1x1x304xf32>
    tpu.vector_store %arg5[%swap3A_1323, %swap3A_1324, %swap3A_1325], %swap3A_1328 {strides = array<i32>} : memref<16x1x304xf32, #tpu.memory_space<vmem>>, vector<1x1x304xf32>,
    %mul3A_1329 = arith.constant 5.000000e+00 : f32
    %mul3A_1330 = vector.broadcast %mul3A_1329 : f32 to vector<1x304xf32>
    %mul3A_1331 = arith.mulf %mul3A_1330, %concatenate3A_1322 : vector<1x304xf32>
    %sub3A_1332 = vector.broadcast %mul3A_1331 : vector<1x304xf32> to vector<300x304xf32>
    %sub3A_1333 = arith.subf %sub3A_1332, %dot_general3A_1303 : vector<300x304xf32>
    %jit3A_1334 = arith.constant 0x7F800000 : f32
    %broadcast_in_dim3A_1335 = vector.shape_cast %ge3A_2 : vector<1x304xi1> to vector<1x304xi1>
    %broadcast_in_dim3A_1336 = vector.broadcast %broadcast_in_dim3A_1335 : vector<1x304xi1> to vector<300x304xi1>
    %broadcast_in_dim3A_1337 = vector.broadcast %jit3A_1334 : f32 to vector<300x304xf32>
    %select_n3A_1338 = arith.select %broadcast_in_dim3A_1336, %broadcast_in_dim3A_1337, %sub3A_1333 : vector<300x304xi1>, vector<300x304xf32>
    %swap3A_1339 = arith.constant 15 : index
    %swap3A_1340 = arith.constant 0 : index
    %swap3A_1341 = arith.constant 0 : index
    %swap3A_1342 = vector.load %arg4[%swap3A_1339, %swap3A_1340, %swap3A_1341] : memref<16x300x304xf32, #tpu.memory_space<vmem>>, vector<1x300x304xf32>
    %swap3A_1343 = vector.shape_cast %swap3A_1342 : vector<1x300x304xf32> to vector<300x304xf32>
    %swap3A_1344 = vector.shape_cast %select_n3A_1338 : vector<300x304xf32> to vector<1x300x304xf32>
    tpu.vector_store %arg4[%swap3A_1339, %swap3A_1340, %swap3A_1341], %swap3A_1344 {strides = array<i32>} : memref<16x300x304xf32, #tpu.memory_space<vmem>>, vector<1x300x304xf32>,
    %swap3A_1345 = arith.constant 0 : index
    %swap3A_1346 = arith.constant 0 : index
    %swap3A_1347 = memref.load %arg6[%swap3A_1345, %swap3A_1346] : memref<1x1xf32, #tpu.memory_space<smem>>
    memref.store %add3A_1292, %arg6[%swap3A_1345, %swap3A_1346] : memref<1x1xf32, #tpu.memory_space<smem>>
    return
  }
}

module attributes {stable_mosaic.version = 14 : i64} {
  func.func @_loss_body(%arg0: memref<16x1x304xi32, #tpu.memory_space<vmem>>, %arg1: memref<16x16xf32, #tpu.memory_space<smem>>, %arg2: memref<16x1x304xf32, #tpu.memory_space<vmem>>, %arg3: memref<1x1xf32, #tpu.memory_space<smem>>, %arg4: memref<16x300x4xf32, #tpu.memory_space<vmem>>, %arg5: memref<16x304x4xf32, #tpu.memory_space<vmem>>, %arg6: memref<1x1xf32, #tpu.memory_space<smem>>) attributes {dimension_semantics = [], scalar_prefetch = 0 : i64, scratch_operands = 0 : i64, tpu.core_type = #tpu.core_type<tc>} {
    %iota3A = tpu.iota {dimensions = array<i32: 0>} : vector<300x304xi32>
    %iota3A_0 = tpu.iota {dimensions = array<i32: 1>} : vector<1x304xi32>
    %lt3A = arith.constant 300 : i32
    %lt3A_1 = vector.broadcast %lt3A : i32 to vector<1x304xi32>
    %lt3A_2 = arith.cmpi slt, %iota3A_0, %lt3A_1 : vector<1x304xi32>
    %convert_element_type3A = arith.extui %lt3A_2 : vector<1x304xi1> to vector<1x304xi32>
    %convert_element_type3A_3 = arith.sitofp %convert_element_type3A : vector<1x304xi32> to vector<1x304xf32>
    %get3A = arith.constant 0 : index
    %get3A_4 = arith.constant 0 : index
    %get3A_5 = memref.load %arg3[%get3A, %get3A_4] : memref<1x1xf32, #tpu.memory_space<smem>>
    %div3A = arith.constant 3.000000e+02 : f32
    %div3A_6 = arith.divf %get3A_5, %div3A : f32
    %get3A_7 = arith.constant 0 : index
    %get3A_8 = arith.constant 0 : index
    %get3A_9 = arith.constant 0 : index
    %get3A_10 = vector.load %arg0[%get3A_7, %get3A_8, %get3A_9] : memref<16x1x304xi32, #tpu.memory_space<vmem>>, vector<1x1x304xi32>
    %get3A_11 = vector.shape_cast %get3A_10 : vector<1x1x304xi32> to vector<1x304xi32>
    %eq3A = vector.broadcast %get3A_11 : vector<1x304xi32> to vector<300x304xi32>
    %eq3A_12 = arith.cmpi eq, %iota3A, %eq3A : vector<300x304xi32>
    %convert_element_type3A_13 = arith.extui %eq3A_12 : vector<300x304xi1> to vector<300x304xi32>
    %convert_element_type3A_14 = arith.sitofp %convert_element_type3A_13 : vector<300x304xi32> to vector<300x304xf32>
    %get3A_15 = arith.constant 0 : index
    %get3A_16 = arith.constant 0 : index
    %get3A_17 = arith.constant 0 : index
    %get3A_18 = vector.load %arg5[%get3A_15, %get3A_16, %get3A_17] : memref<16x304x4xf32, #tpu.memory_space<vmem>>, vector<1x304x4xf32>
    %get3A_19 = vector.shape_cast %get3A_18 : vector<1x304x4xf32> to vector<304x4xf32>
    %dot_general3A = arith.constant dense<0.000000e+00> : vector<300x4xf32>
    %dot_general3A_20 = tpu.matmul %convert_element_type3A_14, %get3A_19, %dot_general3A {dimension_numbers = #tpu.dot_dimension_numbers<[1], [0], [0], [1], [0, 0, 1, 1], [], []>, transpose_lhs_hint = false} : vector<300x304xf32>, vector<304x4xf32>, vector<300x4xf32> -> vector<300x4xf32>
    %get3A_21 = arith.constant 0 : index
    %get3A_22 = arith.constant 0 : index
    %get3A_23 = arith.constant 0 : index
    %get3A_24 = vector.load %arg4[%get3A_21, %get3A_22, %get3A_23] : memref<16x300x4xf32, #tpu.memory_space<vmem>>, vector<1x300x4xf32>
    %get3A_25 = vector.shape_cast %get3A_24 : vector<1x300x4xf32> to vector<300x4xf32>
    %sub3A = arith.subf %get3A_25, %dot_general3A_20 : vector<300x4xf32>
    %abs3A = math.absf %sub3A : vector<300x4xf32>
    %reduce_sum3A = vector.shape_cast %abs3A : vector<300x4xf32> to vector<1x300x4xf32>
    %reduce_sum3A_26 = arith.constant dense<0.000000e+00> : vector<1xf32>
    %reduce_sum3A_27 = vector.multi_reduction <add>, %reduce_sum3A, %reduce_sum3A_26 [1, 2] : vector<1x300x4xf32> to vector<1xf32>
    %reduce_sum3A_28 = vector.shape_cast %reduce_sum3A_27 : vector<1xf32> to vector<1x1x1xf32>
    %reduce_sum3A_29 = vector.extract %reduce_sum3A_28[0, 0, 0] : f32 from vector<1x1x1xf32>
    %get3A_30 = arith.constant 0 : index
    %get3A_31 = arith.constant 0 : index
    %get3A_32 = arith.constant 0 : index
    %get3A_33 = vector.load %arg2[%get3A_30, %get3A_31, %get3A_32] : memref<16x1x304xf32, #tpu.memory_space<vmem>>, vector<1x1x304xf32>
    %get3A_34 = vector.shape_cast %get3A_33 : vector<1x1x304xf32> to vector<1x304xf32>
    %mul3A = arith.mulf %get3A_34, %convert_element_type3A_3 : vector<1x304xf32>
    %reduce_sum3A_35 = vector.shape_cast %mul3A : vector<1x304xf32> to vector<1x1x304xf32>
    %reduce_sum3A_36 = arith.constant dense<0.000000e+00> : vector<1xf32>
    %reduce_sum3A_37 = vector.multi_reduction <add>, %reduce_sum3A_35, %reduce_sum3A_36 [1, 2] : vector<1x1x304xf32> to vector<1xf32>
    %reduce_sum3A_38 = vector.shape_cast %reduce_sum3A_37 : vector<1xf32> to vector<1x1x1xf32>
    %reduce_sum3A_39 = vector.extract %reduce_sum3A_38[0, 0, 0] : f32 from vector<1x1x1xf32>
    %get3A_40 = arith.constant 0 : index
    %get3A_41 = arith.constant 0 : index
    %get3A_42 = memref.load %arg1[%get3A_40, %get3A_41] : memref<16x16xf32, #tpu.memory_space<smem>>
    %mul3A_43 = arith.constant 5.000000e+00 : f32
    %mul3A_44 = arith.mulf %mul3A_43, %reduce_sum3A_39 : f32
    %sub3A_45 = arith.subf %get3A_42, %mul3A_44 : f32
    %div3A_46 = arith.constant 3.000000e+02 : f32
    %div3A_47 = arith.divf %sub3A_45, %div3A_46 : f32
    %add3A = arith.addf %div3A_6, %div3A_47 : f32
    %div3A_48 = arith.constant 1.200000e+03 : f32
    %div3A_49 = arith.divf %reduce_sum3A_29, %div3A_48 : f32
    %add3A_50 = arith.addf %add3A, %div3A_49 : f32
    %get3A_51 = arith.constant 1 : index
    %get3A_52 = arith.constant 0 : index
    %get3A_53 = arith.constant 0 : index
    %get3A_54 = vector.load %arg0[%get3A_51, %get3A_52, %get3A_53] : memref<16x1x304xi32, #tpu.memory_space<vmem>>, vector<1x1x304xi32>
    %get3A_55 = vector.shape_cast %get3A_54 : vector<1x1x304xi32> to vector<1x304xi32>
    %eq3A_56 = vector.broadcast %get3A_55 : vector<1x304xi32> to vector<300x304xi32>
    %eq3A_57 = arith.cmpi eq, %iota3A, %eq3A_56 : vector<300x304xi32>
    %convert_element_type3A_58 = arith.extui %eq3A_57 : vector<300x304xi1> to vector<300x304xi32>
    %convert_element_type3A_59 = arith.sitofp %convert_element_type3A_58 : vector<300x304xi32> to vector<300x304xf32>
    %get3A_60 = arith.constant 1 : index
    %get3A_61 = arith.constant 0 : index
    %get3A_62 = arith.constant 0 : index
    %get3A_63 = vector.load %arg5[%get3A_60, %get3A_61, %get3A_62] : memref<16x304x4xf32, #tpu.memory_space<vmem>>, vector<1x304x4xf32>
    %get3A_64 = vector.shape_cast %get3A_63 : vector<1x304x4xf32> to vector<304x4xf32>
    %dot_general3A_65 = arith.constant dense<0.000000e+00> : vector<300x4xf32>
    %dot_general3A_66 = tpu.matmul %convert_element_type3A_59, %get3A_64, %dot_general3A_65 {dimension_numbers = #tpu.dot_dimension_numbers<[1], [0], [0], [1], [0, 0, 1, 1], [], []>, transpose_lhs_hint = false} : vector<300x304xf32>, vector<304x4xf32>, vector<300x4xf32> -> vector<300x4xf32>
    %get3A_67 = arith.constant 1 : index
    %get3A_68 = arith.constant 0 : index
    %get3A_69 = arith.constant 0 : index
    %get3A_70 = vector.load %arg4[%get3A_67, %get3A_68, %get3A_69] : memref<16x300x4xf32, #tpu.memory_space<vmem>>, vector<1x300x4xf32>
    %get3A_71 = vector.shape_cast %get3A_70 : vector<1x300x4xf32> to vector<300x4xf32>
    %sub3A_72 = arith.subf %get3A_71, %dot_general3A_66 : vector<300x4xf32>
    %abs3A_73 = math.absf %sub3A_72 : vector<300x4xf32>
    %reduce_sum3A_74 = vector.shape_cast %abs3A_73 : vector<300x4xf32> to vector<1x300x4xf32>
    %reduce_sum3A_75 = arith.constant dense<0.000000e+00> : vector<1xf32>
    %reduce_sum3A_76 = vector.multi_reduction <add>, %reduce_sum3A_74, %reduce_sum3A_75 [1, 2] : vector<1x300x4xf32> to vector<1xf32>
    %reduce_sum3A_77 = vector.shape_cast %reduce_sum3A_76 : vector<1xf32> to vector<1x1x1xf32>
    %reduce_sum3A_78 = vector.extract %reduce_sum3A_77[0, 0, 0] : f32 from vector<1x1x1xf32>
    %get3A_79 = arith.constant 1 : index
    %get3A_80 = arith.constant 0 : index
    %get3A_81 = arith.constant 0 : index
    %get3A_82 = vector.load %arg2[%get3A_79, %get3A_80, %get3A_81] : memref<16x1x304xf32, #tpu.memory_space<vmem>>, vector<1x1x304xf32>
    %get3A_83 = vector.shape_cast %get3A_82 : vector<1x1x304xf32> to vector<1x304xf32>
    %mul3A_84 = arith.mulf %get3A_83, %convert_element_type3A_3 : vector<1x304xf32>
    %reduce_sum3A_85 = vector.shape_cast %mul3A_84 : vector<1x304xf32> to vector<1x1x304xf32>
    %reduce_sum3A_86 = arith.constant dense<0.000000e+00> : vector<1xf32>
    %reduce_sum3A_87 = vector.multi_reduction <add>, %reduce_sum3A_85, %reduce_sum3A_86 [1, 2] : vector<1x1x304xf32> to vector<1xf32>
    %reduce_sum3A_88 = vector.shape_cast %reduce_sum3A_87 : vector<1xf32> to vector<1x1x1xf32>
    %reduce_sum3A_89 = vector.extract %reduce_sum3A_88[0, 0, 0] : f32 from vector<1x1x1xf32>
    %get3A_90 = arith.constant 1 : index
    %get3A_91 = arith.constant 0 : index
    %get3A_92 = memref.load %arg1[%get3A_90, %get3A_91] : memref<16x16xf32, #tpu.memory_space<smem>>
    %mul3A_93 = arith.constant 5.000000e+00 : f32
    %mul3A_94 = arith.mulf %mul3A_93, %reduce_sum3A_89 : f32
    %sub3A_95 = arith.subf %get3A_92, %mul3A_94 : f32
    %div3A_96 = arith.constant 3.000000e+02 : f32
    %div3A_97 = arith.divf %sub3A_95, %div3A_96 : f32
    %add3A_98 = arith.addf %add3A_50, %div3A_97 : f32
    %div3A_99 = arith.constant 1.200000e+03 : f32
    %div3A_100 = arith.divf %reduce_sum3A_78, %div3A_99 : f32
    %add3A_101 = arith.addf %add3A_98, %div3A_100 : f32
    %get3A_102 = arith.constant 2 : index
    %get3A_103 = arith.constant 0 : index
    %get3A_104 = arith.constant 0 : index
    %get3A_105 = vector.load %arg0[%get3A_102, %get3A_103, %get3A_104] : memref<16x1x304xi32, #tpu.memory_space<vmem>>, vector<1x1x304xi32>
    %get3A_106 = vector.shape_cast %get3A_105 : vector<1x1x304xi32> to vector<1x304xi32>
    %eq3A_107 = vector.broadcast %get3A_106 : vector<1x304xi32> to vector<300x304xi32>
    %eq3A_108 = arith.cmpi eq, %iota3A, %eq3A_107 : vector<300x304xi32>
    %convert_element_type3A_109 = arith.extui %eq3A_108 : vector<300x304xi1> to vector<300x304xi32>
    %convert_element_type3A_110 = arith.sitofp %convert_element_type3A_109 : vector<300x304xi32> to vector<300x304xf32>
    %get3A_111 = arith.constant 2 : index
    %get3A_112 = arith.constant 0 : index
    %get3A_113 = arith.constant 0 : index
    %get3A_114 = vector.load %arg5[%get3A_111, %get3A_112, %get3A_113] : memref<16x304x4xf32, #tpu.memory_space<vmem>>, vector<1x304x4xf32>
    %get3A_115 = vector.shape_cast %get3A_114 : vector<1x304x4xf32> to vector<304x4xf32>
    %dot_general3A_116 = arith.constant dense<0.000000e+00> : vector<300x4xf32>
    %dot_general3A_117 = tpu.matmul %convert_element_type3A_110, %get3A_115, %dot_general3A_116 {dimension_numbers = #tpu.dot_dimension_numbers<[1], [0], [0], [1], [0, 0, 1, 1], [], []>, transpose_lhs_hint = false} : vector<300x304xf32>, vector<304x4xf32>, vector<300x4xf32> -> vector<300x4xf32>
    %get3A_118 = arith.constant 2 : index
    %get3A_119 = arith.constant 0 : index
    %get3A_120 = arith.constant 0 : index
    %get3A_121 = vector.load %arg4[%get3A_118, %get3A_119, %get3A_120] : memref<16x300x4xf32, #tpu.memory_space<vmem>>, vector<1x300x4xf32>
    %get3A_122 = vector.shape_cast %get3A_121 : vector<1x300x4xf32> to vector<300x4xf32>
    %sub3A_123 = arith.subf %get3A_122, %dot_general3A_117 : vector<300x4xf32>
    %abs3A_124 = math.absf %sub3A_123 : vector<300x4xf32>
    %reduce_sum3A_125 = vector.shape_cast %abs3A_124 : vector<300x4xf32> to vector<1x300x4xf32>
    %reduce_sum3A_126 = arith.constant dense<0.000000e+00> : vector<1xf32>
    %reduce_sum3A_127 = vector.multi_reduction <add>, %reduce_sum3A_125, %reduce_sum3A_126 [1, 2] : vector<1x300x4xf32> to vector<1xf32>
    %reduce_sum3A_128 = vector.shape_cast %reduce_sum3A_127 : vector<1xf32> to vector<1x1x1xf32>
    %reduce_sum3A_129 = vector.extract %reduce_sum3A_128[0, 0, 0] : f32 from vector<1x1x1xf32>
    %get3A_130 = arith.constant 2 : index
    %get3A_131 = arith.constant 0 : index
    %get3A_132 = arith.constant 0 : index
    %get3A_133 = vector.load %arg2[%get3A_130, %get3A_131, %get3A_132] : memref<16x1x304xf32, #tpu.memory_space<vmem>>, vector<1x1x304xf32>
    %get3A_134 = vector.shape_cast %get3A_133 : vector<1x1x304xf32> to vector<1x304xf32>
    %mul3A_135 = arith.mulf %get3A_134, %convert_element_type3A_3 : vector<1x304xf32>
    %reduce_sum3A_136 = vector.shape_cast %mul3A_135 : vector<1x304xf32> to vector<1x1x304xf32>
    %reduce_sum3A_137 = arith.constant dense<0.000000e+00> : vector<1xf32>
    %reduce_sum3A_138 = vector.multi_reduction <add>, %reduce_sum3A_136, %reduce_sum3A_137 [1, 2] : vector<1x1x304xf32> to vector<1xf32>
    %reduce_sum3A_139 = vector.shape_cast %reduce_sum3A_138 : vector<1xf32> to vector<1x1x1xf32>
    %reduce_sum3A_140 = vector.extract %reduce_sum3A_139[0, 0, 0] : f32 from vector<1x1x1xf32>
    %get3A_141 = arith.constant 2 : index
    %get3A_142 = arith.constant 0 : index
    %get3A_143 = memref.load %arg1[%get3A_141, %get3A_142] : memref<16x16xf32, #tpu.memory_space<smem>>
    %mul3A_144 = arith.constant 5.000000e+00 : f32
    %mul3A_145 = arith.mulf %mul3A_144, %reduce_sum3A_140 : f32
    %sub3A_146 = arith.subf %get3A_143, %mul3A_145 : f32
    %div3A_147 = arith.constant 3.000000e+02 : f32
    %div3A_148 = arith.divf %sub3A_146, %div3A_147 : f32
    %add3A_149 = arith.addf %add3A_101, %div3A_148 : f32
    %div3A_150 = arith.constant 1.200000e+03 : f32
    %div3A_151 = arith.divf %reduce_sum3A_129, %div3A_150 : f32
    %add3A_152 = arith.addf %add3A_149, %div3A_151 : f32
    %get3A_153 = arith.constant 3 : index
    %get3A_154 = arith.constant 0 : index
    %get3A_155 = arith.constant 0 : index
    %get3A_156 = vector.load %arg0[%get3A_153, %get3A_154, %get3A_155] : memref<16x1x304xi32, #tpu.memory_space<vmem>>, vector<1x1x304xi32>
    %get3A_157 = vector.shape_cast %get3A_156 : vector<1x1x304xi32> to vector<1x304xi32>
    %eq3A_158 = vector.broadcast %get3A_157 : vector<1x304xi32> to vector<300x304xi32>
    %eq3A_159 = arith.cmpi eq, %iota3A, %eq3A_158 : vector<300x304xi32>
    %convert_element_type3A_160 = arith.extui %eq3A_159 : vector<300x304xi1> to vector<300x304xi32>
    %convert_element_type3A_161 = arith.sitofp %convert_element_type3A_160 : vector<300x304xi32> to vector<300x304xf32>
    %get3A_162 = arith.constant 3 : index
    %get3A_163 = arith.constant 0 : index
    %get3A_164 = arith.constant 0 : index
    %get3A_165 = vector.load %arg5[%get3A_162, %get3A_163, %get3A_164] : memref<16x304x4xf32, #tpu.memory_space<vmem>>, vector<1x304x4xf32>
    %get3A_166 = vector.shape_cast %get3A_165 : vector<1x304x4xf32> to vector<304x4xf32>
    %dot_general3A_167 = arith.constant dense<0.000000e+00> : vector<300x4xf32>
    %dot_general3A_168 = tpu.matmul %convert_element_type3A_161, %get3A_166, %dot_general3A_167 {dimension_numbers = #tpu.dot_dimension_numbers<[1], [0], [0], [1], [0, 0, 1, 1], [], []>, transpose_lhs_hint = false} : vector<300x304xf32>, vector<304x4xf32>, vector<300x4xf32> -> vector<300x4xf32>
    %get3A_169 = arith.constant 3 : index
    %get3A_170 = arith.constant 0 : index
    %get3A_171 = arith.constant 0 : index
    %get3A_172 = vector.load %arg4[%get3A_169, %get3A_170, %get3A_171] : memref<16x300x4xf32, #tpu.memory_space<vmem>>, vector<1x300x4xf32>
    %get3A_173 = vector.shape_cast %get3A_172 : vector<1x300x4xf32> to vector<300x4xf32>
    %sub3A_174 = arith.subf %get3A_173, %dot_general3A_168 : vector<300x4xf32>
    %abs3A_175 = math.absf %sub3A_174 : vector<300x4xf32>
    %reduce_sum3A_176 = vector.shape_cast %abs3A_175 : vector<300x4xf32> to vector<1x300x4xf32>
    %reduce_sum3A_177 = arith.constant dense<0.000000e+00> : vector<1xf32>
    %reduce_sum3A_178 = vector.multi_reduction <add>, %reduce_sum3A_176, %reduce_sum3A_177 [1, 2] : vector<1x300x4xf32> to vector<1xf32>
    %reduce_sum3A_179 = vector.shape_cast %reduce_sum3A_178 : vector<1xf32> to vector<1x1x1xf32>
    %reduce_sum3A_180 = vector.extract %reduce_sum3A_179[0, 0, 0] : f32 from vector<1x1x1xf32>
    %get3A_181 = arith.constant 3 : index
    %get3A_182 = arith.constant 0 : index
    %get3A_183 = arith.constant 0 : index
    %get3A_184 = vector.load %arg2[%get3A_181, %get3A_182, %get3A_183] : memref<16x1x304xf32, #tpu.memory_space<vmem>>, vector<1x1x304xf32>
    %get3A_185 = vector.shape_cast %get3A_184 : vector<1x1x304xf32> to vector<1x304xf32>
    %mul3A_186 = arith.mulf %get3A_185, %convert_element_type3A_3 : vector<1x304xf32>
    %reduce_sum3A_187 = vector.shape_cast %mul3A_186 : vector<1x304xf32> to vector<1x1x304xf32>
    %reduce_sum3A_188 = arith.constant dense<0.000000e+00> : vector<1xf32>
    %reduce_sum3A_189 = vector.multi_reduction <add>, %reduce_sum3A_187, %reduce_sum3A_188 [1, 2] : vector<1x1x304xf32> to vector<1xf32>
    %reduce_sum3A_190 = vector.shape_cast %reduce_sum3A_189 : vector<1xf32> to vector<1x1x1xf32>
    %reduce_sum3A_191 = vector.extract %reduce_sum3A_190[0, 0, 0] : f32 from vector<1x1x1xf32>
    %get3A_192 = arith.constant 3 : index
    %get3A_193 = arith.constant 0 : index
    %get3A_194 = memref.load %arg1[%get3A_192, %get3A_193] : memref<16x16xf32, #tpu.memory_space<smem>>
    %mul3A_195 = arith.constant 5.000000e+00 : f32
    %mul3A_196 = arith.mulf %mul3A_195, %reduce_sum3A_191 : f32
    %sub3A_197 = arith.subf %get3A_194, %mul3A_196 : f32
    %div3A_198 = arith.constant 3.000000e+02 : f32
    %div3A_199 = arith.divf %sub3A_197, %div3A_198 : f32
    %add3A_200 = arith.addf %add3A_152, %div3A_199 : f32
    %div3A_201 = arith.constant 1.200000e+03 : f32
    %div3A_202 = arith.divf %reduce_sum3A_180, %div3A_201 : f32
    %add3A_203 = arith.addf %add3A_200, %div3A_202 : f32
    %get3A_204 = arith.constant 4 : index
    %get3A_205 = arith.constant 0 : index
    %get3A_206 = arith.constant 0 : index
    %get3A_207 = vector.load %arg0[%get3A_204, %get3A_205, %get3A_206] : memref<16x1x304xi32, #tpu.memory_space<vmem>>, vector<1x1x304xi32>
    %get3A_208 = vector.shape_cast %get3A_207 : vector<1x1x304xi32> to vector<1x304xi32>
    %eq3A_209 = vector.broadcast %get3A_208 : vector<1x304xi32> to vector<300x304xi32>
    %eq3A_210 = arith.cmpi eq, %iota3A, %eq3A_209 : vector<300x304xi32>
    %convert_element_type3A_211 = arith.extui %eq3A_210 : vector<300x304xi1> to vector<300x304xi32>
    %convert_element_type3A_212 = arith.sitofp %convert_element_type3A_211 : vector<300x304xi32> to vector<300x304xf32>
    %get3A_213 = arith.constant 4 : index
    %get3A_214 = arith.constant 0 : index
    %get3A_215 = arith.constant 0 : index
    %get3A_216 = vector.load %arg5[%get3A_213, %get3A_214, %get3A_215] : memref<16x304x4xf32, #tpu.memory_space<vmem>>, vector<1x304x4xf32>
    %get3A_217 = vector.shape_cast %get3A_216 : vector<1x304x4xf32> to vector<304x4xf32>
    %dot_general3A_218 = arith.constant dense<0.000000e+00> : vector<300x4xf32>
    %dot_general3A_219 = tpu.matmul %convert_element_type3A_212, %get3A_217, %dot_general3A_218 {dimension_numbers = #tpu.dot_dimension_numbers<[1], [0], [0], [1], [0, 0, 1, 1], [], []>, transpose_lhs_hint = false} : vector<300x304xf32>, vector<304x4xf32>, vector<300x4xf32> -> vector<300x4xf32>
    %get3A_220 = arith.constant 4 : index
    %get3A_221 = arith.constant 0 : index
    %get3A_222 = arith.constant 0 : index
    %get3A_223 = vector.load %arg4[%get3A_220, %get3A_221, %get3A_222] : memref<16x300x4xf32, #tpu.memory_space<vmem>>, vector<1x300x4xf32>
    %get3A_224 = vector.shape_cast %get3A_223 : vector<1x300x4xf32> to vector<300x4xf32>
    %sub3A_225 = arith.subf %get3A_224, %dot_general3A_219 : vector<300x4xf32>
    %abs3A_226 = math.absf %sub3A_225 : vector<300x4xf32>
    %reduce_sum3A_227 = vector.shape_cast %abs3A_226 : vector<300x4xf32> to vector<1x300x4xf32>
    %reduce_sum3A_228 = arith.constant dense<0.000000e+00> : vector<1xf32>
    %reduce_sum3A_229 = vector.multi_reduction <add>, %reduce_sum3A_227, %reduce_sum3A_228 [1, 2] : vector<1x300x4xf32> to vector<1xf32>
    %reduce_sum3A_230 = vector.shape_cast %reduce_sum3A_229 : vector<1xf32> to vector<1x1x1xf32>
    %reduce_sum3A_231 = vector.extract %reduce_sum3A_230[0, 0, 0] : f32 from vector<1x1x1xf32>
    %get3A_232 = arith.constant 4 : index
    %get3A_233 = arith.constant 0 : index
    %get3A_234 = arith.constant 0 : index
    %get3A_235 = vector.load %arg2[%get3A_232, %get3A_233, %get3A_234] : memref<16x1x304xf32, #tpu.memory_space<vmem>>, vector<1x1x304xf32>
    %get3A_236 = vector.shape_cast %get3A_235 : vector<1x1x304xf32> to vector<1x304xf32>
    %mul3A_237 = arith.mulf %get3A_236, %convert_element_type3A_3 : vector<1x304xf32>
    %reduce_sum3A_238 = vector.shape_cast %mul3A_237 : vector<1x304xf32> to vector<1x1x304xf32>
    %reduce_sum3A_239 = arith.constant dense<0.000000e+00> : vector<1xf32>
    %reduce_sum3A_240 = vector.multi_reduction <add>, %reduce_sum3A_238, %reduce_sum3A_239 [1, 2] : vector<1x1x304xf32> to vector<1xf32>
    %reduce_sum3A_241 = vector.shape_cast %reduce_sum3A_240 : vector<1xf32> to vector<1x1x1xf32>
    %reduce_sum3A_242 = vector.extract %reduce_sum3A_241[0, 0, 0] : f32 from vector<1x1x1xf32>
    %get3A_243 = arith.constant 4 : index
    %get3A_244 = arith.constant 0 : index
    %get3A_245 = memref.load %arg1[%get3A_243, %get3A_244] : memref<16x16xf32, #tpu.memory_space<smem>>
    %mul3A_246 = arith.constant 5.000000e+00 : f32
    %mul3A_247 = arith.mulf %mul3A_246, %reduce_sum3A_242 : f32
    %sub3A_248 = arith.subf %get3A_245, %mul3A_247 : f32
    %div3A_249 = arith.constant 3.000000e+02 : f32
    %div3A_250 = arith.divf %sub3A_248, %div3A_249 : f32
    %add3A_251 = arith.addf %add3A_203, %div3A_250 : f32
    %div3A_252 = arith.constant 1.200000e+03 : f32
    %div3A_253 = arith.divf %reduce_sum3A_231, %div3A_252 : f32
    %add3A_254 = arith.addf %add3A_251, %div3A_253 : f32
    %get3A_255 = arith.constant 5 : index
    %get3A_256 = arith.constant 0 : index
    %get3A_257 = arith.constant 0 : index
    %get3A_258 = vector.load %arg0[%get3A_255, %get3A_256, %get3A_257] : memref<16x1x304xi32, #tpu.memory_space<vmem>>, vector<1x1x304xi32>
    %get3A_259 = vector.shape_cast %get3A_258 : vector<1x1x304xi32> to vector<1x304xi32>
    %eq3A_260 = vector.broadcast %get3A_259 : vector<1x304xi32> to vector<300x304xi32>
    %eq3A_261 = arith.cmpi eq, %iota3A, %eq3A_260 : vector<300x304xi32>
    %convert_element_type3A_262 = arith.extui %eq3A_261 : vector<300x304xi1> to vector<300x304xi32>
    %convert_element_type3A_263 = arith.sitofp %convert_element_type3A_262 : vector<300x304xi32> to vector<300x304xf32>
    %get3A_264 = arith.constant 5 : index
    %get3A_265 = arith.constant 0 : index
    %get3A_266 = arith.constant 0 : index
    %get3A_267 = vector.load %arg5[%get3A_264, %get3A_265, %get3A_266] : memref<16x304x4xf32, #tpu.memory_space<vmem>>, vector<1x304x4xf32>
    %get3A_268 = vector.shape_cast %get3A_267 : vector<1x304x4xf32> to vector<304x4xf32>
    %dot_general3A_269 = arith.constant dense<0.000000e+00> : vector<300x4xf32>
    %dot_general3A_270 = tpu.matmul %convert_element_type3A_263, %get3A_268, %dot_general3A_269 {dimension_numbers = #tpu.dot_dimension_numbers<[1], [0], [0], [1], [0, 0, 1, 1], [], []>, transpose_lhs_hint = false} : vector<300x304xf32>, vector<304x4xf32>, vector<300x4xf32> -> vector<300x4xf32>
    %get3A_271 = arith.constant 5 : index
    %get3A_272 = arith.constant 0 : index
    %get3A_273 = arith.constant 0 : index
    %get3A_274 = vector.load %arg4[%get3A_271, %get3A_272, %get3A_273] : memref<16x300x4xf32, #tpu.memory_space<vmem>>, vector<1x300x4xf32>
    %get3A_275 = vector.shape_cast %get3A_274 : vector<1x300x4xf32> to vector<300x4xf32>
    %sub3A_276 = arith.subf %get3A_275, %dot_general3A_270 : vector<300x4xf32>
    %abs3A_277 = math.absf %sub3A_276 : vector<300x4xf32>
    %reduce_sum3A_278 = vector.shape_cast %abs3A_277 : vector<300x4xf32> to vector<1x300x4xf32>
    %reduce_sum3A_279 = arith.constant dense<0.000000e+00> : vector<1xf32>
    %reduce_sum3A_280 = vector.multi_reduction <add>, %reduce_sum3A_278, %reduce_sum3A_279 [1, 2] : vector<1x300x4xf32> to vector<1xf32>
    %reduce_sum3A_281 = vector.shape_cast %reduce_sum3A_280 : vector<1xf32> to vector<1x1x1xf32>
    %reduce_sum3A_282 = vector.extract %reduce_sum3A_281[0, 0, 0] : f32 from vector<1x1x1xf32>
    %get3A_283 = arith.constant 5 : index
    %get3A_284 = arith.constant 0 : index
    %get3A_285 = arith.constant 0 : index
    %get3A_286 = vector.load %arg2[%get3A_283, %get3A_284, %get3A_285] : memref<16x1x304xf32, #tpu.memory_space<vmem>>, vector<1x1x304xf32>
    %get3A_287 = vector.shape_cast %get3A_286 : vector<1x1x304xf32> to vector<1x304xf32>
    %mul3A_288 = arith.mulf %get3A_287, %convert_element_type3A_3 : vector<1x304xf32>
    %reduce_sum3A_289 = vector.shape_cast %mul3A_288 : vector<1x304xf32> to vector<1x1x304xf32>
    %reduce_sum3A_290 = arith.constant dense<0.000000e+00> : vector<1xf32>
    %reduce_sum3A_291 = vector.multi_reduction <add>, %reduce_sum3A_289, %reduce_sum3A_290 [1, 2] : vector<1x1x304xf32> to vector<1xf32>
    %reduce_sum3A_292 = vector.shape_cast %reduce_sum3A_291 : vector<1xf32> to vector<1x1x1xf32>
    %reduce_sum3A_293 = vector.extract %reduce_sum3A_292[0, 0, 0] : f32 from vector<1x1x1xf32>
    %get3A_294 = arith.constant 5 : index
    %get3A_295 = arith.constant 0 : index
    %get3A_296 = memref.load %arg1[%get3A_294, %get3A_295] : memref<16x16xf32, #tpu.memory_space<smem>>
    %mul3A_297 = arith.constant 5.000000e+00 : f32
    %mul3A_298 = arith.mulf %mul3A_297, %reduce_sum3A_293 : f32
    %sub3A_299 = arith.subf %get3A_296, %mul3A_298 : f32
    %div3A_300 = arith.constant 3.000000e+02 : f32
    %div3A_301 = arith.divf %sub3A_299, %div3A_300 : f32
    %add3A_302 = arith.addf %add3A_254, %div3A_301 : f32
    %div3A_303 = arith.constant 1.200000e+03 : f32
    %div3A_304 = arith.divf %reduce_sum3A_282, %div3A_303 : f32
    %add3A_305 = arith.addf %add3A_302, %div3A_304 : f32
    %get3A_306 = arith.constant 6 : index
    %get3A_307 = arith.constant 0 : index
    %get3A_308 = arith.constant 0 : index
    %get3A_309 = vector.load %arg0[%get3A_306, %get3A_307, %get3A_308] : memref<16x1x304xi32, #tpu.memory_space<vmem>>, vector<1x1x304xi32>
    %get3A_310 = vector.shape_cast %get3A_309 : vector<1x1x304xi32> to vector<1x304xi32>
    %eq3A_311 = vector.broadcast %get3A_310 : vector<1x304xi32> to vector<300x304xi32>
    %eq3A_312 = arith.cmpi eq, %iota3A, %eq3A_311 : vector<300x304xi32>
    %convert_element_type3A_313 = arith.extui %eq3A_312 : vector<300x304xi1> to vector<300x304xi32>
    %convert_element_type3A_314 = arith.sitofp %convert_element_type3A_313 : vector<300x304xi32> to vector<300x304xf32>
    %get3A_315 = arith.constant 6 : index
    %get3A_316 = arith.constant 0 : index
    %get3A_317 = arith.constant 0 : index
    %get3A_318 = vector.load %arg5[%get3A_315, %get3A_316, %get3A_317] : memref<16x304x4xf32, #tpu.memory_space<vmem>>, vector<1x304x4xf32>
    %get3A_319 = vector.shape_cast %get3A_318 : vector<1x304x4xf32> to vector<304x4xf32>
    %dot_general3A_320 = arith.constant dense<0.000000e+00> : vector<300x4xf32>
    %dot_general3A_321 = tpu.matmul %convert_element_type3A_314, %get3A_319, %dot_general3A_320 {dimension_numbers = #tpu.dot_dimension_numbers<[1], [0], [0], [1], [0, 0, 1, 1], [], []>, transpose_lhs_hint = false} : vector<300x304xf32>, vector<304x4xf32>, vector<300x4xf32> -> vector<300x4xf32>
    %get3A_322 = arith.constant 6 : index
    %get3A_323 = arith.constant 0 : index
    %get3A_324 = arith.constant 0 : index
    %get3A_325 = vector.load %arg4[%get3A_322, %get3A_323, %get3A_324] : memref<16x300x4xf32, #tpu.memory_space<vmem>>, vector<1x300x4xf32>
    %get3A_326 = vector.shape_cast %get3A_325 : vector<1x300x4xf32> to vector<300x4xf32>
    %sub3A_327 = arith.subf %get3A_326, %dot_general3A_321 : vector<300x4xf32>
    %abs3A_328 = math.absf %sub3A_327 : vector<300x4xf32>
    %reduce_sum3A_329 = vector.shape_cast %abs3A_328 : vector<300x4xf32> to vector<1x300x4xf32>
    %reduce_sum3A_330 = arith.constant dense<0.000000e+00> : vector<1xf32>
    %reduce_sum3A_331 = vector.multi_reduction <add>, %reduce_sum3A_329, %reduce_sum3A_330 [1, 2] : vector<1x300x4xf32> to vector<1xf32>
    %reduce_sum3A_332 = vector.shape_cast %reduce_sum3A_331 : vector<1xf32> to vector<1x1x1xf32>
    %reduce_sum3A_333 = vector.extract %reduce_sum3A_332[0, 0, 0] : f32 from vector<1x1x1xf32>
    %get3A_334 = arith.constant 6 : index
    %get3A_335 = arith.constant 0 : index
    %get3A_336 = arith.constant 0 : index
    %get3A_337 = vector.load %arg2[%get3A_334, %get3A_335, %get3A_336] : memref<16x1x304xf32, #tpu.memory_space<vmem>>, vector<1x1x304xf32>
    %get3A_338 = vector.shape_cast %get3A_337 : vector<1x1x304xf32> to vector<1x304xf32>
    %mul3A_339 = arith.mulf %get3A_338, %convert_element_type3A_3 : vector<1x304xf32>
    %reduce_sum3A_340 = vector.shape_cast %mul3A_339 : vector<1x304xf32> to vector<1x1x304xf32>
    %reduce_sum3A_341 = arith.constant dense<0.000000e+00> : vector<1xf32>
    %reduce_sum3A_342 = vector.multi_reduction <add>, %reduce_sum3A_340, %reduce_sum3A_341 [1, 2] : vector<1x1x304xf32> to vector<1xf32>
    %reduce_sum3A_343 = vector.shape_cast %reduce_sum3A_342 : vector<1xf32> to vector<1x1x1xf32>
    %reduce_sum3A_344 = vector.extract %reduce_sum3A_343[0, 0, 0] : f32 from vector<1x1x1xf32>
    %get3A_345 = arith.constant 6 : index
    %get3A_346 = arith.constant 0 : index
    %get3A_347 = memref.load %arg1[%get3A_345, %get3A_346] : memref<16x16xf32, #tpu.memory_space<smem>>
    %mul3A_348 = arith.constant 5.000000e+00 : f32
    %mul3A_349 = arith.mulf %mul3A_348, %reduce_sum3A_344 : f32
    %sub3A_350 = arith.subf %get3A_347, %mul3A_349 : f32
    %div3A_351 = arith.constant 3.000000e+02 : f32
    %div3A_352 = arith.divf %sub3A_350, %div3A_351 : f32
    %add3A_353 = arith.addf %add3A_305, %div3A_352 : f32
    %div3A_354 = arith.constant 1.200000e+03 : f32
    %div3A_355 = arith.divf %reduce_sum3A_333, %div3A_354 : f32
    %add3A_356 = arith.addf %add3A_353, %div3A_355 : f32
    %get3A_357 = arith.constant 7 : index
    %get3A_358 = arith.constant 0 : index
    %get3A_359 = arith.constant 0 : index
    %get3A_360 = vector.load %arg0[%get3A_357, %get3A_358, %get3A_359] : memref<16x1x304xi32, #tpu.memory_space<vmem>>, vector<1x1x304xi32>
    %get3A_361 = vector.shape_cast %get3A_360 : vector<1x1x304xi32> to vector<1x304xi32>
    %eq3A_362 = vector.broadcast %get3A_361 : vector<1x304xi32> to vector<300x304xi32>
    %eq3A_363 = arith.cmpi eq, %iota3A, %eq3A_362 : vector<300x304xi32>
    %convert_element_type3A_364 = arith.extui %eq3A_363 : vector<300x304xi1> to vector<300x304xi32>
    %convert_element_type3A_365 = arith.sitofp %convert_element_type3A_364 : vector<300x304xi32> to vector<300x304xf32>
    %get3A_366 = arith.constant 7 : index
    %get3A_367 = arith.constant 0 : index
    %get3A_368 = arith.constant 0 : index
    %get3A_369 = vector.load %arg5[%get3A_366, %get3A_367, %get3A_368] : memref<16x304x4xf32, #tpu.memory_space<vmem>>, vector<1x304x4xf32>
    %get3A_370 = vector.shape_cast %get3A_369 : vector<1x304x4xf32> to vector<304x4xf32>
    %dot_general3A_371 = arith.constant dense<0.000000e+00> : vector<300x4xf32>
    %dot_general3A_372 = tpu.matmul %convert_element_type3A_365, %get3A_370, %dot_general3A_371 {dimension_numbers = #tpu.dot_dimension_numbers<[1], [0], [0], [1], [0, 0, 1, 1], [], []>, transpose_lhs_hint = false} : vector<300x304xf32>, vector<304x4xf32>, vector<300x4xf32> -> vector<300x4xf32>
    %get3A_373 = arith.constant 7 : index
    %get3A_374 = arith.constant 0 : index
    %get3A_375 = arith.constant 0 : index
    %get3A_376 = vector.load %arg4[%get3A_373, %get3A_374, %get3A_375] : memref<16x300x4xf32, #tpu.memory_space<vmem>>, vector<1x300x4xf32>
    %get3A_377 = vector.shape_cast %get3A_376 : vector<1x300x4xf32> to vector<300x4xf32>
    %sub3A_378 = arith.subf %get3A_377, %dot_general3A_372 : vector<300x4xf32>
    %abs3A_379 = math.absf %sub3A_378 : vector<300x4xf32>
    %reduce_sum3A_380 = vector.shape_cast %abs3A_379 : vector<300x4xf32> to vector<1x300x4xf32>
    %reduce_sum3A_381 = arith.constant dense<0.000000e+00> : vector<1xf32>
    %reduce_sum3A_382 = vector.multi_reduction <add>, %reduce_sum3A_380, %reduce_sum3A_381 [1, 2] : vector<1x300x4xf32> to vector<1xf32>
    %reduce_sum3A_383 = vector.shape_cast %reduce_sum3A_382 : vector<1xf32> to vector<1x1x1xf32>
    %reduce_sum3A_384 = vector.extract %reduce_sum3A_383[0, 0, 0] : f32 from vector<1x1x1xf32>
    %get3A_385 = arith.constant 7 : index
    %get3A_386 = arith.constant 0 : index
    %get3A_387 = arith.constant 0 : index
    %get3A_388 = vector.load %arg2[%get3A_385, %get3A_386, %get3A_387] : memref<16x1x304xf32, #tpu.memory_space<vmem>>, vector<1x1x304xf32>
    %get3A_389 = vector.shape_cast %get3A_388 : vector<1x1x304xf32> to vector<1x304xf32>
    %mul3A_390 = arith.mulf %get3A_389, %convert_element_type3A_3 : vector<1x304xf32>
    %reduce_sum3A_391 = vector.shape_cast %mul3A_390 : vector<1x304xf32> to vector<1x1x304xf32>
    %reduce_sum3A_392 = arith.constant dense<0.000000e+00> : vector<1xf32>
    %reduce_sum3A_393 = vector.multi_reduction <add>, %reduce_sum3A_391, %reduce_sum3A_392 [1, 2] : vector<1x1x304xf32> to vector<1xf32>
    %reduce_sum3A_394 = vector.shape_cast %reduce_sum3A_393 : vector<1xf32> to vector<1x1x1xf32>
    %reduce_sum3A_395 = vector.extract %reduce_sum3A_394[0, 0, 0] : f32 from vector<1x1x1xf32>
    %get3A_396 = arith.constant 7 : index
    %get3A_397 = arith.constant 0 : index
    %get3A_398 = memref.load %arg1[%get3A_396, %get3A_397] : memref<16x16xf32, #tpu.memory_space<smem>>
    %mul3A_399 = arith.constant 5.000000e+00 : f32
    %mul3A_400 = arith.mulf %mul3A_399, %reduce_sum3A_395 : f32
    %sub3A_401 = arith.subf %get3A_398, %mul3A_400 : f32
    %div3A_402 = arith.constant 3.000000e+02 : f32
    %div3A_403 = arith.divf %sub3A_401, %div3A_402 : f32
    %add3A_404 = arith.addf %add3A_356, %div3A_403 : f32
    %div3A_405 = arith.constant 1.200000e+03 : f32
    %div3A_406 = arith.divf %reduce_sum3A_384, %div3A_405 : f32
    %add3A_407 = arith.addf %add3A_404, %div3A_406 : f32
    %get3A_408 = arith.constant 8 : index
    %get3A_409 = arith.constant 0 : index
    %get3A_410 = arith.constant 0 : index
    %get3A_411 = vector.load %arg0[%get3A_408, %get3A_409, %get3A_410] : memref<16x1x304xi32, #tpu.memory_space<vmem>>, vector<1x1x304xi32>
    %get3A_412 = vector.shape_cast %get3A_411 : vector<1x1x304xi32> to vector<1x304xi32>
    %eq3A_413 = vector.broadcast %get3A_412 : vector<1x304xi32> to vector<300x304xi32>
    %eq3A_414 = arith.cmpi eq, %iota3A, %eq3A_413 : vector<300x304xi32>
    %convert_element_type3A_415 = arith.extui %eq3A_414 : vector<300x304xi1> to vector<300x304xi32>
    %convert_element_type3A_416 = arith.sitofp %convert_element_type3A_415 : vector<300x304xi32> to vector<300x304xf32>
    %get3A_417 = arith.constant 8 : index
    %get3A_418 = arith.constant 0 : index
    %get3A_419 = arith.constant 0 : index
    %get3A_420 = vector.load %arg5[%get3A_417, %get3A_418, %get3A_419] : memref<16x304x4xf32, #tpu.memory_space<vmem>>, vector<1x304x4xf32>
    %get3A_421 = vector.shape_cast %get3A_420 : vector<1x304x4xf32> to vector<304x4xf32>
    %dot_general3A_422 = arith.constant dense<0.000000e+00> : vector<300x4xf32>
    %dot_general3A_423 = tpu.matmul %convert_element_type3A_416, %get3A_421, %dot_general3A_422 {dimension_numbers = #tpu.dot_dimension_numbers<[1], [0], [0], [1], [0, 0, 1, 1], [], []>, transpose_lhs_hint = false} : vector<300x304xf32>, vector<304x4xf32>, vector<300x4xf32> -> vector<300x4xf32>
    %get3A_424 = arith.constant 8 : index
    %get3A_425 = arith.constant 0 : index
    %get3A_426 = arith.constant 0 : index
    %get3A_427 = vector.load %arg4[%get3A_424, %get3A_425, %get3A_426] : memref<16x300x4xf32, #tpu.memory_space<vmem>>, vector<1x300x4xf32>
    %get3A_428 = vector.shape_cast %get3A_427 : vector<1x300x4xf32> to vector<300x4xf32>
    %sub3A_429 = arith.subf %get3A_428, %dot_general3A_423 : vector<300x4xf32>
    %abs3A_430 = math.absf %sub3A_429 : vector<300x4xf32>
    %reduce_sum3A_431 = vector.shape_cast %abs3A_430 : vector<300x4xf32> to vector<1x300x4xf32>
    %reduce_sum3A_432 = arith.constant dense<0.000000e+00> : vector<1xf32>
    %reduce_sum3A_433 = vector.multi_reduction <add>, %reduce_sum3A_431, %reduce_sum3A_432 [1, 2] : vector<1x300x4xf32> to vector<1xf32>
    %reduce_sum3A_434 = vector.shape_cast %reduce_sum3A_433 : vector<1xf32> to vector<1x1x1xf32>
    %reduce_sum3A_435 = vector.extract %reduce_sum3A_434[0, 0, 0] : f32 from vector<1x1x1xf32>
    %get3A_436 = arith.constant 8 : index
    %get3A_437 = arith.constant 0 : index
    %get3A_438 = arith.constant 0 : index
    %get3A_439 = vector.load %arg2[%get3A_436, %get3A_437, %get3A_438] : memref<16x1x304xf32, #tpu.memory_space<vmem>>, vector<1x1x304xf32>
    %get3A_440 = vector.shape_cast %get3A_439 : vector<1x1x304xf32> to vector<1x304xf32>
    %mul3A_441 = arith.mulf %get3A_440, %convert_element_type3A_3 : vector<1x304xf32>
    %reduce_sum3A_442 = vector.shape_cast %mul3A_441 : vector<1x304xf32> to vector<1x1x304xf32>
    %reduce_sum3A_443 = arith.constant dense<0.000000e+00> : vector<1xf32>
    %reduce_sum3A_444 = vector.multi_reduction <add>, %reduce_sum3A_442, %reduce_sum3A_443 [1, 2] : vector<1x1x304xf32> to vector<1xf32>
    %reduce_sum3A_445 = vector.shape_cast %reduce_sum3A_444 : vector<1xf32> to vector<1x1x1xf32>
    %reduce_sum3A_446 = vector.extract %reduce_sum3A_445[0, 0, 0] : f32 from vector<1x1x1xf32>
    %get3A_447 = arith.constant 8 : index
    %get3A_448 = arith.constant 0 : index
    %get3A_449 = memref.load %arg1[%get3A_447, %get3A_448] : memref<16x16xf32, #tpu.memory_space<smem>>
    %mul3A_450 = arith.constant 5.000000e+00 : f32
    %mul3A_451 = arith.mulf %mul3A_450, %reduce_sum3A_446 : f32
    %sub3A_452 = arith.subf %get3A_449, %mul3A_451 : f32
    %div3A_453 = arith.constant 3.000000e+02 : f32
    %div3A_454 = arith.divf %sub3A_452, %div3A_453 : f32
    %add3A_455 = arith.addf %add3A_407, %div3A_454 : f32
    %div3A_456 = arith.constant 1.200000e+03 : f32
    %div3A_457 = arith.divf %reduce_sum3A_435, %div3A_456 : f32
    %add3A_458 = arith.addf %add3A_455, %div3A_457 : f32
    %get3A_459 = arith.constant 9 : index
    %get3A_460 = arith.constant 0 : index
    %get3A_461 = arith.constant 0 : index
    %get3A_462 = vector.load %arg0[%get3A_459, %get3A_460, %get3A_461] : memref<16x1x304xi32, #tpu.memory_space<vmem>>, vector<1x1x304xi32>
    %get3A_463 = vector.shape_cast %get3A_462 : vector<1x1x304xi32> to vector<1x304xi32>
    %eq3A_464 = vector.broadcast %get3A_463 : vector<1x304xi32> to vector<300x304xi32>
    %eq3A_465 = arith.cmpi eq, %iota3A, %eq3A_464 : vector<300x304xi32>
    %convert_element_type3A_466 = arith.extui %eq3A_465 : vector<300x304xi1> to vector<300x304xi32>
    %convert_element_type3A_467 = arith.sitofp %convert_element_type3A_466 : vector<300x304xi32> to vector<300x304xf32>
    %get3A_468 = arith.constant 9 : index
    %get3A_469 = arith.constant 0 : index
    %get3A_470 = arith.constant 0 : index
    %get3A_471 = vector.load %arg5[%get3A_468, %get3A_469, %get3A_470] : memref<16x304x4xf32, #tpu.memory_space<vmem>>, vector<1x304x4xf32>
    %get3A_472 = vector.shape_cast %get3A_471 : vector<1x304x4xf32> to vector<304x4xf32>
    %dot_general3A_473 = arith.constant dense<0.000000e+00> : vector<300x4xf32>
    %dot_general3A_474 = tpu.matmul %convert_element_type3A_467, %get3A_472, %dot_general3A_473 {dimension_numbers = #tpu.dot_dimension_numbers<[1], [0], [0], [1], [0, 0, 1, 1], [], []>, transpose_lhs_hint = false} : vector<300x304xf32>, vector<304x4xf32>, vector<300x4xf32> -> vector<300x4xf32>
    %get3A_475 = arith.constant 9 : index
    %get3A_476 = arith.constant 0 : index
    %get3A_477 = arith.constant 0 : index
    %get3A_478 = vector.load %arg4[%get3A_475, %get3A_476, %get3A_477] : memref<16x300x4xf32, #tpu.memory_space<vmem>>, vector<1x300x4xf32>
    %get3A_479 = vector.shape_cast %get3A_478 : vector<1x300x4xf32> to vector<300x4xf32>
    %sub3A_480 = arith.subf %get3A_479, %dot_general3A_474 : vector<300x4xf32>
    %abs3A_481 = math.absf %sub3A_480 : vector<300x4xf32>
    %reduce_sum3A_482 = vector.shape_cast %abs3A_481 : vector<300x4xf32> to vector<1x300x4xf32>
    %reduce_sum3A_483 = arith.constant dense<0.000000e+00> : vector<1xf32>
    %reduce_sum3A_484 = vector.multi_reduction <add>, %reduce_sum3A_482, %reduce_sum3A_483 [1, 2] : vector<1x300x4xf32> to vector<1xf32>
    %reduce_sum3A_485 = vector.shape_cast %reduce_sum3A_484 : vector<1xf32> to vector<1x1x1xf32>
    %reduce_sum3A_486 = vector.extract %reduce_sum3A_485[0, 0, 0] : f32 from vector<1x1x1xf32>
    %get3A_487 = arith.constant 9 : index
    %get3A_488 = arith.constant 0 : index
    %get3A_489 = arith.constant 0 : index
    %get3A_490 = vector.load %arg2[%get3A_487, %get3A_488, %get3A_489] : memref<16x1x304xf32, #tpu.memory_space<vmem>>, vector<1x1x304xf32>
    %get3A_491 = vector.shape_cast %get3A_490 : vector<1x1x304xf32> to vector<1x304xf32>
    %mul3A_492 = arith.mulf %get3A_491, %convert_element_type3A_3 : vector<1x304xf32>
    %reduce_sum3A_493 = vector.shape_cast %mul3A_492 : vector<1x304xf32> to vector<1x1x304xf32>
    %reduce_sum3A_494 = arith.constant dense<0.000000e+00> : vector<1xf32>
    %reduce_sum3A_495 = vector.multi_reduction <add>, %reduce_sum3A_493, %reduce_sum3A_494 [1, 2] : vector<1x1x304xf32> to vector<1xf32>
    %reduce_sum3A_496 = vector.shape_cast %reduce_sum3A_495 : vector<1xf32> to vector<1x1x1xf32>
    %reduce_sum3A_497 = vector.extract %reduce_sum3A_496[0, 0, 0] : f32 from vector<1x1x1xf32>
    %get3A_498 = arith.constant 9 : index
    %get3A_499 = arith.constant 0 : index
    %get3A_500 = memref.load %arg1[%get3A_498, %get3A_499] : memref<16x16xf32, #tpu.memory_space<smem>>
    %mul3A_501 = arith.constant 5.000000e+00 : f32
    %mul3A_502 = arith.mulf %mul3A_501, %reduce_sum3A_497 : f32
    %sub3A_503 = arith.subf %get3A_500, %mul3A_502 : f32
    %div3A_504 = arith.constant 3.000000e+02 : f32
    %div3A_505 = arith.divf %sub3A_503, %div3A_504 : f32
    %add3A_506 = arith.addf %add3A_458, %div3A_505 : f32
    %div3A_507 = arith.constant 1.200000e+03 : f32
    %div3A_508 = arith.divf %reduce_sum3A_486, %div3A_507 : f32
    %add3A_509 = arith.addf %add3A_506, %div3A_508 : f32
    %get3A_510 = arith.constant 10 : index
    %get3A_511 = arith.constant 0 : index
    %get3A_512 = arith.constant 0 : index
    %get3A_513 = vector.load %arg0[%get3A_510, %get3A_511, %get3A_512] : memref<16x1x304xi32, #tpu.memory_space<vmem>>, vector<1x1x304xi32>
    %get3A_514 = vector.shape_cast %get3A_513 : vector<1x1x304xi32> to vector<1x304xi32>
    %eq3A_515 = vector.broadcast %get3A_514 : vector<1x304xi32> to vector<300x304xi32>
    %eq3A_516 = arith.cmpi eq, %iota3A, %eq3A_515 : vector<300x304xi32>
    %convert_element_type3A_517 = arith.extui %eq3A_516 : vector<300x304xi1> to vector<300x304xi32>
    %convert_element_type3A_518 = arith.sitofp %convert_element_type3A_517 : vector<300x304xi32> to vector<300x304xf32>
    %get3A_519 = arith.constant 10 : index
    %get3A_520 = arith.constant 0 : index
    %get3A_521 = arith.constant 0 : index
    %get3A_522 = vector.load %arg5[%get3A_519, %get3A_520, %get3A_521] : memref<16x304x4xf32, #tpu.memory_space<vmem>>, vector<1x304x4xf32>
    %get3A_523 = vector.shape_cast %get3A_522 : vector<1x304x4xf32> to vector<304x4xf32>
    %dot_general3A_524 = arith.constant dense<0.000000e+00> : vector<300x4xf32>
    %dot_general3A_525 = tpu.matmul %convert_element_type3A_518, %get3A_523, %dot_general3A_524 {dimension_numbers = #tpu.dot_dimension_numbers<[1], [0], [0], [1], [0, 0, 1, 1], [], []>, transpose_lhs_hint = false} : vector<300x304xf32>, vector<304x4xf32>, vector<300x4xf32> -> vector<300x4xf32>
    %get3A_526 = arith.constant 10 : index
    %get3A_527 = arith.constant 0 : index
    %get3A_528 = arith.constant 0 : index
    %get3A_529 = vector.load %arg4[%get3A_526, %get3A_527, %get3A_528] : memref<16x300x4xf32, #tpu.memory_space<vmem>>, vector<1x300x4xf32>
    %get3A_530 = vector.shape_cast %get3A_529 : vector<1x300x4xf32> to vector<300x4xf32>
    %sub3A_531 = arith.subf %get3A_530, %dot_general3A_525 : vector<300x4xf32>
    %abs3A_532 = math.absf %sub3A_531 : vector<300x4xf32>
    %reduce_sum3A_533 = vector.shape_cast %abs3A_532 : vector<300x4xf32> to vector<1x300x4xf32>
    %reduce_sum3A_534 = arith.constant dense<0.000000e+00> : vector<1xf32>
    %reduce_sum3A_535 = vector.multi_reduction <add>, %reduce_sum3A_533, %reduce_sum3A_534 [1, 2] : vector<1x300x4xf32> to vector<1xf32>
    %reduce_sum3A_536 = vector.shape_cast %reduce_sum3A_535 : vector<1xf32> to vector<1x1x1xf32>
    %reduce_sum3A_537 = vector.extract %reduce_sum3A_536[0, 0, 0] : f32 from vector<1x1x1xf32>
    %get3A_538 = arith.constant 10 : index
    %get3A_539 = arith.constant 0 : index
    %get3A_540 = arith.constant 0 : index
    %get3A_541 = vector.load %arg2[%get3A_538, %get3A_539, %get3A_540] : memref<16x1x304xf32, #tpu.memory_space<vmem>>, vector<1x1x304xf32>
    %get3A_542 = vector.shape_cast %get3A_541 : vector<1x1x304xf32> to vector<1x304xf32>
    %mul3A_543 = arith.mulf %get3A_542, %convert_element_type3A_3 : vector<1x304xf32>
    %reduce_sum3A_544 = vector.shape_cast %mul3A_543 : vector<1x304xf32> to vector<1x1x304xf32>
    %reduce_sum3A_545 = arith.constant dense<0.000000e+00> : vector<1xf32>
    %reduce_sum3A_546 = vector.multi_reduction <add>, %reduce_sum3A_544, %reduce_sum3A_545 [1, 2] : vector<1x1x304xf32> to vector<1xf32>
    %reduce_sum3A_547 = vector.shape_cast %reduce_sum3A_546 : vector<1xf32> to vector<1x1x1xf32>
    %reduce_sum3A_548 = vector.extract %reduce_sum3A_547[0, 0, 0] : f32 from vector<1x1x1xf32>
    %get3A_549 = arith.constant 10 : index
    %get3A_550 = arith.constant 0 : index
    %get3A_551 = memref.load %arg1[%get3A_549, %get3A_550] : memref<16x16xf32, #tpu.memory_space<smem>>
    %mul3A_552 = arith.constant 5.000000e+00 : f32
    %mul3A_553 = arith.mulf %mul3A_552, %reduce_sum3A_548 : f32
    %sub3A_554 = arith.subf %get3A_551, %mul3A_553 : f32
    %div3A_555 = arith.constant 3.000000e+02 : f32
    %div3A_556 = arith.divf %sub3A_554, %div3A_555 : f32
    %add3A_557 = arith.addf %add3A_509, %div3A_556 : f32
    %div3A_558 = arith.constant 1.200000e+03 : f32
    %div3A_559 = arith.divf %reduce_sum3A_537, %div3A_558 : f32
    %add3A_560 = arith.addf %add3A_557, %div3A_559 : f32
    %get3A_561 = arith.constant 11 : index
    %get3A_562 = arith.constant 0 : index
    %get3A_563 = arith.constant 0 : index
    %get3A_564 = vector.load %arg0[%get3A_561, %get3A_562, %get3A_563] : memref<16x1x304xi32, #tpu.memory_space<vmem>>, vector<1x1x304xi32>
    %get3A_565 = vector.shape_cast %get3A_564 : vector<1x1x304xi32> to vector<1x304xi32>
    %eq3A_566 = vector.broadcast %get3A_565 : vector<1x304xi32> to vector<300x304xi32>
    %eq3A_567 = arith.cmpi eq, %iota3A, %eq3A_566 : vector<300x304xi32>
    %convert_element_type3A_568 = arith.extui %eq3A_567 : vector<300x304xi1> to vector<300x304xi32>
    %convert_element_type3A_569 = arith.sitofp %convert_element_type3A_568 : vector<300x304xi32> to vector<300x304xf32>
    %get3A_570 = arith.constant 11 : index
    %get3A_571 = arith.constant 0 : index
    %get3A_572 = arith.constant 0 : index
    %get3A_573 = vector.load %arg5[%get3A_570, %get3A_571, %get3A_572] : memref<16x304x4xf32, #tpu.memory_space<vmem>>, vector<1x304x4xf32>
    %get3A_574 = vector.shape_cast %get3A_573 : vector<1x304x4xf32> to vector<304x4xf32>
    %dot_general3A_575 = arith.constant dense<0.000000e+00> : vector<300x4xf32>
    %dot_general3A_576 = tpu.matmul %convert_element_type3A_569, %get3A_574, %dot_general3A_575 {dimension_numbers = #tpu.dot_dimension_numbers<[1], [0], [0], [1], [0, 0, 1, 1], [], []>, transpose_lhs_hint = false} : vector<300x304xf32>, vector<304x4xf32>, vector<300x4xf32> -> vector<300x4xf32>
    %get3A_577 = arith.constant 11 : index
    %get3A_578 = arith.constant 0 : index
    %get3A_579 = arith.constant 0 : index
    %get3A_580 = vector.load %arg4[%get3A_577, %get3A_578, %get3A_579] : memref<16x300x4xf32, #tpu.memory_space<vmem>>, vector<1x300x4xf32>
    %get3A_581 = vector.shape_cast %get3A_580 : vector<1x300x4xf32> to vector<300x4xf32>
    %sub3A_582 = arith.subf %get3A_581, %dot_general3A_576 : vector<300x4xf32>
    %abs3A_583 = math.absf %sub3A_582 : vector<300x4xf32>
    %reduce_sum3A_584 = vector.shape_cast %abs3A_583 : vector<300x4xf32> to vector<1x300x4xf32>
    %reduce_sum3A_585 = arith.constant dense<0.000000e+00> : vector<1xf32>
    %reduce_sum3A_586 = vector.multi_reduction <add>, %reduce_sum3A_584, %reduce_sum3A_585 [1, 2] : vector<1x300x4xf32> to vector<1xf32>
    %reduce_sum3A_587 = vector.shape_cast %reduce_sum3A_586 : vector<1xf32> to vector<1x1x1xf32>
    %reduce_sum3A_588 = vector.extract %reduce_sum3A_587[0, 0, 0] : f32 from vector<1x1x1xf32>
    %get3A_589 = arith.constant 11 : index
    %get3A_590 = arith.constant 0 : index
    %get3A_591 = arith.constant 0 : index
    %get3A_592 = vector.load %arg2[%get3A_589, %get3A_590, %get3A_591] : memref<16x1x304xf32, #tpu.memory_space<vmem>>, vector<1x1x304xf32>
    %get3A_593 = vector.shape_cast %get3A_592 : vector<1x1x304xf32> to vector<1x304xf32>
    %mul3A_594 = arith.mulf %get3A_593, %convert_element_type3A_3 : vector<1x304xf32>
    %reduce_sum3A_595 = vector.shape_cast %mul3A_594 : vector<1x304xf32> to vector<1x1x304xf32>
    %reduce_sum3A_596 = arith.constant dense<0.000000e+00> : vector<1xf32>
    %reduce_sum3A_597 = vector.multi_reduction <add>, %reduce_sum3A_595, %reduce_sum3A_596 [1, 2] : vector<1x1x304xf32> to vector<1xf32>
    %reduce_sum3A_598 = vector.shape_cast %reduce_sum3A_597 : vector<1xf32> to vector<1x1x1xf32>
    %reduce_sum3A_599 = vector.extract %reduce_sum3A_598[0, 0, 0] : f32 from vector<1x1x1xf32>
    %get3A_600 = arith.constant 11 : index
    %get3A_601 = arith.constant 0 : index
    %get3A_602 = memref.load %arg1[%get3A_600, %get3A_601] : memref<16x16xf32, #tpu.memory_space<smem>>
    %mul3A_603 = arith.constant 5.000000e+00 : f32
    %mul3A_604 = arith.mulf %mul3A_603, %reduce_sum3A_599 : f32
    %sub3A_605 = arith.subf %get3A_602, %mul3A_604 : f32
    %div3A_606 = arith.constant 3.000000e+02 : f32
    %div3A_607 = arith.divf %sub3A_605, %div3A_606 : f32
    %add3A_608 = arith.addf %add3A_560, %div3A_607 : f32
    %div3A_609 = arith.constant 1.200000e+03 : f32
    %div3A_610 = arith.divf %reduce_sum3A_588, %div3A_609 : f32
    %add3A_611 = arith.addf %add3A_608, %div3A_610 : f32
    %get3A_612 = arith.constant 12 : index
    %get3A_613 = arith.constant 0 : index
    %get3A_614 = arith.constant 0 : index
    %get3A_615 = vector.load %arg0[%get3A_612, %get3A_613, %get3A_614] : memref<16x1x304xi32, #tpu.memory_space<vmem>>, vector<1x1x304xi32>
    %get3A_616 = vector.shape_cast %get3A_615 : vector<1x1x304xi32> to vector<1x304xi32>
    %eq3A_617 = vector.broadcast %get3A_616 : vector<1x304xi32> to vector<300x304xi32>
    %eq3A_618 = arith.cmpi eq, %iota3A, %eq3A_617 : vector<300x304xi32>
    %convert_element_type3A_619 = arith.extui %eq3A_618 : vector<300x304xi1> to vector<300x304xi32>
    %convert_element_type3A_620 = arith.sitofp %convert_element_type3A_619 : vector<300x304xi32> to vector<300x304xf32>
    %get3A_621 = arith.constant 12 : index
    %get3A_622 = arith.constant 0 : index
    %get3A_623 = arith.constant 0 : index
    %get3A_624 = vector.load %arg5[%get3A_621, %get3A_622, %get3A_623] : memref<16x304x4xf32, #tpu.memory_space<vmem>>, vector<1x304x4xf32>
    %get3A_625 = vector.shape_cast %get3A_624 : vector<1x304x4xf32> to vector<304x4xf32>
    %dot_general3A_626 = arith.constant dense<0.000000e+00> : vector<300x4xf32>
    %dot_general3A_627 = tpu.matmul %convert_element_type3A_620, %get3A_625, %dot_general3A_626 {dimension_numbers = #tpu.dot_dimension_numbers<[1], [0], [0], [1], [0, 0, 1, 1], [], []>, transpose_lhs_hint = false} : vector<300x304xf32>, vector<304x4xf32>, vector<300x4xf32> -> vector<300x4xf32>
    %get3A_628 = arith.constant 12 : index
    %get3A_629 = arith.constant 0 : index
    %get3A_630 = arith.constant 0 : index
    %get3A_631 = vector.load %arg4[%get3A_628, %get3A_629, %get3A_630] : memref<16x300x4xf32, #tpu.memory_space<vmem>>, vector<1x300x4xf32>
    %get3A_632 = vector.shape_cast %get3A_631 : vector<1x300x4xf32> to vector<300x4xf32>
    %sub3A_633 = arith.subf %get3A_632, %dot_general3A_627 : vector<300x4xf32>
    %abs3A_634 = math.absf %sub3A_633 : vector<300x4xf32>
    %reduce_sum3A_635 = vector.shape_cast %abs3A_634 : vector<300x4xf32> to vector<1x300x4xf32>
    %reduce_sum3A_636 = arith.constant dense<0.000000e+00> : vector<1xf32>
    %reduce_sum3A_637 = vector.multi_reduction <add>, %reduce_sum3A_635, %reduce_sum3A_636 [1, 2] : vector<1x300x4xf32> to vector<1xf32>
    %reduce_sum3A_638 = vector.shape_cast %reduce_sum3A_637 : vector<1xf32> to vector<1x1x1xf32>
    %reduce_sum3A_639 = vector.extract %reduce_sum3A_638[0, 0, 0] : f32 from vector<1x1x1xf32>
    %get3A_640 = arith.constant 12 : index
    %get3A_641 = arith.constant 0 : index
    %get3A_642 = arith.constant 0 : index
    %get3A_643 = vector.load %arg2[%get3A_640, %get3A_641, %get3A_642] : memref<16x1x304xf32, #tpu.memory_space<vmem>>, vector<1x1x304xf32>
    %get3A_644 = vector.shape_cast %get3A_643 : vector<1x1x304xf32> to vector<1x304xf32>
    %mul3A_645 = arith.mulf %get3A_644, %convert_element_type3A_3 : vector<1x304xf32>
    %reduce_sum3A_646 = vector.shape_cast %mul3A_645 : vector<1x304xf32> to vector<1x1x304xf32>
    %reduce_sum3A_647 = arith.constant dense<0.000000e+00> : vector<1xf32>
    %reduce_sum3A_648 = vector.multi_reduction <add>, %reduce_sum3A_646, %reduce_sum3A_647 [1, 2] : vector<1x1x304xf32> to vector<1xf32>
    %reduce_sum3A_649 = vector.shape_cast %reduce_sum3A_648 : vector<1xf32> to vector<1x1x1xf32>
    %reduce_sum3A_650 = vector.extract %reduce_sum3A_649[0, 0, 0] : f32 from vector<1x1x1xf32>
    %get3A_651 = arith.constant 12 : index
    %get3A_652 = arith.constant 0 : index
    %get3A_653 = memref.load %arg1[%get3A_651, %get3A_652] : memref<16x16xf32, #tpu.memory_space<smem>>
    %mul3A_654 = arith.constant 5.000000e+00 : f32
    %mul3A_655 = arith.mulf %mul3A_654, %reduce_sum3A_650 : f32
    %sub3A_656 = arith.subf %get3A_653, %mul3A_655 : f32
    %div3A_657 = arith.constant 3.000000e+02 : f32
    %div3A_658 = arith.divf %sub3A_656, %div3A_657 : f32
    %add3A_659 = arith.addf %add3A_611, %div3A_658 : f32
    %div3A_660 = arith.constant 1.200000e+03 : f32
    %div3A_661 = arith.divf %reduce_sum3A_639, %div3A_660 : f32
    %add3A_662 = arith.addf %add3A_659, %div3A_661 : f32
    %get3A_663 = arith.constant 13 : index
    %get3A_664 = arith.constant 0 : index
    %get3A_665 = arith.constant 0 : index
    %get3A_666 = vector.load %arg0[%get3A_663, %get3A_664, %get3A_665] : memref<16x1x304xi32, #tpu.memory_space<vmem>>, vector<1x1x304xi32>
    %get3A_667 = vector.shape_cast %get3A_666 : vector<1x1x304xi32> to vector<1x304xi32>
    %eq3A_668 = vector.broadcast %get3A_667 : vector<1x304xi32> to vector<300x304xi32>
    %eq3A_669 = arith.cmpi eq, %iota3A, %eq3A_668 : vector<300x304xi32>
    %convert_element_type3A_670 = arith.extui %eq3A_669 : vector<300x304xi1> to vector<300x304xi32>
    %convert_element_type3A_671 = arith.sitofp %convert_element_type3A_670 : vector<300x304xi32> to vector<300x304xf32>
    %get3A_672 = arith.constant 13 : index
    %get3A_673 = arith.constant 0 : index
    %get3A_674 = arith.constant 0 : index
    %get3A_675 = vector.load %arg5[%get3A_672, %get3A_673, %get3A_674] : memref<16x304x4xf32, #tpu.memory_space<vmem>>, vector<1x304x4xf32>
    %get3A_676 = vector.shape_cast %get3A_675 : vector<1x304x4xf32> to vector<304x4xf32>
    %dot_general3A_677 = arith.constant dense<0.000000e+00> : vector<300x4xf32>
    %dot_general3A_678 = tpu.matmul %convert_element_type3A_671, %get3A_676, %dot_general3A_677 {dimension_numbers = #tpu.dot_dimension_numbers<[1], [0], [0], [1], [0, 0, 1, 1], [], []>, transpose_lhs_hint = false} : vector<300x304xf32>, vector<304x4xf32>, vector<300x4xf32> -> vector<300x4xf32>
    %get3A_679 = arith.constant 13 : index
    %get3A_680 = arith.constant 0 : index
    %get3A_681 = arith.constant 0 : index
    %get3A_682 = vector.load %arg4[%get3A_679, %get3A_680, %get3A_681] : memref<16x300x4xf32, #tpu.memory_space<vmem>>, vector<1x300x4xf32>
    %get3A_683 = vector.shape_cast %get3A_682 : vector<1x300x4xf32> to vector<300x4xf32>
    %sub3A_684 = arith.subf %get3A_683, %dot_general3A_678 : vector<300x4xf32>
    %abs3A_685 = math.absf %sub3A_684 : vector<300x4xf32>
    %reduce_sum3A_686 = vector.shape_cast %abs3A_685 : vector<300x4xf32> to vector<1x300x4xf32>
    %reduce_sum3A_687 = arith.constant dense<0.000000e+00> : vector<1xf32>
    %reduce_sum3A_688 = vector.multi_reduction <add>, %reduce_sum3A_686, %reduce_sum3A_687 [1, 2] : vector<1x300x4xf32> to vector<1xf32>
    %reduce_sum3A_689 = vector.shape_cast %reduce_sum3A_688 : vector<1xf32> to vector<1x1x1xf32>
    %reduce_sum3A_690 = vector.extract %reduce_sum3A_689[0, 0, 0] : f32 from vector<1x1x1xf32>
    %get3A_691 = arith.constant 13 : index
    %get3A_692 = arith.constant 0 : index
    %get3A_693 = arith.constant 0 : index
    %get3A_694 = vector.load %arg2[%get3A_691, %get3A_692, %get3A_693] : memref<16x1x304xf32, #tpu.memory_space<vmem>>, vector<1x1x304xf32>
    %get3A_695 = vector.shape_cast %get3A_694 : vector<1x1x304xf32> to vector<1x304xf32>
    %mul3A_696 = arith.mulf %get3A_695, %convert_element_type3A_3 : vector<1x304xf32>
    %reduce_sum3A_697 = vector.shape_cast %mul3A_696 : vector<1x304xf32> to vector<1x1x304xf32>
    %reduce_sum3A_698 = arith.constant dense<0.000000e+00> : vector<1xf32>
    %reduce_sum3A_699 = vector.multi_reduction <add>, %reduce_sum3A_697, %reduce_sum3A_698 [1, 2] : vector<1x1x304xf32> to vector<1xf32>
    %reduce_sum3A_700 = vector.shape_cast %reduce_sum3A_699 : vector<1xf32> to vector<1x1x1xf32>
    %reduce_sum3A_701 = vector.extract %reduce_sum3A_700[0, 0, 0] : f32 from vector<1x1x1xf32>
    %get3A_702 = arith.constant 13 : index
    %get3A_703 = arith.constant 0 : index
    %get3A_704 = memref.load %arg1[%get3A_702, %get3A_703] : memref<16x16xf32, #tpu.memory_space<smem>>
    %mul3A_705 = arith.constant 5.000000e+00 : f32
    %mul3A_706 = arith.mulf %mul3A_705, %reduce_sum3A_701 : f32
    %sub3A_707 = arith.subf %get3A_704, %mul3A_706 : f32
    %div3A_708 = arith.constant 3.000000e+02 : f32
    %div3A_709 = arith.divf %sub3A_707, %div3A_708 : f32
    %add3A_710 = arith.addf %add3A_662, %div3A_709 : f32
    %div3A_711 = arith.constant 1.200000e+03 : f32
    %div3A_712 = arith.divf %reduce_sum3A_690, %div3A_711 : f32
    %add3A_713 = arith.addf %add3A_710, %div3A_712 : f32
    %get3A_714 = arith.constant 14 : index
    %get3A_715 = arith.constant 0 : index
    %get3A_716 = arith.constant 0 : index
    %get3A_717 = vector.load %arg0[%get3A_714, %get3A_715, %get3A_716] : memref<16x1x304xi32, #tpu.memory_space<vmem>>, vector<1x1x304xi32>
    %get3A_718 = vector.shape_cast %get3A_717 : vector<1x1x304xi32> to vector<1x304xi32>
    %eq3A_719 = vector.broadcast %get3A_718 : vector<1x304xi32> to vector<300x304xi32>
    %eq3A_720 = arith.cmpi eq, %iota3A, %eq3A_719 : vector<300x304xi32>
    %convert_element_type3A_721 = arith.extui %eq3A_720 : vector<300x304xi1> to vector<300x304xi32>
    %convert_element_type3A_722 = arith.sitofp %convert_element_type3A_721 : vector<300x304xi32> to vector<300x304xf32>
    %get3A_723 = arith.constant 14 : index
    %get3A_724 = arith.constant 0 : index
    %get3A_725 = arith.constant 0 : index
    %get3A_726 = vector.load %arg5[%get3A_723, %get3A_724, %get3A_725] : memref<16x304x4xf32, #tpu.memory_space<vmem>>, vector<1x304x4xf32>
    %get3A_727 = vector.shape_cast %get3A_726 : vector<1x304x4xf32> to vector<304x4xf32>
    %dot_general3A_728 = arith.constant dense<0.000000e+00> : vector<300x4xf32>
    %dot_general3A_729 = tpu.matmul %convert_element_type3A_722, %get3A_727, %dot_general3A_728 {dimension_numbers = #tpu.dot_dimension_numbers<[1], [0], [0], [1], [0, 0, 1, 1], [], []>, transpose_lhs_hint = false} : vector<300x304xf32>, vector<304x4xf32>, vector<300x4xf32> -> vector<300x4xf32>
    %get3A_730 = arith.constant 14 : index
    %get3A_731 = arith.constant 0 : index
    %get3A_732 = arith.constant 0 : index
    %get3A_733 = vector.load %arg4[%get3A_730, %get3A_731, %get3A_732] : memref<16x300x4xf32, #tpu.memory_space<vmem>>, vector<1x300x4xf32>
    %get3A_734 = vector.shape_cast %get3A_733 : vector<1x300x4xf32> to vector<300x4xf32>
    %sub3A_735 = arith.subf %get3A_734, %dot_general3A_729 : vector<300x4xf32>
    %abs3A_736 = math.absf %sub3A_735 : vector<300x4xf32>
    %reduce_sum3A_737 = vector.shape_cast %abs3A_736 : vector<300x4xf32> to vector<1x300x4xf32>
    %reduce_sum3A_738 = arith.constant dense<0.000000e+00> : vector<1xf32>
    %reduce_sum3A_739 = vector.multi_reduction <add>, %reduce_sum3A_737, %reduce_sum3A_738 [1, 2] : vector<1x300x4xf32> to vector<1xf32>
    %reduce_sum3A_740 = vector.shape_cast %reduce_sum3A_739 : vector<1xf32> to vector<1x1x1xf32>
    %reduce_sum3A_741 = vector.extract %reduce_sum3A_740[0, 0, 0] : f32 from vector<1x1x1xf32>
    %get3A_742 = arith.constant 14 : index
    %get3A_743 = arith.constant 0 : index
    %get3A_744 = arith.constant 0 : index
    %get3A_745 = vector.load %arg2[%get3A_742, %get3A_743, %get3A_744] : memref<16x1x304xf32, #tpu.memory_space<vmem>>, vector<1x1x304xf32>
    %get3A_746 = vector.shape_cast %get3A_745 : vector<1x1x304xf32> to vector<1x304xf32>
    %mul3A_747 = arith.mulf %get3A_746, %convert_element_type3A_3 : vector<1x304xf32>
    %reduce_sum3A_748 = vector.shape_cast %mul3A_747 : vector<1x304xf32> to vector<1x1x304xf32>
    %reduce_sum3A_749 = arith.constant dense<0.000000e+00> : vector<1xf32>
    %reduce_sum3A_750 = vector.multi_reduction <add>, %reduce_sum3A_748, %reduce_sum3A_749 [1, 2] : vector<1x1x304xf32> to vector<1xf32>
    %reduce_sum3A_751 = vector.shape_cast %reduce_sum3A_750 : vector<1xf32> to vector<1x1x1xf32>
    %reduce_sum3A_752 = vector.extract %reduce_sum3A_751[0, 0, 0] : f32 from vector<1x1x1xf32>
    %get3A_753 = arith.constant 14 : index
    %get3A_754 = arith.constant 0 : index
    %get3A_755 = memref.load %arg1[%get3A_753, %get3A_754] : memref<16x16xf32, #tpu.memory_space<smem>>
    %mul3A_756 = arith.constant 5.000000e+00 : f32
    %mul3A_757 = arith.mulf %mul3A_756, %reduce_sum3A_752 : f32
    %sub3A_758 = arith.subf %get3A_755, %mul3A_757 : f32
    %div3A_759 = arith.constant 3.000000e+02 : f32
    %div3A_760 = arith.divf %sub3A_758, %div3A_759 : f32
    %add3A_761 = arith.addf %add3A_713, %div3A_760 : f32
    %div3A_762 = arith.constant 1.200000e+03 : f32
    %div3A_763 = arith.divf %reduce_sum3A_741, %div3A_762 : f32
    %add3A_764 = arith.addf %add3A_761, %div3A_763 : f32
    %get3A_765 = arith.constant 15 : index
    %get3A_766 = arith.constant 0 : index
    %get3A_767 = arith.constant 0 : index
    %get3A_768 = vector.load %arg0[%get3A_765, %get3A_766, %get3A_767] : memref<16x1x304xi32, #tpu.memory_space<vmem>>, vector<1x1x304xi32>
    %get3A_769 = vector.shape_cast %get3A_768 : vector<1x1x304xi32> to vector<1x304xi32>
    %eq3A_770 = vector.broadcast %get3A_769 : vector<1x304xi32> to vector<300x304xi32>
    %eq3A_771 = arith.cmpi eq, %iota3A, %eq3A_770 : vector<300x304xi32>
    %convert_element_type3A_772 = arith.extui %eq3A_771 : vector<300x304xi1> to vector<300x304xi32>
    %convert_element_type3A_773 = arith.sitofp %convert_element_type3A_772 : vector<300x304xi32> to vector<300x304xf32>
    %get3A_774 = arith.constant 15 : index
    %get3A_775 = arith.constant 0 : index
    %get3A_776 = arith.constant 0 : index
    %get3A_777 = vector.load %arg5[%get3A_774, %get3A_775, %get3A_776] : memref<16x304x4xf32, #tpu.memory_space<vmem>>, vector<1x304x4xf32>
    %get3A_778 = vector.shape_cast %get3A_777 : vector<1x304x4xf32> to vector<304x4xf32>
    %dot_general3A_779 = arith.constant dense<0.000000e+00> : vector<300x4xf32>
    %dot_general3A_780 = tpu.matmul %convert_element_type3A_773, %get3A_778, %dot_general3A_779 {dimension_numbers = #tpu.dot_dimension_numbers<[1], [0], [0], [1], [0, 0, 1, 1], [], []>, transpose_lhs_hint = false} : vector<300x304xf32>, vector<304x4xf32>, vector<300x4xf32> -> vector<300x4xf32>
    %get3A_781 = arith.constant 15 : index
    %get3A_782 = arith.constant 0 : index
    %get3A_783 = arith.constant 0 : index
    %get3A_784 = vector.load %arg4[%get3A_781, %get3A_782, %get3A_783] : memref<16x300x4xf32, #tpu.memory_space<vmem>>, vector<1x300x4xf32>
    %get3A_785 = vector.shape_cast %get3A_784 : vector<1x300x4xf32> to vector<300x4xf32>
    %sub3A_786 = arith.subf %get3A_785, %dot_general3A_780 : vector<300x4xf32>
    %abs3A_787 = math.absf %sub3A_786 : vector<300x4xf32>
    %reduce_sum3A_788 = vector.shape_cast %abs3A_787 : vector<300x4xf32> to vector<1x300x4xf32>
    %reduce_sum3A_789 = arith.constant dense<0.000000e+00> : vector<1xf32>
    %reduce_sum3A_790 = vector.multi_reduction <add>, %reduce_sum3A_788, %reduce_sum3A_789 [1, 2] : vector<1x300x4xf32> to vector<1xf32>
    %reduce_sum3A_791 = vector.shape_cast %reduce_sum3A_790 : vector<1xf32> to vector<1x1x1xf32>
    %reduce_sum3A_792 = vector.extract %reduce_sum3A_791[0, 0, 0] : f32 from vector<1x1x1xf32>
    %get3A_793 = arith.constant 15 : index
    %get3A_794 = arith.constant 0 : index
    %get3A_795 = arith.constant 0 : index
    %get3A_796 = vector.load %arg2[%get3A_793, %get3A_794, %get3A_795] : memref<16x1x304xf32, #tpu.memory_space<vmem>>, vector<1x1x304xf32>
    %get3A_797 = vector.shape_cast %get3A_796 : vector<1x1x304xf32> to vector<1x304xf32>
    %mul3A_798 = arith.mulf %get3A_797, %convert_element_type3A_3 : vector<1x304xf32>
    %reduce_sum3A_799 = vector.shape_cast %mul3A_798 : vector<1x304xf32> to vector<1x1x304xf32>
    %reduce_sum3A_800 = arith.constant dense<0.000000e+00> : vector<1xf32>
    %reduce_sum3A_801 = vector.multi_reduction <add>, %reduce_sum3A_799, %reduce_sum3A_800 [1, 2] : vector<1x1x304xf32> to vector<1xf32>
    %reduce_sum3A_802 = vector.shape_cast %reduce_sum3A_801 : vector<1xf32> to vector<1x1x1xf32>
    %reduce_sum3A_803 = vector.extract %reduce_sum3A_802[0, 0, 0] : f32 from vector<1x1x1xf32>
    %get3A_804 = arith.constant 15 : index
    %get3A_805 = arith.constant 0 : index
    %get3A_806 = memref.load %arg1[%get3A_804, %get3A_805] : memref<16x16xf32, #tpu.memory_space<smem>>
    %mul3A_807 = arith.constant 5.000000e+00 : f32
    %mul3A_808 = arith.mulf %mul3A_807, %reduce_sum3A_803 : f32
    %sub3A_809 = arith.subf %get3A_806, %mul3A_808 : f32
    %div3A_810 = arith.constant 3.000000e+02 : f32
    %div3A_811 = arith.divf %sub3A_809, %div3A_810 : f32
    %add3A_812 = arith.addf %add3A_764, %div3A_811 : f32
    %div3A_813 = arith.constant 1.200000e+03 : f32
    %div3A_814 = arith.divf %reduce_sum3A_792, %div3A_813 : f32
    %add3A_815 = arith.addf %add3A_812, %div3A_814 : f32
    %swap3A = arith.constant 0 : index
    %swap3A_816 = arith.constant 0 : index
    %swap3A_817 = memref.load %arg6[%swap3A, %swap3A_816] : memref<1x1xf32, #tpu.memory_space<smem>>
    memref.store %add3A_815, %arg6[%swap3A, %swap3A_816] : memref<1x1xf32, #tpu.memory_space<smem>>
    return
  }
}

</mosaic_0001>

<sc_bundles>
// kernel: kernel.5.cloned.1.call-start
scs
__scs_entry_jumppad:
0x0: {  	(pc) =	sbr.rel $0x88, $3  }
0x1: {  	(tag) =	ssettag $0x0;
	lr =	simm.s32 $0x1  }
0x2: {  	[smem:$0x3F9D] =	sst lr;
	_ =	strace $0xD0000000  }
0x3: {  	_ = 	snop  }
0x4: {  	_ = 	snop  }
0x5: {  	_ = 	snop  }
0x6: {  	_ = 	snop  }
0x7: {  	_ = 	snop  }
__scs_overlays_trampoline_lowered:
0x8: {  	[smem:$0x3FAC] =	sst s0  }
0x9: {  	[smem:$0x3FAD] =	sst s1  }
0xa: {  	[smem:$0x3FAE] =	sst s2  }
0xb: {  	[smem:$0x3FAF] =	sst s3  }
0xc: {  	[smem:$0x3FB0] =	sst s4  }
0xd: {  	[smem:$0x3FB1] =	sst s5  }
0xe: {  	[smem:$0x3FB2] =	sst s6  }
0xf: {  	[smem:$0x3FB3] =	sst s7  }
0x10: {  	[smem:$0x3FB4] =	sst s8  }
0x11: {  	[smem:$0x3FB5] =	sst s9;
	s0 =	simm.s32 @!p0 $0x0  }
0x12: {  	s1 =	sld [smem:$0x3F9B];
	s0 =	simm.s32 @p0 $0x1  }
0x13: {  	[smem:$0x3FB6] =	sst s0;
	s0 =	simm.s32 @!p1 $0x0  }
0x14: {  	s2 =	sld [smem:$0x3F9A];
	s0 =	simm.s32 @p1 $0x1  }
0x15: {  	[smem:$0x3FB7] =	sst s0;
	s0 =	simm.s32 @!p2 $0x0  }
0x16: {  	s3 =	sld [smem:$0x3FDB];
	s0 =	simm.s32 @p2 $0x1  }
0x17: {  	s4 =	simm.s32 $0x1BF5;
	[smem:$0x3FB9] =	sst s0  }
0x18: {  	s0 =	sld [smem:$0x3F9C];
	_ =	swait.ge [sflag:s4], $0x0  }
0x19: {  	s7 =	sld [smem:$0x3F9D]  }
0x1a: {  	s8 =	sadd.s32 $0xFFFFE003, lr  }
0x1b: {  	s9 =	sadd.s32 $0xFFFFFEF7, lr;
	s5 =	simm.s32 $0xFFFFFFFF;
	p2 =	slt.u32 s8, $0xFFFFF086  }
0x1c: {  	p1 =	slt.u32 s9, $0xF7A;
	s5 =	simm.s32 @!p2 $0x0  }
0x1d: {  	s5 =	simm.s32 @p1 $0x1;
	p0 =	seq.s32 s7, s2  }
0x1e: {  	s7 =	smul.u32 @!p0 $0xF7A, s2;
	p2 =	seq.s32 @!p0 s5, $0x0  }
0x1f: {  	s9 =	smul.u32 $0xF7A, s1;
	s8 =	simm.s32 @!p0 $0x1BF5;
	p2 =	por !p2, p0  }
0x20: {  	[sflag:s8] =	ssyncset.s32 @!p0 $0xFFFFF086;
	s6 =	sadd.s32 @!p0 s3, s7;
	s7 =	simm.s32 @!p0 $0x108  }
0x21: {  	s3 =	sadd.s32 s3, s9;
	s6 =	sadd.s32 @!p0 $0x88, s6;
	s7 =	simm.s32 @p2 $0x1082  }
0x22: {  	[simem:s7], [sflag:s8] =	dma.local @!p0 [hbm:s6], $0xF7A  }
0x23: {  	s9 =	sor.u32 $0xD0000000, s2;
	s6 =	simm.s32 $0x108;
	_ =	swait.ge @!p0 [sflag:s8], $0x0  }
0x24: {  	s3 =	sadd.s32 $0x88, s3;
	s6 =	simm.s32 @!p1 $0x1082;
	[sflag:s4] =	ssyncset.s32 $0xFFFFF086  }
0x25: {  	[simem:s6], [sflag:s4] =	dma.local [hbm:s3], $0xF7A  }
0x26: {  	[smem:$0x3F9D] =	sst s1;
	(tag) =	ssettag s2;
	_ =	strace s9  }
0x27: {  	s1 =	sld [smem:$0x3FAD]  }
0x28: {  	s2 =	sld [smem:$0x3FAE]  }
0x29: {  	s4 =	sld [smem:$0x3FB0]  }
0x2a: {  	p0 =	seq.s32 s5, $0x0;
	s5 =	sld [smem:$0x3FB1]  }
0x2b: {  	s6 =	sld [smem:$0x3FB2]  }
0x2c: {  	s7 =	sld [smem:$0x3FB3]  }
0x2d: {  	s3 =	simm.s32 $0x108;
	s8 =	sld [smem:$0x3FB4]  }
0x2e: {  	s3 =	simm.s32 @!p0 $0x1082;
	s9 =	sld [smem:$0x3FB5]  }
0x2f: {  	lr =	sadd.s32 s0, s3;
	s0 =	sld [smem:$0x3FAC]  }
0x30: {  	s3 =	sld [smem:$0x3FAF]  }
0x31: {  	[smem:$0x3FB8] =	sst s10  }
0x32: {  	s10 =	sld [smem:$0x3FB6];
	_ =	sdelay $0x3  }
0x33: {  	p0 =	seq.s32 s10, $0x1;
	s10 =	sld [smem:$0x3FB8];
	_ =	sdelay $0x3  }
0x34: {  	[smem:$0x3FB8] =	sst s10  }
0x35: {  	s10 =	sld [smem:$0x3FB7];
	_ =	sdelay $0x3  }
0x36: {  	p1 =	seq.s32 s10, $0x1;
	s10 =	sld [smem:$0x3FB8];
	_ =	sdelay $0x3  }
0x37: {  	[smem:$0x3FB8] =	sst s10  }
0x38: {  	s10 =	sld [smem:$0x3FB9]  }
0x39: {  	_ = 	snop;
	(pc) =	sbr.ind lr, $3  }
0x3a: {  	_ = 	snop  }
0x3b: {  	_ = 	snop  }
0x3c: {  	p2 =	seq.s32 s10, $0x1;
	s10 =	sld [smem:$0x3FB8]  }
0x3d: {  	_ =	shalt  }
0x3e: {  	_ =	shalt  }
0x3f: {  	_ =	shalt  }
0x40: {  	_ =	shalt  }
0x41: {  	_ =	shalt  }
0x42: {  	_ =	shalt  }
0x43: {  	_ =	shalt  }
0x44: {  	_ =	shalt  }
0x45: {  	_ =	shalt  }
0x46: {  	_ =	shalt  }
0x47: {  	_ =	shalt  }
0x48: {  	_ =	shalt  }
0x49: {  	_ =	shalt  }
0x4a: {  	_ =	shalt  }
0x4b: {  	_ =	shalt  }
0x4c: {  	_ =	shalt  }
0x4d: {  	_ =	shalt  }
0x4e: {  	_ =	shalt  }
0x4f: {  	_ =	shalt  }
0x50: {  	_ =	shalt  }
0x51: {  	_ =	shalt  }
0x52: {  	_ =	shalt  }
0x53: {  	_ =	shalt  }
0x54: {  	_ =	shalt  }
0x55: {  	_ =	shalt  }
0x56: {  	_ =	shalt  }
0x57: {  	_ =	shalt  }
0x58: {  	_ =	shalt  }
0x59: {  	_ =	shalt  }
0x5a: {  	_ =	shalt  }
0x5b: {  	_ =	shalt  }
0x5c: {  	_ =	shalt  }
0x5d: {  	_ =	shalt  }
0x5e: {  	_ =	shalt  }
0x5f: {  	_ =	shalt  }
0x60: {  	_ =	shalt  }
0x61: {  	_ =	shalt  }
0x62: {  	_ =	shalt  }
0x63: {  	_ =	shalt  }
0x64: {  	_ =	shalt  }
0x65: {  	_ =	shalt  }
0x66: {  	_ =	shalt  }
0x67: {  	_ =	shalt  }
0x68: {  	_ =	shalt  }
0x69: {  	_ =	shalt  }
0x6a: {  	_ =	shalt  }
0x6b: {  	_ =	shalt  }
0x6c: {  	_ =	shalt  }
0x6d: {  	_ =	shalt  }
0x6e: {  	_ =	shalt  }
0x6f: {  	_ =	shalt  }
0x70: {  	_ =	shalt  }
0x71: {  	_ =	shalt  }
0x72: {  	_ =	shalt  }
0x73: {  	_ =	shalt  }
0x74: {  	_ =	shalt  }
0x75: {  	_ =	shalt  }
0x76: {  	_ =	shalt  }
0x77: {  	_ =	shalt  }
0x78: {  	_ =	shalt  }
0x79: {  	_ =	shalt  }
0x7a: {  	_ =	shalt  }
0x7b: {  	_ =	shalt  }
0x7c: {  	_ =	shalt  }
0x7d: {  	_ =	shalt  }
0x7e: {  	_ =	shalt  }
0x7f: {  	_ =	shalt  }
0x80: {  	_ =	shalt  }
0x81: {  	_ =	shalt  }
0x82: {  	_ =	shalt  }
0x83: {  	_ =	shalt  }
0x84: {  	_ =	shalt  }
0x85: {  	_ =	shalt  }
0x86: {  	_ =	shalt  }
0x87: {  	_ =	shalt  }
.Lfunc_end0:
.L_simem_size_0:
called_computation_lowered:
.L_overlay_start_0:
0x88: {  	s2 =	sld [smem:$0x3FD9]  }
0x89: {  	s3 =	sld [smem:$0x3FFE];
	_ =	sdelay $0x1  }
0x8a: {  	s1 =	srdreg.scid  }
0x8b: {  	s0 =	sand.u32 $0x1, s1  }
0x8c: {  	s16 =	sshll.u32 s0, $0xA;
	s2 =	sadd.s32 s3, s2  }
0x8d: {  	s2 =	sadd.s32 s2, s16  }
0x8e: {  	[smem:$0x3FC4] =	sst s2  }
0x8f: {  	_ = 	snop  }
0x90: {  	(tm) =	ssettm $0x1  }
0x91: {  	s17 =	sld [smem:$0x3FFB];
	_ =	sdelay $0x3  }
0x92: {  	_ =	strace s17  }
0x93: {  	s2 =	sld [smem:$0x3FFC];
	_ =	sdelay $0x3  }
0x94: {  	_ =	strace s2  }
0x95: {  	s2 =	sld [smem:$0x3FFD];
	_ =	sdelay $0x3  }
0x96: {  	_ =	strace s2  }
0x97: {  	_ =	strace $0x8FFFFFFF  }
0x98: {  	s18 =	sld [smem:$0x3FDB];
	_ =	sdelay $0x1  }
0x99: {  	s19 =	simm.s32 $_scs_section_size  }
0x9a: {  	s4 =	simm.s32 $_size__tile_overlayer_lowered;
	s5 =	simm.s32 $_tile_overlayer_lowered  }
0x9b: {  	s22 =	simm.s32 $0x1BFF;
	s21 =	sshll.u32 s5, $0x1;
	s2 =	sadd.s32 s19, s18  }
0x9c: {  	s6 =	simm.s32 $0x0;
	s20 =	sshll.u32 s4, $0x1;
	s4 =	sadd.s32 s21, s2  }
0x9d: {  	[timem:s6], [sflag:s22] =	dma.local [hbm:s4], s20  }
0x9e: {  	_ =	swait.ge [sflag:s22], s20  }
0x9f: {  	s3 =	ssub.s32 $0x0, s20;
	[sflag:s22] =	ssyncset.done $0x0  }
0xa0: {  	[sflag:s22] =	ssyncadd.s32 s3;
	_ =	sdelay $0x1  }
0xa1: {  	s23 =	simm.s32 $0x1B8B  }
0xa2: {  	_ =	swait.ge [sflag:s23], $0x1  }
0xa3: {  	[sflag:s23] =	ssyncset.done $0x0  }
0xa4: {  	s25 =	simm.s32 $0x1B8E;
	s24 =	sld [smem:$0x3FFE];
	[sflag:s23] =	ssyncadd.s32 $0xFFFFFFFF  }
0xa5: {  	s26 =	simm.s32 $execute0_lowered;
	[smem:$0x3FD2] =	sst s25  }
0xa6: {  	s4 =	sshll.u32 s26, $0x1;
	_ =	strace $0x80000046;
	[dreg:$0x1] =	wrdreg $0xFFFFFFFF  }
0xa7: {  	s28 =	simm.s32 $_size_execute0_lowered;
	s2 =	sadd.s32 s2, s4;
	[dreg:$0x0] =	wrdreg $0x0  }
0xa8: {  	s4 =	sshll.u32 s28, $0x1;
	[dreg:$0x2] =	wrdreg s2  }
0xa9: {  	[dreg:$0x3] =	wrdreg s4  }
0xaa: {  	[dreg:$0x4] =	wrdreg $0xC0  }
0xab: {  	_ =	task [dreg:s6], $0x5FFFF  }
0xac: {  	[dreg:$0x1] =	wrdreg $0xFFFFFFFF  }
0xad: {  	[dreg:$0x0] =	wrdreg $0x60  }
0xae: {  	[dreg:$0x2] =	wrdreg s24  }
0xaf: {  	[dreg:$0x3] =	wrdreg $0x9  }
0xb0: {  	_ =	task.clear_ibuf [dreg:s6], $0x4FFFF;
	_ =	strace $0x90000046  }
0xb1: {  	s29 =	simm.s32 $0x9;
	_ =	strace $0x80000048  }
0xb2: {  	_ =	swait.ge [sflag:s29], $0x1  }
0xb3: {  	[sflag:s29] =	ssyncadd.s32 $0xFFFFFFFF  }
0xb4: {  	_ =	strace $0x90000048  }
0xb5: {  	_ =	sfence  }
0xb6: {  	s30 =	sld [smem:$0x0];
	_ =	sdelay $0x2  }
0xb7: {  	s31 =	sshll.u32 s1, $0xD;
	s1 =	sshrl.u32 s1, $0x2  }
0xb8: {  	s3 =	sand.u32 $0x4000, s31;
	s1 =	sadd.s32 s1, s30  }
0xb9: {  	s0 =	sor.u32 s3, s0;
	s1 =	sshll.u32 s1, $0x11  }
0xba: {  	s0 =	sor.u32 s1, s0  }
0xbb: {  	s0 =	sadd.s32 $0x8F2B, s0  }
0xbc: {  	[sflag:s0] =	ssyncadd.remote.s32 $0x1  }
0xbd: {  	_ =	sfence.sel $0xFFFF  }
0xbe: {  	[dreg:$0x0] =	wrdreg $0xFFFFFFFF;
	(pc) =	sbr.abs _section_cstart, $3  }
0xbf: {  	[dreg:$0x1] =	wrdreg $0xFFFFFFFF  }
0xc0: {  	_ =	task.clear_ibuf [dreg:s6], $0x2FFFF;
	_ =	strace $0x9FFFFFFF  }
0xc1: {  	(tm) =	ssettm $0x7FFFFFFF  }
tec
execute0_lowered:
.L_overlay_start_1:
0x0: {  	(tag) =	ssettag $0x1  }
0x1: {  	s1 =	stileid.u32  }
0x2: {  	p0 =	sgt.u32 s1, $0x7  }
.Ltmp0:
0x3: {  	_ = 	snop;
	(pc) =	sbr.rel @p0 .LBB2_7-.Ltmp0, $4  }
0x4: {  	_ = 	snop  }
0x5: {  	s3 =	rddreg [dreg:$0x0];
	s2 =	simm.s32 $0x0  }
0x6: {  	[smem:$0x7FF] =	sst s2  }
0x7: {  	s0 =	rddreg [dreg:$0x1];
	_ =	strace $0x80000047  }
0x8: {  	v0 =	vlaneseq.u32;
	v13 =	vimm.s32 $0xFEDCBA98;
	v17 =	vimm.s32 $0x76543210  }
0x9: {  	v19 =	vimm.s32 $0x32107654;
	v20 =	vimm.s32 $0xDCFE98BA;
	v21 =	vimm.s32 $0x54761032  }
0xa: {  	v22 =	vimm.s32 $0xEFCDAB89;
	v23 =	vimm.s32 $0x67452301;
	v1 =	vor.u32 $0x10, v0  }
0xb: {  	v2 =	vor.u32 $0x20, v0;
	v3 =	vor.u32 $0x30, v0;
	v4 =	vor.u32 $0x40, v0  }
0xc: {  	v5 =	vor.u32 $0x50, v0;
	v6 =	vor.u32 $0x60, v0;
	v7 =	vor.u32 $0x70, v0  }
0xd: {  	v8 =	vor.u32 $0x80, v0;
	v9 =	vor.u32 $0x90, v0;
	v10 =	vor.u32 $0xA0, v0  }
0xe: {  	v11 =	vor.u32 $0xB0, v0;
	v12 =	vor.u32 $0xC0, v0;
	v16 =	vunpack.c.l.s4.s8 v13  }
0xf: {  	v13 =	vor.u32 $0xD0, v0;
	v14 =	vor.u32 $0xE0, v0;
	v15 =	vor.u32 $0xF0, v0  }
0x10: {  	s4 =	srdreg.scid;
	s5 =	sshll.u32 s1, $0x1;
	v20 =	vunpack.c.l.s4.s8 v20;
	v21 =	vunpack.c.l.s4.s8 v21;
	v22 =	vunpack.c.l.s4.s8 v22  }
0x11: {  	s7 =	sadd.s32 $0x1800, s3;
	s10 =	simm.s32 $0x2;
	s4 =	sand.u32 $0x1, s4;
	v23 =	vunpack.c.l.s4.s8 v23;
	v18 =	vunpack.c.0.s8.s32 v16;
	v16 =	vimm.s32 $0xBA98FEDC  }
0x12: {  	s11 =	simm.s32 $0x1C800;
	s12 =	simm.s32 $0x3;
	v19 =	vunpack.c.l.s4.s8 v19;
	s5 =	sor.u32 s4, s5;
	v20 =	vunpack.c.0.s8.s32 v20;
	v16 =	vunpack.c.l.s4.s8 v16  }
0x13: {  	s13 =	simm.s32 $0x1C980;
	s9 =	ssub.s32 $0x2, s4;
	s6 =	smul.u32 $0x30, s5;
	v21 =	vunpack.c.0.s8.s32 v21;
	v22 =	vunpack.c.0.s8.s32 v22;
	v23 =	vunpack.c.0.s8.s32 v23  }
0x14: {  	v17 =	vunpack.c.l.s4.s8 v17;
	s8 =	sshll.u32 s5, $0x4;
	s5 =	smul.u32 $0x1C800, s5;
	v19 =	vunpack.c.0.s8.s32 v19;
	s30 =	sshrl.u32 s9, $0x1;
	v16 =	vunpack.c.0.s8.s32 v16  }
0x15: {  	s14 =	simm.s32 $0x0;
	s8 =	sadd.s32 s8, s3;
	s31 =	ssub.s32 s9, s30;
	v25 =	vand.u32 $0xF, v18;
	v21 =	vcombine.low v21, v20;
	v22 =	vcombine.low v23, v22  }
0x16: {  	s9 =	simm.s32 $0x1;
	s6 =	sadd.s32 s6, s3;
	s5 =	sshrl.u32 s5, $0x3;
	v18 =	vor.u32 $0x120, v0;
	v24 =	vcombine.low v19, v16;
	v19 =	vunpack.c.0.s8.s32 v17  }
0x17: {  	s4 =	sadd.s32 $0x3AC00, s8;
	s8 =	simm.s32 $0x6000;
	s5 =	sadd.s32 s7, s5;
	v21 =	vand.u32 $0xF, v21;
	v22 =	vand.u32 $0xF, v22;
	v16 =	vor.u32 $0x100, v0  }
0x18: {  	s3 =	sadd.s32 $0x3A800, s6;
	s7 =	smax.u32 s31, $0x1;
	s6 =	sadd.s32 $0xC00, s5;
	v17 =	vor.u32 $0x110, v0;
	v19 =	vcombine.low v25, v19;
	v20 =	vand.u32 $0xF, v24  }
.LBB2_2:
0x19: {  	s15 =	simm.s32 $0x0;
	s16 =	simm.s32 $0x0  }
0x1a: {  	[tilespmem:s15], [sflag:$0x1] =	stream.linear.gather [hbm4b:s5+s15], $0x6000, $0x38;
	[tilespmem:$0x1CA00] =	vst v63  }
0x1b: {  	s16 =	smul.u32 $0x3000, s16  }
0x1c: {  	[tilespmem:s8], [sflag:$0x2] =	stream.linear.gather [hbm4b:s6+s15], $0x16800, $0x38;
	[tilespmem:$0x1CA00] =	vst v63  }
0x1d: {  	_ =	swait.ge [sflag:s9], $0x6000  }
0x1e: {  	s17 =	sand.u32 $0x380, s15;
	s16 =	sshra.s32 s16, $0x2;
	[sflag:s9] =	ssyncset.done $0x0  }
0x1f: {  	s18 =	sor.u32 s17, s16;
	[sflag:s9] =	ssyncadd.s32 $0xFFFFA000  }
0x20: {  	v23 =	vld [tilespmem:s18+$0x440]  }
0x21: {  	v25 =	vld [tilespmem:s18+$0x470]  }
0x22: {  	v26 =	vld [tilespmem:s18+$0x450]  }
0x23: {  	v27 =	vld [tilespmem:s18+$0x460]  }
0x24: {  	v24 =	vimm.s32 $0x2710;
	v31 =	vimm.s32 $0x0;
	v28 =	vld [tilespmem:s18+$0x820]  }
0x25: {  	v34 =	vimm.s32 $0x2710;
	v35 =	vimm.s32 $0x2710;
	v36 =	vimm.s32 $0x2710;
	v29 =	vld [tilespmem:s18+$0x800]  }
0x26: {  	v32 =	vimm.s32 $0x2710;
	v37 =	vimm.s32 $0x2710;
	v33 =	vimm.s32 $0x2710;
	v30 =	vld [tilespmem:s18+$0x810]  }
0x27: {  	v46 =	vimm.s32 $0x2710;
	v45 =	vimm.s32 $0x2710;
	v39 =	vimm.s32 $0x2710  }
0x28: {  	v44 =	vimm.s32 $0x2710;
	v43 =	vimm.s32 $0x2710;
	vm0 =	veq.s32 v24, $0x2710  }
0x29: {  	v25 =	vnsel vm0, $0x7F800000, v25;
	v23 =	vnsel vm0, $0x7F800000, v23;
	v26 =	vnsel vm0, $0x7F800000, v26  }
0x2a: {  	v47 =	vld [tilespmem:s18+$0x60];
	v27 =	vnsel vm0, $0x7F800000, v27;
	v38 =	vnsel vm0, $0x7F800000, v28;
	v40 =	vnsel vm0, $0x7F800000, v29  }
0x2b: {  	v49 =	vld [tilespmem:s18+$0x410];
	v42 =	vnsel vm0, $0x7F800000, v30;
	v29 =	vimm.s32 $0x2710;
	v28 =	vimm.s32 $0x2710  }
0x2c: {  	v50 =	vld [tilespmem:s18+$0x420];
	v30 =	vimm.s32 $0x2710;
	vm1 =	vlt.f32 v26, v23;
	vm2 =	vlt.f32 v25, v27  }
0x2d: {  	v52 =	vld [tilespmem:s18+$0x430];
	v31 =	vsel vm1, $0xFFFFFFFF, v31;
	v26 =	vsel vm1, v26, v23;
	v23 =	vimm.s32 $0x0  }
0x2e: {  	v51 =	vld [tilespmem:s18+$0x70];
	v25 =	vsel vm2, v25, v27;
	v27 =	vimm.s32 $0x2710;
	[tilespmem:$0x1FFE0] =	vst v31;
	v23 =	vsel vm2, $0xFFFFFFFF, v23  }
0x2f: {  	v53 =	vld [tilespmem:s18+$0x400];
	vm2 =	vlt.f32 v25, v26;
	v31 =	vimm.s32 $0x2710;
	[tilespmem:$0x1FFF0] =	vst v23;
	v23 =	vimm.f32 $0.0e+00  }
0x30: {  	s16 =	simm.s32 $0x1;
	s17 =	simm.s32 $0x0;
	v48 =	vld [tilespmem:s18+$0x0];
	v41 =	vsel vm2, v25, v26;
	v25 =	vimm.s32 $0x2710;
	v26 =	vimm.s32 $0x2710  }
.LBB2_3:
0x31: {  	v55 =	vld [tilespmem:s18+$0x40]  }
0x32: {  	vm0 =	veq.s32 v24, $0x2710;
	vm3 =	veq.s32 v29, $0x2710;
	vm4 =	veq.s32 v28, $0x2710;
	v56 =	vld [tilespmem:s18+$0x50]  }
0x33: {  	vm13 =	veq.s32 v31, $0x2710;
	v57 =	vld [tilespmem:s18+$0x10];
	vm6 =	veq.s32 v36, $0x2710;
	vm7 =	veq.s32 v26, $0x2710  }
0x34: {  	v58 =	vld [tilespmem:s18+$0x20];
	vm14 =	veq.s32 v32, $0x2710;
	vm15 =	veq.s32 v37, $0x2710;
	v49 =	vnsel vm0, $0x7F800000, v49  }
0x35: {  	v54 =	vld [tilespmem:s18+$0x30];
	v50 =	vnsel vm3, $0x7F800000, v50;
	v52 =	vnsel vm4, $0x7F800000, v52;
	vm0 =	veq.s32 v34, $0x2710  }
0x36: {  	vm3 =	veq.s32 v35, $0x2710;
	v53 =	vnsel vm13, $0x7F800000, v53;
	v47 =	vnsel vm0, $0x7F800000, v47  }
0x37: {  	v51 =	vnsel vm3, $0x7F800000, v51;
	vm4 =	vlt.f32 v49, v53;
	vm5 =	vlt.f32 v52, v50  }
0x38: {  	vm0 =	veq.s32 v25, $0x2710;
	v60 =	vnsel vm6, $0x7F800000, v55;
	v61 =	vnsel vm7, $0x7F800000, v56  }
0x39: {  	v62 =	vnsel vm14, $0x7F800000, v57;
	v63 =	vnsel vm15, $0x7F800000, v58;
	vm3 =	vlt.f32 v51, v47  }
0x3a: {  	v49 =	vsel vm4, v49, v53;
	v59 =	vnsel vm0, $0x7F800000, v54;
	vm0 =	veq.s32 v27, $0x2710  }
0x3b: {  	v50 =	vsel vm5, v52, v50;
	vm11 =	vlt.f32 v61, v60;
	v48 =	vnsel vm0, $0x7F800000, v48  }
0x3c: {  	v47 =	vsel vm3, v51, v47;
	vm7 =	vlt.f32 v59, v63;
	vm6 =	vlt.f32 v62, v48  }
0x3d: {  	v52 =	vsel vm11, v61, v60;
	v51 =	vsel vm7, v59, v63;
	v48 =	vsel vm6, v62, v48  }
0x3e: {  	vm10 =	vlt.f32 v50, v49;
	vm9 =	vlt.f32 v47, v52;
	vm8 =	vlt.f32 v51, v48  }
0x3f: {  	v49 =	vsel vm10, v50, v49;
	v47 =	vsel vm9, v47, v52;
	v48 =	vsel vm8, v51, v48  }
0x40: {  	vm1 =	vlt.f32 v42, v40;
	vm13 =	vlt.f32 v41, v49;
	vm12 =	vlt.f32 v47, v48  }
0x41: {  	v40 =	vsel vm1, v42, v40;
	v41 =	vsel vm13, v41, v49;
	v56 =	vsel vm12, v47, v48  }
0x42: {  	vm14 =	vlt.f32 v38, v40;
	vm15 =	vlt.f32 v41, v56  }
0x43: {  	v38 =	vsel vm14, v38, v40;
	v57 =	vsel vm15, v41, v56  }
0x44: {  	vm0 =	vlt.f32 v38, v57  }
0x45: {  	v58 =	vld [tilespmem:$0x1FFE0];
	v38 =	vsel vm0, v38, v57  }
0x46: {  	v59 =	vld [tilespmem:$0x1FFF0];
	v40 =	vperm.xlane v38, v19  }
0x47: {  	v61 =	vsel vm4, v9, v8  }
0x48: {  	v63 =	vsel vm11, v5, v4;
	v62 =	vsel vm5, v11, v10;
	v40 =	vmin.f32 v38, v40  }
0x49: {  	v49 =	vsel vm10, v62, v61;
	v41 =	vsel vm1, v17, v16;
	v60 =	vperm.xlane v40, v20  }
0x4a: {  	vm1 =	vnez.u8 v58;
	v56 =	vsel vm3, v7, v6;
	v58 =	vsel vm7, v3, v2  }
0x4b: {  	v42 =	vsel vm1, v13, v12;
	vm1 =	vnez.u8 v59;
	v40 =	vmin.f32 v40, v60  }
0x4c: {  	v47 =	vsel vm1, v15, v14;
	v57 =	vsel vm6, v1, v0;
	v59 =	vperm.xlane v40, v21  }
0x4d: {  	v42 =	vsel vm2, v47, v42;
	v48 =	vsel vm8, v58, v57;
	v47 =	vsel vm9, v56, v63  }
0x4e: {  	v47 =	vsel vm12, v47, v48;
	v42 =	vsel vm13, v42, v49;
	v40 =	vmin.f32 v40, v59  }
0x4f: {  	v41 =	vsel vm14, v18, v41;
	v42 =	vsel vm15, v42, v47;
	v60 =	vperm.xlane v40, v22  }
0x50: {  	v41 =	vsel vm0, v41, v42  }
0x51: {  	v41 =	vcvt.s32.f32 v41;
	v40 =	vmin.f32 v40, v60  }
0x52: {  	vm0 =	veq.f32 v38, v40  }
0x53: {  	v38 =	vnsel vm0, $0x47C35000, v41  }
0x54: {  	v61 =	vperm.xlane v38, v19;
	_ =	sdelay $0x1  }
0x55: {  	v38 =	vmin.f32 v38, v61  }
0x56: {  	v23 =	vadd.f32 v40, v23;
	v40 =	vperm.xlane v38, v20;
	_ =	sdelay $0x1  }
0x57: {  	v38 =	vmin.f32 v38, v40  }
0x58: {  	v40 =	vperm.xlane v38, v21;
	_ =	sdelay $0x1  }
0x59: {  	v38 =	vmin.f32 v38, v40  }
0x5a: {  	v40 =	vperm.xlane v38, v22;
	_ =	sdelay $0x1  }
0x5b: {  	v38 =	vmin.f32 v38, v40  }
0x5c: {  	v38 =	vtrunc.f32 v38  }
0x5d: {  	v38 =	vcvt.f32.s32 v38;
	_ =	sdelay $0x1  }
0x5e: {  	v61 =	vimm.s32 $0x0;
	vm0 =	veq.s32 v38, v0  }
0x5f: {  	vm1 =	veq.s32 v38, v1;
	vm2 =	veq.s32 v38, v2;
	v27 =	vsel vm0, s15, v27  }
0x60: {  	s31 =	sshrl.u32 s16, $0x3;
	v32 =	vsel vm1, s15, v32;
	v37 =	vsel vm2, s15, v37;
	vm0 =	veq.s32 v38, v3  }
0x61: {  	s18 =	smul.u32 $0x3000, s31;
	vm1 =	veq.s32 v38, v4;
	vm2 =	veq.s32 v38, v5;
	v25 =	vsel vm0, s15, v25  }
0x62: {  	s17 =	sadd.s32 $0x80, s17;
	v36 =	vsel vm1, s15, v36;
	v26 =	vsel vm2, s15, v26;
	vm0 =	veq.s32 v38, v6  }
0x63: {  	s19 =	sand.u32 $0x380, s17;
	s18 =	sshra.s32 s18, $0x2;
	vm1 =	veq.s32 v38, v7;
	vm2 =	veq.s32 v38, v8;
	v34 =	vsel vm0, s15, v34  }
0x64: {  	s18 =	sor.u32 s19, s18;
	v35 =	vsel vm1, s15, v35;
	v31 =	vsel vm2, s15, v31;
	vm0 =	veq.s32 v38, v9  }
0x65: {  	v63 =	vld [tilespmem:s18+$0x440];
	vm1 =	veq.s32 v38, v10;
	vm2 =	veq.s32 v38, v11;
	v24 =	vsel vm0, s15, v24  }
0x66: {  	v57 =	vld [tilespmem:s18+$0x470];
	v29 =	vsel vm1, s15, v29;
	v28 =	vsel vm2, s15, v28;
	vm0 =	veq.s32 v38, v12  }
0x67: {  	v58 =	vld [tilespmem:s18+$0x450];
	vm1 =	veq.s32 v38, v13;
	vm2 =	veq.s32 v38, v14;
	v33 =	vsel vm0, s15, v33  }
0x68: {  	v59 =	vld [tilespmem:s18+$0x460];
	v46 =	vsel vm1, s15, v46;
	v45 =	vsel vm2, s15, v45;
	vm0 =	veq.s32 v38, v15  }
0x69: {  	v55 =	vld [tilespmem:s18+$0x810];
	vm1 =	veq.s32 v38, v16;
	vm2 =	veq.s32 v38, v17;
	v39 =	vsel vm0, s15, v39  }
0x6a: {  	v62 =	vld [tilespmem:s18+$0x820];
	v44 =	vsel vm1, s15, v44;
	v43 =	vsel vm2, s15, v43;
	vm1 =	veq.s32 v38, v18  }
0x6b: {  	v54 =	vld [tilespmem:s18+$0x800];
	vm2 =	veq.s32 v45, $0x2710;
	vm0 =	veq.s32 v39, $0x2710;
	v30 =	vsel vm1, s15, v30  }
0x6c: {  	v53 =	vld [tilespmem:s18+$0x400];
	vm1 =	veq.s32 v46, $0x2710;
	v42 =	vnsel vm0, $0x7F800000, v57;
	vm0 =	veq.s32 v33, $0x2710  }
0x6d: {  	p0 =	sne.s32 s16, $0x3F;
	v50 =	vld [tilespmem:s18+$0x420];
	v60 =	vnsel vm2, $0x7F800000, v59;
	v48 =	vnsel vm1, $0x7F800000, v58;
	v41 =	vnsel vm0, $0x7F800000, v63  }
.Ltmp1:
0x6e: {  	v52 =	vld [tilespmem:s18+$0x430];
	vm0 =	veq.s32 v30, $0x2710;
	vm2 =	vlt.f32 v42, v60;
	vm1 =	vlt.f32 v48, v41;
	(pc) =	sbr.rel @p0 .LBB2_3-.Ltmp1, $4  }
0x6f: {  	v51 =	vld [tilespmem:s18+$0x70];
	v38 =	vnsel vm0, $0x7F800000, v62;
	v62 =	vimm.s32 $0x0;
	v63 =	vsel vm2, v42, v60  }
0x70: {  	v49 =	vld [tilespmem:s18+$0x410];
	vm0 =	veq.s32 v44, $0x2710;
	v40 =	vsel vm1, $0xFFFFFFFF, v61;
	v41 =	vsel vm1, v48, v41  }
0x71: {  	v47 =	vld [tilespmem:s18+$0x60];
	vm1 =	veq.s32 v43, $0x2710;
	[tilespmem:$0x1FFE0] =	vst v40;
	v40 =	vsel vm2, $0xFFFFFFFF, v62;
	vm2 =	vlt.f32 v63, v41  }
0x72: {  	s15 =	smov.u32 s16;
	s16 =	sadd.s32 $0x1, s16;
	v48 =	vld [tilespmem:s18+$0x0];
	v42 =	vnsel vm1, $0x7F800000, v55;
	[tilespmem:$0x1FFF0] =	vst v40;
	v40 =	vnsel vm0, $0x7F800000, v54;
	v41 =	vsel vm2, v63, v41  }
0x73: {  	v54 =	vld [tilespmem:s18+$0x30];
	vm0 =	veq.s32 v24, $0x2710;
	vm1 =	veq.s32 v29, $0x2710;
	vm3 =	veq.s32 v28, $0x2710  }
0x74: {  	v55 =	vld [tilespmem:s18+$0x40];
	vm6 =	veq.s32 v26, $0x2710;
	vm15 =	veq.s32 v37, $0x2710;
	v50 =	vnsel vm1, $0x7F800000, v50  }
0x75: {  	v56 =	vld [tilespmem:s18+$0x50];
	v52 =	vnsel vm3, $0x7F800000, v52;
	vm1 =	veq.s32 v35, $0x2710;
	vm3 =	veq.s32 v31, $0x2710  }
0x76: {  	v57 =	vld [tilespmem:s18+$0x10];
	v49 =	vnsel vm0, $0x7F800000, v49;
	vm0 =	veq.s32 v34, $0x2710;
	v51 =	vnsel vm1, $0x7F800000, v51  }
0x77: {  	v58 =	vld [tilespmem:s18+$0x20];
	v53 =	vnsel vm3, $0x7F800000, v53;
	vm5 =	vlt.f32 v52, v50;
	vm1 =	veq.s32 v36, $0x2710  }
0x78: {  	v47 =	vnsel vm0, $0x7F800000, v47;
	vm4 =	vlt.f32 v49, v53;
	v50 =	vsel vm5, v52, v50  }
0x79: {  	vm0 =	veq.s32 v25, $0x2710;
	vm3 =	vlt.f32 v51, v47;
	v49 =	vsel vm4, v49, v53  }
0x7a: {  	v47 =	vsel vm3, v51, v47;
	v59 =	vnsel vm0, $0x7F800000, v54;
	v60 =	vnsel vm1, $0x7F800000, v55  }
0x7b: {  	v61 =	vnsel vm6, $0x7F800000, v56;
	vm0 =	veq.s32 v27, $0x2710;
	vm1 =	veq.s32 v32, $0x2710  }
0x7c: {  	v63 =	vnsel vm15, $0x7F800000, v58;
	v48 =	vnsel vm0, $0x7F800000, v48;
	v62 =	vnsel vm1, $0x7F800000, v57  }
0x7d: {  	vm6 =	vlt.f32 v59, v63;
	vm1 =	vlt.f32 v61, v60;
	vm0 =	vlt.f32 v62, v48  }
0x7e: {  	v51 =	vsel vm6, v59, v63;
	v52 =	vsel vm1, v61, v60;
	v48 =	vsel vm0, v62, v48  }
0x7f: {  	vm9 =	vlt.f32 v50, v49;
	vm8 =	vlt.f32 v47, v52;
	vm7 =	vlt.f32 v51, v48  }
0x80: {  	v49 =	vsel vm9, v50, v49;
	v47 =	vsel vm8, v47, v52;
	v48 =	vsel vm7, v51, v48  }
0x81: {  	vm10 =	vlt.f32 v42, v40;
	vm12 =	vlt.f32 v41, v49;
	vm11 =	vlt.f32 v47, v48  }
0x82: {  	v40 =	vsel vm10, v42, v40;
	v41 =	vsel vm12, v41, v49;
	v52 =	vsel vm11, v47, v48  }
0x83: {  	vm13 =	vlt.f32 v38, v40;
	vm14 =	vlt.f32 v41, v52  }
0x84: {  	v38 =	vsel vm13, v38, v40;
	v53 =	vsel vm14, v41, v52  }
0x85: {  	vm15 =	vlt.f32 v38, v53  }
0x86: {  	v54 =	vld [tilespmem:$0x1FFE0];
	v38 =	vsel vm15, v38, v53  }
0x87: {  	v55 =	vld [tilespmem:$0x1FFF0];
	v40 =	vperm.xlane v38, v19  }
0x88: {  	v58 =	vsel vm5, v11, v10  }
0x89: {  	v57 =	vsel vm4, v9, v8;
	v59 =	vsel vm1, v5, v4;
	v40 =	vmin.f32 v38, v40  }
0x8a: {  	v60 =	vsel vm3, v7, v6;
	v61 =	vsel vm0, v1, v0;
	v56 =	vperm.xlane v40, v20  }
0x8b: {  	v62 =	vsel vm6, v3, v2;
	v41 =	vsel vm10, v17, v16;
	vm10 =	vnez.u8 v54  }
0x8c: {  	v42 =	vsel vm10, v13, v12;
	vm10 =	vnez.u8 v55;
	v40 =	vmin.f32 v40, v56  }
0x8d: {  	v49 =	vsel vm9, v58, v57;
	v47 =	vsel vm10, v15, v14;
	v63 =	vperm.xlane v40, v21  }
0x8e: {  	v48 =	vsel vm7, v62, v61;
	v42 =	vsel vm2, v47, v42;
	v47 =	vsel vm8, v60, v59  }
0x8f: {  	v47 =	vsel vm11, v47, v48;
	v42 =	vsel vm12, v42, v49;
	v40 =	vmin.f32 v40, v63  }
0x90: {  	v41 =	vsel vm13, v18, v41;
	v42 =	vsel vm14, v42, v47;
	v55 =	vperm.xlane v40, v22  }
0x91: {  	v41 =	vsel vm15, v41, v42  }
0x92: {  	v56 =	vcvt.s32.f32 v41;
	v48 =	vmin.f32 v40, v55  }
0x93: {  	vm0 =	veq.f32 v38, v48  }
0x94: {  	v38 =	vnsel vm0, $0x47C35000, v56  }
0x95: {  	v40 =	vperm.xlane v38, v19;
	_ =	sdelay $0x1  }
0x96: {  	v38 =	vmin.f32 v38, v40  }
0x97: {  	v40 =	vperm.xlane v38, v20;
	_ =	sdelay $0x1  }
0x98: {  	v38 =	vmin.f32 v38, v40  }
0x99: {  	v40 =	vperm.xlane v38, v21;
	_ =	sdelay $0x1  }
0x9a: {  	v38 =	vmin.f32 v38, v40  }
0x9b: {  	v40 =	vperm.xlane v38, v22;
	_ =	sdelay $0x1  }
0x9c: {  	v38 =	vmin.f32 v38, v40  }
0x9d: {  	v38 =	vtrunc.f32 v38  }
0x9e: {  	v57 =	vcvt.f32.s32 v38;
	_ =	sdelay $0x1  }
0x9f: {  	v23 =	vadd.f32 v48, v23;
	vm0 =	veq.s32 v57, v0;
	vm1 =	veq.s32 v57, v1  }
0xa0: {  	vm2 =	veq.s32 v57, v2;
	v38 =	vsel vm0, s15, v27;
	v32 =	vsel vm1, s15, v32  }
0xa1: {  	s16 =	simm.s32 $0x8;
	v27 =	vsel vm2, s15, v37;
	vm0 =	veq.s32 v57, v3;
	vm1 =	veq.s32 v57, v4  }
0xa2: {  	s16 =	smul.u32 $0x3000, s16;
	vm2 =	veq.s32 v57, v5;
	v37 =	vsel vm0, s15, v25;
	v25 =	vsel vm1, s15, v36  }
0xa3: {  	s17 =	simm.s32 $0x2000;
	_ =	swait.ge [sflag:s10], $0x16800;
	v26 =	vsel vm2, s15, v26;
	vm0 =	veq.s32 v57, v6;
	vm1 =	veq.s32 v57, v7  }
0xa4: {  	s17 =	sand.u32 $0x380, s17;
	s16 =	sshra.s32 s16, $0x2;
	[sflag:s10] =	ssyncset.done $0x0;
	vm2 =	veq.s32 v57, v8;
	v42 =	vsel vm0, s15, v34;
	v35 =	vsel vm1, s15, v35  }
0xa5: {  	s18 =	sor.u32 s17, s16;
	[sflag:s10] =	ssyncadd.s32 $0xFFFE9800;
	v36 =	vsel vm2, s15, v31;
	vm0 =	veq.s32 v57, v9;
	vm1 =	veq.s32 v57, v10  }
0xa6: {  	v58 =	vld [tilespmem:s18+$0x820];
	vm2 =	veq.s32 v57, v11;
	v41 =	vsel vm0, s15, v24;
	v34 =	vsel vm1, s15, v29  }
0xa7: {  	v62 =	vld [tilespmem:s18+$0x460];
	v31 =	vsel vm2, s15, v28;
	vm0 =	veq.s32 v57, v12;
	vm1 =	veq.s32 v57, v13  }
0xa8: {  	v59 =	vld [tilespmem:s18+$0x440];
	vm2 =	veq.s32 v57, v14;
	v40 =	vsel vm0, s15, v33;
	v33 =	vsel vm1, s15, v46  }
0xa9: {  	v60 =	vld [tilespmem:s18+$0x470];
	v28 =	vsel vm2, s15, v45;
	vm0 =	veq.s32 v57, v15;
	vm1 =	veq.s32 v57, v16  }
0xaa: {  	v61 =	vld [tilespmem:s18+$0x450];
	vm2 =	veq.s32 v57, v17;
	v39 =	vsel vm0, s15, v39;
	v29 =	vsel vm1, s15, v44  }
0xab: {  	v50 =	vld [tilespmem:s18+$0x420];
	v24 =	vsel vm2, s15, v43;
	vm0 =	veq.s32 v57, v18;
	vm2 =	veq.s32 v28, $0x2710  }
0xac: {  	v51 =	vld [tilespmem:s18+$0x70];
	vm1 =	veq.s32 v39, $0x2710;
	v30 =	vsel vm0, s15, v30;
	vm0 =	veq.s32 v40, $0x2710  }
0xad: {  	v54 =	vld [tilespmem:s18+$0x810];
	v45 =	vnsel vm2, $0x7F800000, v62;
	v62 =	vimm.s32 $0x0;
	vm3 =	veq.s32 v24, $0x2710  }
0xae: {  	v44 =	vld [tilespmem:s18+$0x800];
	v63 =	vnsel vm1, $0x7F800000, v60;
	vm1 =	veq.s32 v33, $0x2710;
	v60 =	vnsel vm0, $0x7F800000, v59  }
0xaf: {  	v52 =	vld [tilespmem:s18+$0x430];
	vm0 =	veq.s32 v30, $0x2710;
	v46 =	vnsel vm1, $0x7F800000, v61;
	vm2 =	vlt.f32 v63, v45  }
0xb0: {  	v53 =	vld [tilespmem:s18+$0x400];
	v43 =	vnsel vm0, $0x7F800000, v58;
	v61 =	vimm.s32 $0x0;
	vm1 =	vlt.f32 v46, v60  }
0xb1: {  	v49 =	vld [tilespmem:s18+$0x410];
	v55 =	vsel vm2, $0xFFFFFFFF, v62;
	v63 =	vsel vm2, v63, v45;
	v46 =	vsel vm1, v46, v60  }
0xb2: {  	v47 =	vld [tilespmem:s18+$0x60];
	vm0 =	veq.s32 v29, $0x2710;
	v56 =	vsel vm1, $0xFFFFFFFF, v61;
	[tilespmem:$0x1FFD0] =	vst v55;
	vm2 =	vlt.f32 v63, v46  }
0xb3: {  	s16 =	simm.s32 $0x40;
	s17 =	simm.s32 $0x2080;
	v48 =	vld [tilespmem:s18+$0x0];
	s15 =	simm.s32 $0x40;
	v45 =	vnsel vm3, $0x7F800000, v54;
	v44 =	vnsel vm0, $0x7F800000, v44;
	[tilespmem:$0x1FFC0] =	vst v56;
	v46 =	vsel vm2, v63, v46  }
.LBB2_5:
0xb4: {  	v55 =	vld [tilespmem:s18+$0x40]  }
0xb5: {  	vm0 =	veq.s32 v41, $0x2710;
	vm3 =	veq.s32 v34, $0x2710;
	vm4 =	veq.s32 v31, $0x2710;
	v56 =	vld [tilespmem:s18+$0x50]  }
0xb6: {  	vm13 =	veq.s32 v36, $0x2710;
	v57 =	vld [tilespmem:s18+$0x10];
	vm6 =	veq.s32 v25, $0x2710;
	vm7 =	veq.s32 v26, $0x2710  }
0xb7: {  	v58 =	vld [tilespmem:s18+$0x20];
	vm14 =	veq.s32 v32, $0x2710;
	vm15 =	veq.s32 v27, $0x2710;
	v49 =	vnsel vm0, $0x7F800000, v49  }
0xb8: {  	v54 =	vld [tilespmem:s18+$0x30];
	v50 =	vnsel vm3, $0x7F800000, v50;
	v52 =	vnsel vm4, $0x7F800000, v52;
	vm0 =	veq.s32 v42, $0x2710  }
0xb9: {  	vm3 =	veq.s32 v35, $0x2710;
	v53 =	vnsel vm13, $0x7F800000, v53;
	v47 =	vnsel vm0, $0x7F800000, v47  }
0xba: {  	v51 =	vnsel vm3, $0x7F800000, v51;
	vm4 =	vlt.f32 v49, v53;
	vm5 =	vlt.f32 v52, v50  }
0xbb: {  	vm0 =	veq.s32 v37, $0x2710;
	v60 =	vnsel vm6, $0x7F800000, v55;
	v61 =	vnsel vm7, $0x7F800000, v56  }
0xbc: {  	v62 =	vnsel vm14, $0x7F800000, v57;
	v63 =	vnsel vm15, $0x7F800000, v58;
	vm3 =	vlt.f32 v51, v47  }
0xbd: {  	v49 =	vsel vm4, v49, v53;
	v59 =	vnsel vm0, $0x7F800000, v54;
	vm0 =	veq.s32 v38, $0x2710  }
0xbe: {  	v50 =	vsel vm5, v52, v50;
	vm11 =	vlt.f32 v61, v60;
	v48 =	vnsel vm0, $0x7F800000, v48  }
0xbf: {  	v47 =	vsel vm3, v51, v47;
	vm7 =	vlt.f32 v59, v63;
	vm6 =	vlt.f32 v62, v48  }
0xc0: {  	v52 =	vsel vm11, v61, v60;
	v51 =	vsel vm7, v59, v63;
	v48 =	vsel vm6, v62, v48  }
0xc1: {  	vm10 =	vlt.f32 v50, v49;
	vm9 =	vlt.f32 v47, v52;
	vm8 =	vlt.f32 v51, v48  }
0xc2: {  	v49 =	vsel vm10, v50, v49;
	v47 =	vsel vm9, v47, v52;
	v48 =	vsel vm8, v51, v48  }
0xc3: {  	vm1 =	vlt.f32 v45, v44;
	vm13 =	vlt.f32 v46, v49;
	vm12 =	vlt.f32 v47, v48  }
0xc4: {  	v44 =	vsel vm1, v45, v44;
	v46 =	vsel vm13, v46, v49;
	v56 =	vsel vm12, v47, v48  }
0xc5: {  	vm14 =	vlt.f32 v43, v44;
	vm15 =	vlt.f32 v46, v56  }
0xc6: {  	v43 =	vsel vm14, v43, v44;
	v57 =	vsel vm15, v46, v56  }
0xc7: {  	v58 =	vld [tilespmem:$0x1FFC0];
	vm0 =	vlt.f32 v43, v57  }
0xc8: {  	v43 =	vsel vm0, v43, v57  }
0xc9: {  	v59 =	vld [tilespmem:$0x1FFD0];
	v44 =	vperm.xlane v43, v19  }
0xca: {  	v45 =	vsel vm1, v17, v16  }
0xcb: {  	v61 =	vsel vm4, v9, v8;
	v63 =	vsel vm11, v5, v4;
	v44 =	vmin.f32 v43, v44  }
0xcc: {  	v62 =	vsel vm5, v11, v10;
	vm1 =	vnez.u8 v58;
	v60 =	vperm.xlane v44, v20  }
0xcd: {  	v58 =	vsel vm7, v3, v2;
	v49 =	vsel vm10, v62, v61;
	v46 =	vsel vm1, v13, v12  }
0xce: {  	vm1 =	vnez.u8 v59;
	v56 =	vsel vm3, v7, v6;
	v44 =	vmin.f32 v44, v60  }
0xcf: {  	v47 =	vsel vm1, v15, v14;
	v57 =	vsel vm6, v1, v0;
	v59 =	vperm.xlane v44, v21  }
0xd0: {  	v46 =	vsel vm2, v47, v46;
	v47 =	vsel vm9, v56, v63;
	v48 =	vsel vm8, v58, v57  }
0xd1: {  	v46 =	vsel vm13, v46, v49;
	v47 =	vsel vm12, v47, v48;
	v44 =	vmin.f32 v44, v59  }
0xd2: {  	v45 =	vsel vm14, v18, v45;
	v46 =	vsel vm15, v46, v47;
	v60 =	vperm.xlane v44, v22  }
0xd3: {  	v45 =	vsel vm0, v45, v46  }
0xd4: {  	v45 =	vcvt.s32.f32 v45;
	v44 =	vmin.f32 v44, v60  }
0xd5: {  	vm0 =	veq.f32 v43, v44  }
0xd6: {  	v43 =	vnsel vm0, $0x47C35000, v45  }
0xd7: {  	v61 =	vperm.xlane v43, v19;
	_ =	sdelay $0x1  }
0xd8: {  	v43 =	vmin.f32 v43, v61  }
0xd9: {  	v23 =	vadd.f32 v44, v23;
	v44 =	vperm.xlane v43, v20;
	_ =	sdelay $0x1  }
0xda: {  	v43 =	vmin.f32 v43, v44  }
0xdb: {  	v44 =	vperm.xlane v43, v21;
	_ =	sdelay $0x1  }
0xdc: {  	v43 =	vmin.f32 v43, v44  }
0xdd: {  	v44 =	vperm.xlane v43, v22;
	_ =	sdelay $0x1  }
0xde: {  	v43 =	vmin.f32 v43, v44  }
0xdf: {  	v43 =	vtrunc.f32 v43  }
0xe0: {  	v43 =	vcvt.f32.s32 v43;
	_ =	sdelay $0x1  }
0xe1: {  	v61 =	vimm.s32 $0x0;
	vm0 =	veq.s32 v43, v0  }
0xe2: {  	s16 =	sadd.s32 $0x1, s16;
	vm1 =	veq.s32 v43, v1;
	vm2 =	veq.s32 v43, v2;
	v38 =	vsel vm0, s15, v38  }
0xe3: {  	s31 =	sshrl.u32 s16, $0x3;
	v32 =	vsel vm1, s15, v32;
	v27 =	vsel vm2, s15, v27;
	vm0 =	veq.s32 v43, v3  }
0xe4: {  	s18 =	smul.u32 $0x3000, s31;
	vm1 =	veq.s32 v43, v4;
	vm2 =	veq.s32 v43, v5;
	v37 =	vsel vm0, s15, v37  }
0xe5: {  	v25 =	vsel vm1, s15, v25;
	v26 =	vsel vm2, s15, v26;
	vm0 =	veq.s32 v43, v6  }
0xe6: {  	s19 =	sand.u32 $0x380, s17;
	s18 =	sshra.s32 s18, $0x2;
	vm1 =	veq.s32 v43, v7;
	vm2 =	veq.s32 v43, v8;
	v42 =	vsel vm0, s15, v42  }
0xe7: {  	s18 =	sor.u32 s19, s18;
	v35 =	vsel vm1, s15, v35;
	v36 =	vsel vm2, s15, v36;
	vm0 =	veq.s32 v43, v9  }
0xe8: {  	v63 =	vld [tilespmem:s18+$0x440];
	vm1 =	veq.s32 v43, v10;
	vm2 =	veq.s32 v43, v11;
	v41 =	vsel vm0, s15, v41  }
0xe9: {  	v57 =	vld [tilespmem:s18+$0x470];
	v34 =	vsel vm1, s15, v34;
	v31 =	vsel vm2, s15, v31;
	vm0 =	veq.s32 v43, v12  }
0xea: {  	v58 =	vld [tilespmem:s18+$0x450];
	vm1 =	veq.s32 v43, v13;
	vm2 =	veq.s32 v43, v14;
	v40 =	vsel vm0, s15, v40  }
0xeb: {  	v59 =	vld [tilespmem:s18+$0x460];
	v33 =	vsel vm1, s15, v33;
	v28 =	vsel vm2, s15, v28;
	vm0 =	veq.s32 v43, v15  }
0xec: {  	v54 =	vld [tilespmem:s18+$0x800];
	vm1 =	veq.s32 v43, v16;
	vm2 =	veq.s32 v43, v17;
	v39 =	vsel vm0, s15, v39  }
0xed: {  	v62 =	vld [tilespmem:s18+$0x820];
	v29 =	vsel vm1, s15, v29;
	v24 =	vsel vm2, s15, v24;
	vm1 =	veq.s32 v43, v18  }
0xee: {  	v55 =	vld [tilespmem:s18+$0x810];
	vm2 =	veq.s32 v28, $0x2710;
	vm0 =	veq.s32 v39, $0x2710;
	v30 =	vsel vm1, s15, v30  }
0xef: {  	v53 =	vld [tilespmem:s18+$0x400];
	vm1 =	veq.s32 v33, $0x2710;
	v46 =	vnsel vm0, $0x7F800000, v57;
	vm0 =	veq.s32 v40, $0x2710  }
0xf0: {  	p0 =	sne.s32 s17, $0x9580;
	v50 =	vld [tilespmem:s18+$0x420];
	v60 =	vnsel vm2, $0x7F800000, v59;
	v48 =	vnsel vm1, $0x7F800000, v58;
	v45 =	vnsel vm0, $0x7F800000, v63  }
.Ltmp2:
0xf1: {  	v52 =	vld [tilespmem:s18+$0x430];
	vm0 =	veq.s32 v30, $0x2710;
	vm2 =	vlt.f32 v46, v60;
	v63 =	vimm.s32 $0x0;
	(pc) =	sbr.rel @p0 .LBB2_5-.Ltmp2, $4  }
0xf2: {  	v51 =	vld [tilespmem:s18+$0x70];
	vm1 =	vlt.f32 v48, v45;
	v43 =	vnsel vm0, $0x7F800000, v62;
	v46 =	vsel vm2, v46, v60  }
0xf3: {  	v49 =	vld [tilespmem:s18+$0x410];
	vm0 =	veq.s32 v29, $0x2710;
	v44 =	vsel vm1, $0xFFFFFFFF, v61;
	v62 =	vsel vm1, v48, v45  }
0xf4: {  	v47 =	vld [tilespmem:s18+$0x60];
	vm1 =	veq.s32 v24, $0x2710;
	[tilespmem:$0x1FFC0] =	vst v44;
	v44 =	vsel vm2, $0xFFFFFFFF, v63;
	vm2 =	vlt.f32 v46, v62  }
0xf5: {  	s17 =	sadd.s32 $0x80, s17;
	s15 =	smov.u32 s16;
	v48 =	vld [tilespmem:s18+$0x0];
	v45 =	vnsel vm1, $0x7F800000, v55;
	[tilespmem:$0x1FFD0] =	vst v44;
	v44 =	vnsel vm0, $0x7F800000, v54;
	v46 =	vsel vm2, v46, v62  }
0xf6: {  	v54 =	vld [tilespmem:s18+$0x30];
	vm0 =	veq.s32 v41, $0x2710;
	vm1 =	veq.s32 v34, $0x2710;
	vm3 =	veq.s32 v31, $0x2710  }
0xf7: {  	v55 =	vld [tilespmem:s18+$0x40];
	vm8 =	veq.s32 v42, $0x2710;
	vm9 =	veq.s32 v35, $0x2710;
	vm10 =	veq.s32 v36, $0x2710  }
0xf8: {  	v56 =	vld [tilespmem:s18+$0x50];
	vm11 =	veq.s32 v37, $0x2710;
	vm12 =	veq.s32 v25, $0x2710;
	vm6 =	veq.s32 v26, $0x2710  }
0xf9: {  	v57 =	vld [tilespmem:s18+$0x10];
	vm13 =	veq.s32 v38, $0x2710;
	vm14 =	veq.s32 v32, $0x2710;
	vm15 =	veq.s32 v27, $0x2710  }
0xfa: {  	v58 =	vld [tilespmem:s18+$0x20];
	v50 =	vnsel vm1, $0x7F800000, v50;
	v52 =	vnsel vm3, $0x7F800000, v52;
	v51 =	vnsel vm9, $0x7F800000, v51  }
0xfb: {  	v53 =	vnsel vm10, $0x7F800000, v53;
	v49 =	vnsel vm0, $0x7F800000, v49;
	vm5 =	vlt.f32 v52, v50  }
0xfc: {  	v47 =	vnsel vm8, $0x7F800000, v47;
	vm4 =	vlt.f32 v49, v53;
	v50 =	vsel vm5, v52, v50  }
0xfd: {  	vm3 =	vlt.f32 v51, v47;
	v49 =	vsel vm4, v49, v53;
	v48 =	vnsel vm13, $0x7F800000, v48  }
0xfe: {  	v47 =	vsel vm3, v51, v47;
	v61 =	vnsel vm11, $0x7F800000, v54;
	v62 =	vnsel vm12, $0x7F800000, v55  }
0xff: {  	v63 =	vnsel vm6, $0x7F800000, v56;
	v59 =	vnsel vm14, $0x7F800000, v57;
	v60 =	vnsel vm15, $0x7F800000, v58  }
0x100: {  	vm0 =	vlt.f32 v59, v48;
	vm6 =	vlt.f32 v61, v60;
	vm1 =	vlt.f32 v63, v62  }
0x101: {  	v48 =	vsel vm0, v59, v48;
	v51 =	vsel vm6, v61, v60;
	v52 =	vsel vm1, v63, v62  }
0x102: {  	vm9 =	vlt.f32 v50, v49;
	vm7 =	vlt.f32 v51, v48;
	vm8 =	vlt.f32 v47, v52  }
0x103: {  	v49 =	vsel vm9, v50, v49;
	v48 =	vsel vm7, v51, v48;
	v47 =	vsel vm8, v47, v52  }
0x104: {  	vm10 =	vlt.f32 v45, v44;
	vm12 =	vlt.f32 v46, v49;
	vm11 =	vlt.f32 v47, v48  }
0x105: {  	v44 =	vsel vm10, v45, v44;
	v46 =	vsel vm12, v46, v49;
	v61 =	vsel vm11, v47, v48  }
0x106: {  	vm13 =	vlt.f32 v43, v44;
	vm14 =	vlt.f32 v46, v61  }
0x107: {  	v43 =	vsel vm13, v43, v44;
	v62 =	vsel vm14, v46, v61  }
0x108: {  	vm15 =	vlt.f32 v43, v62  }
0x109: {  	v53 =	vld [tilespmem:$0x1FFC0];
	v43 =	vsel vm15, v43, v62  }
0x10a: {  	v54 =	vld [tilespmem:$0x1FFD0];
	v44 =	vperm.xlane v43, v19  }
0x10b: {  	v56 =	vsel vm4, v9, v8  }
0x10c: {  	v57 =	vsel vm5, v11, v10;
	v63 =	vsel vm10, v17, v16;
	v44 =	vmin.f32 v43, v44  }
0x10d: {  	v58 =	vsel vm1, v5, v4;
	v59 =	vsel vm3, v7, v6;
	v55 =	vperm.xlane v44, v20  }
0x10e: {  	v60 =	vsel vm0, v1, v0;
	v49 =	vsel vm9, v57, v56;
	vm10 =	vnez.u8 v53  }
0x10f: {  	v46 =	vsel vm10, v13, v12;
	vm10 =	vnez.u8 v54;
	v44 =	vmin.f32 v44, v55  }
0x110: {  	v61 =	vsel vm6, v3, v2;
	v47 =	vsel vm10, v15, v14;
	v62 =	vperm.xlane v44, v21  }
0x111: {  	v48 =	vsel vm7, v61, v60;
	v46 =	vsel vm2, v47, v46;
	v47 =	vsel vm8, v59, v58  }
0x112: {  	v47 =	vsel vm11, v47, v48;
	v46 =	vsel vm12, v46, v49;
	v44 =	vmin.f32 v44, v62  }
0x113: {  	v45 =	vsel vm13, v18, v63;
	v46 =	vsel vm14, v46, v47;
	v63 =	vperm.xlane v44, v22  }
0x114: {  	v45 =	vsel vm15, v45, v46  }
0x115: {  	v45 =	vcvt.s32.f32 v45;
	v44 =	vmin.f32 v44, v63  }
0x116: {  	vm8 =	veq.f32 v43, v44  }
0x117: {  	v43 =	vnsel vm8, $0x47C35000, v45  }
0x118: {  	v45 =	vperm.xlane v43, v19;
	_ =	sdelay $0x1  }
0x119: {  	v43 =	vmin.f32 v43, v45  }
0x11a: {  	v45 =	vperm.xlane v43, v20;
	_ =	sdelay $0x1  }
0x11b: {  	v43 =	vmin.f32 v43, v45  }
0x11c: {  	v45 =	vperm.xlane v43, v21;
	_ =	sdelay $0x1  }
0x11d: {  	v43 =	vmin.f32 v43, v45  }
0x11e: {  	v45 =	vperm.xlane v43, v22;
	_ =	sdelay $0x1  }
0x11f: {  	v43 =	vmin.f32 v43, v45  }
0x120: {  	v43 =	vtrunc.f32 v43  }
0x121: {  	v43 =	vcvt.f32.s32 v43  }
0x122: {  	v23 =	vadd.f32 v44, v23  }
0x123: {  	vm9 =	veq.s32 v43, v0  }
0x124: {  	[tilespmem:$0x1C980] =	vst v23;
	vm10 =	veq.s32 v43, v1;
	v46 =	vsel vm9, s15, v38  }
0x125: {  	vm11 =	veq.s32 v43, v2;
	v47 =	vsel vm10, s15, v32;
	[tilespmem:$0x1C800] =	vst v46  }
0x126: {  	vm12 =	veq.s32 v43, v3;
	v48 =	vsel vm11, s15, v27;
	[tilespmem:$0x1C810] =	vst v47  }
0x127: {  	vm13 =	veq.s32 v43, v4;
	v49 =	vsel vm12, s15, v37;
	[tilespmem:$0x1C820] =	vst v48  }
0x128: {  	vm14 =	veq.s32 v43, v5;
	v50 =	vsel vm13, s15, v25;
	[tilespmem:$0x1C830] =	vst v49  }
0x129: {  	vm15 =	veq.s32 v43, v6;
	v51 =	vsel vm14, s15, v26;
	[tilespmem:$0x1C840] =	vst v50  }
0x12a: {  	vm4 =	veq.s32 v43, v7;
	v52 =	vsel vm15, s15, v42;
	[tilespmem:$0x1C850] =	vst v51  }
0x12b: {  	vm5 =	veq.s32 v43, v8;
	v53 =	vsel vm4, s15, v35;
	[tilespmem:$0x1C860] =	vst v52  }
0x12c: {  	vm6 =	veq.s32 v43, v9;
	v54 =	vsel vm5, s15, v36;
	[tilespmem:$0x1C870] =	vst v53  }
0x12d: {  	vm7 =	veq.s32 v43, v10;
	v55 =	vsel vm6, s15, v41;
	[tilespmem:$0x1C880] =	vst v54  }
0x12e: {  	vm8 =	veq.s32 v43, v11;
	v56 =	vsel vm7, s15, v34;
	[tilespmem:$0x1C890] =	vst v55  }
0x12f: {  	v57 =	vsel vm8, s15, v31;
	vm9 =	veq.s32 v43, v12;
	[tilespmem:$0x1C8A0] =	vst v56  }
0x130: {  	vm10 =	veq.s32 v43, v13;
	v58 =	vsel vm9, s15, v40;
	[tilespmem:$0x1C8B0] =	vst v57  }
0x131: {  	vm11 =	veq.s32 v43, v14;
	v59 =	vsel vm10, s15, v33;
	[tilespmem:$0x1C8C0] =	vst v58  }
0x132: {  	vm12 =	veq.s32 v43, v15;
	v60 =	vsel vm11, s15, v28;
	[tilespmem:$0x1C8D0] =	vst v59  }
0x133: {  	vm13 =	veq.s32 v43, v16;
	v61 =	vsel vm12, s15, v39;
	[tilespmem:$0x1C8E0] =	vst v60  }
0x134: {  	vm14 =	veq.s32 v43, v17;
	v62 =	vsel vm13, s15, v29;
	[tilespmem:$0x1C8F0] =	vst v61  }
0x135: {  	vm15 =	veq.s32 v43, v18;
	v24 =	vsel vm14, s15, v24;
	[tilespmem:$0x1C900] =	vst v62  }
0x136: {  	v63 =	vsel vm15, s15, v30;
	[tilespmem:$0x1C910] =	vst v24  }
0x137: {  	[tilespmem:$0x1C920] =	vst v63  }
0x138: {  	[hbm4b:s3+s2] =	stream.linear.scatter [tilespmem:s11], [sflag:$0x3], $0x180, $0x38;
	[tilespmem:$0x1CA00] =	vst v63  }
0x139: {  	s14 =	sadd.s32 $0x1, s14;
	_ =	swait.ge [sflag:s12], $0x180  }
0x13a: {  	p0 =	sne.s32 s14, s7;
	[sflag:s12] =	ssyncset.done $0x0  }
.Ltmp3:
0x13b: {  	[sflag:s12] =	ssyncadd.s32 $0xFFFFFE80;
	(pc) =	sbr.rel @p0 .LBB2_2-.Ltmp3, $4  }
0x13c: {  	[hbm4b:s4+s2] =	stream.linear.scatter [tilespmem:s13], [sflag:$0x3], $0x80, $0x38;
	[tilespmem:$0x1CA00] =	vst v63  }
0x13d: {  	_ =	swait.ge [sflag:s12], $0x80  }
0x13e: {  	[sflag:s12] =	ssyncset.done $0x0  }
0x13f: {  	[sflag:s12] =	ssyncadd.s32 $0xFFFFFF80  }
.LBB2_7:
0x140: {  	_ =	sfence.sel $0x180000  }
0x141: {  	[bflag:$0x0] =	sbarrier.arrive $0xFFFF  }
0x142: {  	p0 =	sne.s32 s1, $0x0;
	_ =	strace $0x90000047  }
0x143: {  	s0 =	sadd.s32 @!p0 $0x100000, s0;
	[bflag:$0x2] =	sbarrier.arrive $0xFFFF  }
0x144: {  	[sflag:s0] =	ssyncadd.tile.s32 @!p0 $0x1;
	_ =	shalt  }
.Lfunc_end2:
_tile_overlayer_lowered:
.L_overlay_start_2:
0x145: {  	(tag) =	ssettag $0x2  }
0x146: {  	s0 =	rddreg [dreg:$0x0];
	s2 =	stileid.u32  }
0x147: {  	s1 =	rddreg [dreg:$0x1];
	p0 =	sne.s32 s2, $0x0  }
0x148: {  	s3 =	rddreg [dreg:$0x2];
	[bflag:$0x3] =	sbarrier.arrive $0xFFFF;
	s2 =	simm.s32 @!p0 $0x1C03  }
0x149: {  	[timem:s3], [sflag:s2] =	dma.local @!p0 [hbm:s0], s1  }
0x14a: {  	s0 =	simm.s32 @!p0 $0x3  }
0x14b: {  	_ =	swait.ge @!p0 [sflag:s0], s1  }
0x14c: {  	s1 =	ssub.s32 @!p0 $0x0, s1;
	[sflag:s0] =	ssyncset.done @!p0 $0x0  }
0x14d: {  	[sflag:s0] =	ssyncadd.s32 @!p0 s1  }
0x14e: {  	[bflag:$0x3] =	sbarrier.arrive $0xFFFF  }
0x14f: {  	_ =	shalt  }

</sc_bundles>
